<compile_context>
chip_gen: v7x
topology: tpu7x:2x2x1
jax: 0.10.2.dev20260603
libtpu: 0.0.44.dev20260713+nightly
codegen_flags: <defaults>
</compile_context>

<pallas_src>
import functools

import jax
import jax.numpy as jnp
from jax import lax
from jax.experimental import pallas as pl
from jax.experimental.pallas import tpu as pltpu
from jax.experimental.pallas import tpu_sc as plsc

N = 10000
NP = 10240
E = 320000
F_IN = 128
H = 128
C = 64

NC = 2
NS = 16
NW = NC * NS
L = 16
EPW = E // NW
B = 80
NBLK = EPW // B
RPT = NP // NS
CHB = 25
CHE = CHB * B
NCH = NBLK // CHB

_MESH = dict(core_axis_name="c", subcore_axis_name="s",
             num_cores=NC, num_subcores=NS)
_SC_PARAMS = pltpu.CompilerParams(needs_layout_passes=False)

_GDN = lax.GatherDimensionNumbers(
    offset_dims=(), collapsed_slice_dims=(0,), start_index_map=(0,))


def _lane_bcast(v16, j):
    return lax.gather(v16, jnp.full((L, 1), j, jnp.int32), _GDN, (1,),
                      mode=lax.GatherScatterMode.PROMISE_IN_BOUNDS)



def _sc_degree(dst2, ew2):

    @functools.partial(
        pl.kernel,
        out_type=jax.ShapeDtypeStruct((NW, NP), jnp.float32),
        mesh=plsc.VectorSubcoreMesh(**_MESH),
        compiler_params=_SC_PARAMS,
        scratch_types=[
            pltpu.VMEM((EPW,), jnp.int32),
            pltpu.VMEM((EPW,), jnp.float32),
            pltpu.VMEM((NP,), jnp.float32),
        ],
    )
    def k(dst_hbm, ew_hbm, out_hbm, dst_v, ew_v, acc):
        cid = lax.axis_index("c")
        sid = lax.axis_index("s")
        wid = sid * NC + cid
        pltpu.sync_copy(dst_hbm.at[wid], dst_v)
        pltpu.sync_copy(ew_hbm.at[wid], ew_v)

        zeros = jnp.zeros((L,), jnp.float32)

        def zbody(i, _):
            acc[pl.ds(i * L, L)] = zeros
            return 0

        lax.fori_loop(0, NP // L, zbody, 0)

        def ebody(i, _):
            idx = dst_v[pl.ds(i * L, L)]
            w = ew_v[pl.ds(i * L, L)]
            plsc.addupdate_scatter(acc, [idx], w)
            return 0

        lax.fori_loop(0, EPW // L, ebody, 0)
        pltpu.sync_copy(acc, out_hbm.at[wid])

    return k(dst2, ew2)


def _make_sc_aggregate(D):

    @functools.partial(
        pl.kernel,
        out_type=jax.ShapeDtypeStruct((NC, NP, D), jnp.float32),
        mesh=plsc.VectorSubcoreMesh(**_MESH),
        compiler_params=_SC_PARAMS,
        scratch_types=[
            pltpu.VMEM((CHE,), jnp.int32),
            pltpu.VMEM((CHE,), jnp.int32),
            pltpu.VMEM((CHE,), jnp.float32),
            pltpu.VMEM((B,), jnp.int32),
            pltpu.VMEM((B,), jnp.int32),
            pltpu.VMEM((B, D), jnp.float32),
            pltpu.VMEM_SHARED((NP, D), jnp.float32),
            pltpu.SemaphoreType.DMA,
        ],
    )
    def k(g_hbm, src_hbm, dst_hbm, ew_hbm, out_hbm,
          src_all, dst_all, ew_all, src_v, dst_v, rows, acc_sh, sem):
        cid = lax.axis_index("c")
        sid = lax.axis_index("s")
        wid = sid * NC + cid

        zeros = jnp.zeros((L,), jnp.float32)

        def zbody(i, _):
            for kk in range(D // L):
                rows[i, pl.ds(kk * L, L)] = zeros
            return 0

        lax.fori_loop(0, B, zbody, 0)
        rbase = sid * RPT
        for cchunk in range(RPT // B):
            pltpu.sync_copy(rows, acc_sh.at[pl.ds(rbase + cchunk * B, B)])
        plsc.subcore_barrier()

        def chunk(ch, _):
            pltpu.sync_copy(src_hbm.at[wid, ch], src_all)
            pltpu.sync_copy(dst_hbm.at[wid, ch], dst_all)
            pltpu.sync_copy(ew_hbm.at[wid, ch], ew_all)

            def block(b, _):
                off = b * B
                for g in range(B // L):
                    src_v[pl.ds(g * L, L)] = src_all[pl.ds(off + g * L, L)]
                    dst_v[pl.ds(g * L, L)] = dst_all[pl.ds(off + g * L, L)]
                pltpu.async_copy(g_hbm.at[src_v], rows, sem).wait()

                def sgroup(g, _):
                    w16 = ew_all[pl.ds(off + g * L, L)]
                    for j in range(L):
                        e = g * L + j
                        wspl = _lane_bcast(w16, j)
                        for kk in range(D // L):
                            rows[e, pl.ds(kk * L, L)] = (
                                rows[e, pl.ds(kk * L, L)] * wspl)
                    return 0

                lax.fori_loop(0, B // L, sgroup, 0)
                pltpu.sync_copy(rows, acc_sh.at[dst_v], add=True)
                return 0

            lax.fori_loop(0, CHB, block, 0)
            return 0

        lax.fori_loop(0, NCH, chunk, 0)
        plsc.subcore_barrier()
        pltpu.sync_copy(acc_sh.at[pl.ds(rbase, RPT)],
                        out_hbm.at[cid, pl.ds(rbase, RPT)])

    return k


_sc_aggregate_h = _make_sc_aggregate(H)



_R = 1024
_G = NP // _R


def _tc_prep(degp, x_pad, W1):

    def body(deg_ref, x_ref, w_ref, g_ref):
        deg = jnp.sum(deg_ref[...], axis=0) + 1.0
        di = lax.rsqrt(deg)[:, None]
        h = jnp.dot(x_ref[...], w_ref[...],
                    preferred_element_type=jnp.float32)
        g_ref[...] = di * h

    return pl.pallas_call(
        body,
        grid=(_G,),
        in_specs=[
            pl.BlockSpec((NW, _R), lambda i: (0, i)),
            pl.BlockSpec((_R, F_IN), lambda i: (i, 0)),
            pl.BlockSpec((F_IN, H), lambda i: (0, 0)),
        ],
        out_specs=pl.BlockSpec((_R, H), lambda i: (i, 0)),
        out_shape=jax.ShapeDtypeStruct((NP, H), jnp.float32),
    )(degp, x_pad, W1)


def _tc_mid(acc1p, degp, g1, b1r):

    def body(acc_ref, deg_ref, g_ref, b_ref, q2_ref):
        deg = jnp.sum(deg_ref[...], axis=0) + 1.0
        di = lax.rsqrt(deg)[:, None]
        a = acc_ref[0] + acc_ref[1] + g_ref[...]
        out1 = jnp.maximum(di * a + b_ref[...], 0.0)
        q2_ref[...] = di * out1

    return pl.pallas_call(
        body,
        grid=(_G,),
        in_specs=[
            pl.BlockSpec((NC, _R, H), lambda i: (0, i, 0)),
            pl.BlockSpec((NW, _R), lambda i: (0, i)),
            pl.BlockSpec((_R, H), lambda i: (i, 0)),
            pl.BlockSpec((1, H), lambda i: (0, 0)),
        ],
        out_specs=pl.BlockSpec((_R, H), lambda i: (i, 0)),
        out_shape=jax.ShapeDtypeStruct((NP, H), jnp.float32),
    )(acc1p, degp, g1, b1r)


def _tc_final(acc2p, degp, q2, W2, b2r):

    def body(acc_ref, deg_ref, q_ref, w_ref, b_ref, o_ref):
        deg = jnp.sum(deg_ref[...], axis=0) + 1.0
        di = lax.rsqrt(deg)[:, None]
        a = di * (acc_ref[0] + acc_ref[1] + q_ref[...])
        o = jnp.dot(a, w_ref[...],
                    preferred_element_type=jnp.float32) + b_ref[...]
        nrm = jnp.sqrt(jnp.sum(o * o, axis=1, keepdims=True))
        o_ref[...] = o / jnp.maximum(nrm, 1e-12)

    return pl.pallas_call(
        body,
        grid=(_G,),
        in_specs=[
            pl.BlockSpec((NC, _R, H), lambda i: (0, i, 0)),
            pl.BlockSpec((NW, _R), lambda i: (0, i)),
            pl.BlockSpec((_R, H), lambda i: (i, 0)),
            pl.BlockSpec((H, C), lambda i: (0, 0)),
            pl.BlockSpec((1, C), lambda i: (0, 0)),
        ],
        out_specs=pl.BlockSpec((_R, C), lambda i: (i, 0)),
        out_shape=jax.ShapeDtypeStruct((NP, C), jnp.float32),
    )(acc2p, degp, q2, W2, b2r)



def kernel(x, edge_index, edge_weight, W1, b1, W2, b2):
    src3 = edge_index[0].reshape(NW, NCH, CHE)
    dst3 = edge_index[1].reshape(NW, NCH, CHE)
    ew3 = edge_weight.reshape(NW, NCH, CHE)
    dst2 = edge_index[1].reshape(NW, EPW)
    ew2 = edge_weight.reshape(NW, EPW)
    x_pad = jnp.pad(x, ((0, NP - N), (0, 0)))

    degp = _sc_degree(dst2, ew2)
    g1 = _tc_prep(degp, x_pad, W1)
    acc1p = _sc_aggregate_h(g1, src3, dst3, ew3)
    q2 = _tc_mid(acc1p, degp, g1, b1.reshape(1, H))
    acc2p = _sc_aggregate_h(q2, src3, dst3, ew3)
    out = _tc_final(acc2p, degp, q2, W2, b2.reshape(1, C))
    return out[:N]

# --- scband reference (transcript-rebuilt; emitter-appended) ---
"""Pipeline reference for scband-gcn-58506044506597 (READ-ONLY COPY).

The authoritative reference and input builder live on the scoring server;
editing this copy changes nothing except your own understanding.
"""

import jax, jax.numpy as jnp
import numpy as np

N = 10000
E = 320000
F_IN = 128
H = 128
C = 64


def gcn_layer(x, edge_index, edge_weight, W, b):
    # PyG GCNConv with add_self_loops=True, normalize=True, bias=True
    n = x.shape[0]
    h = x @ W  # linear first (PyG applies lin before propagate)
    src = edge_index[0]
    dst = edge_index[1]
    loop = jnp.arange(n, dtype=src.dtype)
    src = jnp.concatenate([src, loop])
    dst = jnp.concatenate([dst, loop])
    ew = jnp.concatenate([edge_weight, jnp.ones((n,), edge_weight.dtype)])
    # symmetric normalization: deg computed over dst (col) with flow source_to_target
    deg = jnp.zeros((n,), ew.dtype).at[dst].add(ew)
    dinv = jnp.where(deg > 0, jax.lax.rsqrt(jnp.maximum(deg, 1e-30)), 0.0)
    norm = dinv[src] * ew * dinv[dst]
    msg = h[src] * norm[:, None]  # gather + scale
    out = jnp.zeros((n, h.shape[1]), h.dtype).at[dst].add(msg)  # scatter-add aggregate
    return out + b


def setup_inputs(seed: int = 0) -> dict:
    key = jax.random.key(seed)
    ks = jax.random.split(key, 8)
    x = jax.random.normal(ks[0], (N, F_IN), dtype=jnp.float32)
    edge_index = jax.random.randint(ks[1], (2, E), 0, N, dtype=jnp.int32)
    edge_weight = jax.random.uniform(ks[2], (E,), dtype=jnp.float32)
    W1 = jax.random.normal(ks[3], (F_IN, H), dtype=jnp.float32) * (1.0 / np.sqrt(F_IN))
    b1 = jnp.zeros((H,), dtype=jnp.float32)
    W2 = jax.random.normal(ks[4], (H, C), dtype=jnp.float32) * (1.0 / np.sqrt(H))
    b2 = jnp.zeros((C,), dtype=jnp.float32)
    return {"x": x, "edge_index": edge_index, "edge_weight": edge_weight,
            "W1": W1, "b1": b1, "W2": W2, "b2": b2}


def reference(x, edge_index, edge_weight, W1, b1, W2, b2):
    h = jax.nn.relu(gcn_layer(x, edge_index, edge_weight, W1, b1))
    # dropout is identity in eval mode
    h = gcn_layer(h, edge_index, edge_weight, W2, b2)
    # F.normalize(p=2, dim=-1)
    nrm = jnp.linalg.norm(h, axis=-1, keepdims=True)
    return h / jnp.maximum(nrm, 1e-12)

if __name__ == "__main__":
    import jax
    _d = setup_inputs()
    print(jax.jit(kernel)(*tuple(_d.values())))

</pallas_src>

<mosaic_0001>
#map = affine_map<(d0, d1) -> (0, 0)>
module attributes {stable_mosaic.version = 14 : i64} {
  func.func @k(%arg0: i32, %arg1: i32, %arg2: memref<32x10000xi32, #tpu.memory_space<hbm>>, %arg3: memref<32x10000xf32, #tpu.memory_space<hbm>>, %arg4: memref<32x10240xf32, #tpu.memory_space<hbm>>, %arg5: memref<10000xi32, #tpu.memory_space<vmem>>, %arg6: memref<10000xf32, #tpu.memory_space<vmem>>, %arg7: memref<10240xf32, #tpu.memory_space<vmem>>) attributes {dimension_semantics = [#tpu.dimension_semantics<core_parallel>, #tpu.dimension_semantics<subcore_parallel>], iteration_bounds = array<i64: 2, 16>, scalar_prefetch = 0 : i64, scratch_operands = 3 : i64, tpu.core_type = #tpu.core_type<sc_vector_subcore>, window_params = [{transform_indices = #map}, {transform_indices = #map}, {transform_indices = #map}]} {
    %mul3A = arith.constant 2 : i32
    %mul3A_0 = arith.muli %arg1, %mul3A : i32
    %add3A = arith.addi %mul3A_0, %arg0 : i32
    "tpu.region"() ({
      %run_scoped3A = tpu.sem_alloc : memref<!tpu.dma_semaphore, #tpu.memory_space<semaphore_mem>>
      %dma_start3A = arith.constant 0 : i32
      %dma_start3A_15 = tpu.memref_slice %arg2[%add3A, %dma_start3A] : memref<32x10000xi32, #tpu.memory_space<hbm>> -> memref<1x10000xi32, #tpu.memory_space<hbm>>
      %dma_start3A_16 = tpu.memref_squeeze %dma_start3A_15 : memref<1x10000xi32, #tpu.memory_space<hbm>> -> memref<10000xi32, #tpu.memory_space<hbm>>
      %dma_start3A_17 = arith.constant 0 : i32
      %dma_start3A_18 = tpu.memref_slice %arg2[%add3A, %dma_start3A_17] : memref<32x10000xi32, #tpu.memory_space<hbm>> -> memref<1x10000xi32, #tpu.memory_space<hbm>>
      %dma_start3A_19 = tpu.memref_squeeze %dma_start3A_18 : memref<1x10000xi32, #tpu.memory_space<hbm>> -> memref<10000xi32, #tpu.memory_space<hbm>>
      tpu.enqueue_dma source(%dma_start3A_19 : memref<10000xi32, #tpu.memory_space<hbm>>) target(%arg5 : memref<10000xi32, #tpu.memory_space<vmem>>) target_semaphore(%run_scoped3A : memref<!tpu.dma_semaphore, #tpu.memory_space<semaphore_mem>>)
      %dma_wait3A = arith.constant 0 : i32
      %dma_wait3A_20 = tpu.memref_slice %arg2[%add3A, %dma_wait3A] : memref<32x10000xi32, #tpu.memory_space<hbm>> -> memref<1x10000xi32, #tpu.memory_space<hbm>>
      %dma_wait3A_21 = tpu.memref_squeeze %dma_wait3A_20 : memref<1x10000xi32, #tpu.memory_space<hbm>> -> memref<10000xi32, #tpu.memory_space<hbm>>
      %dma_wait3A_22 = arith.constant 0 : i32
      %dma_wait3A_23 = tpu.memref_slice %arg2[%add3A, %dma_wait3A_22] : memref<32x10000xi32, #tpu.memory_space<hbm>> -> memref<1x10000xi32, #tpu.memory_space<hbm>>
      %dma_wait3A_24 = tpu.memref_squeeze %dma_wait3A_23 : memref<1x10000xi32, #tpu.memory_space<hbm>> -> memref<10000xi32, #tpu.memory_space<hbm>>
      tpu.wait_dma2 semaphore(%run_scoped3A : memref<!tpu.dma_semaphore, #tpu.memory_space<semaphore_mem>>) src(%dma_wait3A_24 : memref<10000xi32, #tpu.memory_space<hbm>>) dst(%arg5 : memref<10000xi32, #tpu.memory_space<vmem>>)
      tpu.yield
    }) : () -> ()
    "tpu.region"() ({
      %run_scoped3A = tpu.sem_alloc : memref<!tpu.dma_semaphore, #tpu.memory_space<semaphore_mem>>
      %dma_start3A = arith.constant 0 : i32
      %dma_start3A_15 = tpu.memref_slice %arg3[%add3A, %dma_start3A] : memref<32x10000xf32, #tpu.memory_space<hbm>> -> memref<1x10000xf32, #tpu.memory_space<hbm>>
      %dma_start3A_16 = tpu.memref_squeeze %dma_start3A_15 : memref<1x10000xf32, #tpu.memory_space<hbm>> -> memref<10000xf32, #tpu.memory_space<hbm>>
      %dma_start3A_17 = arith.constant 0 : i32
      %dma_start3A_18 = tpu.memref_slice %arg3[%add3A, %dma_start3A_17] : memref<32x10000xf32, #tpu.memory_space<hbm>> -> memref<1x10000xf32, #tpu.memory_space<hbm>>
      %dma_start3A_19 = tpu.memref_squeeze %dma_start3A_18 : memref<1x10000xf32, #tpu.memory_space<hbm>> -> memref<10000xf32, #tpu.memory_space<hbm>>
      tpu.enqueue_dma source(%dma_start3A_19 : memref<10000xf32, #tpu.memory_space<hbm>>) target(%arg6 : memref<10000xf32, #tpu.memory_space<vmem>>) target_semaphore(%run_scoped3A : memref<!tpu.dma_semaphore, #tpu.memory_space<semaphore_mem>>)
      %dma_wait3A = arith.constant 0 : i32
      %dma_wait3A_20 = tpu.memref_slice %arg3[%add3A, %dma_wait3A] : memref<32x10000xf32, #tpu.memory_space<hbm>> -> memref<1x10000xf32, #tpu.memory_space<hbm>>
      %dma_wait3A_21 = tpu.memref_squeeze %dma_wait3A_20 : memref<1x10000xf32, #tpu.memory_space<hbm>> -> memref<10000xf32, #tpu.memory_space<hbm>>
      %dma_wait3A_22 = arith.constant 0 : i32
      %dma_wait3A_23 = tpu.memref_slice %arg3[%add3A, %dma_wait3A_22] : memref<32x10000xf32, #tpu.memory_space<hbm>> -> memref<1x10000xf32, #tpu.memory_space<hbm>>
      %dma_wait3A_24 = tpu.memref_squeeze %dma_wait3A_23 : memref<1x10000xf32, #tpu.memory_space<hbm>> -> memref<10000xf32, #tpu.memory_space<hbm>>
      tpu.wait_dma2 semaphore(%run_scoped3A : memref<!tpu.dma_semaphore, #tpu.memory_space<semaphore_mem>>) src(%dma_wait3A_24 : memref<10000xf32, #tpu.memory_space<hbm>>) dst(%arg6 : memref<10000xf32, #tpu.memory_space<vmem>>)
      tpu.yield
    }) : () -> ()
    %broadcast_in_dim3A = arith.constant 0.000000e+00 : f32
    %broadcast_in_dim3A_1 = vector.broadcast %broadcast_in_dim3A : f32 to vector<16xf32>
    %scan3A = arith.constant 0 : i32
    %scan3A_2 = arith.constant 0 : i32
    %scan3A_3 = arith.constant 640 : i32
    %scan3A_4 = arith.addi %scan3A_2, %scan3A_3 : i32
    %scan3A_5 = arith.constant 1 : i32
    %scan3A_6 = scf.for %scan3A_15 = %scan3A_2 to %scan3A_4 step %scan3A_5 iter_args(%scan3A_16 = %scan3A) -> (i32)  : i32 {
      %mul3A_17 = arith.constant 16 : i32
      %mul3A_18 = arith.muli %scan3A_15, %mul3A_17 : i32
      %swap3A = arith.index_cast %mul3A_18 : i32 to index
      %swap3A_19 = tpu.vector_load %arg7[%swap3A] {strides = array<i32>} : memref<10240xf32, #tpu.memory_space<vmem>>, vector<16xf32>,
      tpu.vector_store %arg7[%swap3A], %broadcast_in_dim3A_1 {strides = array<i32>} : memref<10240xf32, #tpu.memory_space<vmem>>, vector<16xf32>,
      %scan3A_20 = arith.constant 0 : i32
      scf.yield %scan3A_20 : i32
    }
    %scan3A_7 = arith.constant 640 : i32
    %scan3A_8 = arith.constant 0 : i32
    %scan3A_9 = arith.constant 0 : i32
    %scan3A_10 = arith.constant 625 : i32
    %scan3A_11 = arith.addi %scan3A_9, %scan3A_10 : i32
    %scan3A_12 = arith.constant 1 : i32
    %scan3A_13 = scf.for %scan3A_15 = %scan3A_9 to %scan3A_11 step %scan3A_12 iter_args(%scan3A_16 = %scan3A_8) -> (i32)  : i32 {
      %mul3A_17 = arith.constant 16 : i32
      %mul3A_18 = arith.muli %scan3A_15, %mul3A_17 : i32
      %get3A = arith.index_cast %mul3A_18 : i32 to index
      %get3A_19 = tpu.vector_load %arg5[%get3A] {strides = array<i32>} : memref<10000xi32, #tpu.memory_space<vmem>>, vector<16xi32>,
      %mul3A_20 = arith.constant 16 : i32
      %mul3A_21 = arith.muli %scan3A_15, %mul3A_20 : i32
      %get3A_22 = arith.index_cast %mul3A_21 : i32 to index
      %get3A_23 = tpu.vector_load %arg6[%get3A_22] {strides = array<i32>} : memref<10000xf32, #tpu.memory_space<vmem>>, vector<16xf32>,
      tpu.vector_store_idx %arg7[%get3A_19], %get3A_23 {add = true} : memref<10240xf32, #tpu.memory_space<vmem>>[vector<16xi32>], vector<16xf32>,
      %scan3A_24 = arith.constant 0 : i32
      scf.yield %scan3A_24 : i32
    }
    %scan3A_14 = arith.constant 625 : i32
    "tpu.region"() ({
      %run_scoped3A = tpu.sem_alloc : memref<!tpu.dma_semaphore, #tpu.memory_space<semaphore_mem>>
      %dma_start3A = arith.constant 0 : i32
      %dma_start3A_15 = tpu.memref_slice %arg4[%add3A, %dma_start3A] : memref<32x10240xf32, #tpu.memory_space<hbm>> -> memref<1x10240xf32, #tpu.memory_space<hbm>>
      %dma_start3A_16 = tpu.memref_squeeze %dma_start3A_15 : memref<1x10240xf32, #tpu.memory_space<hbm>> -> memref<10240xf32, #tpu.memory_space<hbm>>
      %dma_start3A_17 = arith.constant 0 : i32
      %dma_start3A_18 = tpu.memref_slice %arg4[%add3A, %dma_start3A_17] : memref<32x10240xf32, #tpu.memory_space<hbm>> -> memref<1x10240xf32, #tpu.memory_space<hbm>>
      %dma_start3A_19 = tpu.memref_squeeze %dma_start3A_18 : memref<1x10240xf32, #tpu.memory_space<hbm>> -> memref<10240xf32, #tpu.memory_space<hbm>>
      tpu.enqueue_dma source(%arg7 : memref<10240xf32, #tpu.memory_space<vmem>>) target(%dma_start3A_19 : memref<10240xf32, #tpu.memory_space<hbm>>) target_semaphore(%run_scoped3A : memref<!tpu.dma_semaphore, #tpu.memory_space<semaphore_mem>>)
      %dma_wait3A = arith.constant 0 : i32
      %dma_wait3A_20 = tpu.memref_slice %arg4[%add3A, %dma_wait3A] : memref<32x10240xf32, #tpu.memory_space<hbm>> -> memref<1x10240xf32, #tpu.memory_space<hbm>>
      %dma_wait3A_21 = tpu.memref_squeeze %dma_wait3A_20 : memref<1x10240xf32, #tpu.memory_space<hbm>> -> memref<10240xf32, #tpu.memory_space<hbm>>
      %dma_wait3A_22 = arith.constant 0 : i32
      %dma_wait3A_23 = tpu.memref_slice %arg4[%add3A, %dma_wait3A_22] : memref<32x10240xf32, #tpu.memory_space<hbm>> -> memref<1x10240xf32, #tpu.memory_space<hbm>>
      %dma_wait3A_24 = tpu.memref_squeeze %dma_wait3A_23 : memref<1x10240xf32, #tpu.memory_space<hbm>> -> memref<10240xf32, #tpu.memory_space<hbm>>
      tpu.wait_dma2 semaphore(%run_scoped3A : memref<!tpu.dma_semaphore, #tpu.memory_space<semaphore_mem>>) src(%arg7 : memref<10240xf32, #tpu.memory_space<vmem>>) dst(%dma_wait3A_24 : memref<10240xf32, #tpu.memory_space<hbm>>)
      tpu.yield
    }) : () -> ()
    return
  }
}

#map = affine_map<(d0, d1) -> (0, 0)>
#map1 = affine_map<(d0, d1) -> (0, 0, 0)>
module attributes {stable_mosaic.version = 14 : i64} {
  func.func @k(%arg0: i32, %arg1: i32, %arg2: memref<10240x128xf32, #tpu.memory_space<hbm>>, %arg3: memref<32x5x2000xi32, #tpu.memory_space<hbm>>, %arg4: memref<32x5x2000xi32, #tpu.memory_space<hbm>>, %arg5: memref<32x5x2000xf32, #tpu.memory_space<hbm>>, %arg6: memref<2x10240x128xf32, #tpu.memory_space<hbm>>, %arg7: memref<2000xi32, #tpu.memory_space<vmem>>, %arg8: memref<2000xi32, #tpu.memory_space<vmem>>, %arg9: memref<2000xf32, #tpu.memory_space<vmem>>, %arg10: memref<80xi32, #tpu.memory_space<vmem>>, %arg11: memref<80xi32, #tpu.memory_space<vmem>>, %arg12: memref<80x128xf32, #tpu.memory_space<vmem>>, %arg13: memref<10240x128xf32, #tpu.memory_space<vmem_shared>>, %arg14: memref<!tpu.dma_semaphore, #tpu.memory_space<semaphore_mem>>) attributes {dimension_semantics = [#tpu.dimension_semantics<core_parallel>, #tpu.dimension_semantics<subcore_parallel>], iteration_bounds = array<i64: 2, 16>, scalar_prefetch = 0 : i64, scratch_operands = 8 : i64, tpu.core_type = #tpu.core_type<sc_vector_subcore>, window_params = [{transform_indices = #map}, {transform_indices = #map1}, {transform_indices = #map1}, {transform_indices = #map1}, {transform_indices = #map1}]} {
    %mul3A = arith.constant 2 : i32
    %mul3A_0 = arith.muli %arg1, %mul3A : i32
    %add3A = arith.addi %mul3A_0, %arg0 : i32
    %broadcast_in_dim3A = arith.constant 0.000000e+00 : f32
    %broadcast_in_dim3A_1 = vector.broadcast %broadcast_in_dim3A : f32 to vector<16xf32>
    %scan3A = arith.constant 0 : i32
    %scan3A_2 = arith.constant 0 : i32
    %scan3A_3 = arith.constant 80 : i32
    %scan3A_4 = arith.addi %scan3A_2, %scan3A_3 : i32
    %scan3A_5 = arith.constant 1 : i32
    %scan3A_6 = scf.for %scan3A_34 = %scan3A_2 to %scan3A_4 step %scan3A_5 iter_args(%scan3A_35 = %scan3A) -> (i32)  : i32 {
      %swap3A = arith.index_cast %scan3A_34 : i32 to index
      %swap3A_36 = arith.constant 0 : index
      %swap3A_37 = tpu.vector_load %arg12[%swap3A, %swap3A_36] {strides = array<i32>} : memref<80x128xf32, #tpu.memory_space<vmem>>, vector<16xf32>,
      tpu.vector_store %arg12[%swap3A, %swap3A_36], %broadcast_in_dim3A_1 {strides = array<i32>} : memref<80x128xf32, #tpu.memory_space<vmem>>, vector<16xf32>,
      %swap3A_38 = arith.index_cast %scan3A_34 : i32 to index
      %swap3A_39 = arith.constant 16 : index
      %swap3A_40 = tpu.vector_load %arg12[%swap3A_38, %swap3A_39] {strides = array<i32>} : memref<80x128xf32, #tpu.memory_space<vmem>>, vector<16xf32>,
      tpu.vector_store %arg12[%swap3A_38, %swap3A_39], %broadcast_in_dim3A_1 {strides = array<i32>} : memref<80x128xf32, #tpu.memory_space<vmem>>, vector<16xf32>,
      %swap3A_41 = arith.index_cast %scan3A_34 : i32 to index
      %swap3A_42 = arith.constant 32 : index
      %swap3A_43 = tpu.vector_load %arg12[%swap3A_41, %swap3A_42] {strides = array<i32>} : memref<80x128xf32, #tpu.memory_space<vmem>>, vector<16xf32>,
      tpu.vector_store %arg12[%swap3A_41, %swap3A_42], %broadcast_in_dim3A_1 {strides = array<i32>} : memref<80x128xf32, #tpu.memory_space<vmem>>, vector<16xf32>,
      %swap3A_44 = arith.index_cast %scan3A_34 : i32 to index
      %swap3A_45 = arith.constant 48 : index
      %swap3A_46 = tpu.vector_load %arg12[%swap3A_44, %swap3A_45] {strides = array<i32>} : memref<80x128xf32, #tpu.memory_space<vmem>>, vector<16xf32>,
      tpu.vector_store %arg12[%swap3A_44, %swap3A_45], %broadcast_in_dim3A_1 {strides = array<i32>} : memref<80x128xf32, #tpu.memory_space<vmem>>, vector<16xf32>,
      %swap3A_47 = arith.index_cast %scan3A_34 : i32 to index
      %swap3A_48 = arith.constant 64 : index
      %swap3A_49 = tpu.vector_load %arg12[%swap3A_47, %swap3A_48] {strides = array<i32>} : memref<80x128xf32, #tpu.memory_space<vmem>>, vector<16xf32>,
      tpu.vector_store %arg12[%swap3A_47, %swap3A_48], %broadcast_in_dim3A_1 {strides = array<i32>} : memref<80x128xf32, #tpu.memory_space<vmem>>, vector<16xf32>,
      %swap3A_50 = arith.index_cast %scan3A_34 : i32 to index
      %swap3A_51 = arith.constant 80 : index
      %swap3A_52 = tpu.vector_load %arg12[%swap3A_50, %swap3A_51] {strides = array<i32>} : memref<80x128xf32, #tpu.memory_space<vmem>>, vector<16xf32>,
      tpu.vector_store %arg12[%swap3A_50, %swap3A_51], %broadcast_in_dim3A_1 {strides = array<i32>} : memref<80x128xf32, #tpu.memory_space<vmem>>, vector<16xf32>,
      %swap3A_53 = arith.index_cast %scan3A_34 : i32 to index
      %swap3A_54 = arith.constant 96 : index
      %swap3A_55 = tpu.vector_load %arg12[%swap3A_53, %swap3A_54] {strides = array<i32>} : memref<80x128xf32, #tpu.memory_space<vmem>>, vector<16xf32>,
      tpu.vector_store %arg12[%swap3A_53, %swap3A_54], %broadcast_in_dim3A_1 {strides = array<i32>} : memref<80x128xf32, #tpu.memory_space<vmem>>, vector<16xf32>,
      %swap3A_56 = arith.index_cast %scan3A_34 : i32 to index
      %swap3A_57 = arith.constant 112 : index
      %swap3A_58 = tpu.vector_load %arg12[%swap3A_56, %swap3A_57] {strides = array<i32>} : memref<80x128xf32, #tpu.memory_space<vmem>>, vector<16xf32>,
      tpu.vector_store %arg12[%swap3A_56, %swap3A_57], %broadcast_in_dim3A_1 {strides = array<i32>} : memref<80x128xf32, #tpu.memory_space<vmem>>, vector<16xf32>,
      %scan3A_59 = arith.constant 0 : i32
      scf.yield %scan3A_59 : i32
    }
    %scan3A_7 = arith.constant 80 : i32
    %mul3A_8 = arith.constant 640 : i32
    %mul3A_9 = arith.muli %arg1, %mul3A_8 : i32
    %add3A_10 = arith.constant 0 : i32
    %add3A_11 = arith.addi %mul3A_9, %add3A_10 : i32
    "tpu.region"() ({
      %run_scoped3A = tpu.sem_alloc : memref<!tpu.dma_semaphore, #tpu.memory_space<semaphore_mem>>
      %dma_start3A = arith.constant 0 : i32
      %dma_start3A_34 = tpu.memref_slice %arg13[%add3A_11, %dma_start3A] : memref<10240x128xf32, #tpu.memory_space<vmem_shared>> -> memref<80x128xf32, #tpu.memory_space<vmem_shared>>
      %dma_start3A_35 = arith.constant 0 : i32
      %dma_start3A_36 = tpu.memref_slice %arg13[%add3A_11, %dma_start3A_35] : memref<10240x128xf32, #tpu.memory_space<vmem_shared>> -> memref<80x128xf32, #tpu.memory_space<vmem_shared>>
      tpu.enqueue_dma source(%arg12 : memref<80x128xf32, #tpu.memory_space<vmem>>) target(%dma_start3A_36 : memref<80x128xf32, #tpu.memory_space<vmem_shared>>) target_semaphore(%run_scoped3A : memref<!tpu.dma_semaphore, #tpu.memory_space<semaphore_mem>>)
      %dma_wait3A = arith.constant 0 : i32
      %dma_wait3A_37 = tpu.memref_slice %arg13[%add3A_11, %dma_wait3A] : memref<10240x128xf32, #tpu.memory_space<vmem_shared>> -> memref<80x128xf32, #tpu.memory_space<vmem_shared>>
      %dma_wait3A_38 = arith.constant 0 : i32
      %dma_wait3A_39 = tpu.memref_slice %arg13[%add3A_11, %dma_wait3A_38] : memref<10240x128xf32, #tpu.memory_space<vmem_shared>> -> memref<80x128xf32, #tpu.memory_space<vmem_shared>>
      tpu.wait_dma2 semaphore(%run_scoped3A : memref<!tpu.dma_semaphore, #tpu.memory_space<semaphore_mem>>) src(%arg12 : memref<80x128xf32, #tpu.memory_space<vmem>>) dst(%dma_wait3A_39 : memref<80x128xf32, #tpu.memory_space<vmem_shared>>)
      tpu.yield
    }) : () -> ()
    %add3A_12 = arith.constant 80 : i32
    %add3A_13 = arith.addi %mul3A_9, %add3A_12 : i32
    "tpu.region"() ({
      %run_scoped3A = tpu.sem_alloc : memref<!tpu.dma_semaphore, #tpu.memory_space<semaphore_mem>>
      %dma_start3A = arith.constant 0 : i32
      %dma_start3A_34 = tpu.memref_slice %arg13[%add3A_13, %dma_start3A] : memref<10240x128xf32, #tpu.memory_space<vmem_shared>> -> memref<80x128xf32, #tpu.memory_space<vmem_shared>>
      %dma_start3A_35 = arith.constant 0 : i32
      %dma_start3A_36 = tpu.memref_slice %arg13[%add3A_13, %dma_start3A_35] : memref<10240x128xf32, #tpu.memory_space<vmem_shared>> -> memref<80x128xf32, #tpu.memory_space<vmem_shared>>
      tpu.enqueue_dma source(%arg12 : memref<80x128xf32, #tpu.memory_space<vmem>>) target(%dma_start3A_36 : memref<80x128xf32, #tpu.memory_space<vmem_shared>>) target_semaphore(%run_scoped3A : memref<!tpu.dma_semaphore, #tpu.memory_space<semaphore_mem>>)
      %dma_wait3A = arith.constant 0 : i32
      %dma_wait3A_37 = tpu.memref_slice %arg13[%add3A_13, %dma_wait3A] : memref<10240x128xf32, #tpu.memory_space<vmem_shared>> -> memref<80x128xf32, #tpu.memory_space<vmem_shared>>
      %dma_wait3A_38 = arith.constant 0 : i32
      %dma_wait3A_39 = tpu.memref_slice %arg13[%add3A_13, %dma_wait3A_38] : memref<10240x128xf32, #tpu.memory_space<vmem_shared>> -> memref<80x128xf32, #tpu.memory_space<vmem_shared>>
      tpu.wait_dma2 semaphore(%run_scoped3A : memref<!tpu.dma_semaphore, #tpu.memory_space<semaphore_mem>>) src(%arg12 : memref<80x128xf32, #tpu.memory_space<vmem>>) dst(%dma_wait3A_39 : memref<80x128xf32, #tpu.memory_space<vmem_shared>>)
      tpu.yield
    }) : () -> ()
    %add3A_14 = arith.constant 160 : i32
    %add3A_15 = arith.addi %mul3A_9, %add3A_14 : i32
    "tpu.region"() ({
      %run_scoped3A = tpu.sem_alloc : memref<!tpu.dma_semaphore, #tpu.memory_space<semaphore_mem>>
      %dma_start3A = arith.constant 0 : i32
      %dma_start3A_34 = tpu.memref_slice %arg13[%add3A_15, %dma_start3A] : memref<10240x128xf32, #tpu.memory_space<vmem_shared>> -> memref<80x128xf32, #tpu.memory_space<vmem_shared>>
      %dma_start3A_35 = arith.constant 0 : i32
      %dma_start3A_36 = tpu.memref_slice %arg13[%add3A_15, %dma_start3A_35] : memref<10240x128xf32, #tpu.memory_space<vmem_shared>> -> memref<80x128xf32, #tpu.memory_space<vmem_shared>>
      tpu.enqueue_dma source(%arg12 : memref<80x128xf32, #tpu.memory_space<vmem>>) target(%dma_start3A_36 : memref<80x128xf32, #tpu.memory_space<vmem_shared>>) target_semaphore(%run_scoped3A : memref<!tpu.dma_semaphore, #tpu.memory_space<semaphore_mem>>)
      %dma_wait3A = arith.constant 0 : i32
      %dma_wait3A_37 = tpu.memref_slice %arg13[%add3A_15, %dma_wait3A] : memref<10240x128xf32, #tpu.memory_space<vmem_shared>> -> memref<80x128xf32, #tpu.memory_space<vmem_shared>>
      %dma_wait3A_38 = arith.constant 0 : i32
      %dma_wait3A_39 = tpu.memref_slice %arg13[%add3A_15, %dma_wait3A_38] : memref<10240x128xf32, #tpu.memory_space<vmem_shared>> -> memref<80x128xf32, #tpu.memory_space<vmem_shared>>
      tpu.wait_dma2 semaphore(%run_scoped3A : memref<!tpu.dma_semaphore, #tpu.memory_space<semaphore_mem>>) src(%arg12 : memref<80x128xf32, #tpu.memory_space<vmem>>) dst(%dma_wait3A_39 : memref<80x128xf32, #tpu.memory_space<vmem_shared>>)
      tpu.yield
    }) : () -> ()
    %add3A_16 = arith.constant 240 : i32
    %add3A_17 = arith.addi %mul3A_9, %add3A_16 : i32
    "tpu.region"() ({
      %run_scoped3A = tpu.sem_alloc : memref<!tpu.dma_semaphore, #tpu.memory_space<semaphore_mem>>
      %dma_start3A = arith.constant 0 : i32
      %dma_start3A_34 = tpu.memref_slice %arg13[%add3A_17, %dma_start3A] : memref<10240x128xf32, #tpu.memory_space<vmem_shared>> -> memref<80x128xf32, #tpu.memory_space<vmem_shared>>
      %dma_start3A_35 = arith.constant 0 : i32
      %dma_start3A_36 = tpu.memref_slice %arg13[%add3A_17, %dma_start3A_35] : memref<10240x128xf32, #tpu.memory_space<vmem_shared>> -> memref<80x128xf32, #tpu.memory_space<vmem_shared>>
      tpu.enqueue_dma source(%arg12 : memref<80x128xf32, #tpu.memory_space<vmem>>) target(%dma_start3A_36 : memref<80x128xf32, #tpu.memory_space<vmem_shared>>) target_semaphore(%run_scoped3A : memref<!tpu.dma_semaphore, #tpu.memory_space<semaphore_mem>>)
      %dma_wait3A = arith.constant 0 : i32
      %dma_wait3A_37 = tpu.memref_slice %arg13[%add3A_17, %dma_wait3A] : memref<10240x128xf32, #tpu.memory_space<vmem_shared>> -> memref<80x128xf32, #tpu.memory_space<vmem_shared>>
      %dma_wait3A_38 = arith.constant 0 : i32
      %dma_wait3A_39 = tpu.memref_slice %arg13[%add3A_17, %dma_wait3A_38] : memref<10240x128xf32, #tpu.memory_space<vmem_shared>> -> memref<80x128xf32, #tpu.memory_space<vmem_shared>>
      tpu.wait_dma2 semaphore(%run_scoped3A : memref<!tpu.dma_semaphore, #tpu.memory_space<semaphore_mem>>) src(%arg12 : memref<80x128xf32, #tpu.memory_space<vmem>>) dst(%dma_wait3A_39 : memref<80x128xf32, #tpu.memory_space<vmem_shared>>)
      tpu.yield
    }) : () -> ()
    %add3A_18 = arith.constant 320 : i32
    %add3A_19 = arith.addi %mul3A_9, %add3A_18 : i32
    "tpu.region"() ({
      %run_scoped3A = tpu.sem_alloc : memref<!tpu.dma_semaphore, #tpu.memory_space<semaphore_mem>>
      %dma_start3A = arith.constant 0 : i32
      %dma_start3A_34 = tpu.memref_slice %arg13[%add3A_19, %dma_start3A] : memref<10240x128xf32, #tpu.memory_space<vmem_shared>> -> memref<80x128xf32, #tpu.memory_space<vmem_shared>>
      %dma_start3A_35 = arith.constant 0 : i32
      %dma_start3A_36 = tpu.memref_slice %arg13[%add3A_19, %dma_start3A_35] : memref<10240x128xf32, #tpu.memory_space<vmem_shared>> -> memref<80x128xf32, #tpu.memory_space<vmem_shared>>
      tpu.enqueue_dma source(%arg12 : memref<80x128xf32, #tpu.memory_space<vmem>>) target(%dma_start3A_36 : memref<80x128xf32, #tpu.memory_space<vmem_shared>>) target_semaphore(%run_scoped3A : memref<!tpu.dma_semaphore, #tpu.memory_space<semaphore_mem>>)
      %dma_wait3A = arith.constant 0 : i32
      %dma_wait3A_37 = tpu.memref_slice %arg13[%add3A_19, %dma_wait3A] : memref<10240x128xf32, #tpu.memory_space<vmem_shared>> -> memref<80x128xf32, #tpu.memory_space<vmem_shared>>
      %dma_wait3A_38 = arith.constant 0 : i32
      %dma_wait3A_39 = tpu.memref_slice %arg13[%add3A_19, %dma_wait3A_38] : memref<10240x128xf32, #tpu.memory_space<vmem_shared>> -> memref<80x128xf32, #tpu.memory_space<vmem_shared>>
      tpu.wait_dma2 semaphore(%run_scoped3A : memref<!tpu.dma_semaphore, #tpu.memory_space<semaphore_mem>>) src(%arg12 : memref<80x128xf32, #tpu.memory_space<vmem>>) dst(%dma_wait3A_39 : memref<80x128xf32, #tpu.memory_space<vmem_shared>>)
      tpu.yield
    }) : () -> ()
    %add3A_20 = arith.constant 400 : i32
    %add3A_21 = arith.addi %mul3A_9, %add3A_20 : i32
    "tpu.region"() ({
      %run_scoped3A = tpu.sem_alloc : memref<!tpu.dma_semaphore, #tpu.memory_space<semaphore_mem>>
      %dma_start3A = arith.constant 0 : i32
      %dma_start3A_34 = tpu.memref_slice %arg13[%add3A_21, %dma_start3A] : memref<10240x128xf32, #tpu.memory_space<vmem_shared>> -> memref<80x128xf32, #tpu.memory_space<vmem_shared>>
      %dma_start3A_35 = arith.constant 0 : i32
      %dma_start3A_36 = tpu.memref_slice %arg13[%add3A_21, %dma_start3A_35] : memref<10240x128xf32, #tpu.memory_space<vmem_shared>> -> memref<80x128xf32, #tpu.memory_space<vmem_shared>>
      tpu.enqueue_dma source(%arg12 : memref<80x128xf32, #tpu.memory_space<vmem>>) target(%dma_start3A_36 : memref<80x128xf32, #tpu.memory_space<vmem_shared>>) target_semaphore(%run_scoped3A : memref<!tpu.dma_semaphore, #tpu.memory_space<semaphore_mem>>)
      %dma_wait3A = arith.constant 0 : i32
      %dma_wait3A_37 = tpu.memref_slice %arg13[%add3A_21, %dma_wait3A] : memref<10240x128xf32, #tpu.memory_space<vmem_shared>> -> memref<80x128xf32, #tpu.memory_space<vmem_shared>>
      %dma_wait3A_38 = arith.constant 0 : i32
      %dma_wait3A_39 = tpu.memref_slice %arg13[%add3A_21, %dma_wait3A_38] : memref<10240x128xf32, #tpu.memory_space<vmem_shared>> -> memref<80x128xf32, #tpu.memory_space<vmem_shared>>
      tpu.wait_dma2 semaphore(%run_scoped3A : memref<!tpu.dma_semaphore, #tpu.memory_space<semaphore_mem>>) src(%arg12 : memref<80x128xf32, #tpu.memory_space<vmem>>) dst(%dma_wait3A_39 : memref<80x128xf32, #tpu.memory_space<vmem_shared>>)
      tpu.yield
    }) : () -> ()
    %add3A_22 = arith.constant 480 : i32
    %add3A_23 = arith.addi %mul3A_9, %add3A_22 : i32
    "tpu.region"() ({
      %run_scoped3A = tpu.sem_alloc : memref<!tpu.dma_semaphore, #tpu.memory_space<semaphore_mem>>
      %dma_start3A = arith.constant 0 : i32
      %dma_start3A_34 = tpu.memref_slice %arg13[%add3A_23, %dma_start3A] : memref<10240x128xf32, #tpu.memory_space<vmem_shared>> -> memref<80x128xf32, #tpu.memory_space<vmem_shared>>
      %dma_start3A_35 = arith.constant 0 : i32
      %dma_start3A_36 = tpu.memref_slice %arg13[%add3A_23, %dma_start3A_35] : memref<10240x128xf32, #tpu.memory_space<vmem_shared>> -> memref<80x128xf32, #tpu.memory_space<vmem_shared>>
      tpu.enqueue_dma source(%arg12 : memref<80x128xf32, #tpu.memory_space<vmem>>) target(%dma_start3A_36 : memref<80x128xf32, #tpu.memory_space<vmem_shared>>) target_semaphore(%run_scoped3A : memref<!tpu.dma_semaphore, #tpu.memory_space<semaphore_mem>>)
      %dma_wait3A = arith.constant 0 : i32
      %dma_wait3A_37 = tpu.memref_slice %arg13[%add3A_23, %dma_wait3A] : memref<10240x128xf32, #tpu.memory_space<vmem_shared>> -> memref<80x128xf32, #tpu.memory_space<vmem_shared>>
      %dma_wait3A_38 = arith.constant 0 : i32
      %dma_wait3A_39 = tpu.memref_slice %arg13[%add3A_23, %dma_wait3A_38] : memref<10240x128xf32, #tpu.memory_space<vmem_shared>> -> memref<80x128xf32, #tpu.memory_space<vmem_shared>>
      tpu.wait_dma2 semaphore(%run_scoped3A : memref<!tpu.dma_semaphore, #tpu.memory_space<semaphore_mem>>) src(%arg12 : memref<80x128xf32, #tpu.memory_space<vmem>>) dst(%dma_wait3A_39 : memref<80x128xf32, #tpu.memory_space<vmem_shared>>)
      tpu.yield
    }) : () -> ()
    %add3A_24 = arith.constant 560 : i32
    %add3A_25 = arith.addi %mul3A_9, %add3A_24 : i32
    "tpu.region"() ({
      %run_scoped3A = tpu.sem_alloc : memref<!tpu.dma_semaphore, #tpu.memory_space<semaphore_mem>>
      %dma_start3A = arith.constant 0 : i32
      %dma_start3A_34 = tpu.memref_slice %arg13[%add3A_25, %dma_start3A] : memref<10240x128xf32, #tpu.memory_space<vmem_shared>> -> memref<80x128xf32, #tpu.memory_space<vmem_shared>>
      %dma_start3A_35 = arith.constant 0 : i32
      %dma_start3A_36 = tpu.memref_slice %arg13[%add3A_25, %dma_start3A_35] : memref<10240x128xf32, #tpu.memory_space<vmem_shared>> -> memref<80x128xf32, #tpu.memory_space<vmem_shared>>
      tpu.enqueue_dma source(%arg12 : memref<80x128xf32, #tpu.memory_space<vmem>>) target(%dma_start3A_36 : memref<80x128xf32, #tpu.memory_space<vmem_shared>>) target_semaphore(%run_scoped3A : memref<!tpu.dma_semaphore, #tpu.memory_space<semaphore_mem>>)
      %dma_wait3A = arith.constant 0 : i32
      %dma_wait3A_37 = tpu.memref_slice %arg13[%add3A_25, %dma_wait3A] : memref<10240x128xf32, #tpu.memory_space<vmem_shared>> -> memref<80x128xf32, #tpu.memory_space<vmem_shared>>
      %dma_wait3A_38 = arith.constant 0 : i32
      %dma_wait3A_39 = tpu.memref_slice %arg13[%add3A_25, %dma_wait3A_38] : memref<10240x128xf32, #tpu.memory_space<vmem_shared>> -> memref<80x128xf32, #tpu.memory_space<vmem_shared>>
      tpu.wait_dma2 semaphore(%run_scoped3A : memref<!tpu.dma_semaphore, #tpu.memory_space<semaphore_mem>>) src(%arg12 : memref<80x128xf32, #tpu.memory_space<vmem>>) dst(%dma_wait3A_39 : memref<80x128xf32, #tpu.memory_space<vmem_shared>>)
      tpu.yield
    }) : () -> ()
    %barrier3A = arith.constant 0 : index
    tpu.barrier barrier_id(%barrier3A)
    %scan3A_26 = arith.constant 0 : i32
    %scan3A_27 = arith.constant 0 : i32
    %scan3A_28 = arith.constant 5 : i32
    %scan3A_29 = arith.addi %scan3A_27, %scan3A_28 : i32
    %scan3A_30 = arith.constant 1 : i32
    %scan3A_31 = scf.for %scan3A_34 = %scan3A_27 to %scan3A_29 step %scan3A_30 iter_args(%scan3A_35 = %scan3A_26) -> (i32)  : i32 {
      "tpu.region"() ({
        %run_scoped3A = tpu.sem_alloc : memref<!tpu.dma_semaphore, #tpu.memory_space<semaphore_mem>>
        %dma_start3A = arith.constant 0 : i32
        %dma_start3A_44 = tpu.memref_slice %arg3[%add3A, %scan3A_34, %dma_start3A] : memref<32x5x2000xi32, #tpu.memory_space<hbm>> -> memref<1x1x2000xi32, #tpu.memory_space<hbm>>
        %dma_start3A_45 = tpu.memref_squeeze %dma_start3A_44 : memref<1x1x2000xi32, #tpu.memory_space<hbm>> -> memref<2000xi32, #tpu.memory_space<hbm>>
        %dma_start3A_46 = arith.constant 0 : i32
        %dma_start3A_47 = tpu.memref_slice %arg3[%add3A, %scan3A_34, %dma_start3A_46] : memref<32x5x2000xi32, #tpu.memory_space<hbm>> -> memref<1x1x2000xi32, #tpu.memory_space<hbm>>
        %dma_start3A_48 = tpu.memref_squeeze %dma_start3A_47 : memref<1x1x2000xi32, #tpu.memory_space<hbm>> -> memref<2000xi32, #tpu.memory_space<hbm>>
        tpu.enqueue_dma source(%dma_start3A_48 : memref<2000xi32, #tpu.memory_space<hbm>>) target(%arg7 : memref<2000xi32, #tpu.memory_space<vmem>>) target_semaphore(%run_scoped3A : memref<!tpu.dma_semaphore, #tpu.memory_space<semaphore_mem>>)
        %dma_wait3A = arith.constant 0 : i32
        %dma_wait3A_49 = tpu.memref_slice %arg3[%add3A, %scan3A_34, %dma_wait3A] : memref<32x5x2000xi32, #tpu.memory_space<hbm>> -> memref<1x1x2000xi32, #tpu.memory_space<hbm>>
        %dma_wait3A_50 = tpu.memref_squeeze %dma_wait3A_49 : memref<1x1x2000xi32, #tpu.memory_space<hbm>> -> memref<2000xi32, #tpu.memory_space<hbm>>
        %dma_wait3A_51 = arith.constant 0 : i32
        %dma_wait3A_52 = tpu.memref_slice %arg3[%add3A, %scan3A_34, %dma_wait3A_51] : memref<32x5x2000xi32, #tpu.memory_space<hbm>> -> memref<1x1x2000xi32, #tpu.memory_space<hbm>>
        %dma_wait3A_53 = tpu.memref_squeeze %dma_wait3A_52 : memref<1x1x2000xi32, #tpu.memory_space<hbm>> -> memref<2000xi32, #tpu.memory_space<hbm>>
        tpu.wait_dma2 semaphore(%run_scoped3A : memref<!tpu.dma_semaphore, #tpu.memory_space<semaphore_mem>>) src(%dma_wait3A_53 : memref<2000xi32, #tpu.memory_space<hbm>>) dst(%arg7 : memref<2000xi32, #tpu.memory_space<vmem>>)
        tpu.yield
      }) : () -> ()
      "tpu.region"() ({
        %run_scoped3A = tpu.sem_alloc : memref<!tpu.dma_semaphore, #tpu.memory_space<semaphore_mem>>
        %dma_start3A = arith.constant 0 : i32
        %dma_start3A_44 = tpu.memref_slice %arg4[%add3A, %scan3A_34, %dma_start3A] : memref<32x5x2000xi32, #tpu.memory_space<hbm>> -> memref<1x1x2000xi32, #tpu.memory_space<hbm>>
        %dma_start3A_45 = tpu.memref_squeeze %dma_start3A_44 : memref<1x1x2000xi32, #tpu.memory_space<hbm>> -> memref<2000xi32, #tpu.memory_space<hbm>>
        %dma_start3A_46 = arith.constant 0 : i32
        %dma_start3A_47 = tpu.memref_slice %arg4[%add3A, %scan3A_34, %dma_start3A_46] : memref<32x5x2000xi32, #tpu.memory_space<hbm>> -> memref<1x1x2000xi32, #tpu.memory_space<hbm>>
        %dma_start3A_48 = tpu.memref_squeeze %dma_start3A_47 : memref<1x1x2000xi32, #tpu.memory_space<hbm>> -> memref<2000xi32, #tpu.memory_space<hbm>>
        tpu.enqueue_dma source(%dma_start3A_48 : memref<2000xi32, #tpu.memory_space<hbm>>) target(%arg8 : memref<2000xi32, #tpu.memory_space<vmem>>) target_semaphore(%run_scoped3A : memref<!tpu.dma_semaphore, #tpu.memory_space<semaphore_mem>>)
        %dma_wait3A = arith.constant 0 : i32
        %dma_wait3A_49 = tpu.memref_slice %arg4[%add3A, %scan3A_34, %dma_wait3A] : memref<32x5x2000xi32, #tpu.memory_space<hbm>> -> memref<1x1x2000xi32, #tpu.memory_space<hbm>>
        %dma_wait3A_50 = tpu.memref_squeeze %dma_wait3A_49 : memref<1x1x2000xi32, #tpu.memory_space<hbm>> -> memref<2000xi32, #tpu.memory_space<hbm>>
        %dma_wait3A_51 = arith.constant 0 : i32
        %dma_wait3A_52 = tpu.memref_slice %arg4[%add3A, %scan3A_34, %dma_wait3A_51] : memref<32x5x2000xi32, #tpu.memory_space<hbm>> -> memref<1x1x2000xi32, #tpu.memory_space<hbm>>
        %dma_wait3A_53 = tpu.memref_squeeze %dma_wait3A_52 : memref<1x1x2000xi32, #tpu.memory_space<hbm>> -> memref<2000xi32, #tpu.memory_space<hbm>>
        tpu.wait_dma2 semaphore(%run_scoped3A : memref<!tpu.dma_semaphore, #tpu.memory_space<semaphore_mem>>) src(%dma_wait3A_53 : memref<2000xi32, #tpu.memory_space<hbm>>) dst(%arg8 : memref<2000xi32, #tpu.memory_space<vmem>>)
        tpu.yield
      }) : () -> ()
      "tpu.region"() ({
        %run_scoped3A = tpu.sem_alloc : memref<!tpu.dma_semaphore, #tpu.memory_space<semaphore_mem>>
        %dma_start3A = arith.constant 0 : i32
        %dma_start3A_44 = tpu.memref_slice %arg5[%add3A, %scan3A_34, %dma_start3A] : memref<32x5x2000xf32, #tpu.memory_space<hbm>> -> memref<1x1x2000xf32, #tpu.memory_space<hbm>>
        %dma_start3A_45 = tpu.memref_squeeze %dma_start3A_44 : memref<1x1x2000xf32, #tpu.memory_space<hbm>> -> memref<2000xf32, #tpu.memory_space<hbm>>
        %dma_start3A_46 = arith.constant 0 : i32
        %dma_start3A_47 = tpu.memref_slice %arg5[%add3A, %scan3A_34, %dma_start3A_46] : memref<32x5x2000xf32, #tpu.memory_space<hbm>> -> memref<1x1x2000xf32, #tpu.memory_space<hbm>>
        %dma_start3A_48 = tpu.memref_squeeze %dma_start3A_47 : memref<1x1x2000xf32, #tpu.memory_space<hbm>> -> memref<2000xf32, #tpu.memory_space<hbm>>
        tpu.enqueue_dma source(%dma_start3A_48 : memref<2000xf32, #tpu.memory_space<hbm>>) target(%arg9 : memref<2000xf32, #tpu.memory_space<vmem>>) target_semaphore(%run_scoped3A : memref<!tpu.dma_semaphore, #tpu.memory_space<semaphore_mem>>)
        %dma_wait3A = arith.constant 0 : i32
        %dma_wait3A_49 = tpu.memref_slice %arg5[%add3A, %scan3A_34, %dma_wait3A] : memref<32x5x2000xf32, #tpu.memory_space<hbm>> -> memref<1x1x2000xf32, #tpu.memory_space<hbm>>
        %dma_wait3A_50 = tpu.memref_squeeze %dma_wait3A_49 : memref<1x1x2000xf32, #tpu.memory_space<hbm>> -> memref<2000xf32, #tpu.memory_space<hbm>>
        %dma_wait3A_51 = arith.constant 0 : i32
        %dma_wait3A_52 = tpu.memref_slice %arg5[%add3A, %scan3A_34, %dma_wait3A_51] : memref<32x5x2000xf32, #tpu.memory_space<hbm>> -> memref<1x1x2000xf32, #tpu.memory_space<hbm>>
        %dma_wait3A_53 = tpu.memref_squeeze %dma_wait3A_52 : memref<1x1x2000xf32, #tpu.memory_space<hbm>> -> memref<2000xf32, #tpu.memory_space<hbm>>
        tpu.wait_dma2 semaphore(%run_scoped3A : memref<!tpu.dma_semaphore, #tpu.memory_space<semaphore_mem>>) src(%dma_wait3A_53 : memref<2000xf32, #tpu.memory_space<hbm>>) dst(%arg9 : memref<2000xf32, #tpu.memory_space<vmem>>)
        tpu.yield
      }) : () -> ()
      %scan3A_36 = arith.constant 0 : i32
      %scan3A_37 = arith.constant 0 : i32
      %scan3A_38 = arith.constant 25 : i32
      %scan3A_39 = arith.addi %scan3A_37, %scan3A_38 : i32
      %scan3A_40 = arith.constant 1 : i32
      %scan3A_41 = scf.for %scan3A_44 = %scan3A_37 to %scan3A_39 step %scan3A_40 iter_args(%scan3A_45 = %scan3A_36) -> (i32)  : i32 {
        %mul3A_46 = arith.constant 80 : i32
        %mul3A_47 = arith.muli %scan3A_44, %mul3A_46 : i32
        %add3A_48 = arith.constant 0 : i32
        %add3A_49 = arith.addi %mul3A_47, %add3A_48 : i32
        %get3A = arith.index_cast %add3A_49 : i32 to index
        %get3A_50 = tpu.vector_load %arg7[%get3A] {strides = array<i32>} : memref<2000xi32, #tpu.memory_space<vmem>>, vector<16xi32>,
        %swap3A = arith.constant 0 : index
        %swap3A_51 = tpu.vector_load %arg10[%swap3A] {strides = array<i32>} : memref<80xi32, #tpu.memory_space<vmem>>, vector<16xi32>,
        tpu.vector_store %arg10[%swap3A], %get3A_50 {strides = array<i32>} : memref<80xi32, #tpu.memory_space<vmem>>, vector<16xi32>,
        %add3A_52 = arith.constant 0 : i32
        %add3A_53 = arith.addi %mul3A_47, %add3A_52 : i32
        %get3A_54 = arith.index_cast %add3A_53 : i32 to index
        %get3A_55 = tpu.vector_load %arg8[%get3A_54] {strides = array<i32>} : memref<2000xi32, #tpu.memory_space<vmem>>, vector<16xi32>,
        %swap3A_56 = arith.constant 0 : index
        %swap3A_57 = tpu.vector_load %arg11[%swap3A_56] {strides = array<i32>} : memref<80xi32, #tpu.memory_space<vmem>>, vector<16xi32>,
        tpu.vector_store %arg11[%swap3A_56], %get3A_55 {strides = array<i32>} : memref<80xi32, #tpu.memory_space<vmem>>, vector<16xi32>,
        %add3A_58 = arith.constant 16 : i32
        %add3A_59 = arith.addi %mul3A_47, %add3A_58 : i32
        %get3A_60 = arith.index_cast %add3A_59 : i32 to index
        %get3A_61 = tpu.vector_load %arg7[%get3A_60] {strides = array<i32>} : memref<2000xi32, #tpu.memory_space<vmem>>, vector<16xi32>,
        %swap3A_62 = arith.constant 16 : index
        %swap3A_63 = tpu.vector_load %arg10[%swap3A_62] {strides = array<i32>} : memref<80xi32, #tpu.memory_space<vmem>>, vector<16xi32>,
        tpu.vector_store %arg10[%swap3A_62], %get3A_61 {strides = array<i32>} : memref<80xi32, #tpu.memory_space<vmem>>, vector<16xi32>,
        %add3A_64 = arith.constant 16 : i32
        %add3A_65 = arith.addi %mul3A_47, %add3A_64 : i32
        %get3A_66 = arith.index_cast %add3A_65 : i32 to index
        %get3A_67 = tpu.vector_load %arg8[%get3A_66] {strides = array<i32>} : memref<2000xi32, #tpu.memory_space<vmem>>, vector<16xi32>,
        %swap3A_68 = arith.constant 16 : index
        %swap3A_69 = tpu.vector_load %arg11[%swap3A_68] {strides = array<i32>} : memref<80xi32, #tpu.memory_space<vmem>>, vector<16xi32>,
        tpu.vector_store %arg11[%swap3A_68], %get3A_67 {strides = array<i32>} : memref<80xi32, #tpu.memory_space<vmem>>, vector<16xi32>,
        %add3A_70 = arith.constant 32 : i32
        %add3A_71 = arith.addi %mul3A_47, %add3A_70 : i32
        %get3A_72 = arith.index_cast %add3A_71 : i32 to index
        %get3A_73 = tpu.vector_load %arg7[%get3A_72] {strides = array<i32>} : memref<2000xi32, #tpu.memory_space<vmem>>, vector<16xi32>,
        %swap3A_74 = arith.constant 32 : index
        %swap3A_75 = tpu.vector_load %arg10[%swap3A_74] {strides = array<i32>} : memref<80xi32, #tpu.memory_space<vmem>>, vector<16xi32>,
        tpu.vector_store %arg10[%swap3A_74], %get3A_73 {strides = array<i32>} : memref<80xi32, #tpu.memory_space<vmem>>, vector<16xi32>,
        %add3A_76 = arith.constant 32 : i32
        %add3A_77 = arith.addi %mul3A_47, %add3A_76 : i32
        %get3A_78 = arith.index_cast %add3A_77 : i32 to index
        %get3A_79 = tpu.vector_load %arg8[%get3A_78] {strides = array<i32>} : memref<2000xi32, #tpu.memory_space<vmem>>, vector<16xi32>,
        %swap3A_80 = arith.constant 32 : index
        %swap3A_81 = tpu.vector_load %arg11[%swap3A_80] {strides = array<i32>} : memref<80xi32, #tpu.memory_space<vmem>>, vector<16xi32>,
        tpu.vector_store %arg11[%swap3A_80], %get3A_79 {strides = array<i32>} : memref<80xi32, #tpu.memory_space<vmem>>, vector<16xi32>,
        %add3A_82 = arith.constant 48 : i32
        %add3A_83 = arith.addi %mul3A_47, %add3A_82 : i32
        %get3A_84 = arith.index_cast %add3A_83 : i32 to index
        %get3A_85 = tpu.vector_load %arg7[%get3A_84] {strides = array<i32>} : memref<2000xi32, #tpu.memory_space<vmem>>, vector<16xi32>,
        %swap3A_86 = arith.constant 48 : index
        %swap3A_87 = tpu.vector_load %arg10[%swap3A_86] {strides = array<i32>} : memref<80xi32, #tpu.memory_space<vmem>>, vector<16xi32>,
        tpu.vector_store %arg10[%swap3A_86], %get3A_85 {strides = array<i32>} : memref<80xi32, #tpu.memory_space<vmem>>, vector<16xi32>,
        %add3A_88 = arith.constant 48 : i32
        %add3A_89 = arith.addi %mul3A_47, %add3A_88 : i32
        %get3A_90 = arith.index_cast %add3A_89 : i32 to index
        %get3A_91 = tpu.vector_load %arg8[%get3A_90] {strides = array<i32>} : memref<2000xi32, #tpu.memory_space<vmem>>, vector<16xi32>,
        %swap3A_92 = arith.constant 48 : index
        %swap3A_93 = tpu.vector_load %arg11[%swap3A_92] {strides = array<i32>} : memref<80xi32, #tpu.memory_space<vmem>>, vector<16xi32>,
        tpu.vector_store %arg11[%swap3A_92], %get3A_91 {strides = array<i32>} : memref<80xi32, #tpu.memory_space<vmem>>, vector<16xi32>,
        %add3A_94 = arith.constant 64 : i32
        %add3A_95 = arith.addi %mul3A_47, %add3A_94 : i32
        %get3A_96 = arith.index_cast %add3A_95 : i32 to index
        %get3A_97 = tpu.vector_load %arg7[%get3A_96] {strides = array<i32>} : memref<2000xi32, #tpu.memory_space<vmem>>, vector<16xi32>,
        %swap3A_98 = arith.constant 64 : index
        %swap3A_99 = tpu.vector_load %arg10[%swap3A_98] {strides = array<i32>} : memref<80xi32, #tpu.memory_space<vmem>>, vector<16xi32>,
        tpu.vector_store %arg10[%swap3A_98], %get3A_97 {strides = array<i32>} : memref<80xi32, #tpu.memory_space<vmem>>, vector<16xi32>,
        %add3A_100 = arith.constant 64 : i32
        %add3A_101 = arith.addi %mul3A_47, %add3A_100 : i32
        %get3A_102 = arith.index_cast %add3A_101 : i32 to index
        %get3A_103 = tpu.vector_load %arg8[%get3A_102] {strides = array<i32>} : memref<2000xi32, #tpu.memory_space<vmem>>, vector<16xi32>,
        %swap3A_104 = arith.constant 64 : index
        %swap3A_105 = tpu.vector_load %arg11[%swap3A_104] {strides = array<i32>} : memref<80xi32, #tpu.memory_space<vmem>>, vector<16xi32>,
        tpu.vector_store %arg11[%swap3A_104], %get3A_103 {strides = array<i32>} : memref<80xi32, #tpu.memory_space<vmem>>, vector<16xi32>,
        %dma_start3A = arith.constant 0 : i32
        %dma_start3A_106 = arith.constant 0 : i32
        %dma_start3A_107 = tpu.memref_slice %arg2[%dma_start3A, %dma_start3A_106] : memref<10240x128xf32, #tpu.memory_space<hbm>> -> memref<10240x128xf32, #tpu.memory_space<hbm>>
        tpu.enqueue_indirect_dma source(%dma_start3A_107 : memref<10240x128xf32, #tpu.memory_space<hbm>>) target(%arg12 : memref<80x128xf32, #tpu.memory_space<vmem>>) offsets(%arg10 : memref<80xi32, #tpu.memory_space<vmem>>) semaphore(%arg14 : memref<!tpu.dma_semaphore, #tpu.memory_space<semaphore_mem>>)
        %dma_wait3A = arith.constant 0 : i32
        %dma_wait3A_108 = arith.constant 0 : i32
        %dma_wait3A_109 = tpu.memref_slice %arg2[%dma_wait3A, %dma_wait3A_108] : memref<10240x128xf32, #tpu.memory_space<hbm>> -> memref<10240x128xf32, #tpu.memory_space<hbm>>
        tpu.wait_indirect_dma semaphore(%arg14 : memref<!tpu.dma_semaphore, #tpu.memory_space<semaphore_mem>>) src(%dma_wait3A_109 : memref<10240x128xf32, #tpu.memory_space<hbm>>) dst(%arg12 : memref<80x128xf32, #tpu.memory_space<vmem>>)
        %scan3A_110 = arith.constant 0 : i32
        %scan3A_111 = arith.constant 0 : i32
        %scan3A_112 = arith.constant 5 : i32
        %scan3A_113 = arith.addi %scan3A_111, %scan3A_112 : i32
        %scan3A_114 = arith.constant 1 : i32
        %scan3A_115 = scf.for %scan3A_118 = %scan3A_111 to %scan3A_113 step %scan3A_114 iter_args(%scan3A_119 = %scan3A_110) -> (i32)  : i32 {
          %mul3A_120 = arith.constant 16 : i32
          %mul3A_121 = arith.muli %scan3A_118, %mul3A_120 : i32
          %add3A_122 = arith.addi %mul3A_47, %mul3A_121 : i32
          %get3A_123 = arith.index_cast %add3A_122 : i32 to index
          %get3A_124 = tpu.vector_load %arg9[%get3A_123] {strides = array<i32>} : memref<2000xf32, #tpu.memory_space<vmem>>, vector<16xf32>,
          %mul3A_125 = arith.constant 16 : i32
          %mul3A_126 = arith.muli %scan3A_118, %mul3A_125 : i32
          %add3A_127 = arith.constant 0 : i32
          %add3A_128 = arith.addi %mul3A_126, %add3A_127 : i32
          %broadcast_in_dim3A_129 = arith.constant 0 : i32
          %broadcast_in_dim3A_130 = vector.broadcast %broadcast_in_dim3A_129 : i32 to vector<16x1xi32>
          %gather3A = vector.shape_cast %broadcast_in_dim3A_130 : vector<16x1xi32> to vector<16xi32>
          %gather3A_131 = tpu.dynamic_gather %get3A_124[%gather3A] in [0] : vector<16xf32>, vector<16xi32> -> vector<16xf32>
          %get3A_132 = arith.index_cast %add3A_128 : i32 to index
          %get3A_133 = arith.constant 0 : index
          %get3A_134 = tpu.vector_load %arg12[%get3A_132, %get3A_133] {strides = array<i32>} : memref<80x128xf32, #tpu.memory_space<vmem>>, vector<16xf32>,
          %mul3A_135 = arith.mulf %get3A_134, %gather3A_131 : vector<16xf32>
          %swap3A_136 = arith.index_cast %add3A_128 : i32 to index
          %swap3A_137 = arith.constant 0 : index
          %swap3A_138 = tpu.vector_load %arg12[%swap3A_136, %swap3A_137] {strides = array<i32>} : memref<80x128xf32, #tpu.memory_space<vmem>>, vector<16xf32>,
          tpu.vector_store %arg12[%swap3A_136, %swap3A_137], %mul3A_135 {strides = array<i32>} : memref<80x128xf32, #tpu.memory_space<vmem>>, vector<16xf32>,
          %get3A_139 = arith.index_cast %add3A_128 : i32 to index
          %get3A_140 = arith.constant 16 : index
          %get3A_141 = tpu.vector_load %arg12[%get3A_139, %get3A_140] {strides = array<i32>} : memref<80x128xf32, #tpu.memory_space<vmem>>, vector<16xf32>,
          %mul3A_142 = arith.mulf %get3A_141, %gather3A_131 : vector<16xf32>
          %swap3A_143 = arith.index_cast %add3A_128 : i32 to index
          %swap3A_144 = arith.constant 16 : index
          %swap3A_145 = tpu.vector_load %arg12[%swap3A_143, %swap3A_144] {strides = array<i32>} : memref<80x128xf32, #tpu.memory_space<vmem>>, vector<16xf32>,
          tpu.vector_store %arg12[%swap3A_143, %swap3A_144], %mul3A_142 {strides = array<i32>} : memref<80x128xf32, #tpu.memory_space<vmem>>, vector<16xf32>,
          %get3A_146 = arith.index_cast %add3A_128 : i32 to index
          %get3A_147 = arith.constant 32 : index
          %get3A_148 = tpu.vector_load %arg12[%get3A_146, %get3A_147] {strides = array<i32>} : memref<80x128xf32, #tpu.memory_space<vmem>>, vector<16xf32>,
          %mul3A_149 = arith.mulf %get3A_148, %gather3A_131 : vector<16xf32>
          %swap3A_150 = arith.index_cast %add3A_128 : i32 to index
          %swap3A_151 = arith.constant 32 : index
          %swap3A_152 = tpu.vector_load %arg12[%swap3A_150, %swap3A_151] {strides = array<i32>} : memref<80x128xf32, #tpu.memory_space<vmem>>, vector<16xf32>,
          tpu.vector_store %arg12[%swap3A_150, %swap3A_151], %mul3A_149 {strides = array<i32>} : memref<80x128xf32, #tpu.memory_space<vmem>>, vector<16xf32>,
          %get3A_153 = arith.index_cast %add3A_128 : i32 to index
          %get3A_154 = arith.constant 48 : index
          %get3A_155 = tpu.vector_load %arg12[%get3A_153, %get3A_154] {strides = array<i32>} : memref<80x128xf32, #tpu.memory_space<vmem>>, vector<16xf32>,
          %mul3A_156 = arith.mulf %get3A_155, %gather3A_131 : vector<16xf32>
          %swap3A_157 = arith.index_cast %add3A_128 : i32 to index
          %swap3A_158 = arith.constant 48 : index
          %swap3A_159 = tpu.vector_load %arg12[%swap3A_157, %swap3A_158] {strides = array<i32>} : memref<80x128xf32, #tpu.memory_space<vmem>>, vector<16xf32>,
          tpu.vector_store %arg12[%swap3A_157, %swap3A_158], %mul3A_156 {strides = array<i32>} : memref<80x128xf32, #tpu.memory_space<vmem>>, vector<16xf32>,
          %get3A_160 = arith.index_cast %add3A_128 : i32 to index
          %get3A_161 = arith.constant 64 : index
          %get3A_162 = tpu.vector_load %arg12[%get3A_160, %get3A_161] {strides = array<i32>} : memref<80x128xf32, #tpu.memory_space<vmem>>, vector<16xf32>,
          %mul3A_163 = arith.mulf %get3A_162, %gather3A_131 : vector<16xf32>
          %swap3A_164 = arith.index_cast %add3A_128 : i32 to index
          %swap3A_165 = arith.constant 64 : index
          %swap3A_166 = tpu.vector_load %arg12[%swap3A_164, %swap3A_165] {strides = array<i32>} : memref<80x128xf32, #tpu.memory_space<vmem>>, vector<16xf32>,
          tpu.vector_store %arg12[%swap3A_164, %swap3A_165], %mul3A_163 {strides = array<i32>} : memref<80x128xf32, #tpu.memory_space<vmem>>, vector<16xf32>,
          %get3A_167 = arith.index_cast %add3A_128 : i32 to index
          %get3A_168 = arith.constant 80 : index
          %get3A_169 = tpu.vector_load %arg12[%get3A_167, %get3A_168] {strides = array<i32>} : memref<80x128xf32, #tpu.memory_space<vmem>>, vector<16xf32>,
          %mul3A_170 = arith.mulf %get3A_169, %gather3A_131 : vector<16xf32>
          %swap3A_171 = arith.index_cast %add3A_128 : i32 to index
          %swap3A_172 = arith.constant 80 : index
          %swap3A_173 = tpu.vector_load %arg12[%swap3A_171, %swap3A_172] {strides = array<i32>} : memref<80x128xf32, #tpu.memory_space<vmem>>, vector<16xf32>,
          tpu.vector_store %arg12[%swap3A_171, %swap3A_172], %mul3A_170 {strides = array<i32>} : memref<80x128xf32, #tpu.memory_space<vmem>>, vector<16xf32>,
          %get3A_174 = arith.index_cast %add3A_128 : i32 to index
          %get3A_175 = arith.constant 96 : index
          %get3A_176 = tpu.vector_load %arg12[%get3A_174, %get3A_175] {strides = array<i32>} : memref<80x128xf32, #tpu.memory_space<vmem>>, vector<16xf32>,
          %mul3A_177 = arith.mulf %get3A_176, %gather3A_131 : vector<16xf32>
          %swap3A_178 = arith.index_cast %add3A_128 : i32 to index
          %swap3A_179 = arith.constant 96 : index
          %swap3A_180 = tpu.vector_load %arg12[%swap3A_178, %swap3A_179] {strides = array<i32>} : memref<80x128xf32, #tpu.memory_space<vmem>>, vector<16xf32>,
          tpu.vector_store %arg12[%swap3A_178, %swap3A_179], %mul3A_177 {strides = array<i32>} : memref<80x128xf32, #tpu.memory_space<vmem>>, vector<16xf32>,
          %get3A_181 = arith.index_cast %add3A_128 : i32 to index
          %get3A_182 = arith.constant 112 : index
          %get3A_183 = tpu.vector_load %arg12[%get3A_181, %get3A_182] {strides = array<i32>} : memref<80x128xf32, #tpu.memory_space<vmem>>, vector<16xf32>,
          %mul3A_184 = arith.mulf %get3A_183, %gather3A_131 : vector<16xf32>
          %swap3A_185 = arith.index_cast %add3A_128 : i32 to index
          %swap3A_186 = arith.constant 112 : index
          %swap3A_187 = tpu.vector_load %arg12[%swap3A_185, %swap3A_186] {strides = array<i32>} : memref<80x128xf32, #tpu.memory_space<vmem>>, vector<16xf32>,
          tpu.vector_store %arg12[%swap3A_185, %swap3A_186], %mul3A_184 {strides = array<i32>} : memref<80x128xf32, #tpu.memory_space<vmem>>, vector<16xf32>,
          %mul3A_188 = arith.constant 16 : i32
          %mul3A_189 = arith.muli %scan3A_118, %mul3A_188 : i32
          %add3A_190 = arith.constant 1 : i32
          %add3A_191 = arith.addi %mul3A_189, %add3A_190 : i32
          %broadcast_in_dim3A_192 = arith.constant 1 : i32
          %broadcast_in_dim3A_193 = vector.broadcast %broadcast_in_dim3A_192 : i32 to vector<16x1xi32>
          %gather3A_194 = vector.shape_cast %broadcast_in_dim3A_193 : vector<16x1xi32> to vector<16xi32>
          %gather3A_195 = tpu.dynamic_gather %get3A_124[%gather3A_194] in [0] : vector<16xf32>, vector<16xi32> -> vector<16xf32>
          %get3A_196 = arith.index_cast %add3A_191 : i32 to index
          %get3A_197 = arith.constant 0 : index
          %get3A_198 = tpu.vector_load %arg12[%get3A_196, %get3A_197] {strides = array<i32>} : memref<80x128xf32, #tpu.memory_space<vmem>>, vector<16xf32>,
          %mul3A_199 = arith.mulf %get3A_198, %gather3A_195 : vector<16xf32>
          %swap3A_200 = arith.index_cast %add3A_191 : i32 to index
          %swap3A_201 = arith.constant 0 : index
          %swap3A_202 = tpu.vector_load %arg12[%swap3A_200, %swap3A_201] {strides = array<i32>} : memref<80x128xf32, #tpu.memory_space<vmem>>, vector<16xf32>,
          tpu.vector_store %arg12[%swap3A_200, %swap3A_201], %mul3A_199 {strides = array<i32>} : memref<80x128xf32, #tpu.memory_space<vmem>>, vector<16xf32>,
          %get3A_203 = arith.index_cast %add3A_191 : i32 to index
          %get3A_204 = arith.constant 16 : index
          %get3A_205 = tpu.vector_load %arg12[%get3A_203, %get3A_204] {strides = array<i32>} : memref<80x128xf32, #tpu.memory_space<vmem>>, vector<16xf32>,
          %mul3A_206 = arith.mulf %get3A_205, %gather3A_195 : vector<16xf32>
          %swap3A_207 = arith.index_cast %add3A_191 : i32 to index
          %swap3A_208 = arith.constant 16 : index
          %swap3A_209 = tpu.vector_load %arg12[%swap3A_207, %swap3A_208] {strides = array<i32>} : memref<80x128xf32, #tpu.memory_space<vmem>>, vector<16xf32>,
          tpu.vector_store %arg12[%swap3A_207, %swap3A_208], %mul3A_206 {strides = array<i32>} : memref<80x128xf32, #tpu.memory_space<vmem>>, vector<16xf32>,
          %get3A_210 = arith.index_cast %add3A_191 : i32 to index
          %get3A_211 = arith.constant 32 : index
          %get3A_212 = tpu.vector_load %arg12[%get3A_210, %get3A_211] {strides = array<i32>} : memref<80x128xf32, #tpu.memory_space<vmem>>, vector<16xf32>,
          %mul3A_213 = arith.mulf %get3A_212, %gather3A_195 : vector<16xf32>
          %swap3A_214 = arith.index_cast %add3A_191 : i32 to index
          %swap3A_215 = arith.constant 32 : index
          %swap3A_216 = tpu.vector_load %arg12[%swap3A_214, %swap3A_215] {strides = array<i32>} : memref<80x128xf32, #tpu.memory_space<vmem>>, vector<16xf32>,
          tpu.vector_store %arg12[%swap3A_214, %swap3A_215], %mul3A_213 {strides = array<i32>} : memref<80x128xf32, #tpu.memory_space<vmem>>, vector<16xf32>,
          %get3A_217 = arith.index_cast %add3A_191 : i32 to index
          %get3A_218 = arith.constant 48 : index
          %get3A_219 = tpu.vector_load %arg12[%get3A_217, %get3A_218] {strides = array<i32>} : memref<80x128xf32, #tpu.memory_space<vmem>>, vector<16xf32>,
          %mul3A_220 = arith.mulf %get3A_219, %gather3A_195 : vector<16xf32>
          %swap3A_221 = arith.index_cast %add3A_191 : i32 to index
          %swap3A_222 = arith.constant 48 : index
          %swap3A_223 = tpu.vector_load %arg12[%swap3A_221, %swap3A_222] {strides = array<i32>} : memref<80x128xf32, #tpu.memory_space<vmem>>, vector<16xf32>,
          tpu.vector_store %arg12[%swap3A_221, %swap3A_222], %mul3A_220 {strides = array<i32>} : memref<80x128xf32, #tpu.memory_space<vmem>>, vector<16xf32>,
          %get3A_224 = arith.index_cast %add3A_191 : i32 to index
          %get3A_225 = arith.constant 64 : index
          %get3A_226 = tpu.vector_load %arg12[%get3A_224, %get3A_225] {strides = array<i32>} : memref<80x128xf32, #tpu.memory_space<vmem>>, vector<16xf32>,
          %mul3A_227 = arith.mulf %get3A_226, %gather3A_195 : vector<16xf32>
          %swap3A_228 = arith.index_cast %add3A_191 : i32 to index
          %swap3A_229 = arith.constant 64 : index
          %swap3A_230 = tpu.vector_load %arg12[%swap3A_228, %swap3A_229] {strides = array<i32>} : memref<80x128xf32, #tpu.memory_space<vmem>>, vector<16xf32>,
          tpu.vector_store %arg12[%swap3A_228, %swap3A_229], %mul3A_227 {strides = array<i32>} : memref<80x128xf32, #tpu.memory_space<vmem>>, vector<16xf32>,
          %get3A_231 = arith.index_cast %add3A_191 : i32 to index
          %get3A_232 = arith.constant 80 : index
          %get3A_233 = tpu.vector_load %arg12[%get3A_231, %get3A_232] {strides = array<i32>} : memref<80x128xf32, #tpu.memory_space<vmem>>, vector<16xf32>,
          %mul3A_234 = arith.mulf %get3A_233, %gather3A_195 : vector<16xf32>
          %swap3A_235 = arith.index_cast %add3A_191 : i32 to index
          %swap3A_236 = arith.constant 80 : index
          %swap3A_237 = tpu.vector_load %arg12[%swap3A_235, %swap3A_236] {strides = array<i32>} : memref<80x128xf32, #tpu.memory_space<vmem>>, vector<16xf32>,
          tpu.vector_store %arg12[%swap3A_235, %swap3A_236], %mul3A_234 {strides = array<i32>} : memref<80x128xf32, #tpu.memory_space<vmem>>, vector<16xf32>,
          %get3A_238 = arith.index_cast %add3A_191 : i32 to index
          %get3A_239 = arith.constant 96 : index
          %get3A_240 = tpu.vector_load %arg12[%get3A_238, %get3A_239] {strides = array<i32>} : memref<80x128xf32, #tpu.memory_space<vmem>>, vector<16xf32>,
          %mul3A_241 = arith.mulf %get3A_240, %gather3A_195 : vector<16xf32>
          %swap3A_242 = arith.index_cast %add3A_191 : i32 to index
          %swap3A_243 = arith.constant 96 : index
          %swap3A_244 = tpu.vector_load %arg12[%swap3A_242, %swap3A_243] {strides = array<i32>} : memref<80x128xf32, #tpu.memory_space<vmem>>, vector<16xf32>,
          tpu.vector_store %arg12[%swap3A_242, %swap3A_243], %mul3A_241 {strides = array<i32>} : memref<80x128xf32, #tpu.memory_space<vmem>>, vector<16xf32>,
          %get3A_245 = arith.index_cast %add3A_191 : i32 to index
          %get3A_246 = arith.constant 112 : index
          %get3A_247 = tpu.vector_load %arg12[%get3A_245, %get3A_246] {strides = array<i32>} : memref<80x128xf32, #tpu.memory_space<vmem>>, vector<16xf32>,
          %mul3A_248 = arith.mulf %get3A_247, %gather3A_195 : vector<16xf32>
          %swap3A_249 = arith.index_cast %add3A_191 : i32 to index
          %swap3A_250 = arith.constant 112 : index
          %swap3A_251 = tpu.vector_load %arg12[%swap3A_249, %swap3A_250] {strides = array<i32>} : memref<80x128xf32, #tpu.memory_space<vmem>>, vector<16xf32>,
          tpu.vector_store %arg12[%swap3A_249, %swap3A_250], %mul3A_248 {strides = array<i32>} : memref<80x128xf32, #tpu.memory_space<vmem>>, vector<16xf32>,
          %mul3A_252 = arith.constant 16 : i32
          %mul3A_253 = arith.muli %scan3A_118, %mul3A_252 : i32
          %add3A_254 = arith.constant 2 : i32
          %add3A_255 = arith.addi %mul3A_253, %add3A_254 : i32
          %broadcast_in_dim3A_256 = arith.constant 2 : i32
          %broadcast_in_dim3A_257 = vector.broadcast %broadcast_in_dim3A_256 : i32 to vector<16x1xi32>
          %gather3A_258 = vector.shape_cast %broadcast_in_dim3A_257 : vector<16x1xi32> to vector<16xi32>
          %gather3A_259 = tpu.dynamic_gather %get3A_124[%gather3A_258] in [0] : vector<16xf32>, vector<16xi32> -> vector<16xf32>
          %get3A_260 = arith.index_cast %add3A_255 : i32 to index
          %get3A_261 = arith.constant 0 : index
          %get3A_262 = tpu.vector_load %arg12[%get3A_260, %get3A_261] {strides = array<i32>} : memref<80x128xf32, #tpu.memory_space<vmem>>, vector<16xf32>,
          %mul3A_263 = arith.mulf %get3A_262, %gather3A_259 : vector<16xf32>
          %swap3A_264 = arith.index_cast %add3A_255 : i32 to index
          %swap3A_265 = arith.constant 0 : index
          %swap3A_266 = tpu.vector_load %arg12[%swap3A_264, %swap3A_265] {strides = array<i32>} : memref<80x128xf32, #tpu.memory_space<vmem>>, vector<16xf32>,
          tpu.vector_store %arg12[%swap3A_264, %swap3A_265], %mul3A_263 {strides = array<i32>} : memref<80x128xf32, #tpu.memory_space<vmem>>, vector<16xf32>,
          %get3A_267 = arith.index_cast %add3A_255 : i32 to index
          %get3A_268 = arith.constant 16 : index
          %get3A_269 = tpu.vector_load %arg12[%get3A_267, %get3A_268] {strides = array<i32>} : memref<80x128xf32, #tpu.memory_space<vmem>>, vector<16xf32>,
          %mul3A_270 = arith.mulf %get3A_269, %gather3A_259 : vector<16xf32>
          %swap3A_271 = arith.index_cast %add3A_255 : i32 to index
          %swap3A_272 = arith.constant 16 : index
          %swap3A_273 = tpu.vector_load %arg12[%swap3A_271, %swap3A_272] {strides = array<i32>} : memref<80x128xf32, #tpu.memory_space<vmem>>, vector<16xf32>,
          tpu.vector_store %arg12[%swap3A_271, %swap3A_272], %mul3A_270 {strides = array<i32>} : memref<80x128xf32, #tpu.memory_space<vmem>>, vector<16xf32>,
          %get3A_274 = arith.index_cast %add3A_255 : i32 to index
          %get3A_275 = arith.constant 32 : index
          %get3A_276 = tpu.vector_load %arg12[%get3A_274, %get3A_275] {strides = array<i32>} : memref<80x128xf32, #tpu.memory_space<vmem>>, vector<16xf32>,
          %mul3A_277 = arith.mulf %get3A_276, %gather3A_259 : vector<16xf32>
          %swap3A_278 = arith.index_cast %add3A_255 : i32 to index
          %swap3A_279 = arith.constant 32 : index
          %swap3A_280 = tpu.vector_load %arg12[%swap3A_278, %swap3A_279] {strides = array<i32>} : memref<80x128xf32, #tpu.memory_space<vmem>>, vector<16xf32>,
          tpu.vector_store %arg12[%swap3A_278, %swap3A_279], %mul3A_277 {strides = array<i32>} : memref<80x128xf32, #tpu.memory_space<vmem>>, vector<16xf32>,
          %get3A_281 = arith.index_cast %add3A_255 : i32 to index
          %get3A_282 = arith.constant 48 : index
          %get3A_283 = tpu.vector_load %arg12[%get3A_281, %get3A_282] {strides = array<i32>} : memref<80x128xf32, #tpu.memory_space<vmem>>, vector<16xf32>,
          %mul3A_284 = arith.mulf %get3A_283, %gather3A_259 : vector<16xf32>
          %swap3A_285 = arith.index_cast %add3A_255 : i32 to index
          %swap3A_286 = arith.constant 48 : index
          %swap3A_287 = tpu.vector_load %arg12[%swap3A_285, %swap3A_286] {strides = array<i32>} : memref<80x128xf32, #tpu.memory_space<vmem>>, vector<16xf32>,
          tpu.vector_store %arg12[%swap3A_285, %swap3A_286], %mul3A_284 {strides = array<i32>} : memref<80x128xf32, #tpu.memory_space<vmem>>, vector<16xf32>,
          %get3A_288 = arith.index_cast %add3A_255 : i32 to index
          %get3A_289 = arith.constant 64 : index
          %get3A_290 = tpu.vector_load %arg12[%get3A_288, %get3A_289] {strides = array<i32>} : memref<80x128xf32, #tpu.memory_space<vmem>>, vector<16xf32>,
          %mul3A_291 = arith.mulf %get3A_290, %gather3A_259 : vector<16xf32>
          %swap3A_292 = arith.index_cast %add3A_255 : i32 to index
          %swap3A_293 = arith.constant 64 : index
          %swap3A_294 = tpu.vector_load %arg12[%swap3A_292, %swap3A_293] {strides = array<i32>} : memref<80x128xf32, #tpu.memory_space<vmem>>, vector<16xf32>,
          tpu.vector_store %arg12[%swap3A_292, %swap3A_293], %mul3A_291 {strides = array<i32>} : memref<80x128xf32, #tpu.memory_space<vmem>>, vector<16xf32>,
          %get3A_295 = arith.index_cast %add3A_255 : i32 to index
          %get3A_296 = arith.constant 80 : index
          %get3A_297 = tpu.vector_load %arg12[%get3A_295, %get3A_296] {strides = array<i32>} : memref<80x128xf32, #tpu.memory_space<vmem>>, vector<16xf32>,
          %mul3A_298 = arith.mulf %get3A_297, %gather3A_259 : vector<16xf32>
          %swap3A_299 = arith.index_cast %add3A_255 : i32 to index
          %swap3A_300 = arith.constant 80 : index
          %swap3A_301 = tpu.vector_load %arg12[%swap3A_299, %swap3A_300] {strides = array<i32>} : memref<80x128xf32, #tpu.memory_space<vmem>>, vector<16xf32>,
          tpu.vector_store %arg12[%swap3A_299, %swap3A_300], %mul3A_298 {strides = array<i32>} : memref<80x128xf32, #tpu.memory_space<vmem>>, vector<16xf32>,
          %get3A_302 = arith.index_cast %add3A_255 : i32 to index
          %get3A_303 = arith.constant 96 : index
          %get3A_304 = tpu.vector_load %arg12[%get3A_302, %get3A_303] {strides = array<i32>} : memref<80x128xf32, #tpu.memory_space<vmem>>, vector<16xf32>,
          %mul3A_305 = arith.mulf %get3A_304, %gather3A_259 : vector<16xf32>
          %swap3A_306 = arith.index_cast %add3A_255 : i32 to index
          %swap3A_307 = arith.constant 96 : index
          %swap3A_308 = tpu.vector_load %arg12[%swap3A_306, %swap3A_307] {strides = array<i32>} : memref<80x128xf32, #tpu.memory_space<vmem>>, vector<16xf32>,
          tpu.vector_store %arg12[%swap3A_306, %swap3A_307], %mul3A_305 {strides = array<i32>} : memref<80x128xf32, #tpu.memory_space<vmem>>, vector<16xf32>,
          %get3A_309 = arith.index_cast %add3A_255 : i32 to index
          %get3A_310 = arith.constant 112 : index
          %get3A_311 = tpu.vector_load %arg12[%get3A_309, %get3A_310] {strides = array<i32>} : memref<80x128xf32, #tpu.memory_space<vmem>>, vector<16xf32>,
          %mul3A_312 = arith.mulf %get3A_311, %gather3A_259 : vector<16xf32>
          %swap3A_313 = arith.index_cast %add3A_255 : i32 to index
          %swap3A_314 = arith.constant 112 : index
          %swap3A_315 = tpu.vector_load %arg12[%swap3A_313, %swap3A_314] {strides = array<i32>} : memref<80x128xf32, #tpu.memory_space<vmem>>, vector<16xf32>,
          tpu.vector_store %arg12[%swap3A_313, %swap3A_314], %mul3A_312 {strides = array<i32>} : memref<80x128xf32, #tpu.memory_space<vmem>>, vector<16xf32>,
          %mul3A_316 = arith.constant 16 : i32
          %mul3A_317 = arith.muli %scan3A_118, %mul3A_316 : i32
          %add3A_318 = arith.constant 3 : i32
          %add3A_319 = arith.addi %mul3A_317, %add3A_318 : i32
          %broadcast_in_dim3A_320 = arith.constant 3 : i32
          %broadcast_in_dim3A_321 = vector.broadcast %broadcast_in_dim3A_320 : i32 to vector<16x1xi32>
          %gather3A_322 = vector.shape_cast %broadcast_in_dim3A_321 : vector<16x1xi32> to vector<16xi32>
          %gather3A_323 = tpu.dynamic_gather %get3A_124[%gather3A_322] in [0] : vector<16xf32>, vector<16xi32> -> vector<16xf32>
          %get3A_324 = arith.index_cast %add3A_319 : i32 to index
          %get3A_325 = arith.constant 0 : index
          %get3A_326 = tpu.vector_load %arg12[%get3A_324, %get3A_325] {strides = array<i32>} : memref<80x128xf32, #tpu.memory_space<vmem>>, vector<16xf32>,
          %mul3A_327 = arith.mulf %get3A_326, %gather3A_323 : vector<16xf32>
          %swap3A_328 = arith.index_cast %add3A_319 : i32 to index
          %swap3A_329 = arith.constant 0 : index
          %swap3A_330 = tpu.vector_load %arg12[%swap3A_328, %swap3A_329] {strides = array<i32>} : memref<80x128xf32, #tpu.memory_space<vmem>>, vector<16xf32>,
          tpu.vector_store %arg12[%swap3A_328, %swap3A_329], %mul3A_327 {strides = array<i32>} : memref<80x128xf32, #tpu.memory_space<vmem>>, vector<16xf32>,
          %get3A_331 = arith.index_cast %add3A_319 : i32 to index
          %get3A_332 = arith.constant 16 : index
          %get3A_333 = tpu.vector_load %arg12[%get3A_331, %get3A_332] {strides = array<i32>} : memref<80x128xf32, #tpu.memory_space<vmem>>, vector<16xf32>,
          %mul3A_334 = arith.mulf %get3A_333, %gather3A_323 : vector<16xf32>
          %swap3A_335 = arith.index_cast %add3A_319 : i32 to index
          %swap3A_336 = arith.constant 16 : index
          %swap3A_337 = tpu.vector_load %arg12[%swap3A_335, %swap3A_336] {strides = array<i32>} : memref<80x128xf32, #tpu.memory_space<vmem>>, vector<16xf32>,
          tpu.vector_store %arg12[%swap3A_335, %swap3A_336], %mul3A_334 {strides = array<i32>} : memref<80x128xf32, #tpu.memory_space<vmem>>, vector<16xf32>,
          %get3A_338 = arith.index_cast %add3A_319 : i32 to index
          %get3A_339 = arith.constant 32 : index
          %get3A_340 = tpu.vector_load %arg12[%get3A_338, %get3A_339] {strides = array<i32>} : memref<80x128xf32, #tpu.memory_space<vmem>>, vector<16xf32>,
          %mul3A_341 = arith.mulf %get3A_340, %gather3A_323 : vector<16xf32>
          %swap3A_342 = arith.index_cast %add3A_319 : i32 to index
          %swap3A_343 = arith.constant 32 : index
          %swap3A_344 = tpu.vector_load %arg12[%swap3A_342, %swap3A_343] {strides = array<i32>} : memref<80x128xf32, #tpu.memory_space<vmem>>, vector<16xf32>,
          tpu.vector_store %arg12[%swap3A_342, %swap3A_343], %mul3A_341 {strides = array<i32>} : memref<80x128xf32, #tpu.memory_space<vmem>>, vector<16xf32>,
          %get3A_345 = arith.index_cast %add3A_319 : i32 to index
          %get3A_346 = arith.constant 48 : index
          %get3A_347 = tpu.vector_load %arg12[%get3A_345, %get3A_346] {strides = array<i32>} : memref<80x128xf32, #tpu.memory_space<vmem>>, vector<16xf32>,
          %mul3A_348 = arith.mulf %get3A_347, %gather3A_323 : vector<16xf32>
          %swap3A_349 = arith.index_cast %add3A_319 : i32 to index
          %swap3A_350 = arith.constant 48 : index
          %swap3A_351 = tpu.vector_load %arg12[%swap3A_349, %swap3A_350] {strides = array<i32>} : memref<80x128xf32, #tpu.memory_space<vmem>>, vector<16xf32>,
          tpu.vector_store %arg12[%swap3A_349, %swap3A_350], %mul3A_348 {strides = array<i32>} : memref<80x128xf32, #tpu.memory_space<vmem>>, vector<16xf32>,
          %get3A_352 = arith.index_cast %add3A_319 : i32 to index
          %get3A_353 = arith.constant 64 : index
          %get3A_354 = tpu.vector_load %arg12[%get3A_352, %get3A_353] {strides = array<i32>} : memref<80x128xf32, #tpu.memory_space<vmem>>, vector<16xf32>,
          %mul3A_355 = arith.mulf %get3A_354, %gather3A_323 : vector<16xf32>
          %swap3A_356 = arith.index_cast %add3A_319 : i32 to index
          %swap3A_357 = arith.constant 64 : index
          %swap3A_358 = tpu.vector_load %arg12[%swap3A_356, %swap3A_357] {strides = array<i32>} : memref<80x128xf32, #tpu.memory_space<vmem>>, vector<16xf32>,
          tpu.vector_store %arg12[%swap3A_356, %swap3A_357], %mul3A_355 {strides = array<i32>} : memref<80x128xf32, #tpu.memory_space<vmem>>, vector<16xf32>,
          %get3A_359 = arith.index_cast %add3A_319 : i32 to index
          %get3A_360 = arith.constant 80 : index
          %get3A_361 = tpu.vector_load %arg12[%get3A_359, %get3A_360] {strides = array<i32>} : memref<80x128xf32, #tpu.memory_space<vmem>>, vector<16xf32>,
          %mul3A_362 = arith.mulf %get3A_361, %gather3A_323 : vector<16xf32>
          %swap3A_363 = arith.index_cast %add3A_319 : i32 to index
          %swap3A_364 = arith.constant 80 : index
          %swap3A_365 = tpu.vector_load %arg12[%swap3A_363, %swap3A_364] {strides = array<i32>} : memref<80x128xf32, #tpu.memory_space<vmem>>, vector<16xf32>,
          tpu.vector_store %arg12[%swap3A_363, %swap3A_364], %mul3A_362 {strides = array<i32>} : memref<80x128xf32, #tpu.memory_space<vmem>>, vector<16xf32>,
          %get3A_366 = arith.index_cast %add3A_319 : i32 to index
          %get3A_367 = arith.constant 96 : index
          %get3A_368 = tpu.vector_load %arg12[%get3A_366, %get3A_367] {strides = array<i32>} : memref<80x128xf32, #tpu.memory_space<vmem>>, vector<16xf32>,
          %mul3A_369 = arith.mulf %get3A_368, %gather3A_323 : vector<16xf32>
          %swap3A_370 = arith.index_cast %add3A_319 : i32 to index
          %swap3A_371 = arith.constant 96 : index
          %swap3A_372 = tpu.vector_load %arg12[%swap3A_370, %swap3A_371] {strides = array<i32>} : memref<80x128xf32, #tpu.memory_space<vmem>>, vector<16xf32>,
          tpu.vector_store %arg12[%swap3A_370, %swap3A_371], %mul3A_369 {strides = array<i32>} : memref<80x128xf32, #tpu.memory_space<vmem>>, vector<16xf32>,
          %get3A_373 = arith.index_cast %add3A_319 : i32 to index
          %get3A_374 = arith.constant 112 : index
          %get3A_375 = tpu.vector_load %arg12[%get3A_373, %get3A_374] {strides = array<i32>} : memref<80x128xf32, #tpu.memory_space<vmem>>, vector<16xf32>,
          %mul3A_376 = arith.mulf %get3A_375, %gather3A_323 : vector<16xf32>
          %swap3A_377 = arith.index_cast %add3A_319 : i32 to index
          %swap3A_378 = arith.constant 112 : index
          %swap3A_379 = tpu.vector_load %arg12[%swap3A_377, %swap3A_378] {strides = array<i32>} : memref<80x128xf32, #tpu.memory_space<vmem>>, vector<16xf32>,
          tpu.vector_store %arg12[%swap3A_377, %swap3A_378], %mul3A_376 {strides = array<i32>} : memref<80x128xf32, #tpu.memory_space<vmem>>, vector<16xf32>,
          %mul3A_380 = arith.constant 16 : i32
          %mul3A_381 = arith.muli %scan3A_118, %mul3A_380 : i32
          %add3A_382 = arith.constant 4 : i32
          %add3A_383 = arith.addi %mul3A_381, %add3A_382 : i32
          %broadcast_in_dim3A_384 = arith.constant 4 : i32
          %broadcast_in_dim3A_385 = vector.broadcast %broadcast_in_dim3A_384 : i32 to vector<16x1xi32>
          %gather3A_386 = vector.shape_cast %broadcast_in_dim3A_385 : vector<16x1xi32> to vector<16xi32>
          %gather3A_387 = tpu.dynamic_gather %get3A_124[%gather3A_386] in [0] : vector<16xf32>, vector<16xi32> -> vector<16xf32>
          %get3A_388 = arith.index_cast %add3A_383 : i32 to index
          %get3A_389 = arith.constant 0 : index
          %get3A_390 = tpu.vector_load %arg12[%get3A_388, %get3A_389] {strides = array<i32>} : memref<80x128xf32, #tpu.memory_space<vmem>>, vector<16xf32>,
          %mul3A_391 = arith.mulf %get3A_390, %gather3A_387 : vector<16xf32>
          %swap3A_392 = arith.index_cast %add3A_383 : i32 to index
          %swap3A_393 = arith.constant 0 : index
          %swap3A_394 = tpu.vector_load %arg12[%swap3A_392, %swap3A_393] {strides = array<i32>} : memref<80x128xf32, #tpu.memory_space<vmem>>, vector<16xf32>,
          tpu.vector_store %arg12[%swap3A_392, %swap3A_393], %mul3A_391 {strides = array<i32>} : memref<80x128xf32, #tpu.memory_space<vmem>>, vector<16xf32>,
          %get3A_395 = arith.index_cast %add3A_383 : i32 to index
          %get3A_396 = arith.constant 16 : index
          %get3A_397 = tpu.vector_load %arg12[%get3A_395, %get3A_396] {strides = array<i32>} : memref<80x128xf32, #tpu.memory_space<vmem>>, vector<16xf32>,
          %mul3A_398 = arith.mulf %get3A_397, %gather3A_387 : vector<16xf32>
          %swap3A_399 = arith.index_cast %add3A_383 : i32 to index
          %swap3A_400 = arith.constant 16 : index
          %swap3A_401 = tpu.vector_load %arg12[%swap3A_399, %swap3A_400] {strides = array<i32>} : memref<80x128xf32, #tpu.memory_space<vmem>>, vector<16xf32>,
          tpu.vector_store %arg12[%swap3A_399, %swap3A_400], %mul3A_398 {strides = array<i32>} : memref<80x128xf32, #tpu.memory_space<vmem>>, vector<16xf32>,
          %get3A_402 = arith.index_cast %add3A_383 : i32 to index
          %get3A_403 = arith.constant 32 : index
          %get3A_404 = tpu.vector_load %arg12[%get3A_402, %get3A_403] {strides = array<i32>} : memref<80x128xf32, #tpu.memory_space<vmem>>, vector<16xf32>,
          %mul3A_405 = arith.mulf %get3A_404, %gather3A_387 : vector<16xf32>
          %swap3A_406 = arith.index_cast %add3A_383 : i32 to index
          %swap3A_407 = arith.constant 32 : index
          %swap3A_408 = tpu.vector_load %arg12[%swap3A_406, %swap3A_407] {strides = array<i32>} : memref<80x128xf32, #tpu.memory_space<vmem>>, vector<16xf32>,
          tpu.vector_store %arg12[%swap3A_406, %swap3A_407], %mul3A_405 {strides = array<i32>} : memref<80x128xf32, #tpu.memory_space<vmem>>, vector<16xf32>,
          %get3A_409 = arith.index_cast %add3A_383 : i32 to index
          %get3A_410 = arith.constant 48 : index
          %get3A_411 = tpu.vector_load %arg12[%get3A_409, %get3A_410] {strides = array<i32>} : memref<80x128xf32, #tpu.memory_space<vmem>>, vector<16xf32>,
          %mul3A_412 = arith.mulf %get3A_411, %gather3A_387 : vector<16xf32>
          %swap3A_413 = arith.index_cast %add3A_383 : i32 to index
          %swap3A_414 = arith.constant 48 : index
          %swap3A_415 = tpu.vector_load %arg12[%swap3A_413, %swap3A_414] {strides = array<i32>} : memref<80x128xf32, #tpu.memory_space<vmem>>, vector<16xf32>,
          tpu.vector_store %arg12[%swap3A_413, %swap3A_414], %mul3A_412 {strides = array<i32>} : memref<80x128xf32, #tpu.memory_space<vmem>>, vector<16xf32>,
          %get3A_416 = arith.index_cast %add3A_383 : i32 to index
          %get3A_417 = arith.constant 64 : index
          %get3A_418 = tpu.vector_load %arg12[%get3A_416, %get3A_417] {strides = array<i32>} : memref<80x128xf32, #tpu.memory_space<vmem>>, vector<16xf32>,
          %mul3A_419 = arith.mulf %get3A_418, %gather3A_387 : vector<16xf32>
          %swap3A_420 = arith.index_cast %add3A_383 : i32 to index
          %swap3A_421 = arith.constant 64 : index
          %swap3A_422 = tpu.vector_load %arg12[%swap3A_420, %swap3A_421] {strides = array<i32>} : memref<80x128xf32, #tpu.memory_space<vmem>>, vector<16xf32>,
          tpu.vector_store %arg12[%swap3A_420, %swap3A_421], %mul3A_419 {strides = array<i32>} : memref<80x128xf32, #tpu.memory_space<vmem>>, vector<16xf32>,
          %get3A_423 = arith.index_cast %add3A_383 : i32 to index
          %get3A_424 = arith.constant 80 : index
          %get3A_425 = tpu.vector_load %arg12[%get3A_423, %get3A_424] {strides = array<i32>} : memref<80x128xf32, #tpu.memory_space<vmem>>, vector<16xf32>,
          %mul3A_426 = arith.mulf %get3A_425, %gather3A_387 : vector<16xf32>
          %swap3A_427 = arith.index_cast %add3A_383 : i32 to index
          %swap3A_428 = arith.constant 80 : index
          %swap3A_429 = tpu.vector_load %arg12[%swap3A_427, %swap3A_428] {strides = array<i32>} : memref<80x128xf32, #tpu.memory_space<vmem>>, vector<16xf32>,
          tpu.vector_store %arg12[%swap3A_427, %swap3A_428], %mul3A_426 {strides = array<i32>} : memref<80x128xf32, #tpu.memory_space<vmem>>, vector<16xf32>,
          %get3A_430 = arith.index_cast %add3A_383 : i32 to index
          %get3A_431 = arith.constant 96 : index
          %get3A_432 = tpu.vector_load %arg12[%get3A_430, %get3A_431] {strides = array<i32>} : memref<80x128xf32, #tpu.memory_space<vmem>>, vector<16xf32>,
          %mul3A_433 = arith.mulf %get3A_432, %gather3A_387 : vector<16xf32>
          %swap3A_434 = arith.index_cast %add3A_383 : i32 to index
          %swap3A_435 = arith.constant 96 : index
          %swap3A_436 = tpu.vector_load %arg12[%swap3A_434, %swap3A_435] {strides = array<i32>} : memref<80x128xf32, #tpu.memory_space<vmem>>, vector<16xf32>,
          tpu.vector_store %arg12[%swap3A_434, %swap3A_435], %mul3A_433 {strides = array<i32>} : memref<80x128xf32, #tpu.memory_space<vmem>>, vector<16xf32>,
          %get3A_437 = arith.index_cast %add3A_383 : i32 to index
          %get3A_438 = arith.constant 112 : index
          %get3A_439 = tpu.vector_load %arg12[%get3A_437, %get3A_438] {strides = array<i32>} : memref<80x128xf32, #tpu.memory_space<vmem>>, vector<16xf32>,
          %mul3A_440 = arith.mulf %get3A_439, %gather3A_387 : vector<16xf32>
          %swap3A_441 = arith.index_cast %add3A_383 : i32 to index
          %swap3A_442 = arith.constant 112 : index
          %swap3A_443 = tpu.vector_load %arg12[%swap3A_441, %swap3A_442] {strides = array<i32>} : memref<80x128xf32, #tpu.memory_space<vmem>>, vector<16xf32>,
          tpu.vector_store %arg12[%swap3A_441, %swap3A_442], %mul3A_440 {strides = array<i32>} : memref<80x128xf32, #tpu.memory_space<vmem>>, vector<16xf32>,
          %mul3A_444 = arith.constant 16 : i32
          %mul3A_445 = arith.muli %scan3A_118, %mul3A_444 : i32
          %add3A_446 = arith.constant 5 : i32
          %add3A_447 = arith.addi %mul3A_445, %add3A_446 : i32
          %broadcast_in_dim3A_448 = arith.constant 5 : i32
          %broadcast_in_dim3A_449 = vector.broadcast %broadcast_in_dim3A_448 : i32 to vector<16x1xi32>
          %gather3A_450 = vector.shape_cast %broadcast_in_dim3A_449 : vector<16x1xi32> to vector<16xi32>
          %gather3A_451 = tpu.dynamic_gather %get3A_124[%gather3A_450] in [0] : vector<16xf32>, vector<16xi32> -> vector<16xf32>
          %get3A_452 = arith.index_cast %add3A_447 : i32 to index
          %get3A_453 = arith.constant 0 : index
          %get3A_454 = tpu.vector_load %arg12[%get3A_452, %get3A_453] {strides = array<i32>} : memref<80x128xf32, #tpu.memory_space<vmem>>, vector<16xf32>,
          %mul3A_455 = arith.mulf %get3A_454, %gather3A_451 : vector<16xf32>
          %swap3A_456 = arith.index_cast %add3A_447 : i32 to index
          %swap3A_457 = arith.constant 0 : index
          %swap3A_458 = tpu.vector_load %arg12[%swap3A_456, %swap3A_457] {strides = array<i32>} : memref<80x128xf32, #tpu.memory_space<vmem>>, vector<16xf32>,
          tpu.vector_store %arg12[%swap3A_456, %swap3A_457], %mul3A_455 {strides = array<i32>} : memref<80x128xf32, #tpu.memory_space<vmem>>, vector<16xf32>,
          %get3A_459 = arith.index_cast %add3A_447 : i32 to index
          %get3A_460 = arith.constant 16 : index
          %get3A_461 = tpu.vector_load %arg12[%get3A_459, %get3A_460] {strides = array<i32>} : memref<80x128xf32, #tpu.memory_space<vmem>>, vector<16xf32>,
          %mul3A_462 = arith.mulf %get3A_461, %gather3A_451 : vector<16xf32>
          %swap3A_463 = arith.index_cast %add3A_447 : i32 to index
          %swap3A_464 = arith.constant 16 : index
          %swap3A_465 = tpu.vector_load %arg12[%swap3A_463, %swap3A_464] {strides = array<i32>} : memref<80x128xf32, #tpu.memory_space<vmem>>, vector<16xf32>,
          tpu.vector_store %arg12[%swap3A_463, %swap3A_464], %mul3A_462 {strides = array<i32>} : memref<80x128xf32, #tpu.memory_space<vmem>>, vector<16xf32>,
          %get3A_466 = arith.index_cast %add3A_447 : i32 to index
          %get3A_467 = arith.constant 32 : index
          %get3A_468 = tpu.vector_load %arg12[%get3A_466, %get3A_467] {strides = array<i32>} : memref<80x128xf32, #tpu.memory_space<vmem>>, vector<16xf32>,
          %mul3A_469 = arith.mulf %get3A_468, %gather3A_451 : vector<16xf32>
          %swap3A_470 = arith.index_cast %add3A_447 : i32 to index
          %swap3A_471 = arith.constant 32 : index
          %swap3A_472 = tpu.vector_load %arg12[%swap3A_470, %swap3A_471] {strides = array<i32>} : memref<80x128xf32, #tpu.memory_space<vmem>>, vector<16xf32>,
          tpu.vector_store %arg12[%swap3A_470, %swap3A_471], %mul3A_469 {strides = array<i32>} : memref<80x128xf32, #tpu.memory_space<vmem>>, vector<16xf32>,
          %get3A_473 = arith.index_cast %add3A_447 : i32 to index
          %get3A_474 = arith.constant 48 : index
          %get3A_475 = tpu.vector_load %arg12[%get3A_473, %get3A_474] {strides = array<i32>} : memref<80x128xf32, #tpu.memory_space<vmem>>, vector<16xf32>,
          %mul3A_476 = arith.mulf %get3A_475, %gather3A_451 : vector<16xf32>
          %swap3A_477 = arith.index_cast %add3A_447 : i32 to index
          %swap3A_478 = arith.constant 48 : index
          %swap3A_479 = tpu.vector_load %arg12[%swap3A_477, %swap3A_478] {strides = array<i32>} : memref<80x128xf32, #tpu.memory_space<vmem>>, vector<16xf32>,
          tpu.vector_store %arg12[%swap3A_477, %swap3A_478], %mul3A_476 {strides = array<i32>} : memref<80x128xf32, #tpu.memory_space<vmem>>, vector<16xf32>,
          %get3A_480 = arith.index_cast %add3A_447 : i32 to index
          %get3A_481 = arith.constant 64 : index
          %get3A_482 = tpu.vector_load %arg12[%get3A_480, %get3A_481] {strides = array<i32>} : memref<80x128xf32, #tpu.memory_space<vmem>>, vector<16xf32>,
          %mul3A_483 = arith.mulf %get3A_482, %gather3A_451 : vector<16xf32>
          %swap3A_484 = arith.index_cast %add3A_447 : i32 to index
          %swap3A_485 = arith.constant 64 : index
          %swap3A_486 = tpu.vector_load %arg12[%swap3A_484, %swap3A_485] {strides = array<i32>} : memref<80x128xf32, #tpu.memory_space<vmem>>, vector<16xf32>,
          tpu.vector_store %arg12[%swap3A_484, %swap3A_485], %mul3A_483 {strides = array<i32>} : memref<80x128xf32, #tpu.memory_space<vmem>>, vector<16xf32>,
          %get3A_487 = arith.index_cast %add3A_447 : i32 to index
          %get3A_488 = arith.constant 80 : index
          %get3A_489 = tpu.vector_load %arg12[%get3A_487, %get3A_488] {strides = array<i32>} : memref<80x128xf32, #tpu.memory_space<vmem>>, vector<16xf32>,
          %mul3A_490 = arith.mulf %get3A_489, %gather3A_451 : vector<16xf32>
          %swap3A_491 = arith.index_cast %add3A_447 : i32 to index
          %swap3A_492 = arith.constant 80 : index
          %swap3A_493 = tpu.vector_load %arg12[%swap3A_491, %swap3A_492] {strides = array<i32>} : memref<80x128xf32, #tpu.memory_space<vmem>>, vector<16xf32>,
          tpu.vector_store %arg12[%swap3A_491, %swap3A_492], %mul3A_490 {strides = array<i32>} : memref<80x128xf32, #tpu.memory_space<vmem>>, vector<16xf32>,
          %get3A_494 = arith.index_cast %add3A_447 : i32 to index
          %get3A_495 = arith.constant 96 : index
          %get3A_496 = tpu.vector_load %arg12[%get3A_494, %get3A_495] {strides = array<i32>} : memref<80x128xf32, #tpu.memory_space<vmem>>, vector<16xf32>,
          %mul3A_497 = arith.mulf %get3A_496, %gather3A_451 : vector<16xf32>
          %swap3A_498 = arith.index_cast %add3A_447 : i32 to index
          %swap3A_499 = arith.constant 96 : index
          %swap3A_500 = tpu.vector_load %arg12[%swap3A_498, %swap3A_499] {strides = array<i32>} : memref<80x128xf32, #tpu.memory_space<vmem>>, vector<16xf32>,
          tpu.vector_store %arg12[%swap3A_498, %swap3A_499], %mul3A_497 {strides = array<i32>} : memref<80x128xf32, #tpu.memory_space<vmem>>, vector<16xf32>,
          %get3A_501 = arith.index_cast %add3A_447 : i32 to index
          %get3A_502 = arith.constant 112 : index
          %get3A_503 = tpu.vector_load %arg12[%get3A_501, %get3A_502] {strides = array<i32>} : memref<80x128xf32, #tpu.memory_space<vmem>>, vector<16xf32>,
          %mul3A_504 = arith.mulf %get3A_503, %gather3A_451 : vector<16xf32>
          %swap3A_505 = arith.index_cast %add3A_447 : i32 to index
          %swap3A_506 = arith.constant 112 : index
          %swap3A_507 = tpu.vector_load %arg12[%swap3A_505, %swap3A_506] {strides = array<i32>} : memref<80x128xf32, #tpu.memory_space<vmem>>, vector<16xf32>,
          tpu.vector_store %arg12[%swap3A_505, %swap3A_506], %mul3A_504 {strides = array<i32>} : memref<80x128xf32, #tpu.memory_space<vmem>>, vector<16xf32>,
          %mul3A_508 = arith.constant 16 : i32
          %mul3A_509 = arith.muli %scan3A_118, %mul3A_508 : i32
          %add3A_510 = arith.constant 6 : i32
          %add3A_511 = arith.addi %mul3A_509, %add3A_510 : i32
          %broadcast_in_dim3A_512 = arith.constant 6 : i32
          %broadcast_in_dim3A_513 = vector.broadcast %broadcast_in_dim3A_512 : i32 to vector<16x1xi32>
          %gather3A_514 = vector.shape_cast %broadcast_in_dim3A_513 : vector<16x1xi32> to vector<16xi32>
          %gather3A_515 = tpu.dynamic_gather %get3A_124[%gather3A_514] in [0] : vector<16xf32>, vector<16xi32> -> vector<16xf32>
          %get3A_516 = arith.index_cast %add3A_511 : i32 to index
          %get3A_517 = arith.constant 0 : index
          %get3A_518 = tpu.vector_load %arg12[%get3A_516, %get3A_517] {strides = array<i32>} : memref<80x128xf32, #tpu.memory_space<vmem>>, vector<16xf32>,
          %mul3A_519 = arith.mulf %get3A_518, %gather3A_515 : vector<16xf32>
          %swap3A_520 = arith.index_cast %add3A_511 : i32 to index
          %swap3A_521 = arith.constant 0 : index
          %swap3A_522 = tpu.vector_load %arg12[%swap3A_520, %swap3A_521] {strides = array<i32>} : memref<80x128xf32, #tpu.memory_space<vmem>>, vector<16xf32>,
          tpu.vector_store %arg12[%swap3A_520, %swap3A_521], %mul3A_519 {strides = array<i32>} : memref<80x128xf32, #tpu.memory_space<vmem>>, vector<16xf32>,
          %get3A_523 = arith.index_cast %add3A_511 : i32 to index
          %get3A_524 = arith.constant 16 : index
          %get3A_525 = tpu.vector_load %arg12[%get3A_523, %get3A_524] {strides = array<i32>} : memref<80x128xf32, #tpu.memory_space<vmem>>, vector<16xf32>,
          %mul3A_526 = arith.mulf %get3A_525, %gather3A_515 : vector<16xf32>
          %swap3A_527 = arith.index_cast %add3A_511 : i32 to index
          %swap3A_528 = arith.constant 16 : index
          %swap3A_529 = tpu.vector_load %arg12[%swap3A_527, %swap3A_528] {strides = array<i32>} : memref<80x128xf32, #tpu.memory_space<vmem>>, vector<16xf32>,
          tpu.vector_store %arg12[%swap3A_527, %swap3A_528], %mul3A_526 {strides = array<i32>} : memref<80x128xf32, #tpu.memory_space<vmem>>, vector<16xf32>,
          %get3A_530 = arith.index_cast %add3A_511 : i32 to index
          %get3A_531 = arith.constant 32 : index
          %get3A_532 = tpu.vector_load %arg12[%get3A_530, %get3A_531] {strides = array<i32>} : memref<80x128xf32, #tpu.memory_space<vmem>>, vector<16xf32>,
          %mul3A_533 = arith.mulf %get3A_532, %gather3A_515 : vector<16xf32>
          %swap3A_534 = arith.index_cast %add3A_511 : i32 to index
          %swap3A_535 = arith.constant 32 : index
          %swap3A_536 = tpu.vector_load %arg12[%swap3A_534, %swap3A_535] {strides = array<i32>} : memref<80x128xf32, #tpu.memory_space<vmem>>, vector<16xf32>,
          tpu.vector_store %arg12[%swap3A_534, %swap3A_535], %mul3A_533 {strides = array<i32>} : memref<80x128xf32, #tpu.memory_space<vmem>>, vector<16xf32>,
          %get3A_537 = arith.index_cast %add3A_511 : i32 to index
          %get3A_538 = arith.constant 48 : index
          %get3A_539 = tpu.vector_load %arg12[%get3A_537, %get3A_538] {strides = array<i32>} : memref<80x128xf32, #tpu.memory_space<vmem>>, vector<16xf32>,
          %mul3A_540 = arith.mulf %get3A_539, %gather3A_515 : vector<16xf32>
          %swap3A_541 = arith.index_cast %add3A_511 : i32 to index
          %swap3A_542 = arith.constant 48 : index
          %swap3A_543 = tpu.vector_load %arg12[%swap3A_541, %swap3A_542] {strides = array<i32>} : memref<80x128xf32, #tpu.memory_space<vmem>>, vector<16xf32>,
          tpu.vector_store %arg12[%swap3A_541, %swap3A_542], %mul3A_540 {strides = array<i32>} : memref<80x128xf32, #tpu.memory_space<vmem>>, vector<16xf32>,
          %get3A_544 = arith.index_cast %add3A_511 : i32 to index
          %get3A_545 = arith.constant 64 : index
          %get3A_546 = tpu.vector_load %arg12[%get3A_544, %get3A_545] {strides = array<i32>} : memref<80x128xf32, #tpu.memory_space<vmem>>, vector<16xf32>,
          %mul3A_547 = arith.mulf %get3A_546, %gather3A_515 : vector<16xf32>
          %swap3A_548 = arith.index_cast %add3A_511 : i32 to index
          %swap3A_549 = arith.constant 64 : index
          %swap3A_550 = tpu.vector_load %arg12[%swap3A_548, %swap3A_549] {strides = array<i32>} : memref<80x128xf32, #tpu.memory_space<vmem>>, vector<16xf32>,
          tpu.vector_store %arg12[%swap3A_548, %swap3A_549], %mul3A_547 {strides = array<i32>} : memref<80x128xf32, #tpu.memory_space<vmem>>, vector<16xf32>,
          %get3A_551 = arith.index_cast %add3A_511 : i32 to index
          %get3A_552 = arith.constant 80 : index
          %get3A_553 = tpu.vector_load %arg12[%get3A_551, %get3A_552] {strides = array<i32>} : memref<80x128xf32, #tpu.memory_space<vmem>>, vector<16xf32>,
          %mul3A_554 = arith.mulf %get3A_553, %gather3A_515 : vector<16xf32>
          %swap3A_555 = arith.index_cast %add3A_511 : i32 to index
          %swap3A_556 = arith.constant 80 : index
          %swap3A_557 = tpu.vector_load %arg12[%swap3A_555, %swap3A_556] {strides = array<i32>} : memref<80x128xf32, #tpu.memory_space<vmem>>, vector<16xf32>,
          tpu.vector_store %arg12[%swap3A_555, %swap3A_556], %mul3A_554 {strides = array<i32>} : memref<80x128xf32, #tpu.memory_space<vmem>>, vector<16xf32>,
          %get3A_558 = arith.index_cast %add3A_511 : i32 to index
          %get3A_559 = arith.constant 96 : index
          %get3A_560 = tpu.vector_load %arg12[%get3A_558, %get3A_559] {strides = array<i32>} : memref<80x128xf32, #tpu.memory_space<vmem>>, vector<16xf32>,
          %mul3A_561 = arith.mulf %get3A_560, %gather3A_515 : vector<16xf32>
          %swap3A_562 = arith.index_cast %add3A_511 : i32 to index
          %swap3A_563 = arith.constant 96 : index
          %swap3A_564 = tpu.vector_load %arg12[%swap3A_562, %swap3A_563] {strides = array<i32>} : memref<80x128xf32, #tpu.memory_space<vmem>>, vector<16xf32>,
          tpu.vector_store %arg12[%swap3A_562, %swap3A_563], %mul3A_561 {strides = array<i32>} : memref<80x128xf32, #tpu.memory_space<vmem>>, vector<16xf32>,
          %get3A_565 = arith.index_cast %add3A_511 : i32 to index
          %get3A_566 = arith.constant 112 : index
          %get3A_567 = tpu.vector_load %arg12[%get3A_565, %get3A_566] {strides = array<i32>} : memref<80x128xf32, #tpu.memory_space<vmem>>, vector<16xf32>,
          %mul3A_568 = arith.mulf %get3A_567, %gather3A_515 : vector<16xf32>
          %swap3A_569 = arith.index_cast %add3A_511 : i32 to index
          %swap3A_570 = arith.constant 112 : index
          %swap3A_571 = tpu.vector_load %arg12[%swap3A_569, %swap3A_570] {strides = array<i32>} : memref<80x128xf32, #tpu.memory_space<vmem>>, vector<16xf32>,
          tpu.vector_store %arg12[%swap3A_569, %swap3A_570], %mul3A_568 {strides = array<i32>} : memref<80x128xf32, #tpu.memory_space<vmem>>, vector<16xf32>,
          %mul3A_572 = arith.constant 16 : i32
          %mul3A_573 = arith.muli %scan3A_118, %mul3A_572 : i32
          %add3A_574 = arith.constant 7 : i32
          %add3A_575 = arith.addi %mul3A_573, %add3A_574 : i32
          %broadcast_in_dim3A_576 = arith.constant 7 : i32
          %broadcast_in_dim3A_577 = vector.broadcast %broadcast_in_dim3A_576 : i32 to vector<16x1xi32>
          %gather3A_578 = vector.shape_cast %broadcast_in_dim3A_577 : vector<16x1xi32> to vector<16xi32>
          %gather3A_579 = tpu.dynamic_gather %get3A_124[%gather3A_578] in [0] : vector<16xf32>, vector<16xi32> -> vector<16xf32>
          %get3A_580 = arith.index_cast %add3A_575 : i32 to index
          %get3A_581 = arith.constant 0 : index
          %get3A_582 = tpu.vector_load %arg12[%get3A_580, %get3A_581] {strides = array<i32>} : memref<80x128xf32, #tpu.memory_space<vmem>>, vector<16xf32>,
          %mul3A_583 = arith.mulf %get3A_582, %gather3A_579 : vector<16xf32>
          %swap3A_584 = arith.index_cast %add3A_575 : i32 to index
          %swap3A_585 = arith.constant 0 : index
          %swap3A_586 = tpu.vector_load %arg12[%swap3A_584, %swap3A_585] {strides = array<i32>} : memref<80x128xf32, #tpu.memory_space<vmem>>, vector<16xf32>,
          tpu.vector_store %arg12[%swap3A_584, %swap3A_585], %mul3A_583 {strides = array<i32>} : memref<80x128xf32, #tpu.memory_space<vmem>>, vector<16xf32>,
          %get3A_587 = arith.index_cast %add3A_575 : i32 to index
          %get3A_588 = arith.constant 16 : index
          %get3A_589 = tpu.vector_load %arg12[%get3A_587, %get3A_588] {strides = array<i32>} : memref<80x128xf32, #tpu.memory_space<vmem>>, vector<16xf32>,
          %mul3A_590 = arith.mulf %get3A_589, %gather3A_579 : vector<16xf32>
          %swap3A_591 = arith.index_cast %add3A_575 : i32 to index
          %swap3A_592 = arith.constant 16 : index
          %swap3A_593 = tpu.vector_load %arg12[%swap3A_591, %swap3A_592] {strides = array<i32>} : memref<80x128xf32, #tpu.memory_space<vmem>>, vector<16xf32>,
          tpu.vector_store %arg12[%swap3A_591, %swap3A_592], %mul3A_590 {strides = array<i32>} : memref<80x128xf32, #tpu.memory_space<vmem>>, vector<16xf32>,
          %get3A_594 = arith.index_cast %add3A_575 : i32 to index
          %get3A_595 = arith.constant 32 : index
          %get3A_596 = tpu.vector_load %arg12[%get3A_594, %get3A_595] {strides = array<i32>} : memref<80x128xf32, #tpu.memory_space<vmem>>, vector<16xf32>,
          %mul3A_597 = arith.mulf %get3A_596, %gather3A_579 : vector<16xf32>
          %swap3A_598 = arith.index_cast %add3A_575 : i32 to index
          %swap3A_599 = arith.constant 32 : index
          %swap3A_600 = tpu.vector_load %arg12[%swap3A_598, %swap3A_599] {strides = array<i32>} : memref<80x128xf32, #tpu.memory_space<vmem>>, vector<16xf32>,
          tpu.vector_store %arg12[%swap3A_598, %swap3A_599], %mul3A_597 {strides = array<i32>} : memref<80x128xf32, #tpu.memory_space<vmem>>, vector<16xf32>,
          %get3A_601 = arith.index_cast %add3A_575 : i32 to index
          %get3A_602 = arith.constant 48 : index
          %get3A_603 = tpu.vector_load %arg12[%get3A_601, %get3A_602] {strides = array<i32>} : memref<80x128xf32, #tpu.memory_space<vmem>>, vector<16xf32>,
          %mul3A_604 = arith.mulf %get3A_603, %gather3A_579 : vector<16xf32>
          %swap3A_605 = arith.index_cast %add3A_575 : i32 to index
          %swap3A_606 = arith.constant 48 : index
          %swap3A_607 = tpu.vector_load %arg12[%swap3A_605, %swap3A_606] {strides = array<i32>} : memref<80x128xf32, #tpu.memory_space<vmem>>, vector<16xf32>,
          tpu.vector_store %arg12[%swap3A_605, %swap3A_606], %mul3A_604 {strides = array<i32>} : memref<80x128xf32, #tpu.memory_space<vmem>>, vector<16xf32>,
          %get3A_608 = arith.index_cast %add3A_575 : i32 to index
          %get3A_609 = arith.constant 64 : index
          %get3A_610 = tpu.vector_load %arg12[%get3A_608, %get3A_609] {strides = array<i32>} : memref<80x128xf32, #tpu.memory_space<vmem>>, vector<16xf32>,
          %mul3A_611 = arith.mulf %get3A_610, %gather3A_579 : vector<16xf32>
          %swap3A_612 = arith.index_cast %add3A_575 : i32 to index
          %swap3A_613 = arith.constant 64 : index
          %swap3A_614 = tpu.vector_load %arg12[%swap3A_612, %swap3A_613] {strides = array<i32>} : memref<80x128xf32, #tpu.memory_space<vmem>>, vector<16xf32>,
          tpu.vector_store %arg12[%swap3A_612, %swap3A_613], %mul3A_611 {strides = array<i32>} : memref<80x128xf32, #tpu.memory_space<vmem>>, vector<16xf32>,
          %get3A_615 = arith.index_cast %add3A_575 : i32 to index
          %get3A_616 = arith.constant 80 : index
          %get3A_617 = tpu.vector_load %arg12[%get3A_615, %get3A_616] {strides = array<i32>} : memref<80x128xf32, #tpu.memory_space<vmem>>, vector<16xf32>,
          %mul3A_618 = arith.mulf %get3A_617, %gather3A_579 : vector<16xf32>
          %swap3A_619 = arith.index_cast %add3A_575 : i32 to index
          %swap3A_620 = arith.constant 80 : index
          %swap3A_621 = tpu.vector_load %arg12[%swap3A_619, %swap3A_620] {strides = array<i32>} : memref<80x128xf32, #tpu.memory_space<vmem>>, vector<16xf32>,
          tpu.vector_store %arg12[%swap3A_619, %swap3A_620], %mul3A_618 {strides = array<i32>} : memref<80x128xf32, #tpu.memory_space<vmem>>, vector<16xf32>,
          %get3A_622 = arith.index_cast %add3A_575 : i32 to index
          %get3A_623 = arith.constant 96 : index
          %get3A_624 = tpu.vector_load %arg12[%get3A_622, %get3A_623] {strides = array<i32>} : memref<80x128xf32, #tpu.memory_space<vmem>>, vector<16xf32>,
          %mul3A_625 = arith.mulf %get3A_624, %gather3A_579 : vector<16xf32>
          %swap3A_626 = arith.index_cast %add3A_575 : i32 to index
          %swap3A_627 = arith.constant 96 : index
          %swap3A_628 = tpu.vector_load %arg12[%swap3A_626, %swap3A_627] {strides = array<i32>} : memref<80x128xf32, #tpu.memory_space<vmem>>, vector<16xf32>,
          tpu.vector_store %arg12[%swap3A_626, %swap3A_627], %mul3A_625 {strides = array<i32>} : memref<80x128xf32, #tpu.memory_space<vmem>>, vector<16xf32>,
          %get3A_629 = arith.index_cast %add3A_575 : i32 to index
          %get3A_630 = arith.constant 112 : index
          %get3A_631 = tpu.vector_load %arg12[%get3A_629, %get3A_630] {strides = array<i32>} : memref<80x128xf32, #tpu.memory_space<vmem>>, vector<16xf32>,
          %mul3A_632 = arith.mulf %get3A_631, %gather3A_579 : vector<16xf32>
          %swap3A_633 = arith.index_cast %add3A_575 : i32 to index
          %swap3A_634 = arith.constant 112 : index
          %swap3A_635 = tpu.vector_load %arg12[%swap3A_633, %swap3A_634] {strides = array<i32>} : memref<80x128xf32, #tpu.memory_space<vmem>>, vector<16xf32>,
          tpu.vector_store %arg12[%swap3A_633, %swap3A_634], %mul3A_632 {strides = array<i32>} : memref<80x128xf32, #tpu.memory_space<vmem>>, vector<16xf32>,
          %mul3A_636 = arith.constant 16 : i32
          %mul3A_637 = arith.muli %scan3A_118, %mul3A_636 : i32
          %add3A_638 = arith.constant 8 : i32
          %add3A_639 = arith.addi %mul3A_637, %add3A_638 : i32
          %broadcast_in_dim3A_640 = arith.constant 8 : i32
          %broadcast_in_dim3A_641 = vector.broadcast %broadcast_in_dim3A_640 : i32 to vector<16x1xi32>
          %gather3A_642 = vector.shape_cast %broadcast_in_dim3A_641 : vector<16x1xi32> to vector<16xi32>
          %gather3A_643 = tpu.dynamic_gather %get3A_124[%gather3A_642] in [0] : vector<16xf32>, vector<16xi32> -> vector<16xf32>
          %get3A_644 = arith.index_cast %add3A_639 : i32 to index
          %get3A_645 = arith.constant 0 : index
          %get3A_646 = tpu.vector_load %arg12[%get3A_644, %get3A_645] {strides = array<i32>} : memref<80x128xf32, #tpu.memory_space<vmem>>, vector<16xf32>,
          %mul3A_647 = arith.mulf %get3A_646, %gather3A_643 : vector<16xf32>
          %swap3A_648 = arith.index_cast %add3A_639 : i32 to index
          %swap3A_649 = arith.constant 0 : index
          %swap3A_650 = tpu.vector_load %arg12[%swap3A_648, %swap3A_649] {strides = array<i32>} : memref<80x128xf32, #tpu.memory_space<vmem>>, vector<16xf32>,
          tpu.vector_store %arg12[%swap3A_648, %swap3A_649], %mul3A_647 {strides = array<i32>} : memref<80x128xf32, #tpu.memory_space<vmem>>, vector<16xf32>,
          %get3A_651 = arith.index_cast %add3A_639 : i32 to index
          %get3A_652 = arith.constant 16 : index
          %get3A_653 = tpu.vector_load %arg12[%get3A_651, %get3A_652] {strides = array<i32>} : memref<80x128xf32, #tpu.memory_space<vmem>>, vector<16xf32>,
          %mul3A_654 = arith.mulf %get3A_653, %gather3A_643 : vector<16xf32>
          %swap3A_655 = arith.index_cast %add3A_639 : i32 to index
          %swap3A_656 = arith.constant 16 : index
          %swap3A_657 = tpu.vector_load %arg12[%swap3A_655, %swap3A_656] {strides = array<i32>} : memref<80x128xf32, #tpu.memory_space<vmem>>, vector<16xf32>,
          tpu.vector_store %arg12[%swap3A_655, %swap3A_656], %mul3A_654 {strides = array<i32>} : memref<80x128xf32, #tpu.memory_space<vmem>>, vector<16xf32>,
          %get3A_658 = arith.index_cast %add3A_639 : i32 to index
          %get3A_659 = arith.constant 32 : index
          %get3A_660 = tpu.vector_load %arg12[%get3A_658, %get3A_659] {strides = array<i32>} : memref<80x128xf32, #tpu.memory_space<vmem>>, vector<16xf32>,
          %mul3A_661 = arith.mulf %get3A_660, %gather3A_643 : vector<16xf32>
          %swap3A_662 = arith.index_cast %add3A_639 : i32 to index
          %swap3A_663 = arith.constant 32 : index
          %swap3A_664 = tpu.vector_load %arg12[%swap3A_662, %swap3A_663] {strides = array<i32>} : memref<80x128xf32, #tpu.memory_space<vmem>>, vector<16xf32>,
          tpu.vector_store %arg12[%swap3A_662, %swap3A_663], %mul3A_661 {strides = array<i32>} : memref<80x128xf32, #tpu.memory_space<vmem>>, vector<16xf32>,
          %get3A_665 = arith.index_cast %add3A_639 : i32 to index
          %get3A_666 = arith.constant 48 : index
          %get3A_667 = tpu.vector_load %arg12[%get3A_665, %get3A_666] {strides = array<i32>} : memref<80x128xf32, #tpu.memory_space<vmem>>, vector<16xf32>,
          %mul3A_668 = arith.mulf %get3A_667, %gather3A_643 : vector<16xf32>
          %swap3A_669 = arith.index_cast %add3A_639 : i32 to index
          %swap3A_670 = arith.constant 48 : index
          %swap3A_671 = tpu.vector_load %arg12[%swap3A_669, %swap3A_670] {strides = array<i32>} : memref<80x128xf32, #tpu.memory_space<vmem>>, vector<16xf32>,
          tpu.vector_store %arg12[%swap3A_669, %swap3A_670], %mul3A_668 {strides = array<i32>} : memref<80x128xf32, #tpu.memory_space<vmem>>, vector<16xf32>,
          %get3A_672 = arith.index_cast %add3A_639 : i32 to index
          %get3A_673 = arith.constant 64 : index
          %get3A_674 = tpu.vector_load %arg12[%get3A_672, %get3A_673] {strides = array<i32>} : memref<80x128xf32, #tpu.memory_space<vmem>>, vector<16xf32>,
          %mul3A_675 = arith.mulf %get3A_674, %gather3A_643 : vector<16xf32>
          %swap3A_676 = arith.index_cast %add3A_639 : i32 to index
          %swap3A_677 = arith.constant 64 : index
          %swap3A_678 = tpu.vector_load %arg12[%swap3A_676, %swap3A_677] {strides = array<i32>} : memref<80x128xf32, #tpu.memory_space<vmem>>, vector<16xf32>,
          tpu.vector_store %arg12[%swap3A_676, %swap3A_677], %mul3A_675 {strides = array<i32>} : memref<80x128xf32, #tpu.memory_space<vmem>>, vector<16xf32>,
          %get3A_679 = arith.index_cast %add3A_639 : i32 to index
          %get3A_680 = arith.constant 80 : index
          %get3A_681 = tpu.vector_load %arg12[%get3A_679, %get3A_680] {strides = array<i32>} : memref<80x128xf32, #tpu.memory_space<vmem>>, vector<16xf32>,
          %mul3A_682 = arith.mulf %get3A_681, %gather3A_643 : vector<16xf32>
          %swap3A_683 = arith.index_cast %add3A_639 : i32 to index
          %swap3A_684 = arith.constant 80 : index
          %swap3A_685 = tpu.vector_load %arg12[%swap3A_683, %swap3A_684] {strides = array<i32>} : memref<80x128xf32, #tpu.memory_space<vmem>>, vector<16xf32>,
          tpu.vector_store %arg12[%swap3A_683, %swap3A_684], %mul3A_682 {strides = array<i32>} : memref<80x128xf32, #tpu.memory_space<vmem>>, vector<16xf32>,
          %get3A_686 = arith.index_cast %add3A_639 : i32 to index
          %get3A_687 = arith.constant 96 : index
          %get3A_688 = tpu.vector_load %arg12[%get3A_686, %get3A_687] {strides = array<i32>} : memref<80x128xf32, #tpu.memory_space<vmem>>, vector<16xf32>,
          %mul3A_689 = arith.mulf %get3A_688, %gather3A_643 : vector<16xf32>
          %swap3A_690 = arith.index_cast %add3A_639 : i32 to index
          %swap3A_691 = arith.constant 96 : index
          %swap3A_692 = tpu.vector_load %arg12[%swap3A_690, %swap3A_691] {strides = array<i32>} : memref<80x128xf32, #tpu.memory_space<vmem>>, vector<16xf32>,
          tpu.vector_store %arg12[%swap3A_690, %swap3A_691], %mul3A_689 {strides = array<i32>} : memref<80x128xf32, #tpu.memory_space<vmem>>, vector<16xf32>,
          %get3A_693 = arith.index_cast %add3A_639 : i32 to index
          %get3A_694 = arith.constant 112 : index
          %get3A_695 = tpu.vector_load %arg12[%get3A_693, %get3A_694] {strides = array<i32>} : memref<80x128xf32, #tpu.memory_space<vmem>>, vector<16xf32>,
          %mul3A_696 = arith.mulf %get3A_695, %gather3A_643 : vector<16xf32>
          %swap3A_697 = arith.index_cast %add3A_639 : i32 to index
          %swap3A_698 = arith.constant 112 : index
          %swap3A_699 = tpu.vector_load %arg12[%swap3A_697, %swap3A_698] {strides = array<i32>} : memref<80x128xf32, #tpu.memory_space<vmem>>, vector<16xf32>,
          tpu.vector_store %arg12[%swap3A_697, %swap3A_698], %mul3A_696 {strides = array<i32>} : memref<80x128xf32, #tpu.memory_space<vmem>>, vector<16xf32>,
          %mul3A_700 = arith.constant 16 : i32
          %mul3A_701 = arith.muli %scan3A_118, %mul3A_700 : i32
          %add3A_702 = arith.constant 9 : i32
          %add3A_703 = arith.addi %mul3A_701, %add3A_702 : i32
          %broadcast_in_dim3A_704 = arith.constant 9 : i32
          %broadcast_in_dim3A_705 = vector.broadcast %broadcast_in_dim3A_704 : i32 to vector<16x1xi32>
          %gather3A_706 = vector.shape_cast %broadcast_in_dim3A_705 : vector<16x1xi32> to vector<16xi32>
          %gather3A_707 = tpu.dynamic_gather %get3A_124[%gather3A_706] in [0] : vector<16xf32>, vector<16xi32> -> vector<16xf32>
          %get3A_708 = arith.index_cast %add3A_703 : i32 to index
          %get3A_709 = arith.constant 0 : index
          %get3A_710 = tpu.vector_load %arg12[%get3A_708, %get3A_709] {strides = array<i32>} : memref<80x128xf32, #tpu.memory_space<vmem>>, vector<16xf32>,
          %mul3A_711 = arith.mulf %get3A_710, %gather3A_707 : vector<16xf32>
          %swap3A_712 = arith.index_cast %add3A_703 : i32 to index
          %swap3A_713 = arith.constant 0 : index
          %swap3A_714 = tpu.vector_load %arg12[%swap3A_712, %swap3A_713] {strides = array<i32>} : memref<80x128xf32, #tpu.memory_space<vmem>>, vector<16xf32>,
          tpu.vector_store %arg12[%swap3A_712, %swap3A_713], %mul3A_711 {strides = array<i32>} : memref<80x128xf32, #tpu.memory_space<vmem>>, vector<16xf32>,
          %get3A_715 = arith.index_cast %add3A_703 : i32 to index
          %get3A_716 = arith.constant 16 : index
          %get3A_717 = tpu.vector_load %arg12[%get3A_715, %get3A_716] {strides = array<i32>} : memref<80x128xf32, #tpu.memory_space<vmem>>, vector<16xf32>,
          %mul3A_718 = arith.mulf %get3A_717, %gather3A_707 : vector<16xf32>
          %swap3A_719 = arith.index_cast %add3A_703 : i32 to index
          %swap3A_720 = arith.constant 16 : index
          %swap3A_721 = tpu.vector_load %arg12[%swap3A_719, %swap3A_720] {strides = array<i32>} : memref<80x128xf32, #tpu.memory_space<vmem>>, vector<16xf32>,
          tpu.vector_store %arg12[%swap3A_719, %swap3A_720], %mul3A_718 {strides = array<i32>} : memref<80x128xf32, #tpu.memory_space<vmem>>, vector<16xf32>,
          %get3A_722 = arith.index_cast %add3A_703 : i32 to index
          %get3A_723 = arith.constant 32 : index
          %get3A_724 = tpu.vector_load %arg12[%get3A_722, %get3A_723] {strides = array<i32>} : memref<80x128xf32, #tpu.memory_space<vmem>>, vector<16xf32>,
          %mul3A_725 = arith.mulf %get3A_724, %gather3A_707 : vector<16xf32>
          %swap3A_726 = arith.index_cast %add3A_703 : i32 to index
          %swap3A_727 = arith.constant 32 : index
          %swap3A_728 = tpu.vector_load %arg12[%swap3A_726, %swap3A_727] {strides = array<i32>} : memref<80x128xf32, #tpu.memory_space<vmem>>, vector<16xf32>,
          tpu.vector_store %arg12[%swap3A_726, %swap3A_727], %mul3A_725 {strides = array<i32>} : memref<80x128xf32, #tpu.memory_space<vmem>>, vector<16xf32>,
          %get3A_729 = arith.index_cast %add3A_703 : i32 to index
          %get3A_730 = arith.constant 48 : index
          %get3A_731 = tpu.vector_load %arg12[%get3A_729, %get3A_730] {strides = array<i32>} : memref<80x128xf32, #tpu.memory_space<vmem>>, vector<16xf32>,
          %mul3A_732 = arith.mulf %get3A_731, %gather3A_707 : vector<16xf32>
          %swap3A_733 = arith.index_cast %add3A_703 : i32 to index
          %swap3A_734 = arith.constant 48 : index
          %swap3A_735 = tpu.vector_load %arg12[%swap3A_733, %swap3A_734] {strides = array<i32>} : memref<80x128xf32, #tpu.memory_space<vmem>>, vector<16xf32>,
          tpu.vector_store %arg12[%swap3A_733, %swap3A_734], %mul3A_732 {strides = array<i32>} : memref<80x128xf32, #tpu.memory_space<vmem>>, vector<16xf32>,
          %get3A_736 = arith.index_cast %add3A_703 : i32 to index
          %get3A_737 = arith.constant 64 : index
          %get3A_738 = tpu.vector_load %arg12[%get3A_736, %get3A_737] {strides = array<i32>} : memref<80x128xf32, #tpu.memory_space<vmem>>, vector<16xf32>,
          %mul3A_739 = arith.mulf %get3A_738, %gather3A_707 : vector<16xf32>
          %swap3A_740 = arith.index_cast %add3A_703 : i32 to index
          %swap3A_741 = arith.constant 64 : index
          %swap3A_742 = tpu.vector_load %arg12[%swap3A_740, %swap3A_741] {strides = array<i32>} : memref<80x128xf32, #tpu.memory_space<vmem>>, vector<16xf32>,
          tpu.vector_store %arg12[%swap3A_740, %swap3A_741], %mul3A_739 {strides = array<i32>} : memref<80x128xf32, #tpu.memory_space<vmem>>, vector<16xf32>,
          %get3A_743 = arith.index_cast %add3A_703 : i32 to index
          %get3A_744 = arith.constant 80 : index
          %get3A_745 = tpu.vector_load %arg12[%get3A_743, %get3A_744] {strides = array<i32>} : memref<80x128xf32, #tpu.memory_space<vmem>>, vector<16xf32>,
          %mul3A_746 = arith.mulf %get3A_745, %gather3A_707 : vector<16xf32>
          %swap3A_747 = arith.index_cast %add3A_703 : i32 to index
          %swap3A_748 = arith.constant 80 : index
          %swap3A_749 = tpu.vector_load %arg12[%swap3A_747, %swap3A_748] {strides = array<i32>} : memref<80x128xf32, #tpu.memory_space<vmem>>, vector<16xf32>,
          tpu.vector_store %arg12[%swap3A_747, %swap3A_748], %mul3A_746 {strides = array<i32>} : memref<80x128xf32, #tpu.memory_space<vmem>>, vector<16xf32>,
          %get3A_750 = arith.index_cast %add3A_703 : i32 to index
          %get3A_751 = arith.constant 96 : index
          %get3A_752 = tpu.vector_load %arg12[%get3A_750, %get3A_751] {strides = array<i32>} : memref<80x128xf32, #tpu.memory_space<vmem>>, vector<16xf32>,
          %mul3A_753 = arith.mulf %get3A_752, %gather3A_707 : vector<16xf32>
          %swap3A_754 = arith.index_cast %add3A_703 : i32 to index
          %swap3A_755 = arith.constant 96 : index
          %swap3A_756 = tpu.vector_load %arg12[%swap3A_754, %swap3A_755] {strides = array<i32>} : memref<80x128xf32, #tpu.memory_space<vmem>>, vector<16xf32>,
          tpu.vector_store %arg12[%swap3A_754, %swap3A_755], %mul3A_753 {strides = array<i32>} : memref<80x128xf32, #tpu.memory_space<vmem>>, vector<16xf32>,
          %get3A_757 = arith.index_cast %add3A_703 : i32 to index
          %get3A_758 = arith.constant 112 : index
          %get3A_759 = tpu.vector_load %arg12[%get3A_757, %get3A_758] {strides = array<i32>} : memref<80x128xf32, #tpu.memory_space<vmem>>, vector<16xf32>,
          %mul3A_760 = arith.mulf %get3A_759, %gather3A_707 : vector<16xf32>
          %swap3A_761 = arith.index_cast %add3A_703 : i32 to index
          %swap3A_762 = arith.constant 112 : index
          %swap3A_763 = tpu.vector_load %arg12[%swap3A_761, %swap3A_762] {strides = array<i32>} : memref<80x128xf32, #tpu.memory_space<vmem>>, vector<16xf32>,
          tpu.vector_store %arg12[%swap3A_761, %swap3A_762], %mul3A_760 {strides = array<i32>} : memref<80x128xf32, #tpu.memory_space<vmem>>, vector<16xf32>,
          %mul3A_764 = arith.constant 16 : i32
          %mul3A_765 = arith.muli %scan3A_118, %mul3A_764 : i32
          %add3A_766 = arith.constant 10 : i32
          %add3A_767 = arith.addi %mul3A_765, %add3A_766 : i32
          %broadcast_in_dim3A_768 = arith.constant 10 : i32
          %broadcast_in_dim3A_769 = vector.broadcast %broadcast_in_dim3A_768 : i32 to vector<16x1xi32>
          %gather3A_770 = vector.shape_cast %broadcast_in_dim3A_769 : vector<16x1xi32> to vector<16xi32>
          %gather3A_771 = tpu.dynamic_gather %get3A_124[%gather3A_770] in [0] : vector<16xf32>, vector<16xi32> -> vector<16xf32>
          %get3A_772 = arith.index_cast %add3A_767 : i32 to index
          %get3A_773 = arith.constant 0 : index
          %get3A_774 = tpu.vector_load %arg12[%get3A_772, %get3A_773] {strides = array<i32>} : memref<80x128xf32, #tpu.memory_space<vmem>>, vector<16xf32>,
          %mul3A_775 = arith.mulf %get3A_774, %gather3A_771 : vector<16xf32>
          %swap3A_776 = arith.index_cast %add3A_767 : i32 to index
          %swap3A_777 = arith.constant 0 : index
          %swap3A_778 = tpu.vector_load %arg12[%swap3A_776, %swap3A_777] {strides = array<i32>} : memref<80x128xf32, #tpu.memory_space<vmem>>, vector<16xf32>,
          tpu.vector_store %arg12[%swap3A_776, %swap3A_777], %mul3A_775 {strides = array<i32>} : memref<80x128xf32, #tpu.memory_space<vmem>>, vector<16xf32>,
          %get3A_779 = arith.index_cast %add3A_767 : i32 to index
          %get3A_780 = arith.constant 16 : index
          %get3A_781 = tpu.vector_load %arg12[%get3A_779, %get3A_780] {strides = array<i32>} : memref<80x128xf32, #tpu.memory_space<vmem>>, vector<16xf32>,
          %mul3A_782 = arith.mulf %get3A_781, %gather3A_771 : vector<16xf32>
          %swap3A_783 = arith.index_cast %add3A_767 : i32 to index
          %swap3A_784 = arith.constant 16 : index
          %swap3A_785 = tpu.vector_load %arg12[%swap3A_783, %swap3A_784] {strides = array<i32>} : memref<80x128xf32, #tpu.memory_space<vmem>>, vector<16xf32>,
          tpu.vector_store %arg12[%swap3A_783, %swap3A_784], %mul3A_782 {strides = array<i32>} : memref<80x128xf32, #tpu.memory_space<vmem>>, vector<16xf32>,
          %get3A_786 = arith.index_cast %add3A_767 : i32 to index
          %get3A_787 = arith.constant 32 : index
          %get3A_788 = tpu.vector_load %arg12[%get3A_786, %get3A_787] {strides = array<i32>} : memref<80x128xf32, #tpu.memory_space<vmem>>, vector<16xf32>,
          %mul3A_789 = arith.mulf %get3A_788, %gather3A_771 : vector<16xf32>
          %swap3A_790 = arith.index_cast %add3A_767 : i32 to index
          %swap3A_791 = arith.constant 32 : index
          %swap3A_792 = tpu.vector_load %arg12[%swap3A_790, %swap3A_791] {strides = array<i32>} : memref<80x128xf32, #tpu.memory_space<vmem>>, vector<16xf32>,
          tpu.vector_store %arg12[%swap3A_790, %swap3A_791], %mul3A_789 {strides = array<i32>} : memref<80x128xf32, #tpu.memory_space<vmem>>, vector<16xf32>,
          %get3A_793 = arith.index_cast %add3A_767 : i32 to index
          %get3A_794 = arith.constant 48 : index
          %get3A_795 = tpu.vector_load %arg12[%get3A_793, %get3A_794] {strides = array<i32>} : memref<80x128xf32, #tpu.memory_space<vmem>>, vector<16xf32>,
          %mul3A_796 = arith.mulf %get3A_795, %gather3A_771 : vector<16xf32>
          %swap3A_797 = arith.index_cast %add3A_767 : i32 to index
          %swap3A_798 = arith.constant 48 : index
          %swap3A_799 = tpu.vector_load %arg12[%swap3A_797, %swap3A_798] {strides = array<i32>} : memref<80x128xf32, #tpu.memory_space<vmem>>, vector<16xf32>,
          tpu.vector_store %arg12[%swap3A_797, %swap3A_798], %mul3A_796 {strides = array<i32>} : memref<80x128xf32, #tpu.memory_space<vmem>>, vector<16xf32>,
          %get3A_800 = arith.index_cast %add3A_767 : i32 to index
          %get3A_801 = arith.constant 64 : index
          %get3A_802 = tpu.vector_load %arg12[%get3A_800, %get3A_801] {strides = array<i32>} : memref<80x128xf32, #tpu.memory_space<vmem>>, vector<16xf32>,
          %mul3A_803 = arith.mulf %get3A_802, %gather3A_771 : vector<16xf32>
          %swap3A_804 = arith.index_cast %add3A_767 : i32 to index
          %swap3A_805 = arith.constant 64 : index
          %swap3A_806 = tpu.vector_load %arg12[%swap3A_804, %swap3A_805] {strides = array<i32>} : memref<80x128xf32, #tpu.memory_space<vmem>>, vector<16xf32>,
          tpu.vector_store %arg12[%swap3A_804, %swap3A_805], %mul3A_803 {strides = array<i32>} : memref<80x128xf32, #tpu.memory_space<vmem>>, vector<16xf32>,
          %get3A_807 = arith.index_cast %add3A_767 : i32 to index
          %get3A_808 = arith.constant 80 : index
          %get3A_809 = tpu.vector_load %arg12[%get3A_807, %get3A_808] {strides = array<i32>} : memref<80x128xf32, #tpu.memory_space<vmem>>, vector<16xf32>,
          %mul3A_810 = arith.mulf %get3A_809, %gather3A_771 : vector<16xf32>
          %swap3A_811 = arith.index_cast %add3A_767 : i32 to index
          %swap3A_812 = arith.constant 80 : index
          %swap3A_813 = tpu.vector_load %arg12[%swap3A_811, %swap3A_812] {strides = array<i32>} : memref<80x128xf32, #tpu.memory_space<vmem>>, vector<16xf32>,
          tpu.vector_store %arg12[%swap3A_811, %swap3A_812], %mul3A_810 {strides = array<i32>} : memref<80x128xf32, #tpu.memory_space<vmem>>, vector<16xf32>,
          %get3A_814 = arith.index_cast %add3A_767 : i32 to index
          %get3A_815 = arith.constant 96 : index
          %get3A_816 = tpu.vector_load %arg12[%get3A_814, %get3A_815] {strides = array<i32>} : memref<80x128xf32, #tpu.memory_space<vmem>>, vector<16xf32>,
          %mul3A_817 = arith.mulf %get3A_816, %gather3A_771 : vector<16xf32>
          %swap3A_818 = arith.index_cast %add3A_767 : i32 to index
          %swap3A_819 = arith.constant 96 : index
          %swap3A_820 = tpu.vector_load %arg12[%swap3A_818, %swap3A_819] {strides = array<i32>} : memref<80x128xf32, #tpu.memory_space<vmem>>, vector<16xf32>,
          tpu.vector_store %arg12[%swap3A_818, %swap3A_819], %mul3A_817 {strides = array<i32>} : memref<80x128xf32, #tpu.memory_space<vmem>>, vector<16xf32>,
          %get3A_821 = arith.index_cast %add3A_767 : i32 to index
          %get3A_822 = arith.constant 112 : index
          %get3A_823 = tpu.vector_load %arg12[%get3A_821, %get3A_822] {strides = array<i32>} : memref<80x128xf32, #tpu.memory_space<vmem>>, vector<16xf32>,
          %mul3A_824 = arith.mulf %get3A_823, %gather3A_771 : vector<16xf32>
          %swap3A_825 = arith.index_cast %add3A_767 : i32 to index
          %swap3A_826 = arith.constant 112 : index
          %swap3A_827 = tpu.vector_load %arg12[%swap3A_825, %swap3A_826] {strides = array<i32>} : memref<80x128xf32, #tpu.memory_space<vmem>>, vector<16xf32>,
          tpu.vector_store %arg12[%swap3A_825, %swap3A_826], %mul3A_824 {strides = array<i32>} : memref<80x128xf32, #tpu.memory_space<vmem>>, vector<16xf32>,
          %mul3A_828 = arith.constant 16 : i32
          %mul3A_829 = arith.muli %scan3A_118, %mul3A_828 : i32
          %add3A_830 = arith.constant 11 : i32
          %add3A_831 = arith.addi %mul3A_829, %add3A_830 : i32
          %broadcast_in_dim3A_832 = arith.constant 11 : i32
          %broadcast_in_dim3A_833 = vector.broadcast %broadcast_in_dim3A_832 : i32 to vector<16x1xi32>
          %gather3A_834 = vector.shape_cast %broadcast_in_dim3A_833 : vector<16x1xi32> to vector<16xi32>
          %gather3A_835 = tpu.dynamic_gather %get3A_124[%gather3A_834] in [0] : vector<16xf32>, vector<16xi32> -> vector<16xf32>
          %get3A_836 = arith.index_cast %add3A_831 : i32 to index
          %get3A_837 = arith.constant 0 : index
          %get3A_838 = tpu.vector_load %arg12[%get3A_836, %get3A_837] {strides = array<i32>} : memref<80x128xf32, #tpu.memory_space<vmem>>, vector<16xf32>,
          %mul3A_839 = arith.mulf %get3A_838, %gather3A_835 : vector<16xf32>
          %swap3A_840 = arith.index_cast %add3A_831 : i32 to index
          %swap3A_841 = arith.constant 0 : index
          %swap3A_842 = tpu.vector_load %arg12[%swap3A_840, %swap3A_841] {strides = array<i32>} : memref<80x128xf32, #tpu.memory_space<vmem>>, vector<16xf32>,
          tpu.vector_store %arg12[%swap3A_840, %swap3A_841], %mul3A_839 {strides = array<i32>} : memref<80x128xf32, #tpu.memory_space<vmem>>, vector<16xf32>,
          %get3A_843 = arith.index_cast %add3A_831 : i32 to index
          %get3A_844 = arith.constant 16 : index
          %get3A_845 = tpu.vector_load %arg12[%get3A_843, %get3A_844] {strides = array<i32>} : memref<80x128xf32, #tpu.memory_space<vmem>>, vector<16xf32>,
          %mul3A_846 = arith.mulf %get3A_845, %gather3A_835 : vector<16xf32>
          %swap3A_847 = arith.index_cast %add3A_831 : i32 to index
          %swap3A_848 = arith.constant 16 : index
          %swap3A_849 = tpu.vector_load %arg12[%swap3A_847, %swap3A_848] {strides = array<i32>} : memref<80x128xf32, #tpu.memory_space<vmem>>, vector<16xf32>,
          tpu.vector_store %arg12[%swap3A_847, %swap3A_848], %mul3A_846 {strides = array<i32>} : memref<80x128xf32, #tpu.memory_space<vmem>>, vector<16xf32>,
          %get3A_850 = arith.index_cast %add3A_831 : i32 to index
          %get3A_851 = arith.constant 32 : index
          %get3A_852 = tpu.vector_load %arg12[%get3A_850, %get3A_851] {strides = array<i32>} : memref<80x128xf32, #tpu.memory_space<vmem>>, vector<16xf32>,
          %mul3A_853 = arith.mulf %get3A_852, %gather3A_835 : vector<16xf32>
          %swap3A_854 = arith.index_cast %add3A_831 : i32 to index
          %swap3A_855 = arith.constant 32 : index
          %swap3A_856 = tpu.vector_load %arg12[%swap3A_854, %swap3A_855] {strides = array<i32>} : memref<80x128xf32, #tpu.memory_space<vmem>>, vector<16xf32>,
          tpu.vector_store %arg12[%swap3A_854, %swap3A_855], %mul3A_853 {strides = array<i32>} : memref<80x128xf32, #tpu.memory_space<vmem>>, vector<16xf32>,
          %get3A_857 = arith.index_cast %add3A_831 : i32 to index
          %get3A_858 = arith.constant 48 : index
          %get3A_859 = tpu.vector_load %arg12[%get3A_857, %get3A_858] {strides = array<i32>} : memref<80x128xf32, #tpu.memory_space<vmem>>, vector<16xf32>,
          %mul3A_860 = arith.mulf %get3A_859, %gather3A_835 : vector<16xf32>
          %swap3A_861 = arith.index_cast %add3A_831 : i32 to index
          %swap3A_862 = arith.constant 48 : index
          %swap3A_863 = tpu.vector_load %arg12[%swap3A_861, %swap3A_862] {strides = array<i32>} : memref<80x128xf32, #tpu.memory_space<vmem>>, vector<16xf32>,
          tpu.vector_store %arg12[%swap3A_861, %swap3A_862], %mul3A_860 {strides = array<i32>} : memref<80x128xf32, #tpu.memory_space<vmem>>, vector<16xf32>,
          %get3A_864 = arith.index_cast %add3A_831 : i32 to index
          %get3A_865 = arith.constant 64 : index
          %get3A_866 = tpu.vector_load %arg12[%get3A_864, %get3A_865] {strides = array<i32>} : memref<80x128xf32, #tpu.memory_space<vmem>>, vector<16xf32>,
          %mul3A_867 = arith.mulf %get3A_866, %gather3A_835 : vector<16xf32>
          %swap3A_868 = arith.index_cast %add3A_831 : i32 to index
          %swap3A_869 = arith.constant 64 : index
          %swap3A_870 = tpu.vector_load %arg12[%swap3A_868, %swap3A_869] {strides = array<i32>} : memref<80x128xf32, #tpu.memory_space<vmem>>, vector<16xf32>,
          tpu.vector_store %arg12[%swap3A_868, %swap3A_869], %mul3A_867 {strides = array<i32>} : memref<80x128xf32, #tpu.memory_space<vmem>>, vector<16xf32>,
          %get3A_871 = arith.index_cast %add3A_831 : i32 to index
          %get3A_872 = arith.constant 80 : index
          %get3A_873 = tpu.vector_load %arg12[%get3A_871, %get3A_872] {strides = array<i32>} : memref<80x128xf32, #tpu.memory_space<vmem>>, vector<16xf32>,
          %mul3A_874 = arith.mulf %get3A_873, %gather3A_835 : vector<16xf32>
          %swap3A_875 = arith.index_cast %add3A_831 : i32 to index
          %swap3A_876 = arith.constant 80 : index
          %swap3A_877 = tpu.vector_load %arg12[%swap3A_875, %swap3A_876] {strides = array<i32>} : memref<80x128xf32, #tpu.memory_space<vmem>>, vector<16xf32>,
          tpu.vector_store %arg12[%swap3A_875, %swap3A_876], %mul3A_874 {strides = array<i32>} : memref<80x128xf32, #tpu.memory_space<vmem>>, vector<16xf32>,
          %get3A_878 = arith.index_cast %add3A_831 : i32 to index
          %get3A_879 = arith.constant 96 : index
          %get3A_880 = tpu.vector_load %arg12[%get3A_878, %get3A_879] {strides = array<i32>} : memref<80x128xf32, #tpu.memory_space<vmem>>, vector<16xf32>,
          %mul3A_881 = arith.mulf %get3A_880, %gather3A_835 : vector<16xf32>
          %swap3A_882 = arith.index_cast %add3A_831 : i32 to index
          %swap3A_883 = arith.constant 96 : index
          %swap3A_884 = tpu.vector_load %arg12[%swap3A_882, %swap3A_883] {strides = array<i32>} : memref<80x128xf32, #tpu.memory_space<vmem>>, vector<16xf32>,
          tpu.vector_store %arg12[%swap3A_882, %swap3A_883], %mul3A_881 {strides = array<i32>} : memref<80x128xf32, #tpu.memory_space<vmem>>, vector<16xf32>,
          %get3A_885 = arith.index_cast %add3A_831 : i32 to index
          %get3A_886 = arith.constant 112 : index
          %get3A_887 = tpu.vector_load %arg12[%get3A_885, %get3A_886] {strides = array<i32>} : memref<80x128xf32, #tpu.memory_space<vmem>>, vector<16xf32>,
          %mul3A_888 = arith.mulf %get3A_887, %gather3A_835 : vector<16xf32>
          %swap3A_889 = arith.index_cast %add3A_831 : i32 to index
          %swap3A_890 = arith.constant 112 : index
          %swap3A_891 = tpu.vector_load %arg12[%swap3A_889, %swap3A_890] {strides = array<i32>} : memref<80x128xf32, #tpu.memory_space<vmem>>, vector<16xf32>,
          tpu.vector_store %arg12[%swap3A_889, %swap3A_890], %mul3A_888 {strides = array<i32>} : memref<80x128xf32, #tpu.memory_space<vmem>>, vector<16xf32>,
          %mul3A_892 = arith.constant 16 : i32
          %mul3A_893 = arith.muli %scan3A_118, %mul3A_892 : i32
          %add3A_894 = arith.constant 12 : i32
          %add3A_895 = arith.addi %mul3A_893, %add3A_894 : i32
          %broadcast_in_dim3A_896 = arith.constant 12 : i32
          %broadcast_in_dim3A_897 = vector.broadcast %broadcast_in_dim3A_896 : i32 to vector<16x1xi32>
          %gather3A_898 = vector.shape_cast %broadcast_in_dim3A_897 : vector<16x1xi32> to vector<16xi32>
          %gather3A_899 = tpu.dynamic_gather %get3A_124[%gather3A_898] in [0] : vector<16xf32>, vector<16xi32> -> vector<16xf32>
          %get3A_900 = arith.index_cast %add3A_895 : i32 to index
          %get3A_901 = arith.constant 0 : index
          %get3A_902 = tpu.vector_load %arg12[%get3A_900, %get3A_901] {strides = array<i32>} : memref<80x128xf32, #tpu.memory_space<vmem>>, vector<16xf32>,
          %mul3A_903 = arith.mulf %get3A_902, %gather3A_899 : vector<16xf32>
          %swap3A_904 = arith.index_cast %add3A_895 : i32 to index
          %swap3A_905 = arith.constant 0 : index
          %swap3A_906 = tpu.vector_load %arg12[%swap3A_904, %swap3A_905] {strides = array<i32>} : memref<80x128xf32, #tpu.memory_space<vmem>>, vector<16xf32>,
          tpu.vector_store %arg12[%swap3A_904, %swap3A_905], %mul3A_903 {strides = array<i32>} : memref<80x128xf32, #tpu.memory_space<vmem>>, vector<16xf32>,
          %get3A_907 = arith.index_cast %add3A_895 : i32 to index
          %get3A_908 = arith.constant 16 : index
          %get3A_909 = tpu.vector_load %arg12[%get3A_907, %get3A_908] {strides = array<i32>} : memref<80x128xf32, #tpu.memory_space<vmem>>, vector<16xf32>,
          %mul3A_910 = arith.mulf %get3A_909, %gather3A_899 : vector<16xf32>
          %swap3A_911 = arith.index_cast %add3A_895 : i32 to index
          %swap3A_912 = arith.constant 16 : index
          %swap3A_913 = tpu.vector_load %arg12[%swap3A_911, %swap3A_912] {strides = array<i32>} : memref<80x128xf32, #tpu.memory_space<vmem>>, vector<16xf32>,
          tpu.vector_store %arg12[%swap3A_911, %swap3A_912], %mul3A_910 {strides = array<i32>} : memref<80x128xf32, #tpu.memory_space<vmem>>, vector<16xf32>,
          %get3A_914 = arith.index_cast %add3A_895 : i32 to index
          %get3A_915 = arith.constant 32 : index
          %get3A_916 = tpu.vector_load %arg12[%get3A_914, %get3A_915] {strides = array<i32>} : memref<80x128xf32, #tpu.memory_space<vmem>>, vector<16xf32>,
          %mul3A_917 = arith.mulf %get3A_916, %gather3A_899 : vector<16xf32>
          %swap3A_918 = arith.index_cast %add3A_895 : i32 to index
          %swap3A_919 = arith.constant 32 : index
          %swap3A_920 = tpu.vector_load %arg12[%swap3A_918, %swap3A_919] {strides = array<i32>} : memref<80x128xf32, #tpu.memory_space<vmem>>, vector<16xf32>,
          tpu.vector_store %arg12[%swap3A_918, %swap3A_919], %mul3A_917 {strides = array<i32>} : memref<80x128xf32, #tpu.memory_space<vmem>>, vector<16xf32>,
          %get3A_921 = arith.index_cast %add3A_895 : i32 to index
          %get3A_922 = arith.constant 48 : index
          %get3A_923 = tpu.vector_load %arg12[%get3A_921, %get3A_922] {strides = array<i32>} : memref<80x128xf32, #tpu.memory_space<vmem>>, vector<16xf32>,
          %mul3A_924 = arith.mulf %get3A_923, %gather3A_899 : vector<16xf32>
          %swap3A_925 = arith.index_cast %add3A_895 : i32 to index
          %swap3A_926 = arith.constant 48 : index
          %swap3A_927 = tpu.vector_load %arg12[%swap3A_925, %swap3A_926] {strides = array<i32>} : memref<80x128xf32, #tpu.memory_space<vmem>>, vector<16xf32>,
          tpu.vector_store %arg12[%swap3A_925, %swap3A_926], %mul3A_924 {strides = array<i32>} : memref<80x128xf32, #tpu.memory_space<vmem>>, vector<16xf32>,
          %get3A_928 = arith.index_cast %add3A_895 : i32 to index
          %get3A_929 = arith.constant 64 : index
          %get3A_930 = tpu.vector_load %arg12[%get3A_928, %get3A_929] {strides = array<i32>} : memref<80x128xf32, #tpu.memory_space<vmem>>, vector<16xf32>,
          %mul3A_931 = arith.mulf %get3A_930, %gather3A_899 : vector<16xf32>
          %swap3A_932 = arith.index_cast %add3A_895 : i32 to index
          %swap3A_933 = arith.constant 64 : index
          %swap3A_934 = tpu.vector_load %arg12[%swap3A_932, %swap3A_933] {strides = array<i32>} : memref<80x128xf32, #tpu.memory_space<vmem>>, vector<16xf32>,
          tpu.vector_store %arg12[%swap3A_932, %swap3A_933], %mul3A_931 {strides = array<i32>} : memref<80x128xf32, #tpu.memory_space<vmem>>, vector<16xf32>,
          %get3A_935 = arith.index_cast %add3A_895 : i32 to index
          %get3A_936 = arith.constant 80 : index
          %get3A_937 = tpu.vector_load %arg12[%get3A_935, %get3A_936] {strides = array<i32>} : memref<80x128xf32, #tpu.memory_space<vmem>>, vector<16xf32>,
          %mul3A_938 = arith.mulf %get3A_937, %gather3A_899 : vector<16xf32>
          %swap3A_939 = arith.index_cast %add3A_895 : i32 to index
          %swap3A_940 = arith.constant 80 : index
          %swap3A_941 = tpu.vector_load %arg12[%swap3A_939, %swap3A_940] {strides = array<i32>} : memref<80x128xf32, #tpu.memory_space<vmem>>, vector<16xf32>,
          tpu.vector_store %arg12[%swap3A_939, %swap3A_940], %mul3A_938 {strides = array<i32>} : memref<80x128xf32, #tpu.memory_space<vmem>>, vector<16xf32>,
          %get3A_942 = arith.index_cast %add3A_895 : i32 to index
          %get3A_943 = arith.constant 96 : index
          %get3A_944 = tpu.vector_load %arg12[%get3A_942, %get3A_943] {strides = array<i32>} : memref<80x128xf32, #tpu.memory_space<vmem>>, vector<16xf32>,
          %mul3A_945 = arith.mulf %get3A_944, %gather3A_899 : vector<16xf32>
          %swap3A_946 = arith.index_cast %add3A_895 : i32 to index
          %swap3A_947 = arith.constant 96 : index
          %swap3A_948 = tpu.vector_load %arg12[%swap3A_946, %swap3A_947] {strides = array<i32>} : memref<80x128xf32, #tpu.memory_space<vmem>>, vector<16xf32>,
          tpu.vector_store %arg12[%swap3A_946, %swap3A_947], %mul3A_945 {strides = array<i32>} : memref<80x128xf32, #tpu.memory_space<vmem>>, vector<16xf32>,
          %get3A_949 = arith.index_cast %add3A_895 : i32 to index
          %get3A_950 = arith.constant 112 : index
          %get3A_951 = tpu.vector_load %arg12[%get3A_949, %get3A_950] {strides = array<i32>} : memref<80x128xf32, #tpu.memory_space<vmem>>, vector<16xf32>,
          %mul3A_952 = arith.mulf %get3A_951, %gather3A_899 : vector<16xf32>
          %swap3A_953 = arith.index_cast %add3A_895 : i32 to index
          %swap3A_954 = arith.constant 112 : index
          %swap3A_955 = tpu.vector_load %arg12[%swap3A_953, %swap3A_954] {strides = array<i32>} : memref<80x128xf32, #tpu.memory_space<vmem>>, vector<16xf32>,
          tpu.vector_store %arg12[%swap3A_953, %swap3A_954], %mul3A_952 {strides = array<i32>} : memref<80x128xf32, #tpu.memory_space<vmem>>, vector<16xf32>,
          %mul3A_956 = arith.constant 16 : i32
          %mul3A_957 = arith.muli %scan3A_118, %mul3A_956 : i32
          %add3A_958 = arith.constant 13 : i32
          %add3A_959 = arith.addi %mul3A_957, %add3A_958 : i32
          %broadcast_in_dim3A_960 = arith.constant 13 : i32
          %broadcast_in_dim3A_961 = vector.broadcast %broadcast_in_dim3A_960 : i32 to vector<16x1xi32>
          %gather3A_962 = vector.shape_cast %broadcast_in_dim3A_961 : vector<16x1xi32> to vector<16xi32>
          %gather3A_963 = tpu.dynamic_gather %get3A_124[%gather3A_962] in [0] : vector<16xf32>, vector<16xi32> -> vector<16xf32>
          %get3A_964 = arith.index_cast %add3A_959 : i32 to index
          %get3A_965 = arith.constant 0 : index
          %get3A_966 = tpu.vector_load %arg12[%get3A_964, %get3A_965] {strides = array<i32>} : memref<80x128xf32, #tpu.memory_space<vmem>>, vector<16xf32>,
          %mul3A_967 = arith.mulf %get3A_966, %gather3A_963 : vector<16xf32>
          %swap3A_968 = arith.index_cast %add3A_959 : i32 to index
          %swap3A_969 = arith.constant 0 : index
          %swap3A_970 = tpu.vector_load %arg12[%swap3A_968, %swap3A_969] {strides = array<i32>} : memref<80x128xf32, #tpu.memory_space<vmem>>, vector<16xf32>,
          tpu.vector_store %arg12[%swap3A_968, %swap3A_969], %mul3A_967 {strides = array<i32>} : memref<80x128xf32, #tpu.memory_space<vmem>>, vector<16xf32>,
          %get3A_971 = arith.index_cast %add3A_959 : i32 to index
          %get3A_972 = arith.constant 16 : index
          %get3A_973 = tpu.vector_load %arg12[%get3A_971, %get3A_972] {strides = array<i32>} : memref<80x128xf32, #tpu.memory_space<vmem>>, vector<16xf32>,
          %mul3A_974 = arith.mulf %get3A_973, %gather3A_963 : vector<16xf32>
          %swap3A_975 = arith.index_cast %add3A_959 : i32 to index
          %swap3A_976 = arith.constant 16 : index
          %swap3A_977 = tpu.vector_load %arg12[%swap3A_975, %swap3A_976] {strides = array<i32>} : memref<80x128xf32, #tpu.memory_space<vmem>>, vector<16xf32>,
          tpu.vector_store %arg12[%swap3A_975, %swap3A_976], %mul3A_974 {strides = array<i32>} : memref<80x128xf32, #tpu.memory_space<vmem>>, vector<16xf32>,
          %get3A_978 = arith.index_cast %add3A_959 : i32 to index
          %get3A_979 = arith.constant 32 : index
          %get3A_980 = tpu.vector_load %arg12[%get3A_978, %get3A_979] {strides = array<i32>} : memref<80x128xf32, #tpu.memory_space<vmem>>, vector<16xf32>,
          %mul3A_981 = arith.mulf %get3A_980, %gather3A_963 : vector<16xf32>
          %swap3A_982 = arith.index_cast %add3A_959 : i32 to index
          %swap3A_983 = arith.constant 32 : index
          %swap3A_984 = tpu.vector_load %arg12[%swap3A_982, %swap3A_983] {strides = array<i32>} : memref<80x128xf32, #tpu.memory_space<vmem>>, vector<16xf32>,
          tpu.vector_store %arg12[%swap3A_982, %swap3A_983], %mul3A_981 {strides = array<i32>} : memref<80x128xf32, #tpu.memory_space<vmem>>, vector<16xf32>,
          %get3A_985 = arith.index_cast %add3A_959 : i32 to index
          %get3A_986 = arith.constant 48 : index
          %get3A_987 = tpu.vector_load %arg12[%get3A_985, %get3A_986] {strides = array<i32>} : memref<80x128xf32, #tpu.memory_space<vmem>>, vector<16xf32>,
          %mul3A_988 = arith.mulf %get3A_987, %gather3A_963 : vector<16xf32>
          %swap3A_989 = arith.index_cast %add3A_959 : i32 to index
          %swap3A_990 = arith.constant 48 : index
          %swap3A_991 = tpu.vector_load %arg12[%swap3A_989, %swap3A_990] {strides = array<i32>} : memref<80x128xf32, #tpu.memory_space<vmem>>, vector<16xf32>,
          tpu.vector_store %arg12[%swap3A_989, %swap3A_990], %mul3A_988 {strides = array<i32>} : memref<80x128xf32, #tpu.memory_space<vmem>>, vector<16xf32>,
          %get3A_992 = arith.index_cast %add3A_959 : i32 to index
          %get3A_993 = arith.constant 64 : index
          %get3A_994 = tpu.vector_load %arg12[%get3A_992, %get3A_993] {strides = array<i32>} : memref<80x128xf32, #tpu.memory_space<vmem>>, vector<16xf32>,
          %mul3A_995 = arith.mulf %get3A_994, %gather3A_963 : vector<16xf32>
          %swap3A_996 = arith.index_cast %add3A_959 : i32 to index
          %swap3A_997 = arith.constant 64 : index
          %swap3A_998 = tpu.vector_load %arg12[%swap3A_996, %swap3A_997] {strides = array<i32>} : memref<80x128xf32, #tpu.memory_space<vmem>>, vector<16xf32>,
          tpu.vector_store %arg12[%swap3A_996, %swap3A_997], %mul3A_995 {strides = array<i32>} : memref<80x128xf32, #tpu.memory_space<vmem>>, vector<16xf32>,
          %get3A_999 = arith.index_cast %add3A_959 : i32 to index
          %get3A_1000 = arith.constant 80 : index
          %get3A_1001 = tpu.vector_load %arg12[%get3A_999, %get3A_1000] {strides = array<i32>} : memref<80x128xf32, #tpu.memory_space<vmem>>, vector<16xf32>,
          %mul3A_1002 = arith.mulf %get3A_1001, %gather3A_963 : vector<16xf32>
          %swap3A_1003 = arith.index_cast %add3A_959 : i32 to index
          %swap3A_1004 = arith.constant 80 : index
          %swap3A_1005 = tpu.vector_load %arg12[%swap3A_1003, %swap3A_1004] {strides = array<i32>} : memref<80x128xf32, #tpu.memory_space<vmem>>, vector<16xf32>,
          tpu.vector_store %arg12[%swap3A_1003, %swap3A_1004], %mul3A_1002 {strides = array<i32>} : memref<80x128xf32, #tpu.memory_space<vmem>>, vector<16xf32>,
          %get3A_1006 = arith.index_cast %add3A_959 : i32 to index
          %get3A_1007 = arith.constant 96 : index
          %get3A_1008 = tpu.vector_load %arg12[%get3A_1006, %get3A_1007] {strides = array<i32>} : memref<80x128xf32, #tpu.memory_space<vmem>>, vector<16xf32>,
          %mul3A_1009 = arith.mulf %get3A_1008, %gather3A_963 : vector<16xf32>
          %swap3A_1010 = arith.index_cast %add3A_959 : i32 to index
          %swap3A_1011 = arith.constant 96 : index
          %swap3A_1012 = tpu.vector_load %arg12[%swap3A_1010, %swap3A_1011] {strides = array<i32>} : memref<80x128xf32, #tpu.memory_space<vmem>>, vector<16xf32>,
          tpu.vector_store %arg12[%swap3A_1010, %swap3A_1011], %mul3A_1009 {strides = array<i32>} : memref<80x128xf32, #tpu.memory_space<vmem>>, vector<16xf32>,
          %get3A_1013 = arith.index_cast %add3A_959 : i32 to index
          %get3A_1014 = arith.constant 112 : index
          %get3A_1015 = tpu.vector_load %arg12[%get3A_1013, %get3A_1014] {strides = array<i32>} : memref<80x128xf32, #tpu.memory_space<vmem>>, vector<16xf32>,
          %mul3A_1016 = arith.mulf %get3A_1015, %gather3A_963 : vector<16xf32>
          %swap3A_1017 = arith.index_cast %add3A_959 : i32 to index
          %swap3A_1018 = arith.constant 112 : index
          %swap3A_1019 = tpu.vector_load %arg12[%swap3A_1017, %swap3A_1018] {strides = array<i32>} : memref<80x128xf32, #tpu.memory_space<vmem>>, vector<16xf32>,
          tpu.vector_store %arg12[%swap3A_1017, %swap3A_1018], %mul3A_1016 {strides = array<i32>} : memref<80x128xf32, #tpu.memory_space<vmem>>, vector<16xf32>,
          %mul3A_1020 = arith.constant 16 : i32
          %mul3A_1021 = arith.muli %scan3A_118, %mul3A_1020 : i32
          %add3A_1022 = arith.constant 14 : i32
          %add3A_1023 = arith.addi %mul3A_1021, %add3A_1022 : i32
          %broadcast_in_dim3A_1024 = arith.constant 14 : i32
          %broadcast_in_dim3A_1025 = vector.broadcast %broadcast_in_dim3A_1024 : i32 to vector<16x1xi32>
          %gather3A_1026 = vector.shape_cast %broadcast_in_dim3A_1025 : vector<16x1xi32> to vector<16xi32>
          %gather3A_1027 = tpu.dynamic_gather %get3A_124[%gather3A_1026] in [0] : vector<16xf32>, vector<16xi32> -> vector<16xf32>
          %get3A_1028 = arith.index_cast %add3A_1023 : i32 to index
          %get3A_1029 = arith.constant 0 : index
          %get3A_1030 = tpu.vector_load %arg12[%get3A_1028, %get3A_1029] {strides = array<i32>} : memref<80x128xf32, #tpu.memory_space<vmem>>, vector<16xf32>,
          %mul3A_1031 = arith.mulf %get3A_1030, %gather3A_1027 : vector<16xf32>
          %swap3A_1032 = arith.index_cast %add3A_1023 : i32 to index
          %swap3A_1033 = arith.constant 0 : index
          %swap3A_1034 = tpu.vector_load %arg12[%swap3A_1032, %swap3A_1033] {strides = array<i32>} : memref<80x128xf32, #tpu.memory_space<vmem>>, vector<16xf32>,
          tpu.vector_store %arg12[%swap3A_1032, %swap3A_1033], %mul3A_1031 {strides = array<i32>} : memref<80x128xf32, #tpu.memory_space<vmem>>, vector<16xf32>,
          %get3A_1035 = arith.index_cast %add3A_1023 : i32 to index
          %get3A_1036 = arith.constant 16 : index
          %get3A_1037 = tpu.vector_load %arg12[%get3A_1035, %get3A_1036] {strides = array<i32>} : memref<80x128xf32, #tpu.memory_space<vmem>>, vector<16xf32>,
          %mul3A_1038 = arith.mulf %get3A_1037, %gather3A_1027 : vector<16xf32>
          %swap3A_1039 = arith.index_cast %add3A_1023 : i32 to index
          %swap3A_1040 = arith.constant 16 : index
          %swap3A_1041 = tpu.vector_load %arg12[%swap3A_1039, %swap3A_1040] {strides = array<i32>} : memref<80x128xf32, #tpu.memory_space<vmem>>, vector<16xf32>,
          tpu.vector_store %arg12[%swap3A_1039, %swap3A_1040], %mul3A_1038 {strides = array<i32>} : memref<80x128xf32, #tpu.memory_space<vmem>>, vector<16xf32>,
          %get3A_1042 = arith.index_cast %add3A_1023 : i32 to index
          %get3A_1043 = arith.constant 32 : index
          %get3A_1044 = tpu.vector_load %arg12[%get3A_1042, %get3A_1043] {strides = array<i32>} : memref<80x128xf32, #tpu.memory_space<vmem>>, vector<16xf32>,
          %mul3A_1045 = arith.mulf %get3A_1044, %gather3A_1027 : vector<16xf32>
          %swap3A_1046 = arith.index_cast %add3A_1023 : i32 to index
          %swap3A_1047 = arith.constant 32 : index
          %swap3A_1048 = tpu.vector_load %arg12[%swap3A_1046, %swap3A_1047] {strides = array<i32>} : memref<80x128xf32, #tpu.memory_space<vmem>>, vector<16xf32>,
          tpu.vector_store %arg12[%swap3A_1046, %swap3A_1047], %mul3A_1045 {strides = array<i32>} : memref<80x128xf32, #tpu.memory_space<vmem>>, vector<16xf32>,
          %get3A_1049 = arith.index_cast %add3A_1023 : i32 to index
          %get3A_1050 = arith.constant 48 : index
          %get3A_1051 = tpu.vector_load %arg12[%get3A_1049, %get3A_1050] {strides = array<i32>} : memref<80x128xf32, #tpu.memory_space<vmem>>, vector<16xf32>,
          %mul3A_1052 = arith.mulf %get3A_1051, %gather3A_1027 : vector<16xf32>
          %swap3A_1053 = arith.index_cast %add3A_1023 : i32 to index
          %swap3A_1054 = arith.constant 48 : index
          %swap3A_1055 = tpu.vector_load %arg12[%swap3A_1053, %swap3A_1054] {strides = array<i32>} : memref<80x128xf32, #tpu.memory_space<vmem>>, vector<16xf32>,
          tpu.vector_store %arg12[%swap3A_1053, %swap3A_1054], %mul3A_1052 {strides = array<i32>} : memref<80x128xf32, #tpu.memory_space<vmem>>, vector<16xf32>,
          %get3A_1056 = arith.index_cast %add3A_1023 : i32 to index
          %get3A_1057 = arith.constant 64 : index
          %get3A_1058 = tpu.vector_load %arg12[%get3A_1056, %get3A_1057] {strides = array<i32>} : memref<80x128xf32, #tpu.memory_space<vmem>>, vector<16xf32>,
          %mul3A_1059 = arith.mulf %get3A_1058, %gather3A_1027 : vector<16xf32>
          %swap3A_1060 = arith.index_cast %add3A_1023 : i32 to index
          %swap3A_1061 = arith.constant 64 : index
          %swap3A_1062 = tpu.vector_load %arg12[%swap3A_1060, %swap3A_1061] {strides = array<i32>} : memref<80x128xf32, #tpu.memory_space<vmem>>, vector<16xf32>,
          tpu.vector_store %arg12[%swap3A_1060, %swap3A_1061], %mul3A_1059 {strides = array<i32>} : memref<80x128xf32, #tpu.memory_space<vmem>>, vector<16xf32>,
          %get3A_1063 = arith.index_cast %add3A_1023 : i32 to index
          %get3A_1064 = arith.constant 80 : index
          %get3A_1065 = tpu.vector_load %arg12[%get3A_1063, %get3A_1064] {strides = array<i32>} : memref<80x128xf32, #tpu.memory_space<vmem>>, vector<16xf32>,
          %mul3A_1066 = arith.mulf %get3A_1065, %gather3A_1027 : vector<16xf32>
          %swap3A_1067 = arith.index_cast %add3A_1023 : i32 to index
          %swap3A_1068 = arith.constant 80 : index
          %swap3A_1069 = tpu.vector_load %arg12[%swap3A_1067, %swap3A_1068] {strides = array<i32>} : memref<80x128xf32, #tpu.memory_space<vmem>>, vector<16xf32>,
          tpu.vector_store %arg12[%swap3A_1067, %swap3A_1068], %mul3A_1066 {strides = array<i32>} : memref<80x128xf32, #tpu.memory_space<vmem>>, vector<16xf32>,
          %get3A_1070 = arith.index_cast %add3A_1023 : i32 to index
          %get3A_1071 = arith.constant 96 : index
          %get3A_1072 = tpu.vector_load %arg12[%get3A_1070, %get3A_1071] {strides = array<i32>} : memref<80x128xf32, #tpu.memory_space<vmem>>, vector<16xf32>,
          %mul3A_1073 = arith.mulf %get3A_1072, %gather3A_1027 : vector<16xf32>
          %swap3A_1074 = arith.index_cast %add3A_1023 : i32 to index
          %swap3A_1075 = arith.constant 96 : index
          %swap3A_1076 = tpu.vector_load %arg12[%swap3A_1074, %swap3A_1075] {strides = array<i32>} : memref<80x128xf32, #tpu.memory_space<vmem>>, vector<16xf32>,
          tpu.vector_store %arg12[%swap3A_1074, %swap3A_1075], %mul3A_1073 {strides = array<i32>} : memref<80x128xf32, #tpu.memory_space<vmem>>, vector<16xf32>,
          %get3A_1077 = arith.index_cast %add3A_1023 : i32 to index
          %get3A_1078 = arith.constant 112 : index
          %get3A_1079 = tpu.vector_load %arg12[%get3A_1077, %get3A_1078] {strides = array<i32>} : memref<80x128xf32, #tpu.memory_space<vmem>>, vector<16xf32>,
          %mul3A_1080 = arith.mulf %get3A_1079, %gather3A_1027 : vector<16xf32>
          %swap3A_1081 = arith.index_cast %add3A_1023 : i32 to index
          %swap3A_1082 = arith.constant 112 : index
          %swap3A_1083 = tpu.vector_load %arg12[%swap3A_1081, %swap3A_1082] {strides = array<i32>} : memref<80x128xf32, #tpu.memory_space<vmem>>, vector<16xf32>,
          tpu.vector_store %arg12[%swap3A_1081, %swap3A_1082], %mul3A_1080 {strides = array<i32>} : memref<80x128xf32, #tpu.memory_space<vmem>>, vector<16xf32>,
          %mul3A_1084 = arith.constant 16 : i32
          %mul3A_1085 = arith.muli %scan3A_118, %mul3A_1084 : i32
          %add3A_1086 = arith.constant 15 : i32
          %add3A_1087 = arith.addi %mul3A_1085, %add3A_1086 : i32
          %broadcast_in_dim3A_1088 = arith.constant 15 : i32
          %broadcast_in_dim3A_1089 = vector.broadcast %broadcast_in_dim3A_1088 : i32 to vector<16x1xi32>
          %gather3A_1090 = vector.shape_cast %broadcast_in_dim3A_1089 : vector<16x1xi32> to vector<16xi32>
          %gather3A_1091 = tpu.dynamic_gather %get3A_124[%gather3A_1090] in [0] : vector<16xf32>, vector<16xi32> -> vector<16xf32>
          %get3A_1092 = arith.index_cast %add3A_1087 : i32 to index
          %get3A_1093 = arith.constant 0 : index
          %get3A_1094 = tpu.vector_load %arg12[%get3A_1092, %get3A_1093] {strides = array<i32>} : memref<80x128xf32, #tpu.memory_space<vmem>>, vector<16xf32>,
          %mul3A_1095 = arith.mulf %get3A_1094, %gather3A_1091 : vector<16xf32>
          %swap3A_1096 = arith.index_cast %add3A_1087 : i32 to index
          %swap3A_1097 = arith.constant 0 : index
          %swap3A_1098 = tpu.vector_load %arg12[%swap3A_1096, %swap3A_1097] {strides = array<i32>} : memref<80x128xf32, #tpu.memory_space<vmem>>, vector<16xf32>,
          tpu.vector_store %arg12[%swap3A_1096, %swap3A_1097], %mul3A_1095 {strides = array<i32>} : memref<80x128xf32, #tpu.memory_space<vmem>>, vector<16xf32>,
          %get3A_1099 = arith.index_cast %add3A_1087 : i32 to index
          %get3A_1100 = arith.constant 16 : index
          %get3A_1101 = tpu.vector_load %arg12[%get3A_1099, %get3A_1100] {strides = array<i32>} : memref<80x128xf32, #tpu.memory_space<vmem>>, vector<16xf32>,
          %mul3A_1102 = arith.mulf %get3A_1101, %gather3A_1091 : vector<16xf32>
          %swap3A_1103 = arith.index_cast %add3A_1087 : i32 to index
          %swap3A_1104 = arith.constant 16 : index
          %swap3A_1105 = tpu.vector_load %arg12[%swap3A_1103, %swap3A_1104] {strides = array<i32>} : memref<80x128xf32, #tpu.memory_space<vmem>>, vector<16xf32>,
          tpu.vector_store %arg12[%swap3A_1103, %swap3A_1104], %mul3A_1102 {strides = array<i32>} : memref<80x128xf32, #tpu.memory_space<vmem>>, vector<16xf32>,
          %get3A_1106 = arith.index_cast %add3A_1087 : i32 to index
          %get3A_1107 = arith.constant 32 : index
          %get3A_1108 = tpu.vector_load %arg12[%get3A_1106, %get3A_1107] {strides = array<i32>} : memref<80x128xf32, #tpu.memory_space<vmem>>, vector<16xf32>,
          %mul3A_1109 = arith.mulf %get3A_1108, %gather3A_1091 : vector<16xf32>
          %swap3A_1110 = arith.index_cast %add3A_1087 : i32 to index
          %swap3A_1111 = arith.constant 32 : index
          %swap3A_1112 = tpu.vector_load %arg12[%swap3A_1110, %swap3A_1111] {strides = array<i32>} : memref<80x128xf32, #tpu.memory_space<vmem>>, vector<16xf32>,
          tpu.vector_store %arg12[%swap3A_1110, %swap3A_1111], %mul3A_1109 {strides = array<i32>} : memref<80x128xf32, #tpu.memory_space<vmem>>, vector<16xf32>,
          %get3A_1113 = arith.index_cast %add3A_1087 : i32 to index
          %get3A_1114 = arith.constant 48 : index
          %get3A_1115 = tpu.vector_load %arg12[%get3A_1113, %get3A_1114] {strides = array<i32>} : memref<80x128xf32, #tpu.memory_space<vmem>>, vector<16xf32>,
          %mul3A_1116 = arith.mulf %get3A_1115, %gather3A_1091 : vector<16xf32>
          %swap3A_1117 = arith.index_cast %add3A_1087 : i32 to index
          %swap3A_1118 = arith.constant 48 : index
          %swap3A_1119 = tpu.vector_load %arg12[%swap3A_1117, %swap3A_1118] {strides = array<i32>} : memref<80x128xf32, #tpu.memory_space<vmem>>, vector<16xf32>,
          tpu.vector_store %arg12[%swap3A_1117, %swap3A_1118], %mul3A_1116 {strides = array<i32>} : memref<80x128xf32, #tpu.memory_space<vmem>>, vector<16xf32>,
          %get3A_1120 = arith.index_cast %add3A_1087 : i32 to index
          %get3A_1121 = arith.constant 64 : index
          %get3A_1122 = tpu.vector_load %arg12[%get3A_1120, %get3A_1121] {strides = array<i32>} : memref<80x128xf32, #tpu.memory_space<vmem>>, vector<16xf32>,
          %mul3A_1123 = arith.mulf %get3A_1122, %gather3A_1091 : vector<16xf32>
          %swap3A_1124 = arith.index_cast %add3A_1087 : i32 to index
          %swap3A_1125 = arith.constant 64 : index
          %swap3A_1126 = tpu.vector_load %arg12[%swap3A_1124, %swap3A_1125] {strides = array<i32>} : memref<80x128xf32, #tpu.memory_space<vmem>>, vector<16xf32>,
          tpu.vector_store %arg12[%swap3A_1124, %swap3A_1125], %mul3A_1123 {strides = array<i32>} : memref<80x128xf32, #tpu.memory_space<vmem>>, vector<16xf32>,
          %get3A_1127 = arith.index_cast %add3A_1087 : i32 to index
          %get3A_1128 = arith.constant 80 : index
          %get3A_1129 = tpu.vector_load %arg12[%get3A_1127, %get3A_1128] {strides = array<i32>} : memref<80x128xf32, #tpu.memory_space<vmem>>, vector<16xf32>,
          %mul3A_1130 = arith.mulf %get3A_1129, %gather3A_1091 : vector<16xf32>
          %swap3A_1131 = arith.index_cast %add3A_1087 : i32 to index
          %swap3A_1132 = arith.constant 80 : index
          %swap3A_1133 = tpu.vector_load %arg12[%swap3A_1131, %swap3A_1132] {strides = array<i32>} : memref<80x128xf32, #tpu.memory_space<vmem>>, vector<16xf32>,
          tpu.vector_store %arg12[%swap3A_1131, %swap3A_1132], %mul3A_1130 {strides = array<i32>} : memref<80x128xf32, #tpu.memory_space<vmem>>, vector<16xf32>,
          %get3A_1134 = arith.index_cast %add3A_1087 : i32 to index
          %get3A_1135 = arith.constant 96 : index
          %get3A_1136 = tpu.vector_load %arg12[%get3A_1134, %get3A_1135] {strides = array<i32>} : memref<80x128xf32, #tpu.memory_space<vmem>>, vector<16xf32>,
          %mul3A_1137 = arith.mulf %get3A_1136, %gather3A_1091 : vector<16xf32>
          %swap3A_1138 = arith.index_cast %add3A_1087 : i32 to index
          %swap3A_1139 = arith.constant 96 : index
          %swap3A_1140 = tpu.vector_load %arg12[%swap3A_1138, %swap3A_1139] {strides = array<i32>} : memref<80x128xf32, #tpu.memory_space<vmem>>, vector<16xf32>,
          tpu.vector_store %arg12[%swap3A_1138, %swap3A_1139], %mul3A_1137 {strides = array<i32>} : memref<80x128xf32, #tpu.memory_space<vmem>>, vector<16xf32>,
          %get3A_1141 = arith.index_cast %add3A_1087 : i32 to index
          %get3A_1142 = arith.constant 112 : index
          %get3A_1143 = tpu.vector_load %arg12[%get3A_1141, %get3A_1142] {strides = array<i32>} : memref<80x128xf32, #tpu.memory_space<vmem>>, vector<16xf32>,
          %mul3A_1144 = arith.mulf %get3A_1143, %gather3A_1091 : vector<16xf32>
          %swap3A_1145 = arith.index_cast %add3A_1087 : i32 to index
          %swap3A_1146 = arith.constant 112 : index
          %swap3A_1147 = tpu.vector_load %arg12[%swap3A_1145, %swap3A_1146] {strides = array<i32>} : memref<80x128xf32, #tpu.memory_space<vmem>>, vector<16xf32>,
          tpu.vector_store %arg12[%swap3A_1145, %swap3A_1146], %mul3A_1144 {strides = array<i32>} : memref<80x128xf32, #tpu.memory_space<vmem>>, vector<16xf32>,
          %scan3A_1148 = arith.constant 0 : i32
          scf.yield %scan3A_1148 : i32
        }
        %scan3A_116 = arith.constant 5 : i32
        "tpu.region"() ({
          %run_scoped3A = tpu.sem_alloc : memref<!tpu.dma_semaphore, #tpu.memory_space<semaphore_mem>>
          %dma_start3A_118 = arith.constant 0 : i32
          %dma_start3A_119 = arith.constant 0 : i32
          %dma_start3A_120 = tpu.memref_slice %arg13[%dma_start3A_118, %dma_start3A_119] : memref<10240x128xf32, #tpu.memory_space<vmem_shared>> -> memref<10240x128xf32, #tpu.memory_space<vmem_shared>>
          tpu.enqueue_indirect_dma source(%arg12 : memref<80x128xf32, #tpu.memory_space<vmem>>) target(%dma_start3A_120 : memref<10240x128xf32, #tpu.memory_space<vmem_shared>>) offsets(%arg11 : memref<80xi32, #tpu.memory_space<vmem>>) semaphore(%run_scoped3A : memref<!tpu.dma_semaphore, #tpu.memory_space<semaphore_mem>>) {add = true}
          %dma_wait3A_121 = arith.constant 0 : i32
          %dma_wait3A_122 = arith.constant 0 : i32
          %dma_wait3A_123 = tpu.memref_slice %arg13[%dma_wait3A_121, %dma_wait3A_122] : memref<10240x128xf32, #tpu.memory_space<vmem_shared>> -> memref<10240x128xf32, #tpu.memory_space<vmem_shared>>
          tpu.wait_indirect_dma semaphore(%run_scoped3A : memref<!tpu.dma_semaphore, #tpu.memory_space<semaphore_mem>>) src(%arg12 : memref<80x128xf32, #tpu.memory_space<vmem>>) dst(%dma_wait3A_123 : memref<10240x128xf32, #tpu.memory_space<vmem_shared>>)
          tpu.yield
        }) : () -> ()
        %scan3A_117 = arith.constant 0 : i32
        scf.yield %scan3A_117 : i32
      }
      %scan3A_42 = arith.constant 25 : i32
      %scan3A_43 = arith.constant 0 : i32
      scf.yield %scan3A_43 : i32
    }
    %scan3A_32 = arith.constant 5 : i32
    %barrier3A_33 = arith.constant 0 : index
    tpu.barrier barrier_id(%barrier3A_33)
    "tpu.region"() ({
      %run_scoped3A = tpu.sem_alloc : memref<!tpu.dma_semaphore, #tpu.memory_space<semaphore_mem>>
      %dma_start3A = arith.constant 0 : i32
      %dma_start3A_34 = tpu.memref_slice %arg6[%arg0, %mul3A_9, %dma_start3A] : memref<2x10240x128xf32, #tpu.memory_space<hbm>> -> memref<1x640x128xf32, #tpu.memory_space<hbm>>
      %dma_start3A_35 = tpu.memref_squeeze %dma_start3A_34 : memref<1x640x128xf32, #tpu.memory_space<hbm>> -> memref<640x128xf32, #tpu.memory_space<hbm>>
      %dma_start3A_36 = arith.constant 0 : i32
      %dma_start3A_37 = tpu.memref_slice %arg13[%mul3A_9, %dma_start3A_36] : memref<10240x128xf32, #tpu.memory_space<vmem_shared>> -> memref<640x128xf32, #tpu.memory_space<vmem_shared>>
      tpu.enqueue_dma source(%dma_start3A_37 : memref<640x128xf32, #tpu.memory_space<vmem_shared>>) target(%dma_start3A_35 : memref<640x128xf32, #tpu.memory_space<hbm>>) target_semaphore(%run_scoped3A : memref<!tpu.dma_semaphore, #tpu.memory_space<semaphore_mem>>)
      %dma_wait3A = arith.constant 0 : i32
      %dma_wait3A_38 = tpu.memref_slice %arg6[%arg0, %mul3A_9, %dma_wait3A] : memref<2x10240x128xf32, #tpu.memory_space<hbm>> -> memref<1x640x128xf32, #tpu.memory_space<hbm>>
      %dma_wait3A_39 = tpu.memref_squeeze %dma_wait3A_38 : memref<1x640x128xf32, #tpu.memory_space<hbm>> -> memref<640x128xf32, #tpu.memory_space<hbm>>
      %dma_wait3A_40 = arith.constant 0 : i32
      %dma_wait3A_41 = tpu.memref_slice %arg13[%mul3A_9, %dma_wait3A_40] : memref<10240x128xf32, #tpu.memory_space<vmem_shared>> -> memref<640x128xf32, #tpu.memory_space<vmem_shared>>
      tpu.wait_dma2 semaphore(%run_scoped3A : memref<!tpu.dma_semaphore, #tpu.memory_space<semaphore_mem>>) src(%dma_wait3A_41 : memref<640x128xf32, #tpu.memory_space<vmem_shared>>) dst(%dma_wait3A_39 : memref<640x128xf32, #tpu.memory_space<hbm>>)
      tpu.yield
    }) : () -> ()
    return
  }
}

#map = affine_map<(d0, d1) -> (0, 0)>
#map1 = affine_map<(d0, d1) -> (0, 0, 0)>
module attributes {stable_mosaic.version = 14 : i64} {
  func.func @k(%arg0: i32, %arg1: i32, %arg2: memref<10240x128xf32, #tpu.memory_space<hbm>>, %arg3: memref<32x5x2000xi32, #tpu.memory_space<hbm>>, %arg4: memref<32x5x2000xi32, #tpu.memory_space<hbm>>, %arg5: memref<32x5x2000xf32, #tpu.memory_space<hbm>>, %arg6: memref<2x10240x128xf32, #tpu.memory_space<hbm>>, %arg7: memref<2000xi32, #tpu.memory_space<vmem>>, %arg8: memref<2000xi32, #tpu.memory_space<vmem>>, %arg9: memref<2000xf32, #tpu.memory_space<vmem>>, %arg10: memref<80xi32, #tpu.memory_space<vmem>>, %arg11: memref<80xi32, #tpu.memory_space<vmem>>, %arg12: memref<80x128xf32, #tpu.memory_space<vmem>>, %arg13: memref<10240x128xf32, #tpu.memory_space<vmem_shared>>, %arg14: memref<!tpu.dma_semaphore, #tpu.memory_space<semaphore_mem>>) attributes {dimension_semantics = [#tpu.dimension_semantics<core_parallel>, #tpu.dimension_semantics<subcore_parallel>], iteration_bounds = array<i64: 2, 16>, scalar_prefetch = 0 : i64, scratch_operands = 8 : i64, tpu.core_type = #tpu.core_type<sc_vector_subcore>, window_params = [{transform_indices = #map}, {transform_indices = #map1}, {transform_indices = #map1}, {transform_indices = #map1}, {transform_indices = #map1}]} {
    %mul3A = arith.constant 2 : i32
    %mul3A_0 = arith.muli %arg1, %mul3A : i32
    %add3A = arith.addi %mul3A_0, %arg0 : i32
    %broadcast_in_dim3A = arith.constant 0.000000e+00 : f32
    %broadcast_in_dim3A_1 = vector.broadcast %broadcast_in_dim3A : f32 to vector<16xf32>
    %scan3A = arith.constant 0 : i32
    %scan3A_2 = arith.constant 0 : i32
    %scan3A_3 = arith.constant 80 : i32
    %scan3A_4 = arith.addi %scan3A_2, %scan3A_3 : i32
    %scan3A_5 = arith.constant 1 : i32
    %scan3A_6 = scf.for %scan3A_34 = %scan3A_2 to %scan3A_4 step %scan3A_5 iter_args(%scan3A_35 = %scan3A) -> (i32)  : i32 {
      %swap3A = arith.index_cast %scan3A_34 : i32 to index
      %swap3A_36 = arith.constant 0 : index
      %swap3A_37 = tpu.vector_load %arg12[%swap3A, %swap3A_36] {strides = array<i32>} : memref<80x128xf32, #tpu.memory_space<vmem>>, vector<16xf32>,
      tpu.vector_store %arg12[%swap3A, %swap3A_36], %broadcast_in_dim3A_1 {strides = array<i32>} : memref<80x128xf32, #tpu.memory_space<vmem>>, vector<16xf32>,
      %swap3A_38 = arith.index_cast %scan3A_34 : i32 to index
      %swap3A_39 = arith.constant 16 : index
      %swap3A_40 = tpu.vector_load %arg12[%swap3A_38, %swap3A_39] {strides = array<i32>} : memref<80x128xf32, #tpu.memory_space<vmem>>, vector<16xf32>,
      tpu.vector_store %arg12[%swap3A_38, %swap3A_39], %broadcast_in_dim3A_1 {strides = array<i32>} : memref<80x128xf32, #tpu.memory_space<vmem>>, vector<16xf32>,
      %swap3A_41 = arith.index_cast %scan3A_34 : i32 to index
      %swap3A_42 = arith.constant 32 : index
      %swap3A_43 = tpu.vector_load %arg12[%swap3A_41, %swap3A_42] {strides = array<i32>} : memref<80x128xf32, #tpu.memory_space<vmem>>, vector<16xf32>,
      tpu.vector_store %arg12[%swap3A_41, %swap3A_42], %broadcast_in_dim3A_1 {strides = array<i32>} : memref<80x128xf32, #tpu.memory_space<vmem>>, vector<16xf32>,
      %swap3A_44 = arith.index_cast %scan3A_34 : i32 to index
      %swap3A_45 = arith.constant 48 : index
      %swap3A_46 = tpu.vector_load %arg12[%swap3A_44, %swap3A_45] {strides = array<i32>} : memref<80x128xf32, #tpu.memory_space<vmem>>, vector<16xf32>,
      tpu.vector_store %arg12[%swap3A_44, %swap3A_45], %broadcast_in_dim3A_1 {strides = array<i32>} : memref<80x128xf32, #tpu.memory_space<vmem>>, vector<16xf32>,
      %swap3A_47 = arith.index_cast %scan3A_34 : i32 to index
      %swap3A_48 = arith.constant 64 : index
      %swap3A_49 = tpu.vector_load %arg12[%swap3A_47, %swap3A_48] {strides = array<i32>} : memref<80x128xf32, #tpu.memory_space<vmem>>, vector<16xf32>,
      tpu.vector_store %arg12[%swap3A_47, %swap3A_48], %broadcast_in_dim3A_1 {strides = array<i32>} : memref<80x128xf32, #tpu.memory_space<vmem>>, vector<16xf32>,
      %swap3A_50 = arith.index_cast %scan3A_34 : i32 to index
      %swap3A_51 = arith.constant 80 : index
      %swap3A_52 = tpu.vector_load %arg12[%swap3A_50, %swap3A_51] {strides = array<i32>} : memref<80x128xf32, #tpu.memory_space<vmem>>, vector<16xf32>,
      tpu.vector_store %arg12[%swap3A_50, %swap3A_51], %broadcast_in_dim3A_1 {strides = array<i32>} : memref<80x128xf32, #tpu.memory_space<vmem>>, vector<16xf32>,
      %swap3A_53 = arith.index_cast %scan3A_34 : i32 to index
      %swap3A_54 = arith.constant 96 : index
      %swap3A_55 = tpu.vector_load %arg12[%swap3A_53, %swap3A_54] {strides = array<i32>} : memref<80x128xf32, #tpu.memory_space<vmem>>, vector<16xf32>,
      tpu.vector_store %arg12[%swap3A_53, %swap3A_54], %broadcast_in_dim3A_1 {strides = array<i32>} : memref<80x128xf32, #tpu.memory_space<vmem>>, vector<16xf32>,
      %swap3A_56 = arith.index_cast %scan3A_34 : i32 to index
      %swap3A_57 = arith.constant 112 : index
      %swap3A_58 = tpu.vector_load %arg12[%swap3A_56, %swap3A_57] {strides = array<i32>} : memref<80x128xf32, #tpu.memory_space<vmem>>, vector<16xf32>,
      tpu.vector_store %arg12[%swap3A_56, %swap3A_57], %broadcast_in_dim3A_1 {strides = array<i32>} : memref<80x128xf32, #tpu.memory_space<vmem>>, vector<16xf32>,
      %scan3A_59 = arith.constant 0 : i32
      scf.yield %scan3A_59 : i32
    }
    %scan3A_7 = arith.constant 80 : i32
    %mul3A_8 = arith.constant 640 : i32
    %mul3A_9 = arith.muli %arg1, %mul3A_8 : i32
    %add3A_10 = arith.constant 0 : i32
    %add3A_11 = arith.addi %mul3A_9, %add3A_10 : i32
    "tpu.region"() ({
      %run_scoped3A = tpu.sem_alloc : memref<!tpu.dma_semaphore, #tpu.memory_space<semaphore_mem>>
      %dma_start3A = arith.constant 0 : i32
      %dma_start3A_34 = tpu.memref_slice %arg13[%add3A_11, %dma_start3A] : memref<10240x128xf32, #tpu.memory_space<vmem_shared>> -> memref<80x128xf32, #tpu.memory_space<vmem_shared>>
      %dma_start3A_35 = arith.constant 0 : i32
      %dma_start3A_36 = tpu.memref_slice %arg13[%add3A_11, %dma_start3A_35] : memref<10240x128xf32, #tpu.memory_space<vmem_shared>> -> memref<80x128xf32, #tpu.memory_space<vmem_shared>>
      tpu.enqueue_dma source(%arg12 : memref<80x128xf32, #tpu.memory_space<vmem>>) target(%dma_start3A_36 : memref<80x128xf32, #tpu.memory_space<vmem_shared>>) target_semaphore(%run_scoped3A : memref<!tpu.dma_semaphore, #tpu.memory_space<semaphore_mem>>)
      %dma_wait3A = arith.constant 0 : i32
      %dma_wait3A_37 = tpu.memref_slice %arg13[%add3A_11, %dma_wait3A] : memref<10240x128xf32, #tpu.memory_space<vmem_shared>> -> memref<80x128xf32, #tpu.memory_space<vmem_shared>>
      %dma_wait3A_38 = arith.constant 0 : i32
      %dma_wait3A_39 = tpu.memref_slice %arg13[%add3A_11, %dma_wait3A_38] : memref<10240x128xf32, #tpu.memory_space<vmem_shared>> -> memref<80x128xf32, #tpu.memory_space<vmem_shared>>
      tpu.wait_dma2 semaphore(%run_scoped3A : memref<!tpu.dma_semaphore, #tpu.memory_space<semaphore_mem>>) src(%arg12 : memref<80x128xf32, #tpu.memory_space<vmem>>) dst(%dma_wait3A_39 : memref<80x128xf32, #tpu.memory_space<vmem_shared>>)
      tpu.yield
    }) : () -> ()
    %add3A_12 = arith.constant 80 : i32
    %add3A_13 = arith.addi %mul3A_9, %add3A_12 : i32
    "tpu.region"() ({
      %run_scoped3A = tpu.sem_alloc : memref<!tpu.dma_semaphore, #tpu.memory_space<semaphore_mem>>
      %dma_start3A = arith.constant 0 : i32
      %dma_start3A_34 = tpu.memref_slice %arg13[%add3A_13, %dma_start3A] : memref<10240x128xf32, #tpu.memory_space<vmem_shared>> -> memref<80x128xf32, #tpu.memory_space<vmem_shared>>
      %dma_start3A_35 = arith.constant 0 : i32
      %dma_start3A_36 = tpu.memref_slice %arg13[%add3A_13, %dma_start3A_35] : memref<10240x128xf32, #tpu.memory_space<vmem_shared>> -> memref<80x128xf32, #tpu.memory_space<vmem_shared>>
      tpu.enqueue_dma source(%arg12 : memref<80x128xf32, #tpu.memory_space<vmem>>) target(%dma_start3A_36 : memref<80x128xf32, #tpu.memory_space<vmem_shared>>) target_semaphore(%run_scoped3A : memref<!tpu.dma_semaphore, #tpu.memory_space<semaphore_mem>>)
      %dma_wait3A = arith.constant 0 : i32
      %dma_wait3A_37 = tpu.memref_slice %arg13[%add3A_13, %dma_wait3A] : memref<10240x128xf32, #tpu.memory_space<vmem_shared>> -> memref<80x128xf32, #tpu.memory_space<vmem_shared>>
      %dma_wait3A_38 = arith.constant 0 : i32
      %dma_wait3A_39 = tpu.memref_slice %arg13[%add3A_13, %dma_wait3A_38] : memref<10240x128xf32, #tpu.memory_space<vmem_shared>> -> memref<80x128xf32, #tpu.memory_space<vmem_shared>>
      tpu.wait_dma2 semaphore(%run_scoped3A : memref<!tpu.dma_semaphore, #tpu.memory_space<semaphore_mem>>) src(%arg12 : memref<80x128xf32, #tpu.memory_space<vmem>>) dst(%dma_wait3A_39 : memref<80x128xf32, #tpu.memory_space<vmem_shared>>)
      tpu.yield
    }) : () -> ()
    %add3A_14 = arith.constant 160 : i32
    %add3A_15 = arith.addi %mul3A_9, %add3A_14 : i32
    "tpu.region"() ({
      %run_scoped3A = tpu.sem_alloc : memref<!tpu.dma_semaphore, #tpu.memory_space<semaphore_mem>>
      %dma_start3A = arith.constant 0 : i32
      %dma_start3A_34 = tpu.memref_slice %arg13[%add3A_15, %dma_start3A] : memref<10240x128xf32, #tpu.memory_space<vmem_shared>> -> memref<80x128xf32, #tpu.memory_space<vmem_shared>>
      %dma_start3A_35 = arith.constant 0 : i32
      %dma_start3A_36 = tpu.memref_slice %arg13[%add3A_15, %dma_start3A_35] : memref<10240x128xf32, #tpu.memory_space<vmem_shared>> -> memref<80x128xf32, #tpu.memory_space<vmem_shared>>
      tpu.enqueue_dma source(%arg12 : memref<80x128xf32, #tpu.memory_space<vmem>>) target(%dma_start3A_36 : memref<80x128xf32, #tpu.memory_space<vmem_shared>>) target_semaphore(%run_scoped3A : memref<!tpu.dma_semaphore, #tpu.memory_space<semaphore_mem>>)
      %dma_wait3A = arith.constant 0 : i32
      %dma_wait3A_37 = tpu.memref_slice %arg13[%add3A_15, %dma_wait3A] : memref<10240x128xf32, #tpu.memory_space<vmem_shared>> -> memref<80x128xf32, #tpu.memory_space<vmem_shared>>
      %dma_wait3A_38 = arith.constant 0 : i32
      %dma_wait3A_39 = tpu.memref_slice %arg13[%add3A_15, %dma_wait3A_38] : memref<10240x128xf32, #tpu.memory_space<vmem_shared>> -> memref<80x128xf32, #tpu.memory_space<vmem_shared>>
      tpu.wait_dma2 semaphore(%run_scoped3A : memref<!tpu.dma_semaphore, #tpu.memory_space<semaphore_mem>>) src(%arg12 : memref<80x128xf32, #tpu.memory_space<vmem>>) dst(%dma_wait3A_39 : memref<80x128xf32, #tpu.memory_space<vmem_shared>>)
      tpu.yield
    }) : () -> ()
    %add3A_16 = arith.constant 240 : i32
    %add3A_17 = arith.addi %mul3A_9, %add3A_16 : i32
    "tpu.region"() ({
      %run_scoped3A = tpu.sem_alloc : memref<!tpu.dma_semaphore, #tpu.memory_space<semaphore_mem>>
      %dma_start3A = arith.constant 0 : i32
      %dma_start3A_34 = tpu.memref_slice %arg13[%add3A_17, %dma_start3A] : memref<10240x128xf32, #tpu.memory_space<vmem_shared>> -> memref<80x128xf32, #tpu.memory_space<vmem_shared>>
      %dma_start3A_35 = arith.constant 0 : i32
      %dma_start3A_36 = tpu.memref_slice %arg13[%add3A_17, %dma_start3A_35] : memref<10240x128xf32, #tpu.memory_space<vmem_shared>> -> memref<80x128xf32, #tpu.memory_space<vmem_shared>>
      tpu.enqueue_dma source(%arg12 : memref<80x128xf32, #tpu.memory_space<vmem>>) target(%dma_start3A_36 : memref<80x128xf32, #tpu.memory_space<vmem_shared>>) target_semaphore(%run_scoped3A : memref<!tpu.dma_semaphore, #tpu.memory_space<semaphore_mem>>)
      %dma_wait3A = arith.constant 0 : i32
      %dma_wait3A_37 = tpu.memref_slice %arg13[%add3A_17, %dma_wait3A] : memref<10240x128xf32, #tpu.memory_space<vmem_shared>> -> memref<80x128xf32, #tpu.memory_space<vmem_shared>>
      %dma_wait3A_38 = arith.constant 0 : i32
      %dma_wait3A_39 = tpu.memref_slice %arg13[%add3A_17, %dma_wait3A_38] : memref<10240x128xf32, #tpu.memory_space<vmem_shared>> -> memref<80x128xf32, #tpu.memory_space<vmem_shared>>
      tpu.wait_dma2 semaphore(%run_scoped3A : memref<!tpu.dma_semaphore, #tpu.memory_space<semaphore_mem>>) src(%arg12 : memref<80x128xf32, #tpu.memory_space<vmem>>) dst(%dma_wait3A_39 : memref<80x128xf32, #tpu.memory_space<vmem_shared>>)
      tpu.yield
    }) : () -> ()
    %add3A_18 = arith.constant 320 : i32
    %add3A_19 = arith.addi %mul3A_9, %add3A_18 : i32
    "tpu.region"() ({
      %run_scoped3A = tpu.sem_alloc : memref<!tpu.dma_semaphore, #tpu.memory_space<semaphore_mem>>
      %dma_start3A = arith.constant 0 : i32
      %dma_start3A_34 = tpu.memref_slice %arg13[%add3A_19, %dma_start3A] : memref<10240x128xf32, #tpu.memory_space<vmem_shared>> -> memref<80x128xf32, #tpu.memory_space<vmem_shared>>
      %dma_start3A_35 = arith.constant 0 : i32
      %dma_start3A_36 = tpu.memref_slice %arg13[%add3A_19, %dma_start3A_35] : memref<10240x128xf32, #tpu.memory_space<vmem_shared>> -> memref<80x128xf32, #tpu.memory_space<vmem_shared>>
      tpu.enqueue_dma source(%arg12 : memref<80x128xf32, #tpu.memory_space<vmem>>) target(%dma_start3A_36 : memref<80x128xf32, #tpu.memory_space<vmem_shared>>) target_semaphore(%run_scoped3A : memref<!tpu.dma_semaphore, #tpu.memory_space<semaphore_mem>>)
      %dma_wait3A = arith.constant 0 : i32
      %dma_wait3A_37 = tpu.memref_slice %arg13[%add3A_19, %dma_wait3A] : memref<10240x128xf32, #tpu.memory_space<vmem_shared>> -> memref<80x128xf32, #tpu.memory_space<vmem_shared>>
      %dma_wait3A_38 = arith.constant 0 : i32
      %dma_wait3A_39 = tpu.memref_slice %arg13[%add3A_19, %dma_wait3A_38] : memref<10240x128xf32, #tpu.memory_space<vmem_shared>> -> memref<80x128xf32, #tpu.memory_space<vmem_shared>>
      tpu.wait_dma2 semaphore(%run_scoped3A : memref<!tpu.dma_semaphore, #tpu.memory_space<semaphore_mem>>) src(%arg12 : memref<80x128xf32, #tpu.memory_space<vmem>>) dst(%dma_wait3A_39 : memref<80x128xf32, #tpu.memory_space<vmem_shared>>)
      tpu.yield
    }) : () -> ()
    %add3A_20 = arith.constant 400 : i32
    %add3A_21 = arith.addi %mul3A_9, %add3A_20 : i32
    "tpu.region"() ({
      %run_scoped3A = tpu.sem_alloc : memref<!tpu.dma_semaphore, #tpu.memory_space<semaphore_mem>>
      %dma_start3A = arith.constant 0 : i32
      %dma_start3A_34 = tpu.memref_slice %arg13[%add3A_21, %dma_start3A] : memref<10240x128xf32, #tpu.memory_space<vmem_shared>> -> memref<80x128xf32, #tpu.memory_space<vmem_shared>>
      %dma_start3A_35 = arith.constant 0 : i32
      %dma_start3A_36 = tpu.memref_slice %arg13[%add3A_21, %dma_start3A_35] : memref<10240x128xf32, #tpu.memory_space<vmem_shared>> -> memref<80x128xf32, #tpu.memory_space<vmem_shared>>
      tpu.enqueue_dma source(%arg12 : memref<80x128xf32, #tpu.memory_space<vmem>>) target(%dma_start3A_36 : memref<80x128xf32, #tpu.memory_space<vmem_shared>>) target_semaphore(%run_scoped3A : memref<!tpu.dma_semaphore, #tpu.memory_space<semaphore_mem>>)
      %dma_wait3A = arith.constant 0 : i32
      %dma_wait3A_37 = tpu.memref_slice %arg13[%add3A_21, %dma_wait3A] : memref<10240x128xf32, #tpu.memory_space<vmem_shared>> -> memref<80x128xf32, #tpu.memory_space<vmem_shared>>
      %dma_wait3A_38 = arith.constant 0 : i32
      %dma_wait3A_39 = tpu.memref_slice %arg13[%add3A_21, %dma_wait3A_38] : memref<10240x128xf32, #tpu.memory_space<vmem_shared>> -> memref<80x128xf32, #tpu.memory_space<vmem_shared>>
      tpu.wait_dma2 semaphore(%run_scoped3A : memref<!tpu.dma_semaphore, #tpu.memory_space<semaphore_mem>>) src(%arg12 : memref<80x128xf32, #tpu.memory_space<vmem>>) dst(%dma_wait3A_39 : memref<80x128xf32, #tpu.memory_space<vmem_shared>>)
      tpu.yield
    }) : () -> ()
    %add3A_22 = arith.constant 480 : i32
    %add3A_23 = arith.addi %mul3A_9, %add3A_22 : i32
    "tpu.region"() ({
      %run_scoped3A = tpu.sem_alloc : memref<!tpu.dma_semaphore, #tpu.memory_space<semaphore_mem>>
      %dma_start3A = arith.constant 0 : i32
      %dma_start3A_34 = tpu.memref_slice %arg13[%add3A_23, %dma_start3A] : memref<10240x128xf32, #tpu.memory_space<vmem_shared>> -> memref<80x128xf32, #tpu.memory_space<vmem_shared>>
      %dma_start3A_35 = arith.constant 0 : i32
      %dma_start3A_36 = tpu.memref_slice %arg13[%add3A_23, %dma_start3A_35] : memref<10240x128xf32, #tpu.memory_space<vmem_shared>> -> memref<80x128xf32, #tpu.memory_space<vmem_shared>>
      tpu.enqueue_dma source(%arg12 : memref<80x128xf32, #tpu.memory_space<vmem>>) target(%dma_start3A_36 : memref<80x128xf32, #tpu.memory_space<vmem_shared>>) target_semaphore(%run_scoped3A : memref<!tpu.dma_semaphore, #tpu.memory_space<semaphore_mem>>)
      %dma_wait3A = arith.constant 0 : i32
      %dma_wait3A_37 = tpu.memref_slice %arg13[%add3A_23, %dma_wait3A] : memref<10240x128xf32, #tpu.memory_space<vmem_shared>> -> memref<80x128xf32, #tpu.memory_space<vmem_shared>>
      %dma_wait3A_38 = arith.constant 0 : i32
      %dma_wait3A_39 = tpu.memref_slice %arg13[%add3A_23, %dma_wait3A_38] : memref<10240x128xf32, #tpu.memory_space<vmem_shared>> -> memref<80x128xf32, #tpu.memory_space<vmem_shared>>
      tpu.wait_dma2 semaphore(%run_scoped3A : memref<!tpu.dma_semaphore, #tpu.memory_space<semaphore_mem>>) src(%arg12 : memref<80x128xf32, #tpu.memory_space<vmem>>) dst(%dma_wait3A_39 : memref<80x128xf32, #tpu.memory_space<vmem_shared>>)
      tpu.yield
    }) : () -> ()
    %add3A_24 = arith.constant 560 : i32
    %add3A_25 = arith.addi %mul3A_9, %add3A_24 : i32
    "tpu.region"() ({
      %run_scoped3A = tpu.sem_alloc : memref<!tpu.dma_semaphore, #tpu.memory_space<semaphore_mem>>
      %dma_start3A = arith.constant 0 : i32
      %dma_start3A_34 = tpu.memref_slice %arg13[%add3A_25, %dma_start3A] : memref<10240x128xf32, #tpu.memory_space<vmem_shared>> -> memref<80x128xf32, #tpu.memory_space<vmem_shared>>
      %dma_start3A_35 = arith.constant 0 : i32
      %dma_start3A_36 = tpu.memref_slice %arg13[%add3A_25, %dma_start3A_35] : memref<10240x128xf32, #tpu.memory_space<vmem_shared>> -> memref<80x128xf32, #tpu.memory_space<vmem_shared>>
      tpu.enqueue_dma source(%arg12 : memref<80x128xf32, #tpu.memory_space<vmem>>) target(%dma_start3A_36 : memref<80x128xf32, #tpu.memory_space<vmem_shared>>) target_semaphore(%run_scoped3A : memref<!tpu.dma_semaphore, #tpu.memory_space<semaphore_mem>>)
      %dma_wait3A = arith.constant 0 : i32
      %dma_wait3A_37 = tpu.memref_slice %arg13[%add3A_25, %dma_wait3A] : memref<10240x128xf32, #tpu.memory_space<vmem_shared>> -> memref<80x128xf32, #tpu.memory_space<vmem_shared>>
      %dma_wait3A_38 = arith.constant 0 : i32
      %dma_wait3A_39 = tpu.memref_slice %arg13[%add3A_25, %dma_wait3A_38] : memref<10240x128xf32, #tpu.memory_space<vmem_shared>> -> memref<80x128xf32, #tpu.memory_space<vmem_shared>>
      tpu.wait_dma2 semaphore(%run_scoped3A : memref<!tpu.dma_semaphore, #tpu.memory_space<semaphore_mem>>) src(%arg12 : memref<80x128xf32, #tpu.memory_space<vmem>>) dst(%dma_wait3A_39 : memref<80x128xf32, #tpu.memory_space<vmem_shared>>)
      tpu.yield
    }) : () -> ()
    %barrier3A = arith.constant 0 : index
    tpu.barrier barrier_id(%barrier3A)
    %scan3A_26 = arith.constant 0 : i32
    %scan3A_27 = arith.constant 0 : i32
    %scan3A_28 = arith.constant 5 : i32
    %scan3A_29 = arith.addi %scan3A_27, %scan3A_28 : i32
    %scan3A_30 = arith.constant 1 : i32
    %scan3A_31 = scf.for %scan3A_34 = %scan3A_27 to %scan3A_29 step %scan3A_30 iter_args(%scan3A_35 = %scan3A_26) -> (i32)  : i32 {
      "tpu.region"() ({
        %run_scoped3A = tpu.sem_alloc : memref<!tpu.dma_semaphore, #tpu.memory_space<semaphore_mem>>
        %dma_start3A = arith.constant 0 : i32
        %dma_start3A_44 = tpu.memref_slice %arg3[%add3A, %scan3A_34, %dma_start3A] : memref<32x5x2000xi32, #tpu.memory_space<hbm>> -> memref<1x1x2000xi32, #tpu.memory_space<hbm>>
        %dma_start3A_45 = tpu.memref_squeeze %dma_start3A_44 : memref<1x1x2000xi32, #tpu.memory_space<hbm>> -> memref<2000xi32, #tpu.memory_space<hbm>>
        %dma_start3A_46 = arith.constant 0 : i32
        %dma_start3A_47 = tpu.memref_slice %arg3[%add3A, %scan3A_34, %dma_start3A_46] : memref<32x5x2000xi32, #tpu.memory_space<hbm>> -> memref<1x1x2000xi32, #tpu.memory_space<hbm>>
        %dma_start3A_48 = tpu.memref_squeeze %dma_start3A_47 : memref<1x1x2000xi32, #tpu.memory_space<hbm>> -> memref<2000xi32, #tpu.memory_space<hbm>>
        tpu.enqueue_dma source(%dma_start3A_48 : memref<2000xi32, #tpu.memory_space<hbm>>) target(%arg7 : memref<2000xi32, #tpu.memory_space<vmem>>) target_semaphore(%run_scoped3A : memref<!tpu.dma_semaphore, #tpu.memory_space<semaphore_mem>>)
        %dma_wait3A = arith.constant 0 : i32
        %dma_wait3A_49 = tpu.memref_slice %arg3[%add3A, %scan3A_34, %dma_wait3A] : memref<32x5x2000xi32, #tpu.memory_space<hbm>> -> memref<1x1x2000xi32, #tpu.memory_space<hbm>>
        %dma_wait3A_50 = tpu.memref_squeeze %dma_wait3A_49 : memref<1x1x2000xi32, #tpu.memory_space<hbm>> -> memref<2000xi32, #tpu.memory_space<hbm>>
        %dma_wait3A_51 = arith.constant 0 : i32
        %dma_wait3A_52 = tpu.memref_slice %arg3[%add3A, %scan3A_34, %dma_wait3A_51] : memref<32x5x2000xi32, #tpu.memory_space<hbm>> -> memref<1x1x2000xi32, #tpu.memory_space<hbm>>
        %dma_wait3A_53 = tpu.memref_squeeze %dma_wait3A_52 : memref<1x1x2000xi32, #tpu.memory_space<hbm>> -> memref<2000xi32, #tpu.memory_space<hbm>>
        tpu.wait_dma2 semaphore(%run_scoped3A : memref<!tpu.dma_semaphore, #tpu.memory_space<semaphore_mem>>) src(%dma_wait3A_53 : memref<2000xi32, #tpu.memory_space<hbm>>) dst(%arg7 : memref<2000xi32, #tpu.memory_space<vmem>>)
        tpu.yield
      }) : () -> ()
      "tpu.region"() ({
        %run_scoped3A = tpu.sem_alloc : memref<!tpu.dma_semaphore, #tpu.memory_space<semaphore_mem>>
        %dma_start3A = arith.constant 0 : i32
        %dma_start3A_44 = tpu.memref_slice %arg4[%add3A, %scan3A_34, %dma_start3A] : memref<32x5x2000xi32, #tpu.memory_space<hbm>> -> memref<1x1x2000xi32, #tpu.memory_space<hbm>>
        %dma_start3A_45 = tpu.memref_squeeze %dma_start3A_44 : memref<1x1x2000xi32, #tpu.memory_space<hbm>> -> memref<2000xi32, #tpu.memory_space<hbm>>
        %dma_start3A_46 = arith.constant 0 : i32
        %dma_start3A_47 = tpu.memref_slice %arg4[%add3A, %scan3A_34, %dma_start3A_46] : memref<32x5x2000xi32, #tpu.memory_space<hbm>> -> memref<1x1x2000xi32, #tpu.memory_space<hbm>>
        %dma_start3A_48 = tpu.memref_squeeze %dma_start3A_47 : memref<1x1x2000xi32, #tpu.memory_space<hbm>> -> memref<2000xi32, #tpu.memory_space<hbm>>
        tpu.enqueue_dma source(%dma_start3A_48 : memref<2000xi32, #tpu.memory_space<hbm>>) target(%arg8 : memref<2000xi32, #tpu.memory_space<vmem>>) target_semaphore(%run_scoped3A : memref<!tpu.dma_semaphore, #tpu.memory_space<semaphore_mem>>)
        %dma_wait3A = arith.constant 0 : i32
        %dma_wait3A_49 = tpu.memref_slice %arg4[%add3A, %scan3A_34, %dma_wait3A] : memref<32x5x2000xi32, #tpu.memory_space<hbm>> -> memref<1x1x2000xi32, #tpu.memory_space<hbm>>
        %dma_wait3A_50 = tpu.memref_squeeze %dma_wait3A_49 : memref<1x1x2000xi32, #tpu.memory_space<hbm>> -> memref<2000xi32, #tpu.memory_space<hbm>>
        %dma_wait3A_51 = arith.constant 0 : i32
        %dma_wait3A_52 = tpu.memref_slice %arg4[%add3A, %scan3A_34, %dma_wait3A_51] : memref<32x5x2000xi32, #tpu.memory_space<hbm>> -> memref<1x1x2000xi32, #tpu.memory_space<hbm>>
        %dma_wait3A_53 = tpu.memref_squeeze %dma_wait3A_52 : memref<1x1x2000xi32, #tpu.memory_space<hbm>> -> memref<2000xi32, #tpu.memory_space<hbm>>
        tpu.wait_dma2 semaphore(%run_scoped3A : memref<!tpu.dma_semaphore, #tpu.memory_space<semaphore_mem>>) src(%dma_wait3A_53 : memref<2000xi32, #tpu.memory_space<hbm>>) dst(%arg8 : memref<2000xi32, #tpu.memory_space<vmem>>)
        tpu.yield
      }) : () -> ()
      "tpu.region"() ({
        %run_scoped3A = tpu.sem_alloc : memref<!tpu.dma_semaphore, #tpu.memory_space<semaphore_mem>>
        %dma_start3A = arith.constant 0 : i32
        %dma_start3A_44 = tpu.memref_slice %arg5[%add3A, %scan3A_34, %dma_start3A] : memref<32x5x2000xf32, #tpu.memory_space<hbm>> -> memref<1x1x2000xf32, #tpu.memory_space<hbm>>
        %dma_start3A_45 = tpu.memref_squeeze %dma_start3A_44 : memref<1x1x2000xf32, #tpu.memory_space<hbm>> -> memref<2000xf32, #tpu.memory_space<hbm>>
        %dma_start3A_46 = arith.constant 0 : i32
        %dma_start3A_47 = tpu.memref_slice %arg5[%add3A, %scan3A_34, %dma_start3A_46] : memref<32x5x2000xf32, #tpu.memory_space<hbm>> -> memref<1x1x2000xf32, #tpu.memory_space<hbm>>
        %dma_start3A_48 = tpu.memref_squeeze %dma_start3A_47 : memref<1x1x2000xf32, #tpu.memory_space<hbm>> -> memref<2000xf32, #tpu.memory_space<hbm>>
        tpu.enqueue_dma source(%dma_start3A_48 : memref<2000xf32, #tpu.memory_space<hbm>>) target(%arg9 : memref<2000xf32, #tpu.memory_space<vmem>>) target_semaphore(%run_scoped3A : memref<!tpu.dma_semaphore, #tpu.memory_space<semaphore_mem>>)
        %dma_wait3A = arith.constant 0 : i32
        %dma_wait3A_49 = tpu.memref_slice %arg5[%add3A, %scan3A_34, %dma_wait3A] : memref<32x5x2000xf32, #tpu.memory_space<hbm>> -> memref<1x1x2000xf32, #tpu.memory_space<hbm>>
        %dma_wait3A_50 = tpu.memref_squeeze %dma_wait3A_49 : memref<1x1x2000xf32, #tpu.memory_space<hbm>> -> memref<2000xf32, #tpu.memory_space<hbm>>
        %dma_wait3A_51 = arith.constant 0 : i32
        %dma_wait3A_52 = tpu.memref_slice %arg5[%add3A, %scan3A_34, %dma_wait3A_51] : memref<32x5x2000xf32, #tpu.memory_space<hbm>> -> memref<1x1x2000xf32, #tpu.memory_space<hbm>>
        %dma_wait3A_53 = tpu.memref_squeeze %dma_wait3A_52 : memref<1x1x2000xf32, #tpu.memory_space<hbm>> -> memref<2000xf32, #tpu.memory_space<hbm>>
        tpu.wait_dma2 semaphore(%run_scoped3A : memref<!tpu.dma_semaphore, #tpu.memory_space<semaphore_mem>>) src(%dma_wait3A_53 : memref<2000xf32, #tpu.memory_space<hbm>>) dst(%arg9 : memref<2000xf32, #tpu.memory_space<vmem>>)
        tpu.yield
      }) : () -> ()
      %scan3A_36 = arith.constant 0 : i32
      %scan3A_37 = arith.constant 0 : i32
      %scan3A_38 = arith.constant 25 : i32
      %scan3A_39 = arith.addi %scan3A_37, %scan3A_38 : i32
      %scan3A_40 = arith.constant 1 : i32
      %scan3A_41 = scf.for %scan3A_44 = %scan3A_37 to %scan3A_39 step %scan3A_40 iter_args(%scan3A_45 = %scan3A_36) -> (i32)  : i32 {
        %mul3A_46 = arith.constant 80 : i32
        %mul3A_47 = arith.muli %scan3A_44, %mul3A_46 : i32
        %add3A_48 = arith.constant 0 : i32
        %add3A_49 = arith.addi %mul3A_47, %add3A_48 : i32
        %get3A = arith.index_cast %add3A_49 : i32 to index
        %get3A_50 = tpu.vector_load %arg7[%get3A] {strides = array<i32>} : memref<2000xi32, #tpu.memory_space<vmem>>, vector<16xi32>,
        %swap3A = arith.constant 0 : index
        %swap3A_51 = tpu.vector_load %arg10[%swap3A] {strides = array<i32>} : memref<80xi32, #tpu.memory_space<vmem>>, vector<16xi32>,
        tpu.vector_store %arg10[%swap3A], %get3A_50 {strides = array<i32>} : memref<80xi32, #tpu.memory_space<vmem>>, vector<16xi32>,
        %add3A_52 = arith.constant 0 : i32
        %add3A_53 = arith.addi %mul3A_47, %add3A_52 : i32
        %get3A_54 = arith.index_cast %add3A_53 : i32 to index
        %get3A_55 = tpu.vector_load %arg8[%get3A_54] {strides = array<i32>} : memref<2000xi32, #tpu.memory_space<vmem>>, vector<16xi32>,
        %swap3A_56 = arith.constant 0 : index
        %swap3A_57 = tpu.vector_load %arg11[%swap3A_56] {strides = array<i32>} : memref<80xi32, #tpu.memory_space<vmem>>, vector<16xi32>,
        tpu.vector_store %arg11[%swap3A_56], %get3A_55 {strides = array<i32>} : memref<80xi32, #tpu.memory_space<vmem>>, vector<16xi32>,
        %add3A_58 = arith.constant 16 : i32
        %add3A_59 = arith.addi %mul3A_47, %add3A_58 : i32
        %get3A_60 = arith.index_cast %add3A_59 : i32 to index
        %get3A_61 = tpu.vector_load %arg7[%get3A_60] {strides = array<i32>} : memref<2000xi32, #tpu.memory_space<vmem>>, vector<16xi32>,
        %swap3A_62 = arith.constant 16 : index
        %swap3A_63 = tpu.vector_load %arg10[%swap3A_62] {strides = array<i32>} : memref<80xi32, #tpu.memory_space<vmem>>, vector<16xi32>,
        tpu.vector_store %arg10[%swap3A_62], %get3A_61 {strides = array<i32>} : memref<80xi32, #tpu.memory_space<vmem>>, vector<16xi32>,
        %add3A_64 = arith.constant 16 : i32
        %add3A_65 = arith.addi %mul3A_47, %add3A_64 : i32
        %get3A_66 = arith.index_cast %add3A_65 : i32 to index
        %get3A_67 = tpu.vector_load %arg8[%get3A_66] {strides = array<i32>} : memref<2000xi32, #tpu.memory_space<vmem>>, vector<16xi32>,
        %swap3A_68 = arith.constant 16 : index
        %swap3A_69 = tpu.vector_load %arg11[%swap3A_68] {strides = array<i32>} : memref<80xi32, #tpu.memory_space<vmem>>, vector<16xi32>,
        tpu.vector_store %arg11[%swap3A_68], %get3A_67 {strides = array<i32>} : memref<80xi32, #tpu.memory_space<vmem>>, vector<16xi32>,
        %add3A_70 = arith.constant 32 : i32
        %add3A_71 = arith.addi %mul3A_47, %add3A_70 : i32
        %get3A_72 = arith.index_cast %add3A_71 : i32 to index
        %get3A_73 = tpu.vector_load %arg7[%get3A_72] {strides = array<i32>} : memref<2000xi32, #tpu.memory_space<vmem>>, vector<16xi32>,
        %swap3A_74 = arith.constant 32 : index
        %swap3A_75 = tpu.vector_load %arg10[%swap3A_74] {strides = array<i32>} : memref<80xi32, #tpu.memory_space<vmem>>, vector<16xi32>,
        tpu.vector_store %arg10[%swap3A_74], %get3A_73 {strides = array<i32>} : memref<80xi32, #tpu.memory_space<vmem>>, vector<16xi32>,
        %add3A_76 = arith.constant 32 : i32
        %add3A_77 = arith.addi %mul3A_47, %add3A_76 : i32
        %get3A_78 = arith.index_cast %add3A_77 : i32 to index
        %get3A_79 = tpu.vector_load %arg8[%get3A_78] {strides = array<i32>} : memref<2000xi32, #tpu.memory_space<vmem>>, vector<16xi32>,
        %swap3A_80 = arith.constant 32 : index
        %swap3A_81 = tpu.vector_load %arg11[%swap3A_80] {strides = array<i32>} : memref<80xi32, #tpu.memory_space<vmem>>, vector<16xi32>,
        tpu.vector_store %arg11[%swap3A_80], %get3A_79 {strides = array<i32>} : memref<80xi32, #tpu.memory_space<vmem>>, vector<16xi32>,
        %add3A_82 = arith.constant 48 : i32
        %add3A_83 = arith.addi %mul3A_47, %add3A_82 : i32
        %get3A_84 = arith.index_cast %add3A_83 : i32 to index
        %get3A_85 = tpu.vector_load %arg7[%get3A_84] {strides = array<i32>} : memref<2000xi32, #tpu.memory_space<vmem>>, vector<16xi32>,
        %swap3A_86 = arith.constant 48 : index
        %swap3A_87 = tpu.vector_load %arg10[%swap3A_86] {strides = array<i32>} : memref<80xi32, #tpu.memory_space<vmem>>, vector<16xi32>,
        tpu.vector_store %arg10[%swap3A_86], %get3A_85 {strides = array<i32>} : memref<80xi32, #tpu.memory_space<vmem>>, vector<16xi32>,
        %add3A_88 = arith.constant 48 : i32
        %add3A_89 = arith.addi %mul3A_47, %add3A_88 : i32
        %get3A_90 = arith.index_cast %add3A_89 : i32 to index
        %get3A_91 = tpu.vector_load %arg8[%get3A_90] {strides = array<i32>} : memref<2000xi32, #tpu.memory_space<vmem>>, vector<16xi32>,
        %swap3A_92 = arith.constant 48 : index
        %swap3A_93 = tpu.vector_load %arg11[%swap3A_92] {strides = array<i32>} : memref<80xi32, #tpu.memory_space<vmem>>, vector<16xi32>,
        tpu.vector_store %arg11[%swap3A_92], %get3A_91 {strides = array<i32>} : memref<80xi32, #tpu.memory_space<vmem>>, vector<16xi32>,
        %add3A_94 = arith.constant 64 : i32
        %add3A_95 = arith.addi %mul3A_47, %add3A_94 : i32
        %get3A_96 = arith.index_cast %add3A_95 : i32 to index
        %get3A_97 = tpu.vector_load %arg7[%get3A_96] {strides = array<i32>} : memref<2000xi32, #tpu.memory_space<vmem>>, vector<16xi32>,
        %swap3A_98 = arith.constant 64 : index
        %swap3A_99 = tpu.vector_load %arg10[%swap3A_98] {strides = array<i32>} : memref<80xi32, #tpu.memory_space<vmem>>, vector<16xi32>,
        tpu.vector_store %arg10[%swap3A_98], %get3A_97 {strides = array<i32>} : memref<80xi32, #tpu.memory_space<vmem>>, vector<16xi32>,
        %add3A_100 = arith.constant 64 : i32
        %add3A_101 = arith.addi %mul3A_47, %add3A_100 : i32
        %get3A_102 = arith.index_cast %add3A_101 : i32 to index
        %get3A_103 = tpu.vector_load %arg8[%get3A_102] {strides = array<i32>} : memref<2000xi32, #tpu.memory_space<vmem>>, vector<16xi32>,
        %swap3A_104 = arith.constant 64 : index
        %swap3A_105 = tpu.vector_load %arg11[%swap3A_104] {strides = array<i32>} : memref<80xi32, #tpu.memory_space<vmem>>, vector<16xi32>,
        tpu.vector_store %arg11[%swap3A_104], %get3A_103 {strides = array<i32>} : memref<80xi32, #tpu.memory_space<vmem>>, vector<16xi32>,
        %dma_start3A = arith.constant 0 : i32
        %dma_start3A_106 = arith.constant 0 : i32
        %dma_start3A_107 = tpu.memref_slice %arg2[%dma_start3A, %dma_start3A_106] : memref<10240x128xf32, #tpu.memory_space<hbm>> -> memref<10240x128xf32, #tpu.memory_space<hbm>>
        tpu.enqueue_indirect_dma source(%dma_start3A_107 : memref<10240x128xf32, #tpu.memory_space<hbm>>) target(%arg12 : memref<80x128xf32, #tpu.memory_space<vmem>>) offsets(%arg10 : memref<80xi32, #tpu.memory_space<vmem>>) semaphore(%arg14 : memref<!tpu.dma_semaphore, #tpu.memory_space<semaphore_mem>>)
        %dma_wait3A = arith.constant 0 : i32
        %dma_wait3A_108 = arith.constant 0 : i32
        %dma_wait3A_109 = tpu.memref_slice %arg2[%dma_wait3A, %dma_wait3A_108] : memref<10240x128xf32, #tpu.memory_space<hbm>> -> memref<10240x128xf32, #tpu.memory_space<hbm>>
        tpu.wait_indirect_dma semaphore(%arg14 : memref<!tpu.dma_semaphore, #tpu.memory_space<semaphore_mem>>) src(%dma_wait3A_109 : memref<10240x128xf32, #tpu.memory_space<hbm>>) dst(%arg12 : memref<80x128xf32, #tpu.memory_space<vmem>>)
        %scan3A_110 = arith.constant 0 : i32
        %scan3A_111 = arith.constant 0 : i32
        %scan3A_112 = arith.constant 5 : i32
        %scan3A_113 = arith.addi %scan3A_111, %scan3A_112 : i32
        %scan3A_114 = arith.constant 1 : i32
        %scan3A_115 = scf.for %scan3A_118 = %scan3A_111 to %scan3A_113 step %scan3A_114 iter_args(%scan3A_119 = %scan3A_110) -> (i32)  : i32 {
          %mul3A_120 = arith.constant 16 : i32
          %mul3A_121 = arith.muli %scan3A_118, %mul3A_120 : i32
          %add3A_122 = arith.addi %mul3A_47, %mul3A_121 : i32
          %get3A_123 = arith.index_cast %add3A_122 : i32 to index
          %get3A_124 = tpu.vector_load %arg9[%get3A_123] {strides = array<i32>} : memref<2000xf32, #tpu.memory_space<vmem>>, vector<16xf32>,
          %mul3A_125 = arith.constant 16 : i32
          %mul3A_126 = arith.muli %scan3A_118, %mul3A_125 : i32
          %add3A_127 = arith.constant 0 : i32
          %add3A_128 = arith.addi %mul3A_126, %add3A_127 : i32
          %broadcast_in_dim3A_129 = arith.constant 0 : i32
          %broadcast_in_dim3A_130 = vector.broadcast %broadcast_in_dim3A_129 : i32 to vector<16x1xi32>
          %gather3A = vector.shape_cast %broadcast_in_dim3A_130 : vector<16x1xi32> to vector<16xi32>
          %gather3A_131 = tpu.dynamic_gather %get3A_124[%gather3A] in [0] : vector<16xf32>, vector<16xi32> -> vector<16xf32>
          %get3A_132 = arith.index_cast %add3A_128 : i32 to index
          %get3A_133 = arith.constant 0 : index
          %get3A_134 = tpu.vector_load %arg12[%get3A_132, %get3A_133] {strides = array<i32>} : memref<80x128xf32, #tpu.memory_space<vmem>>, vector<16xf32>,
          %mul3A_135 = arith.mulf %get3A_134, %gather3A_131 : vector<16xf32>
          %swap3A_136 = arith.index_cast %add3A_128 : i32 to index
          %swap3A_137 = arith.constant 0 : index
          %swap3A_138 = tpu.vector_load %arg12[%swap3A_136, %swap3A_137] {strides = array<i32>} : memref<80x128xf32, #tpu.memory_space<vmem>>, vector<16xf32>,
          tpu.vector_store %arg12[%swap3A_136, %swap3A_137], %mul3A_135 {strides = array<i32>} : memref<80x128xf32, #tpu.memory_space<vmem>>, vector<16xf32>,
          %get3A_139 = arith.index_cast %add3A_128 : i32 to index
          %get3A_140 = arith.constant 16 : index
          %get3A_141 = tpu.vector_load %arg12[%get3A_139, %get3A_140] {strides = array<i32>} : memref<80x128xf32, #tpu.memory_space<vmem>>, vector<16xf32>,
          %mul3A_142 = arith.mulf %get3A_141, %gather3A_131 : vector<16xf32>
          %swap3A_143 = arith.index_cast %add3A_128 : i32 to index
          %swap3A_144 = arith.constant 16 : index
          %swap3A_145 = tpu.vector_load %arg12[%swap3A_143, %swap3A_144] {strides = array<i32>} : memref<80x128xf32, #tpu.memory_space<vmem>>, vector<16xf32>,
          tpu.vector_store %arg12[%swap3A_143, %swap3A_144], %mul3A_142 {strides = array<i32>} : memref<80x128xf32, #tpu.memory_space<vmem>>, vector<16xf32>,
          %get3A_146 = arith.index_cast %add3A_128 : i32 to index
          %get3A_147 = arith.constant 32 : index
          %get3A_148 = tpu.vector_load %arg12[%get3A_146, %get3A_147] {strides = array<i32>} : memref<80x128xf32, #tpu.memory_space<vmem>>, vector<16xf32>,
          %mul3A_149 = arith.mulf %get3A_148, %gather3A_131 : vector<16xf32>
          %swap3A_150 = arith.index_cast %add3A_128 : i32 to index
          %swap3A_151 = arith.constant 32 : index
          %swap3A_152 = tpu.vector_load %arg12[%swap3A_150, %swap3A_151] {strides = array<i32>} : memref<80x128xf32, #tpu.memory_space<vmem>>, vector<16xf32>,
          tpu.vector_store %arg12[%swap3A_150, %swap3A_151], %mul3A_149 {strides = array<i32>} : memref<80x128xf32, #tpu.memory_space<vmem>>, vector<16xf32>,
          %get3A_153 = arith.index_cast %add3A_128 : i32 to index
          %get3A_154 = arith.constant 48 : index
          %get3A_155 = tpu.vector_load %arg12[%get3A_153, %get3A_154] {strides = array<i32>} : memref<80x128xf32, #tpu.memory_space<vmem>>, vector<16xf32>,
          %mul3A_156 = arith.mulf %get3A_155, %gather3A_131 : vector<16xf32>
          %swap3A_157 = arith.index_cast %add3A_128 : i32 to index
          %swap3A_158 = arith.constant 48 : index
          %swap3A_159 = tpu.vector_load %arg12[%swap3A_157, %swap3A_158] {strides = array<i32>} : memref<80x128xf32, #tpu.memory_space<vmem>>, vector<16xf32>,
          tpu.vector_store %arg12[%swap3A_157, %swap3A_158], %mul3A_156 {strides = array<i32>} : memref<80x128xf32, #tpu.memory_space<vmem>>, vector<16xf32>,
          %get3A_160 = arith.index_cast %add3A_128 : i32 to index
          %get3A_161 = arith.constant 64 : index
          %get3A_162 = tpu.vector_load %arg12[%get3A_160, %get3A_161] {strides = array<i32>} : memref<80x128xf32, #tpu.memory_space<vmem>>, vector<16xf32>,
          %mul3A_163 = arith.mulf %get3A_162, %gather3A_131 : vector<16xf32>
          %swap3A_164 = arith.index_cast %add3A_128 : i32 to index
          %swap3A_165 = arith.constant 64 : index
          %swap3A_166 = tpu.vector_load %arg12[%swap3A_164, %swap3A_165] {strides = array<i32>} : memref<80x128xf32, #tpu.memory_space<vmem>>, vector<16xf32>,
          tpu.vector_store %arg12[%swap3A_164, %swap3A_165], %mul3A_163 {strides = array<i32>} : memref<80x128xf32, #tpu.memory_space<vmem>>, vector<16xf32>,
          %get3A_167 = arith.index_cast %add3A_128 : i32 to index
          %get3A_168 = arith.constant 80 : index
          %get3A_169 = tpu.vector_load %arg12[%get3A_167, %get3A_168] {strides = array<i32>} : memref<80x128xf32, #tpu.memory_space<vmem>>, vector<16xf32>,
          %mul3A_170 = arith.mulf %get3A_169, %gather3A_131 : vector<16xf32>
          %swap3A_171 = arith.index_cast %add3A_128 : i32 to index
          %swap3A_172 = arith.constant 80 : index
          %swap3A_173 = tpu.vector_load %arg12[%swap3A_171, %swap3A_172] {strides = array<i32>} : memref<80x128xf32, #tpu.memory_space<vmem>>, vector<16xf32>,
          tpu.vector_store %arg12[%swap3A_171, %swap3A_172], %mul3A_170 {strides = array<i32>} : memref<80x128xf32, #tpu.memory_space<vmem>>, vector<16xf32>,
          %get3A_174 = arith.index_cast %add3A_128 : i32 to index
          %get3A_175 = arith.constant 96 : index
          %get3A_176 = tpu.vector_load %arg12[%get3A_174, %get3A_175] {strides = array<i32>} : memref<80x128xf32, #tpu.memory_space<vmem>>, vector<16xf32>,
          %mul3A_177 = arith.mulf %get3A_176, %gather3A_131 : vector<16xf32>
          %swap3A_178 = arith.index_cast %add3A_128 : i32 to index
          %swap3A_179 = arith.constant 96 : index
          %swap3A_180 = tpu.vector_load %arg12[%swap3A_178, %swap3A_179] {strides = array<i32>} : memref<80x128xf32, #tpu.memory_space<vmem>>, vector<16xf32>,
          tpu.vector_store %arg12[%swap3A_178, %swap3A_179], %mul3A_177 {strides = array<i32>} : memref<80x128xf32, #tpu.memory_space<vmem>>, vector<16xf32>,
          %get3A_181 = arith.index_cast %add3A_128 : i32 to index
          %get3A_182 = arith.constant 112 : index
          %get3A_183 = tpu.vector_load %arg12[%get3A_181, %get3A_182] {strides = array<i32>} : memref<80x128xf32, #tpu.memory_space<vmem>>, vector<16xf32>,
          %mul3A_184 = arith.mulf %get3A_183, %gather3A_131 : vector<16xf32>
          %swap3A_185 = arith.index_cast %add3A_128 : i32 to index
          %swap3A_186 = arith.constant 112 : index
          %swap3A_187 = tpu.vector_load %arg12[%swap3A_185, %swap3A_186] {strides = array<i32>} : memref<80x128xf32, #tpu.memory_space<vmem>>, vector<16xf32>,
          tpu.vector_store %arg12[%swap3A_185, %swap3A_186], %mul3A_184 {strides = array<i32>} : memref<80x128xf32, #tpu.memory_space<vmem>>, vector<16xf32>,
          %mul3A_188 = arith.constant 16 : i32
          %mul3A_189 = arith.muli %scan3A_118, %mul3A_188 : i32
          %add3A_190 = arith.constant 1 : i32
          %add3A_191 = arith.addi %mul3A_189, %add3A_190 : i32
          %broadcast_in_dim3A_192 = arith.constant 1 : i32
          %broadcast_in_dim3A_193 = vector.broadcast %broadcast_in_dim3A_192 : i32 to vector<16x1xi32>
          %gather3A_194 = vector.shape_cast %broadcast_in_dim3A_193 : vector<16x1xi32> to vector<16xi32>
          %gather3A_195 = tpu.dynamic_gather %get3A_124[%gather3A_194] in [0] : vector<16xf32>, vector<16xi32> -> vector<16xf32>
          %get3A_196 = arith.index_cast %add3A_191 : i32 to index
          %get3A_197 = arith.constant 0 : index
          %get3A_198 = tpu.vector_load %arg12[%get3A_196, %get3A_197] {strides = array<i32>} : memref<80x128xf32, #tpu.memory_space<vmem>>, vector<16xf32>,
          %mul3A_199 = arith.mulf %get3A_198, %gather3A_195 : vector<16xf32>
          %swap3A_200 = arith.index_cast %add3A_191 : i32 to index
          %swap3A_201 = arith.constant 0 : index
          %swap3A_202 = tpu.vector_load %arg12[%swap3A_200, %swap3A_201] {strides = array<i32>} : memref<80x128xf32, #tpu.memory_space<vmem>>, vector<16xf32>,
          tpu.vector_store %arg12[%swap3A_200, %swap3A_201], %mul3A_199 {strides = array<i32>} : memref<80x128xf32, #tpu.memory_space<vmem>>, vector<16xf32>,
          %get3A_203 = arith.index_cast %add3A_191 : i32 to index
          %get3A_204 = arith.constant 16 : index
          %get3A_205 = tpu.vector_load %arg12[%get3A_203, %get3A_204] {strides = array<i32>} : memref<80x128xf32, #tpu.memory_space<vmem>>, vector<16xf32>,
          %mul3A_206 = arith.mulf %get3A_205, %gather3A_195 : vector<16xf32>
          %swap3A_207 = arith.index_cast %add3A_191 : i32 to index
          %swap3A_208 = arith.constant 16 : index
          %swap3A_209 = tpu.vector_load %arg12[%swap3A_207, %swap3A_208] {strides = array<i32>} : memref<80x128xf32, #tpu.memory_space<vmem>>, vector<16xf32>,
          tpu.vector_store %arg12[%swap3A_207, %swap3A_208], %mul3A_206 {strides = array<i32>} : memref<80x128xf32, #tpu.memory_space<vmem>>, vector<16xf32>,
          %get3A_210 = arith.index_cast %add3A_191 : i32 to index
          %get3A_211 = arith.constant 32 : index
          %get3A_212 = tpu.vector_load %arg12[%get3A_210, %get3A_211] {strides = array<i32>} : memref<80x128xf32, #tpu.memory_space<vmem>>, vector<16xf32>,
          %mul3A_213 = arith.mulf %get3A_212, %gather3A_195 : vector<16xf32>
          %swap3A_214 = arith.index_cast %add3A_191 : i32 to index
          %swap3A_215 = arith.constant 32 : index
          %swap3A_216 = tpu.vector_load %arg12[%swap3A_214, %swap3A_215] {strides = array<i32>} : memref<80x128xf32, #tpu.memory_space<vmem>>, vector<16xf32>,
          tpu.vector_store %arg12[%swap3A_214, %swap3A_215], %mul3A_213 {strides = array<i32>} : memref<80x128xf32, #tpu.memory_space<vmem>>, vector<16xf32>,
          %get3A_217 = arith.index_cast %add3A_191 : i32 to index
          %get3A_218 = arith.constant 48 : index
          %get3A_219 = tpu.vector_load %arg12[%get3A_217, %get3A_218] {strides = array<i32>} : memref<80x128xf32, #tpu.memory_space<vmem>>, vector<16xf32>,
          %mul3A_220 = arith.mulf %get3A_219, %gather3A_195 : vector<16xf32>
          %swap3A_221 = arith.index_cast %add3A_191 : i32 to index
          %swap3A_222 = arith.constant 48 : index
          %swap3A_223 = tpu.vector_load %arg12[%swap3A_221, %swap3A_222] {strides = array<i32>} : memref<80x128xf32, #tpu.memory_space<vmem>>, vector<16xf32>,
          tpu.vector_store %arg12[%swap3A_221, %swap3A_222], %mul3A_220 {strides = array<i32>} : memref<80x128xf32, #tpu.memory_space<vmem>>, vector<16xf32>,
          %get3A_224 = arith.index_cast %add3A_191 : i32 to index
          %get3A_225 = arith.constant 64 : index
          %get3A_226 = tpu.vector_load %arg12[%get3A_224, %get3A_225] {strides = array<i32>} : memref<80x128xf32, #tpu.memory_space<vmem>>, vector<16xf32>,
          %mul3A_227 = arith.mulf %get3A_226, %gather3A_195 : vector<16xf32>
          %swap3A_228 = arith.index_cast %add3A_191 : i32 to index
          %swap3A_229 = arith.constant 64 : index
          %swap3A_230 = tpu.vector_load %arg12[%swap3A_228, %swap3A_229] {strides = array<i32>} : memref<80x128xf32, #tpu.memory_space<vmem>>, vector<16xf32>,
          tpu.vector_store %arg12[%swap3A_228, %swap3A_229], %mul3A_227 {strides = array<i32>} : memref<80x128xf32, #tpu.memory_space<vmem>>, vector<16xf32>,
          %get3A_231 = arith.index_cast %add3A_191 : i32 to index
          %get3A_232 = arith.constant 80 : index
          %get3A_233 = tpu.vector_load %arg12[%get3A_231, %get3A_232] {strides = array<i32>} : memref<80x128xf32, #tpu.memory_space<vmem>>, vector<16xf32>,
          %mul3A_234 = arith.mulf %get3A_233, %gather3A_195 : vector<16xf32>
          %swap3A_235 = arith.index_cast %add3A_191 : i32 to index
          %swap3A_236 = arith.constant 80 : index
          %swap3A_237 = tpu.vector_load %arg12[%swap3A_235, %swap3A_236] {strides = array<i32>} : memref<80x128xf32, #tpu.memory_space<vmem>>, vector<16xf32>,
          tpu.vector_store %arg12[%swap3A_235, %swap3A_236], %mul3A_234 {strides = array<i32>} : memref<80x128xf32, #tpu.memory_space<vmem>>, vector<16xf32>,
          %get3A_238 = arith.index_cast %add3A_191 : i32 to index
          %get3A_239 = arith.constant 96 : index
          %get3A_240 = tpu.vector_load %arg12[%get3A_238, %get3A_239] {strides = array<i32>} : memref<80x128xf32, #tpu.memory_space<vmem>>, vector<16xf32>,
          %mul3A_241 = arith.mulf %get3A_240, %gather3A_195 : vector<16xf32>
          %swap3A_242 = arith.index_cast %add3A_191 : i32 to index
          %swap3A_243 = arith.constant 96 : index
          %swap3A_244 = tpu.vector_load %arg12[%swap3A_242, %swap3A_243] {strides = array<i32>} : memref<80x128xf32, #tpu.memory_space<vmem>>, vector<16xf32>,
          tpu.vector_store %arg12[%swap3A_242, %swap3A_243], %mul3A_241 {strides = array<i32>} : memref<80x128xf32, #tpu.memory_space<vmem>>, vector<16xf32>,
          %get3A_245 = arith.index_cast %add3A_191 : i32 to index
          %get3A_246 = arith.constant 112 : index
          %get3A_247 = tpu.vector_load %arg12[%get3A_245, %get3A_246] {strides = array<i32>} : memref<80x128xf32, #tpu.memory_space<vmem>>, vector<16xf32>,
          %mul3A_248 = arith.mulf %get3A_247, %gather3A_195 : vector<16xf32>
          %swap3A_249 = arith.index_cast %add3A_191 : i32 to index
          %swap3A_250 = arith.constant 112 : index
          %swap3A_251 = tpu.vector_load %arg12[%swap3A_249, %swap3A_250] {strides = array<i32>} : memref<80x128xf32, #tpu.memory_space<vmem>>, vector<16xf32>,
          tpu.vector_store %arg12[%swap3A_249, %swap3A_250], %mul3A_248 {strides = array<i32>} : memref<80x128xf32, #tpu.memory_space<vmem>>, vector<16xf32>,
          %mul3A_252 = arith.constant 16 : i32
          %mul3A_253 = arith.muli %scan3A_118, %mul3A_252 : i32
          %add3A_254 = arith.constant 2 : i32
          %add3A_255 = arith.addi %mul3A_253, %add3A_254 : i32
          %broadcast_in_dim3A_256 = arith.constant 2 : i32
          %broadcast_in_dim3A_257 = vector.broadcast %broadcast_in_dim3A_256 : i32 to vector<16x1xi32>
          %gather3A_258 = vector.shape_cast %broadcast_in_dim3A_257 : vector<16x1xi32> to vector<16xi32>
          %gather3A_259 = tpu.dynamic_gather %get3A_124[%gather3A_258] in [0] : vector<16xf32>, vector<16xi32> -> vector<16xf32>
          %get3A_260 = arith.index_cast %add3A_255 : i32 to index
          %get3A_261 = arith.constant 0 : index
          %get3A_262 = tpu.vector_load %arg12[%get3A_260, %get3A_261] {strides = array<i32>} : memref<80x128xf32, #tpu.memory_space<vmem>>, vector<16xf32>,
          %mul3A_263 = arith.mulf %get3A_262, %gather3A_259 : vector<16xf32>
          %swap3A_264 = arith.index_cast %add3A_255 : i32 to index
          %swap3A_265 = arith.constant 0 : index
          %swap3A_266 = tpu.vector_load %arg12[%swap3A_264, %swap3A_265] {strides = array<i32>} : memref<80x128xf32, #tpu.memory_space<vmem>>, vector<16xf32>,
          tpu.vector_store %arg12[%swap3A_264, %swap3A_265], %mul3A_263 {strides = array<i32>} : memref<80x128xf32, #tpu.memory_space<vmem>>, vector<16xf32>,
          %get3A_267 = arith.index_cast %add3A_255 : i32 to index
          %get3A_268 = arith.constant 16 : index
          %get3A_269 = tpu.vector_load %arg12[%get3A_267, %get3A_268] {strides = array<i32>} : memref<80x128xf32, #tpu.memory_space<vmem>>, vector<16xf32>,
          %mul3A_270 = arith.mulf %get3A_269, %gather3A_259 : vector<16xf32>
          %swap3A_271 = arith.index_cast %add3A_255 : i32 to index
          %swap3A_272 = arith.constant 16 : index
          %swap3A_273 = tpu.vector_load %arg12[%swap3A_271, %swap3A_272] {strides = array<i32>} : memref<80x128xf32, #tpu.memory_space<vmem>>, vector<16xf32>,
          tpu.vector_store %arg12[%swap3A_271, %swap3A_272], %mul3A_270 {strides = array<i32>} : memref<80x128xf32, #tpu.memory_space<vmem>>, vector<16xf32>,
          %get3A_274 = arith.index_cast %add3A_255 : i32 to index
          %get3A_275 = arith.constant 32 : index
          %get3A_276 = tpu.vector_load %arg12[%get3A_274, %get3A_275] {strides = array<i32>} : memref<80x128xf32, #tpu.memory_space<vmem>>, vector<16xf32>,
          %mul3A_277 = arith.mulf %get3A_276, %gather3A_259 : vector<16xf32>
          %swap3A_278 = arith.index_cast %add3A_255 : i32 to index
          %swap3A_279 = arith.constant 32 : index
          %swap3A_280 = tpu.vector_load %arg12[%swap3A_278, %swap3A_279] {strides = array<i32>} : memref<80x128xf32, #tpu.memory_space<vmem>>, vector<16xf32>,
          tpu.vector_store %arg12[%swap3A_278, %swap3A_279], %mul3A_277 {strides = array<i32>} : memref<80x128xf32, #tpu.memory_space<vmem>>, vector<16xf32>,
          %get3A_281 = arith.index_cast %add3A_255 : i32 to index
          %get3A_282 = arith.constant 48 : index
          %get3A_283 = tpu.vector_load %arg12[%get3A_281, %get3A_282] {strides = array<i32>} : memref<80x128xf32, #tpu.memory_space<vmem>>, vector<16xf32>,
          %mul3A_284 = arith.mulf %get3A_283, %gather3A_259 : vector<16xf32>
          %swap3A_285 = arith.index_cast %add3A_255 : i32 to index
          %swap3A_286 = arith.constant 48 : index
          %swap3A_287 = tpu.vector_load %arg12[%swap3A_285, %swap3A_286] {strides = array<i32>} : memref<80x128xf32, #tpu.memory_space<vmem>>, vector<16xf32>,
          tpu.vector_store %arg12[%swap3A_285, %swap3A_286], %mul3A_284 {strides = array<i32>} : memref<80x128xf32, #tpu.memory_space<vmem>>, vector<16xf32>,
          %get3A_288 = arith.index_cast %add3A_255 : i32 to index
          %get3A_289 = arith.constant 64 : index
          %get3A_290 = tpu.vector_load %arg12[%get3A_288, %get3A_289] {strides = array<i32>} : memref<80x128xf32, #tpu.memory_space<vmem>>, vector<16xf32>,
          %mul3A_291 = arith.mulf %get3A_290, %gather3A_259 : vector<16xf32>
          %swap3A_292 = arith.index_cast %add3A_255 : i32 to index
          %swap3A_293 = arith.constant 64 : index
          %swap3A_294 = tpu.vector_load %arg12[%swap3A_292, %swap3A_293] {strides = array<i32>} : memref<80x128xf32, #tpu.memory_space<vmem>>, vector<16xf32>,
          tpu.vector_store %arg12[%swap3A_292, %swap3A_293], %mul3A_291 {strides = array<i32>} : memref<80x128xf32, #tpu.memory_space<vmem>>, vector<16xf32>,
          %get3A_295 = arith.index_cast %add3A_255 : i32 to index
          %get3A_296 = arith.constant 80 : index
          %get3A_297 = tpu.vector_load %arg12[%get3A_295, %get3A_296] {strides = array<i32>} : memref<80x128xf32, #tpu.memory_space<vmem>>, vector<16xf32>,
          %mul3A_298 = arith.mulf %get3A_297, %gather3A_259 : vector<16xf32>
          %swap3A_299 = arith.index_cast %add3A_255 : i32 to index
          %swap3A_300 = arith.constant 80 : index
          %swap3A_301 = tpu.vector_load %arg12[%swap3A_299, %swap3A_300] {strides = array<i32>} : memref<80x128xf32, #tpu.memory_space<vmem>>, vector<16xf32>,
          tpu.vector_store %arg12[%swap3A_299, %swap3A_300], %mul3A_298 {strides = array<i32>} : memref<80x128xf32, #tpu.memory_space<vmem>>, vector<16xf32>,
          %get3A_302 = arith.index_cast %add3A_255 : i32 to index
          %get3A_303 = arith.constant 96 : index
          %get3A_304 = tpu.vector_load %arg12[%get3A_302, %get3A_303] {strides = array<i32>} : memref<80x128xf32, #tpu.memory_space<vmem>>, vector<16xf32>,
          %mul3A_305 = arith.mulf %get3A_304, %gather3A_259 : vector<16xf32>
          %swap3A_306 = arith.index_cast %add3A_255 : i32 to index
          %swap3A_307 = arith.constant 96 : index
          %swap3A_308 = tpu.vector_load %arg12[%swap3A_306, %swap3A_307] {strides = array<i32>} : memref<80x128xf32, #tpu.memory_space<vmem>>, vector<16xf32>,
          tpu.vector_store %arg12[%swap3A_306, %swap3A_307], %mul3A_305 {strides = array<i32>} : memref<80x128xf32, #tpu.memory_space<vmem>>, vector<16xf32>,
          %get3A_309 = arith.index_cast %add3A_255 : i32 to index
          %get3A_310 = arith.constant 112 : index
          %get3A_311 = tpu.vector_load %arg12[%get3A_309, %get3A_310] {strides = array<i32>} : memref<80x128xf32, #tpu.memory_space<vmem>>, vector<16xf32>,
          %mul3A_312 = arith.mulf %get3A_311, %gather3A_259 : vector<16xf32>
          %swap3A_313 = arith.index_cast %add3A_255 : i32 to index
          %swap3A_314 = arith.constant 112 : index
          %swap3A_315 = tpu.vector_load %arg12[%swap3A_313, %swap3A_314] {strides = array<i32>} : memref<80x128xf32, #tpu.memory_space<vmem>>, vector<16xf32>,
          tpu.vector_store %arg12[%swap3A_313, %swap3A_314], %mul3A_312 {strides = array<i32>} : memref<80x128xf32, #tpu.memory_space<vmem>>, vector<16xf32>,
          %mul3A_316 = arith.constant 16 : i32
          %mul3A_317 = arith.muli %scan3A_118, %mul3A_316 : i32
          %add3A_318 = arith.constant 3 : i32
          %add3A_319 = arith.addi %mul3A_317, %add3A_318 : i32
          %broadcast_in_dim3A_320 = arith.constant 3 : i32
          %broadcast_in_dim3A_321 = vector.broadcast %broadcast_in_dim3A_320 : i32 to vector<16x1xi32>
          %gather3A_322 = vector.shape_cast %broadcast_in_dim3A_321 : vector<16x1xi32> to vector<16xi32>
          %gather3A_323 = tpu.dynamic_gather %get3A_124[%gather3A_322] in [0] : vector<16xf32>, vector<16xi32> -> vector<16xf32>
          %get3A_324 = arith.index_cast %add3A_319 : i32 to index
          %get3A_325 = arith.constant 0 : index
          %get3A_326 = tpu.vector_load %arg12[%get3A_324, %get3A_325] {strides = array<i32>} : memref<80x128xf32, #tpu.memory_space<vmem>>, vector<16xf32>,
          %mul3A_327 = arith.mulf %get3A_326, %gather3A_323 : vector<16xf32>
          %swap3A_328 = arith.index_cast %add3A_319 : i32 to index
          %swap3A_329 = arith.constant 0 : index
          %swap3A_330 = tpu.vector_load %arg12[%swap3A_328, %swap3A_329] {strides = array<i32>} : memref<80x128xf32, #tpu.memory_space<vmem>>, vector<16xf32>,
          tpu.vector_store %arg12[%swap3A_328, %swap3A_329], %mul3A_327 {strides = array<i32>} : memref<80x128xf32, #tpu.memory_space<vmem>>, vector<16xf32>,
          %get3A_331 = arith.index_cast %add3A_319 : i32 to index
          %get3A_332 = arith.constant 16 : index
          %get3A_333 = tpu.vector_load %arg12[%get3A_331, %get3A_332] {strides = array<i32>} : memref<80x128xf32, #tpu.memory_space<vmem>>, vector<16xf32>,
          %mul3A_334 = arith.mulf %get3A_333, %gather3A_323 : vector<16xf32>
          %swap3A_335 = arith.index_cast %add3A_319 : i32 to index
          %swap3A_336 = arith.constant 16 : index
          %swap3A_337 = tpu.vector_load %arg12[%swap3A_335, %swap3A_336] {strides = array<i32>} : memref<80x128xf32, #tpu.memory_space<vmem>>, vector<16xf32>,
          tpu.vector_store %arg12[%swap3A_335, %swap3A_336], %mul3A_334 {strides = array<i32>} : memref<80x128xf32, #tpu.memory_space<vmem>>, vector<16xf32>,
          %get3A_338 = arith.index_cast %add3A_319 : i32 to index
          %get3A_339 = arith.constant 32 : index
          %get3A_340 = tpu.vector_load %arg12[%get3A_338, %get3A_339] {strides = array<i32>} : memref<80x128xf32, #tpu.memory_space<vmem>>, vector<16xf32>,
          %mul3A_341 = arith.mulf %get3A_340, %gather3A_323 : vector<16xf32>
          %swap3A_342 = arith.index_cast %add3A_319 : i32 to index
          %swap3A_343 = arith.constant 32 : index
          %swap3A_344 = tpu.vector_load %arg12[%swap3A_342, %swap3A_343] {strides = array<i32>} : memref<80x128xf32, #tpu.memory_space<vmem>>, vector<16xf32>,
          tpu.vector_store %arg12[%swap3A_342, %swap3A_343], %mul3A_341 {strides = array<i32>} : memref<80x128xf32, #tpu.memory_space<vmem>>, vector<16xf32>,
          %get3A_345 = arith.index_cast %add3A_319 : i32 to index
          %get3A_346 = arith.constant 48 : index
          %get3A_347 = tpu.vector_load %arg12[%get3A_345, %get3A_346] {strides = array<i32>} : memref<80x128xf32, #tpu.memory_space<vmem>>, vector<16xf32>,
          %mul3A_348 = arith.mulf %get3A_347, %gather3A_323 : vector<16xf32>
          %swap3A_349 = arith.index_cast %add3A_319 : i32 to index
          %swap3A_350 = arith.constant 48 : index
          %swap3A_351 = tpu.vector_load %arg12[%swap3A_349, %swap3A_350] {strides = array<i32>} : memref<80x128xf32, #tpu.memory_space<vmem>>, vector<16xf32>,
          tpu.vector_store %arg12[%swap3A_349, %swap3A_350], %mul3A_348 {strides = array<i32>} : memref<80x128xf32, #tpu.memory_space<vmem>>, vector<16xf32>,
          %get3A_352 = arith.index_cast %add3A_319 : i32 to index
          %get3A_353 = arith.constant 64 : index
          %get3A_354 = tpu.vector_load %arg12[%get3A_352, %get3A_353] {strides = array<i32>} : memref<80x128xf32, #tpu.memory_space<vmem>>, vector<16xf32>,
          %mul3A_355 = arith.mulf %get3A_354, %gather3A_323 : vector<16xf32>
          %swap3A_356 = arith.index_cast %add3A_319 : i32 to index
          %swap3A_357 = arith.constant 64 : index
          %swap3A_358 = tpu.vector_load %arg12[%swap3A_356, %swap3A_357] {strides = array<i32>} : memref<80x128xf32, #tpu.memory_space<vmem>>, vector<16xf32>,
          tpu.vector_store %arg12[%swap3A_356, %swap3A_357], %mul3A_355 {strides = array<i32>} : memref<80x128xf32, #tpu.memory_space<vmem>>, vector<16xf32>,
          %get3A_359 = arith.index_cast %add3A_319 : i32 to index
          %get3A_360 = arith.constant 80 : index
          %get3A_361 = tpu.vector_load %arg12[%get3A_359, %get3A_360] {strides = array<i32>} : memref<80x128xf32, #tpu.memory_space<vmem>>, vector<16xf32>,
          %mul3A_362 = arith.mulf %get3A_361, %gather3A_323 : vector<16xf32>
          %swap3A_363 = arith.index_cast %add3A_319 : i32 to index
          %swap3A_364 = arith.constant 80 : index
          %swap3A_365 = tpu.vector_load %arg12[%swap3A_363, %swap3A_364] {strides = array<i32>} : memref<80x128xf32, #tpu.memory_space<vmem>>, vector<16xf32>,
          tpu.vector_store %arg12[%swap3A_363, %swap3A_364], %mul3A_362 {strides = array<i32>} : memref<80x128xf32, #tpu.memory_space<vmem>>, vector<16xf32>,
          %get3A_366 = arith.index_cast %add3A_319 : i32 to index
          %get3A_367 = arith.constant 96 : index
          %get3A_368 = tpu.vector_load %arg12[%get3A_366, %get3A_367] {strides = array<i32>} : memref<80x128xf32, #tpu.memory_space<vmem>>, vector<16xf32>,
          %mul3A_369 = arith.mulf %get3A_368, %gather3A_323 : vector<16xf32>
          %swap3A_370 = arith.index_cast %add3A_319 : i32 to index
          %swap3A_371 = arith.constant 96 : index
          %swap3A_372 = tpu.vector_load %arg12[%swap3A_370, %swap3A_371] {strides = array<i32>} : memref<80x128xf32, #tpu.memory_space<vmem>>, vector<16xf32>,
          tpu.vector_store %arg12[%swap3A_370, %swap3A_371], %mul3A_369 {strides = array<i32>} : memref<80x128xf32, #tpu.memory_space<vmem>>, vector<16xf32>,
          %get3A_373 = arith.index_cast %add3A_319 : i32 to index
          %get3A_374 = arith.constant 112 : index
          %get3A_375 = tpu.vector_load %arg12[%get3A_373, %get3A_374] {strides = array<i32>} : memref<80x128xf32, #tpu.memory_space<vmem>>, vector<16xf32>,
          %mul3A_376 = arith.mulf %get3A_375, %gather3A_323 : vector<16xf32>
          %swap3A_377 = arith.index_cast %add3A_319 : i32 to index
          %swap3A_378 = arith.constant 112 : index
          %swap3A_379 = tpu.vector_load %arg12[%swap3A_377, %swap3A_378] {strides = array<i32>} : memref<80x128xf32, #tpu.memory_space<vmem>>, vector<16xf32>,
          tpu.vector_store %arg12[%swap3A_377, %swap3A_378], %mul3A_376 {strides = array<i32>} : memref<80x128xf32, #tpu.memory_space<vmem>>, vector<16xf32>,
          %mul3A_380 = arith.constant 16 : i32
          %mul3A_381 = arith.muli %scan3A_118, %mul3A_380 : i32
          %add3A_382 = arith.constant 4 : i32
          %add3A_383 = arith.addi %mul3A_381, %add3A_382 : i32
          %broadcast_in_dim3A_384 = arith.constant 4 : i32
          %broadcast_in_dim3A_385 = vector.broadcast %broadcast_in_dim3A_384 : i32 to vector<16x1xi32>
          %gather3A_386 = vector.shape_cast %broadcast_in_dim3A_385 : vector<16x1xi32> to vector<16xi32>
          %gather3A_387 = tpu.dynamic_gather %get3A_124[%gather3A_386] in [0] : vector<16xf32>, vector<16xi32> -> vector<16xf32>
          %get3A_388 = arith.index_cast %add3A_383 : i32 to index
          %get3A_389 = arith.constant 0 : index
          %get3A_390 = tpu.vector_load %arg12[%get3A_388, %get3A_389] {strides = array<i32>} : memref<80x128xf32, #tpu.memory_space<vmem>>, vector<16xf32>,
          %mul3A_391 = arith.mulf %get3A_390, %gather3A_387 : vector<16xf32>
          %swap3A_392 = arith.index_cast %add3A_383 : i32 to index
          %swap3A_393 = arith.constant 0 : index
          %swap3A_394 = tpu.vector_load %arg12[%swap3A_392, %swap3A_393] {strides = array<i32>} : memref<80x128xf32, #tpu.memory_space<vmem>>, vector<16xf32>,
          tpu.vector_store %arg12[%swap3A_392, %swap3A_393], %mul3A_391 {strides = array<i32>} : memref<80x128xf32, #tpu.memory_space<vmem>>, vector<16xf32>,
          %get3A_395 = arith.index_cast %add3A_383 : i32 to index
          %get3A_396 = arith.constant 16 : index
          %get3A_397 = tpu.vector_load %arg12[%get3A_395, %get3A_396] {strides = array<i32>} : memref<80x128xf32, #tpu.memory_space<vmem>>, vector<16xf32>,
          %mul3A_398 = arith.mulf %get3A_397, %gather3A_387 : vector<16xf32>
          %swap3A_399 = arith.index_cast %add3A_383 : i32 to index
          %swap3A_400 = arith.constant 16 : index
          %swap3A_401 = tpu.vector_load %arg12[%swap3A_399, %swap3A_400] {strides = array<i32>} : memref<80x128xf32, #tpu.memory_space<vmem>>, vector<16xf32>,
          tpu.vector_store %arg12[%swap3A_399, %swap3A_400], %mul3A_398 {strides = array<i32>} : memref<80x128xf32, #tpu.memory_space<vmem>>, vector<16xf32>,
          %get3A_402 = arith.index_cast %add3A_383 : i32 to index
          %get3A_403 = arith.constant 32 : index
          %get3A_404 = tpu.vector_load %arg12[%get3A_402, %get3A_403] {strides = array<i32>} : memref<80x128xf32, #tpu.memory_space<vmem>>, vector<16xf32>,
          %mul3A_405 = arith.mulf %get3A_404, %gather3A_387 : vector<16xf32>
          %swap3A_406 = arith.index_cast %add3A_383 : i32 to index
          %swap3A_407 = arith.constant 32 : index
          %swap3A_408 = tpu.vector_load %arg12[%swap3A_406, %swap3A_407] {strides = array<i32>} : memref<80x128xf32, #tpu.memory_space<vmem>>, vector<16xf32>,
          tpu.vector_store %arg12[%swap3A_406, %swap3A_407], %mul3A_405 {strides = array<i32>} : memref<80x128xf32, #tpu.memory_space<vmem>>, vector<16xf32>,
          %get3A_409 = arith.index_cast %add3A_383 : i32 to index
          %get3A_410 = arith.constant 48 : index
          %get3A_411 = tpu.vector_load %arg12[%get3A_409, %get3A_410] {strides = array<i32>} : memref<80x128xf32, #tpu.memory_space<vmem>>, vector<16xf32>,
          %mul3A_412 = arith.mulf %get3A_411, %gather3A_387 : vector<16xf32>
          %swap3A_413 = arith.index_cast %add3A_383 : i32 to index
          %swap3A_414 = arith.constant 48 : index
          %swap3A_415 = tpu.vector_load %arg12[%swap3A_413, %swap3A_414] {strides = array<i32>} : memref<80x128xf32, #tpu.memory_space<vmem>>, vector<16xf32>,
          tpu.vector_store %arg12[%swap3A_413, %swap3A_414], %mul3A_412 {strides = array<i32>} : memref<80x128xf32, #tpu.memory_space<vmem>>, vector<16xf32>,
          %get3A_416 = arith.index_cast %add3A_383 : i32 to index
          %get3A_417 = arith.constant 64 : index
          %get3A_418 = tpu.vector_load %arg12[%get3A_416, %get3A_417] {strides = array<i32>} : memref<80x128xf32, #tpu.memory_space<vmem>>, vector<16xf32>,
          %mul3A_419 = arith.mulf %get3A_418, %gather3A_387 : vector<16xf32>
          %swap3A_420 = arith.index_cast %add3A_383 : i32 to index
          %swap3A_421 = arith.constant 64 : index
          %swap3A_422 = tpu.vector_load %arg12[%swap3A_420, %swap3A_421] {strides = array<i32>} : memref<80x128xf32, #tpu.memory_space<vmem>>, vector<16xf32>,
          tpu.vector_store %arg12[%swap3A_420, %swap3A_421], %mul3A_419 {strides = array<i32>} : memref<80x128xf32, #tpu.memory_space<vmem>>, vector<16xf32>,
          %get3A_423 = arith.index_cast %add3A_383 : i32 to index
          %get3A_424 = arith.constant 80 : index
          %get3A_425 = tpu.vector_load %arg12[%get3A_423, %get3A_424] {strides = array<i32>} : memref<80x128xf32, #tpu.memory_space<vmem>>, vector<16xf32>,
          %mul3A_426 = arith.mulf %get3A_425, %gather3A_387 : vector<16xf32>
          %swap3A_427 = arith.index_cast %add3A_383 : i32 to index
          %swap3A_428 = arith.constant 80 : index
          %swap3A_429 = tpu.vector_load %arg12[%swap3A_427, %swap3A_428] {strides = array<i32>} : memref<80x128xf32, #tpu.memory_space<vmem>>, vector<16xf32>,
          tpu.vector_store %arg12[%swap3A_427, %swap3A_428], %mul3A_426 {strides = array<i32>} : memref<80x128xf32, #tpu.memory_space<vmem>>, vector<16xf32>,
          %get3A_430 = arith.index_cast %add3A_383 : i32 to index
          %get3A_431 = arith.constant 96 : index
          %get3A_432 = tpu.vector_load %arg12[%get3A_430, %get3A_431] {strides = array<i32>} : memref<80x128xf32, #tpu.memory_space<vmem>>, vector<16xf32>,
          %mul3A_433 = arith.mulf %get3A_432, %gather3A_387 : vector<16xf32>
          %swap3A_434 = arith.index_cast %add3A_383 : i32 to index
          %swap3A_435 = arith.constant 96 : index
          %swap3A_436 = tpu.vector_load %arg12[%swap3A_434, %swap3A_435] {strides = array<i32>} : memref<80x128xf32, #tpu.memory_space<vmem>>, vector<16xf32>,
          tpu.vector_store %arg12[%swap3A_434, %swap3A_435], %mul3A_433 {strides = array<i32>} : memref<80x128xf32, #tpu.memory_space<vmem>>, vector<16xf32>,
          %get3A_437 = arith.index_cast %add3A_383 : i32 to index
          %get3A_438 = arith.constant 112 : index
          %get3A_439 = tpu.vector_load %arg12[%get3A_437, %get3A_438] {strides = array<i32>} : memref<80x128xf32, #tpu.memory_space<vmem>>, vector<16xf32>,
          %mul3A_440 = arith.mulf %get3A_439, %gather3A_387 : vector<16xf32>
          %swap3A_441 = arith.index_cast %add3A_383 : i32 to index
          %swap3A_442 = arith.constant 112 : index
          %swap3A_443 = tpu.vector_load %arg12[%swap3A_441, %swap3A_442] {strides = array<i32>} : memref<80x128xf32, #tpu.memory_space<vmem>>, vector<16xf32>,
          tpu.vector_store %arg12[%swap3A_441, %swap3A_442], %mul3A_440 {strides = array<i32>} : memref<80x128xf32, #tpu.memory_space<vmem>>, vector<16xf32>,
          %mul3A_444 = arith.constant 16 : i32
          %mul3A_445 = arith.muli %scan3A_118, %mul3A_444 : i32
          %add3A_446 = arith.constant 5 : i32
          %add3A_447 = arith.addi %mul3A_445, %add3A_446 : i32
          %broadcast_in_dim3A_448 = arith.constant 5 : i32
          %broadcast_in_dim3A_449 = vector.broadcast %broadcast_in_dim3A_448 : i32 to vector<16x1xi32>
          %gather3A_450 = vector.shape_cast %broadcast_in_dim3A_449 : vector<16x1xi32> to vector<16xi32>
          %gather3A_451 = tpu.dynamic_gather %get3A_124[%gather3A_450] in [0] : vector<16xf32>, vector<16xi32> -> vector<16xf32>
          %get3A_452 = arith.index_cast %add3A_447 : i32 to index
          %get3A_453 = arith.constant 0 : index
          %get3A_454 = tpu.vector_load %arg12[%get3A_452, %get3A_453] {strides = array<i32>} : memref<80x128xf32, #tpu.memory_space<vmem>>, vector<16xf32>,
          %mul3A_455 = arith.mulf %get3A_454, %gather3A_451 : vector<16xf32>
          %swap3A_456 = arith.index_cast %add3A_447 : i32 to index
          %swap3A_457 = arith.constant 0 : index
          %swap3A_458 = tpu.vector_load %arg12[%swap3A_456, %swap3A_457] {strides = array<i32>} : memref<80x128xf32, #tpu.memory_space<vmem>>, vector<16xf32>,
          tpu.vector_store %arg12[%swap3A_456, %swap3A_457], %mul3A_455 {strides = array<i32>} : memref<80x128xf32, #tpu.memory_space<vmem>>, vector<16xf32>,
          %get3A_459 = arith.index_cast %add3A_447 : i32 to index
          %get3A_460 = arith.constant 16 : index
          %get3A_461 = tpu.vector_load %arg12[%get3A_459, %get3A_460] {strides = array<i32>} : memref<80x128xf32, #tpu.memory_space<vmem>>, vector<16xf32>,
          %mul3A_462 = arith.mulf %get3A_461, %gather3A_451 : vector<16xf32>
          %swap3A_463 = arith.index_cast %add3A_447 : i32 to index
          %swap3A_464 = arith.constant 16 : index
          %swap3A_465 = tpu.vector_load %arg12[%swap3A_463, %swap3A_464] {strides = array<i32>} : memref<80x128xf32, #tpu.memory_space<vmem>>, vector<16xf32>,
          tpu.vector_store %arg12[%swap3A_463, %swap3A_464], %mul3A_462 {strides = array<i32>} : memref<80x128xf32, #tpu.memory_space<vmem>>, vector<16xf32>,
          %get3A_466 = arith.index_cast %add3A_447 : i32 to index
          %get3A_467 = arith.constant 32 : index
          %get3A_468 = tpu.vector_load %arg12[%get3A_466, %get3A_467] {strides = array<i32>} : memref<80x128xf32, #tpu.memory_space<vmem>>, vector<16xf32>,
          %mul3A_469 = arith.mulf %get3A_468, %gather3A_451 : vector<16xf32>
          %swap3A_470 = arith.index_cast %add3A_447 : i32 to index
          %swap3A_471 = arith.constant 32 : index
          %swap3A_472 = tpu.vector_load %arg12[%swap3A_470, %swap3A_471] {strides = array<i32>} : memref<80x128xf32, #tpu.memory_space<vmem>>, vector<16xf32>,
          tpu.vector_store %arg12[%swap3A_470, %swap3A_471], %mul3A_469 {strides = array<i32>} : memref<80x128xf32, #tpu.memory_space<vmem>>, vector<16xf32>,
          %get3A_473 = arith.index_cast %add3A_447 : i32 to index
          %get3A_474 = arith.constant 48 : index
          %get3A_475 = tpu.vector_load %arg12[%get3A_473, %get3A_474] {strides = array<i32>} : memref<80x128xf32, #tpu.memory_space<vmem>>, vector<16xf32>,
          %mul3A_476 = arith.mulf %get3A_475, %gather3A_451 : vector<16xf32>
          %swap3A_477 = arith.index_cast %add3A_447 : i32 to index
          %swap3A_478 = arith.constant 48 : index
          %swap3A_479 = tpu.vector_load %arg12[%swap3A_477, %swap3A_478] {strides = array<i32>} : memref<80x128xf32, #tpu.memory_space<vmem>>, vector<16xf32>,
          tpu.vector_store %arg12[%swap3A_477, %swap3A_478], %mul3A_476 {strides = array<i32>} : memref<80x128xf32, #tpu.memory_space<vmem>>, vector<16xf32>,
          %get3A_480 = arith.index_cast %add3A_447 : i32 to index
          %get3A_481 = arith.constant 64 : index
          %get3A_482 = tpu.vector_load %arg12[%get3A_480, %get3A_481] {strides = array<i32>} : memref<80x128xf32, #tpu.memory_space<vmem>>, vector<16xf32>,
          %mul3A_483 = arith.mulf %get3A_482, %gather3A_451 : vector<16xf32>
          %swap3A_484 = arith.index_cast %add3A_447 : i32 to index
          %swap3A_485 = arith.constant 64 : index
          %swap3A_486 = tpu.vector_load %arg12[%swap3A_484, %swap3A_485] {strides = array<i32>} : memref<80x128xf32, #tpu.memory_space<vmem>>, vector<16xf32>,
          tpu.vector_store %arg12[%swap3A_484, %swap3A_485], %mul3A_483 {strides = array<i32>} : memref<80x128xf32, #tpu.memory_space<vmem>>, vector<16xf32>,
          %get3A_487 = arith.index_cast %add3A_447 : i32 to index
          %get3A_488 = arith.constant 80 : index
          %get3A_489 = tpu.vector_load %arg12[%get3A_487, %get3A_488] {strides = array<i32>} : memref<80x128xf32, #tpu.memory_space<vmem>>, vector<16xf32>,
          %mul3A_490 = arith.mulf %get3A_489, %gather3A_451 : vector<16xf32>
          %swap3A_491 = arith.index_cast %add3A_447 : i32 to index
          %swap3A_492 = arith.constant 80 : index
          %swap3A_493 = tpu.vector_load %arg12[%swap3A_491, %swap3A_492] {strides = array<i32>} : memref<80x128xf32, #tpu.memory_space<vmem>>, vector<16xf32>,
          tpu.vector_store %arg12[%swap3A_491, %swap3A_492], %mul3A_490 {strides = array<i32>} : memref<80x128xf32, #tpu.memory_space<vmem>>, vector<16xf32>,
          %get3A_494 = arith.index_cast %add3A_447 : i32 to index
          %get3A_495 = arith.constant 96 : index
          %get3A_496 = tpu.vector_load %arg12[%get3A_494, %get3A_495] {strides = array<i32>} : memref<80x128xf32, #tpu.memory_space<vmem>>, vector<16xf32>,
          %mul3A_497 = arith.mulf %get3A_496, %gather3A_451 : vector<16xf32>
          %swap3A_498 = arith.index_cast %add3A_447 : i32 to index
          %swap3A_499 = arith.constant 96 : index
          %swap3A_500 = tpu.vector_load %arg12[%swap3A_498, %swap3A_499] {strides = array<i32>} : memref<80x128xf32, #tpu.memory_space<vmem>>, vector<16xf32>,
          tpu.vector_store %arg12[%swap3A_498, %swap3A_499], %mul3A_497 {strides = array<i32>} : memref<80x128xf32, #tpu.memory_space<vmem>>, vector<16xf32>,
          %get3A_501 = arith.index_cast %add3A_447 : i32 to index
          %get3A_502 = arith.constant 112 : index
          %get3A_503 = tpu.vector_load %arg12[%get3A_501, %get3A_502] {strides = array<i32>} : memref<80x128xf32, #tpu.memory_space<vmem>>, vector<16xf32>,
          %mul3A_504 = arith.mulf %get3A_503, %gather3A_451 : vector<16xf32>
          %swap3A_505 = arith.index_cast %add3A_447 : i32 to index
          %swap3A_506 = arith.constant 112 : index
          %swap3A_507 = tpu.vector_load %arg12[%swap3A_505, %swap3A_506] {strides = array<i32>} : memref<80x128xf32, #tpu.memory_space<vmem>>, vector<16xf32>,
          tpu.vector_store %arg12[%swap3A_505, %swap3A_506], %mul3A_504 {strides = array<i32>} : memref<80x128xf32, #tpu.memory_space<vmem>>, vector<16xf32>,
          %mul3A_508 = arith.constant 16 : i32
          %mul3A_509 = arith.muli %scan3A_118, %mul3A_508 : i32
          %add3A_510 = arith.constant 6 : i32
          %add3A_511 = arith.addi %mul3A_509, %add3A_510 : i32
          %broadcast_in_dim3A_512 = arith.constant 6 : i32
          %broadcast_in_dim3A_513 = vector.broadcast %broadcast_in_dim3A_512 : i32 to vector<16x1xi32>
          %gather3A_514 = vector.shape_cast %broadcast_in_dim3A_513 : vector<16x1xi32> to vector<16xi32>
          %gather3A_515 = tpu.dynamic_gather %get3A_124[%gather3A_514] in [0] : vector<16xf32>, vector<16xi32> -> vector<16xf32>
          %get3A_516 = arith.index_cast %add3A_511 : i32 to index
          %get3A_517 = arith.constant 0 : index
          %get3A_518 = tpu.vector_load %arg12[%get3A_516, %get3A_517] {strides = array<i32>} : memref<80x128xf32, #tpu.memory_space<vmem>>, vector<16xf32>,
          %mul3A_519 = arith.mulf %get3A_518, %gather3A_515 : vector<16xf32>
          %swap3A_520 = arith.index_cast %add3A_511 : i32 to index
          %swap3A_521 = arith.constant 0 : index
          %swap3A_522 = tpu.vector_load %arg12[%swap3A_520, %swap3A_521] {strides = array<i32>} : memref<80x128xf32, #tpu.memory_space<vmem>>, vector<16xf32>,
          tpu.vector_store %arg12[%swap3A_520, %swap3A_521], %mul3A_519 {strides = array<i32>} : memref<80x128xf32, #tpu.memory_space<vmem>>, vector<16xf32>,
          %get3A_523 = arith.index_cast %add3A_511 : i32 to index
          %get3A_524 = arith.constant 16 : index
          %get3A_525 = tpu.vector_load %arg12[%get3A_523, %get3A_524] {strides = array<i32>} : memref<80x128xf32, #tpu.memory_space<vmem>>, vector<16xf32>,
          %mul3A_526 = arith.mulf %get3A_525, %gather3A_515 : vector<16xf32>
          %swap3A_527 = arith.index_cast %add3A_511 : i32 to index
          %swap3A_528 = arith.constant 16 : index
          %swap3A_529 = tpu.vector_load %arg12[%swap3A_527, %swap3A_528] {strides = array<i32>} : memref<80x128xf32, #tpu.memory_space<vmem>>, vector<16xf32>,
          tpu.vector_store %arg12[%swap3A_527, %swap3A_528], %mul3A_526 {strides = array<i32>} : memref<80x128xf32, #tpu.memory_space<vmem>>, vector<16xf32>,
          %get3A_530 = arith.index_cast %add3A_511 : i32 to index
          %get3A_531 = arith.constant 32 : index
          %get3A_532 = tpu.vector_load %arg12[%get3A_530, %get3A_531] {strides = array<i32>} : memref<80x128xf32, #tpu.memory_space<vmem>>, vector<16xf32>,
          %mul3A_533 = arith.mulf %get3A_532, %gather3A_515 : vector<16xf32>
          %swap3A_534 = arith.index_cast %add3A_511 : i32 to index
          %swap3A_535 = arith.constant 32 : index
          %swap3A_536 = tpu.vector_load %arg12[%swap3A_534, %swap3A_535] {strides = array<i32>} : memref<80x128xf32, #tpu.memory_space<vmem>>, vector<16xf32>,
          tpu.vector_store %arg12[%swap3A_534, %swap3A_535], %mul3A_533 {strides = array<i32>} : memref<80x128xf32, #tpu.memory_space<vmem>>, vector<16xf32>,
          %get3A_537 = arith.index_cast %add3A_511 : i32 to index
          %get3A_538 = arith.constant 48 : index
          %get3A_539 = tpu.vector_load %arg12[%get3A_537, %get3A_538] {strides = array<i32>} : memref<80x128xf32, #tpu.memory_space<vmem>>, vector<16xf32>,
          %mul3A_540 = arith.mulf %get3A_539, %gather3A_515 : vector<16xf32>
          %swap3A_541 = arith.index_cast %add3A_511 : i32 to index
          %swap3A_542 = arith.constant 48 : index
          %swap3A_543 = tpu.vector_load %arg12[%swap3A_541, %swap3A_542] {strides = array<i32>} : memref<80x128xf32, #tpu.memory_space<vmem>>, vector<16xf32>,
          tpu.vector_store %arg12[%swap3A_541, %swap3A_542], %mul3A_540 {strides = array<i32>} : memref<80x128xf32, #tpu.memory_space<vmem>>, vector<16xf32>,
          %get3A_544 = arith.index_cast %add3A_511 : i32 to index
          %get3A_545 = arith.constant 64 : index
          %get3A_546 = tpu.vector_load %arg12[%get3A_544, %get3A_545] {strides = array<i32>} : memref<80x128xf32, #tpu.memory_space<vmem>>, vector<16xf32>,
          %mul3A_547 = arith.mulf %get3A_546, %gather3A_515 : vector<16xf32>
          %swap3A_548 = arith.index_cast %add3A_511 : i32 to index
          %swap3A_549 = arith.constant 64 : index
          %swap3A_550 = tpu.vector_load %arg12[%swap3A_548, %swap3A_549] {strides = array<i32>} : memref<80x128xf32, #tpu.memory_space<vmem>>, vector<16xf32>,
          tpu.vector_store %arg12[%swap3A_548, %swap3A_549], %mul3A_547 {strides = array<i32>} : memref<80x128xf32, #tpu.memory_space<vmem>>, vector<16xf32>,
          %get3A_551 = arith.index_cast %add3A_511 : i32 to index
          %get3A_552 = arith.constant 80 : index
          %get3A_553 = tpu.vector_load %arg12[%get3A_551, %get3A_552] {strides = array<i32>} : memref<80x128xf32, #tpu.memory_space<vmem>>, vector<16xf32>,
          %mul3A_554 = arith.mulf %get3A_553, %gather3A_515 : vector<16xf32>
          %swap3A_555 = arith.index_cast %add3A_511 : i32 to index
          %swap3A_556 = arith.constant 80 : index
          %swap3A_557 = tpu.vector_load %arg12[%swap3A_555, %swap3A_556] {strides = array<i32>} : memref<80x128xf32, #tpu.memory_space<vmem>>, vector<16xf32>,
          tpu.vector_store %arg12[%swap3A_555, %swap3A_556], %mul3A_554 {strides = array<i32>} : memref<80x128xf32, #tpu.memory_space<vmem>>, vector<16xf32>,
          %get3A_558 = arith.index_cast %add3A_511 : i32 to index
          %get3A_559 = arith.constant 96 : index
          %get3A_560 = tpu.vector_load %arg12[%get3A_558, %get3A_559] {strides = array<i32>} : memref<80x128xf32, #tpu.memory_space<vmem>>, vector<16xf32>,
          %mul3A_561 = arith.mulf %get3A_560, %gather3A_515 : vector<16xf32>
          %swap3A_562 = arith.index_cast %add3A_511 : i32 to index
          %swap3A_563 = arith.constant 96 : index
          %swap3A_564 = tpu.vector_load %arg12[%swap3A_562, %swap3A_563] {strides = array<i32>} : memref<80x128xf32, #tpu.memory_space<vmem>>, vector<16xf32>,
          tpu.vector_store %arg12[%swap3A_562, %swap3A_563], %mul3A_561 {strides = array<i32>} : memref<80x128xf32, #tpu.memory_space<vmem>>, vector<16xf32>,
          %get3A_565 = arith.index_cast %add3A_511 : i32 to index
          %get3A_566 = arith.constant 112 : index
          %get3A_567 = tpu.vector_load %arg12[%get3A_565, %get3A_566] {strides = array<i32>} : memref<80x128xf32, #tpu.memory_space<vmem>>, vector<16xf32>,
          %mul3A_568 = arith.mulf %get3A_567, %gather3A_515 : vector<16xf32>
          %swap3A_569 = arith.index_cast %add3A_511 : i32 to index
          %swap3A_570 = arith.constant 112 : index
          %swap3A_571 = tpu.vector_load %arg12[%swap3A_569, %swap3A_570] {strides = array<i32>} : memref<80x128xf32, #tpu.memory_space<vmem>>, vector<16xf32>,
          tpu.vector_store %arg12[%swap3A_569, %swap3A_570], %mul3A_568 {strides = array<i32>} : memref<80x128xf32, #tpu.memory_space<vmem>>, vector<16xf32>,
          %mul3A_572 = arith.constant 16 : i32
          %mul3A_573 = arith.muli %scan3A_118, %mul3A_572 : i32
          %add3A_574 = arith.constant 7 : i32
          %add3A_575 = arith.addi %mul3A_573, %add3A_574 : i32
          %broadcast_in_dim3A_576 = arith.constant 7 : i32
          %broadcast_in_dim3A_577 = vector.broadcast %broadcast_in_dim3A_576 : i32 to vector<16x1xi32>
          %gather3A_578 = vector.shape_cast %broadcast_in_dim3A_577 : vector<16x1xi32> to vector<16xi32>
          %gather3A_579 = tpu.dynamic_gather %get3A_124[%gather3A_578] in [0] : vector<16xf32>, vector<16xi32> -> vector<16xf32>
          %get3A_580 = arith.index_cast %add3A_575 : i32 to index
          %get3A_581 = arith.constant 0 : index
          %get3A_582 = tpu.vector_load %arg12[%get3A_580, %get3A_581] {strides = array<i32>} : memref<80x128xf32, #tpu.memory_space<vmem>>, vector<16xf32>,
          %mul3A_583 = arith.mulf %get3A_582, %gather3A_579 : vector<16xf32>
          %swap3A_584 = arith.index_cast %add3A_575 : i32 to index
          %swap3A_585 = arith.constant 0 : index
          %swap3A_586 = tpu.vector_load %arg12[%swap3A_584, %swap3A_585] {strides = array<i32>} : memref<80x128xf32, #tpu.memory_space<vmem>>, vector<16xf32>,
          tpu.vector_store %arg12[%swap3A_584, %swap3A_585], %mul3A_583 {strides = array<i32>} : memref<80x128xf32, #tpu.memory_space<vmem>>, vector<16xf32>,
          %get3A_587 = arith.index_cast %add3A_575 : i32 to index
          %get3A_588 = arith.constant 16 : index
          %get3A_589 = tpu.vector_load %arg12[%get3A_587, %get3A_588] {strides = array<i32>} : memref<80x128xf32, #tpu.memory_space<vmem>>, vector<16xf32>,
          %mul3A_590 = arith.mulf %get3A_589, %gather3A_579 : vector<16xf32>
          %swap3A_591 = arith.index_cast %add3A_575 : i32 to index
          %swap3A_592 = arith.constant 16 : index
          %swap3A_593 = tpu.vector_load %arg12[%swap3A_591, %swap3A_592] {strides = array<i32>} : memref<80x128xf32, #tpu.memory_space<vmem>>, vector<16xf32>,
          tpu.vector_store %arg12[%swap3A_591, %swap3A_592], %mul3A_590 {strides = array<i32>} : memref<80x128xf32, #tpu.memory_space<vmem>>, vector<16xf32>,
          %get3A_594 = arith.index_cast %add3A_575 : i32 to index
          %get3A_595 = arith.constant 32 : index
          %get3A_596 = tpu.vector_load %arg12[%get3A_594, %get3A_595] {strides = array<i32>} : memref<80x128xf32, #tpu.memory_space<vmem>>, vector<16xf32>,
          %mul3A_597 = arith.mulf %get3A_596, %gather3A_579 : vector<16xf32>
          %swap3A_598 = arith.index_cast %add3A_575 : i32 to index
          %swap3A_599 = arith.constant 32 : index
          %swap3A_600 = tpu.vector_load %arg12[%swap3A_598, %swap3A_599] {strides = array<i32>} : memref<80x128xf32, #tpu.memory_space<vmem>>, vector<16xf32>,
          tpu.vector_store %arg12[%swap3A_598, %swap3A_599], %mul3A_597 {strides = array<i32>} : memref<80x128xf32, #tpu.memory_space<vmem>>, vector<16xf32>,
          %get3A_601 = arith.index_cast %add3A_575 : i32 to index
          %get3A_602 = arith.constant 48 : index
          %get3A_603 = tpu.vector_load %arg12[%get3A_601, %get3A_602] {strides = array<i32>} : memref<80x128xf32, #tpu.memory_space<vmem>>, vector<16xf32>,
          %mul3A_604 = arith.mulf %get3A_603, %gather3A_579 : vector<16xf32>
          %swap3A_605 = arith.index_cast %add3A_575 : i32 to index
          %swap3A_606 = arith.constant 48 : index
          %swap3A_607 = tpu.vector_load %arg12[%swap3A_605, %swap3A_606] {strides = array<i32>} : memref<80x128xf32, #tpu.memory_space<vmem>>, vector<16xf32>,
          tpu.vector_store %arg12[%swap3A_605, %swap3A_606], %mul3A_604 {strides = array<i32>} : memref<80x128xf32, #tpu.memory_space<vmem>>, vector<16xf32>,
          %get3A_608 = arith.index_cast %add3A_575 : i32 to index
          %get3A_609 = arith.constant 64 : index
          %get3A_610 = tpu.vector_load %arg12[%get3A_608, %get3A_609] {strides = array<i32>} : memref<80x128xf32, #tpu.memory_space<vmem>>, vector<16xf32>,
          %mul3A_611 = arith.mulf %get3A_610, %gather3A_579 : vector<16xf32>
          %swap3A_612 = arith.index_cast %add3A_575 : i32 to index
          %swap3A_613 = arith.constant 64 : index
          %swap3A_614 = tpu.vector_load %arg12[%swap3A_612, %swap3A_613] {strides = array<i32>} : memref<80x128xf32, #tpu.memory_space<vmem>>, vector<16xf32>,
          tpu.vector_store %arg12[%swap3A_612, %swap3A_613], %mul3A_611 {strides = array<i32>} : memref<80x128xf32, #tpu.memory_space<vmem>>, vector<16xf32>,
          %get3A_615 = arith.index_cast %add3A_575 : i32 to index
          %get3A_616 = arith.constant 80 : index
          %get3A_617 = tpu.vector_load %arg12[%get3A_615, %get3A_616] {strides = array<i32>} : memref<80x128xf32, #tpu.memory_space<vmem>>, vector<16xf32>,
          %mul3A_618 = arith.mulf %get3A_617, %gather3A_579 : vector<16xf32>
          %swap3A_619 = arith.index_cast %add3A_575 : i32 to index
          %swap3A_620 = arith.constant 80 : index
          %swap3A_621 = tpu.vector_load %arg12[%swap3A_619, %swap3A_620] {strides = array<i32>} : memref<80x128xf32, #tpu.memory_space<vmem>>, vector<16xf32>,
          tpu.vector_store %arg12[%swap3A_619, %swap3A_620], %mul3A_618 {strides = array<i32>} : memref<80x128xf32, #tpu.memory_space<vmem>>, vector<16xf32>,
          %get3A_622 = arith.index_cast %add3A_575 : i32 to index
          %get3A_623 = arith.constant 96 : index
          %get3A_624 = tpu.vector_load %arg12[%get3A_622, %get3A_623] {strides = array<i32>} : memref<80x128xf32, #tpu.memory_space<vmem>>, vector<16xf32>,
          %mul3A_625 = arith.mulf %get3A_624, %gather3A_579 : vector<16xf32>
          %swap3A_626 = arith.index_cast %add3A_575 : i32 to index
          %swap3A_627 = arith.constant 96 : index
          %swap3A_628 = tpu.vector_load %arg12[%swap3A_626, %swap3A_627] {strides = array<i32>} : memref<80x128xf32, #tpu.memory_space<vmem>>, vector<16xf32>,
          tpu.vector_store %arg12[%swap3A_626, %swap3A_627], %mul3A_625 {strides = array<i32>} : memref<80x128xf32, #tpu.memory_space<vmem>>, vector<16xf32>,
          %get3A_629 = arith.index_cast %add3A_575 : i32 to index
          %get3A_630 = arith.constant 112 : index
          %get3A_631 = tpu.vector_load %arg12[%get3A_629, %get3A_630] {strides = array<i32>} : memref<80x128xf32, #tpu.memory_space<vmem>>, vector<16xf32>,
          %mul3A_632 = arith.mulf %get3A_631, %gather3A_579 : vector<16xf32>
          %swap3A_633 = arith.index_cast %add3A_575 : i32 to index
          %swap3A_634 = arith.constant 112 : index
          %swap3A_635 = tpu.vector_load %arg12[%swap3A_633, %swap3A_634] {strides = array<i32>} : memref<80x128xf32, #tpu.memory_space<vmem>>, vector<16xf32>,
          tpu.vector_store %arg12[%swap3A_633, %swap3A_634], %mul3A_632 {strides = array<i32>} : memref<80x128xf32, #tpu.memory_space<vmem>>, vector<16xf32>,
          %mul3A_636 = arith.constant 16 : i32
          %mul3A_637 = arith.muli %scan3A_118, %mul3A_636 : i32
          %add3A_638 = arith.constant 8 : i32
          %add3A_639 = arith.addi %mul3A_637, %add3A_638 : i32
          %broadcast_in_dim3A_640 = arith.constant 8 : i32
          %broadcast_in_dim3A_641 = vector.broadcast %broadcast_in_dim3A_640 : i32 to vector<16x1xi32>
          %gather3A_642 = vector.shape_cast %broadcast_in_dim3A_641 : vector<16x1xi32> to vector<16xi32>
          %gather3A_643 = tpu.dynamic_gather %get3A_124[%gather3A_642] in [0] : vector<16xf32>, vector<16xi32> -> vector<16xf32>
          %get3A_644 = arith.index_cast %add3A_639 : i32 to index
          %get3A_645 = arith.constant 0 : index
          %get3A_646 = tpu.vector_load %arg12[%get3A_644, %get3A_645] {strides = array<i32>} : memref<80x128xf32, #tpu.memory_space<vmem>>, vector<16xf32>,
          %mul3A_647 = arith.mulf %get3A_646, %gather3A_643 : vector<16xf32>
          %swap3A_648 = arith.index_cast %add3A_639 : i32 to index
          %swap3A_649 = arith.constant 0 : index
          %swap3A_650 = tpu.vector_load %arg12[%swap3A_648, %swap3A_649] {strides = array<i32>} : memref<80x128xf32, #tpu.memory_space<vmem>>, vector<16xf32>,
          tpu.vector_store %arg12[%swap3A_648, %swap3A_649], %mul3A_647 {strides = array<i32>} : memref<80x128xf32, #tpu.memory_space<vmem>>, vector<16xf32>,
          %get3A_651 = arith.index_cast %add3A_639 : i32 to index
          %get3A_652 = arith.constant 16 : index
          %get3A_653 = tpu.vector_load %arg12[%get3A_651, %get3A_652] {strides = array<i32>} : memref<80x128xf32, #tpu.memory_space<vmem>>, vector<16xf32>,
          %mul3A_654 = arith.mulf %get3A_653, %gather3A_643 : vector<16xf32>
          %swap3A_655 = arith.index_cast %add3A_639 : i32 to index
          %swap3A_656 = arith.constant 16 : index
          %swap3A_657 = tpu.vector_load %arg12[%swap3A_655, %swap3A_656] {strides = array<i32>} : memref<80x128xf32, #tpu.memory_space<vmem>>, vector<16xf32>,
          tpu.vector_store %arg12[%swap3A_655, %swap3A_656], %mul3A_654 {strides = array<i32>} : memref<80x128xf32, #tpu.memory_space<vmem>>, vector<16xf32>,
          %get3A_658 = arith.index_cast %add3A_639 : i32 to index
          %get3A_659 = arith.constant 32 : index
          %get3A_660 = tpu.vector_load %arg12[%get3A_658, %get3A_659] {strides = array<i32>} : memref<80x128xf32, #tpu.memory_space<vmem>>, vector<16xf32>,
          %mul3A_661 = arith.mulf %get3A_660, %gather3A_643 : vector<16xf32>
          %swap3A_662 = arith.index_cast %add3A_639 : i32 to index
          %swap3A_663 = arith.constant 32 : index
          %swap3A_664 = tpu.vector_load %arg12[%swap3A_662, %swap3A_663] {strides = array<i32>} : memref<80x128xf32, #tpu.memory_space<vmem>>, vector<16xf32>,
          tpu.vector_store %arg12[%swap3A_662, %swap3A_663], %mul3A_661 {strides = array<i32>} : memref<80x128xf32, #tpu.memory_space<vmem>>, vector<16xf32>,
          %get3A_665 = arith.index_cast %add3A_639 : i32 to index
          %get3A_666 = arith.constant 48 : index
          %get3A_667 = tpu.vector_load %arg12[%get3A_665, %get3A_666] {strides = array<i32>} : memref<80x128xf32, #tpu.memory_space<vmem>>, vector<16xf32>,
          %mul3A_668 = arith.mulf %get3A_667, %gather3A_643 : vector<16xf32>
          %swap3A_669 = arith.index_cast %add3A_639 : i32 to index
          %swap3A_670 = arith.constant 48 : index
          %swap3A_671 = tpu.vector_load %arg12[%swap3A_669, %swap3A_670] {strides = array<i32>} : memref<80x128xf32, #tpu.memory_space<vmem>>, vector<16xf32>,
          tpu.vector_store %arg12[%swap3A_669, %swap3A_670], %mul3A_668 {strides = array<i32>} : memref<80x128xf32, #tpu.memory_space<vmem>>, vector<16xf32>,
          %get3A_672 = arith.index_cast %add3A_639 : i32 to index
          %get3A_673 = arith.constant 64 : index
          %get3A_674 = tpu.vector_load %arg12[%get3A_672, %get3A_673] {strides = array<i32>} : memref<80x128xf32, #tpu.memory_space<vmem>>, vector<16xf32>,
          %mul3A_675 = arith.mulf %get3A_674, %gather3A_643 : vector<16xf32>
          %swap3A_676 = arith.index_cast %add3A_639 : i32 to index
          %swap3A_677 = arith.constant 64 : index
          %swap3A_678 = tpu.vector_load %arg12[%swap3A_676, %swap3A_677] {strides = array<i32>} : memref<80x128xf32, #tpu.memory_space<vmem>>, vector<16xf32>,
          tpu.vector_store %arg12[%swap3A_676, %swap3A_677], %mul3A_675 {strides = array<i32>} : memref<80x128xf32, #tpu.memory_space<vmem>>, vector<16xf32>,
          %get3A_679 = arith.index_cast %add3A_639 : i32 to index
          %get3A_680 = arith.constant 80 : index
          %get3A_681 = tpu.vector_load %arg12[%get3A_679, %get3A_680] {strides = array<i32>} : memref<80x128xf32, #tpu.memory_space<vmem>>, vector<16xf32>,
          %mul3A_682 = arith.mulf %get3A_681, %gather3A_643 : vector<16xf32>
          %swap3A_683 = arith.index_cast %add3A_639 : i32 to index
          %swap3A_684 = arith.constant 80 : index
          %swap3A_685 = tpu.vector_load %arg12[%swap3A_683, %swap3A_684] {strides = array<i32>} : memref<80x128xf32, #tpu.memory_space<vmem>>, vector<16xf32>,
          tpu.vector_store %arg12[%swap3A_683, %swap3A_684], %mul3A_682 {strides = array<i32>} : memref<80x128xf32, #tpu.memory_space<vmem>>, vector<16xf32>,
          %get3A_686 = arith.index_cast %add3A_639 : i32 to index
          %get3A_687 = arith.constant 96 : index
          %get3A_688 = tpu.vector_load %arg12[%get3A_686, %get3A_687] {strides = array<i32>} : memref<80x128xf32, #tpu.memory_space<vmem>>, vector<16xf32>,
          %mul3A_689 = arith.mulf %get3A_688, %gather3A_643 : vector<16xf32>
          %swap3A_690 = arith.index_cast %add3A_639 : i32 to index
          %swap3A_691 = arith.constant 96 : index
          %swap3A_692 = tpu.vector_load %arg12[%swap3A_690, %swap3A_691] {strides = array<i32>} : memref<80x128xf32, #tpu.memory_space<vmem>>, vector<16xf32>,
          tpu.vector_store %arg12[%swap3A_690, %swap3A_691], %mul3A_689 {strides = array<i32>} : memref<80x128xf32, #tpu.memory_space<vmem>>, vector<16xf32>,
          %get3A_693 = arith.index_cast %add3A_639 : i32 to index
          %get3A_694 = arith.constant 112 : index
          %get3A_695 = tpu.vector_load %arg12[%get3A_693, %get3A_694] {strides = array<i32>} : memref<80x128xf32, #tpu.memory_space<vmem>>, vector<16xf32>,
          %mul3A_696 = arith.mulf %get3A_695, %gather3A_643 : vector<16xf32>
          %swap3A_697 = arith.index_cast %add3A_639 : i32 to index
          %swap3A_698 = arith.constant 112 : index
          %swap3A_699 = tpu.vector_load %arg12[%swap3A_697, %swap3A_698] {strides = array<i32>} : memref<80x128xf32, #tpu.memory_space<vmem>>, vector<16xf32>,
          tpu.vector_store %arg12[%swap3A_697, %swap3A_698], %mul3A_696 {strides = array<i32>} : memref<80x128xf32, #tpu.memory_space<vmem>>, vector<16xf32>,
          %mul3A_700 = arith.constant 16 : i32
          %mul3A_701 = arith.muli %scan3A_118, %mul3A_700 : i32
          %add3A_702 = arith.constant 9 : i32
          %add3A_703 = arith.addi %mul3A_701, %add3A_702 : i32
          %broadcast_in_dim3A_704 = arith.constant 9 : i32
          %broadcast_in_dim3A_705 = vector.broadcast %broadcast_in_dim3A_704 : i32 to vector<16x1xi32>
          %gather3A_706 = vector.shape_cast %broadcast_in_dim3A_705 : vector<16x1xi32> to vector<16xi32>
          %gather3A_707 = tpu.dynamic_gather %get3A_124[%gather3A_706] in [0] : vector<16xf32>, vector<16xi32> -> vector<16xf32>
          %get3A_708 = arith.index_cast %add3A_703 : i32 to index
          %get3A_709 = arith.constant 0 : index
          %get3A_710 = tpu.vector_load %arg12[%get3A_708, %get3A_709] {strides = array<i32>} : memref<80x128xf32, #tpu.memory_space<vmem>>, vector<16xf32>,
          %mul3A_711 = arith.mulf %get3A_710, %gather3A_707 : vector<16xf32>
          %swap3A_712 = arith.index_cast %add3A_703 : i32 to index
          %swap3A_713 = arith.constant 0 : index
          %swap3A_714 = tpu.vector_load %arg12[%swap3A_712, %swap3A_713] {strides = array<i32>} : memref<80x128xf32, #tpu.memory_space<vmem>>, vector<16xf32>,
          tpu.vector_store %arg12[%swap3A_712, %swap3A_713], %mul3A_711 {strides = array<i32>} : memref<80x128xf32, #tpu.memory_space<vmem>>, vector<16xf32>,
          %get3A_715 = arith.index_cast %add3A_703 : i32 to index
          %get3A_716 = arith.constant 16 : index
          %get3A_717 = tpu.vector_load %arg12[%get3A_715, %get3A_716] {strides = array<i32>} : memref<80x128xf32, #tpu.memory_space<vmem>>, vector<16xf32>,
          %mul3A_718 = arith.mulf %get3A_717, %gather3A_707 : vector<16xf32>
          %swap3A_719 = arith.index_cast %add3A_703 : i32 to index
          %swap3A_720 = arith.constant 16 : index
          %swap3A_721 = tpu.vector_load %arg12[%swap3A_719, %swap3A_720] {strides = array<i32>} : memref<80x128xf32, #tpu.memory_space<vmem>>, vector<16xf32>,
          tpu.vector_store %arg12[%swap3A_719, %swap3A_720], %mul3A_718 {strides = array<i32>} : memref<80x128xf32, #tpu.memory_space<vmem>>, vector<16xf32>,
          %get3A_722 = arith.index_cast %add3A_703 : i32 to index
          %get3A_723 = arith.constant 32 : index
          %get3A_724 = tpu.vector_load %arg12[%get3A_722, %get3A_723] {strides = array<i32>} : memref<80x128xf32, #tpu.memory_space<vmem>>, vector<16xf32>,
          %mul3A_725 = arith.mulf %get3A_724, %gather3A_707 : vector<16xf32>
          %swap3A_726 = arith.index_cast %add3A_703 : i32 to index
          %swap3A_727 = arith.constant 32 : index
          %swap3A_728 = tpu.vector_load %arg12[%swap3A_726, %swap3A_727] {strides = array<i32>} : memref<80x128xf32, #tpu.memory_space<vmem>>, vector<16xf32>,
          tpu.vector_store %arg12[%swap3A_726, %swap3A_727], %mul3A_725 {strides = array<i32>} : memref<80x128xf32, #tpu.memory_space<vmem>>, vector<16xf32>,
          %get3A_729 = arith.index_cast %add3A_703 : i32 to index
          %get3A_730 = arith.constant 48 : index
          %get3A_731 = tpu.vector_load %arg12[%get3A_729, %get3A_730] {strides = array<i32>} : memref<80x128xf32, #tpu.memory_space<vmem>>, vector<16xf32>,
          %mul3A_732 = arith.mulf %get3A_731, %gather3A_707 : vector<16xf32>
          %swap3A_733 = arith.index_cast %add3A_703 : i32 to index
          %swap3A_734 = arith.constant 48 : index
          %swap3A_735 = tpu.vector_load %arg12[%swap3A_733, %swap3A_734] {strides = array<i32>} : memref<80x128xf32, #tpu.memory_space<vmem>>, vector<16xf32>,
          tpu.vector_store %arg12[%swap3A_733, %swap3A_734], %mul3A_732 {strides = array<i32>} : memref<80x128xf32, #tpu.memory_space<vmem>>, vector<16xf32>,
          %get3A_736 = arith.index_cast %add3A_703 : i32 to index
          %get3A_737 = arith.constant 64 : index
          %get3A_738 = tpu.vector_load %arg12[%get3A_736, %get3A_737] {strides = array<i32>} : memref<80x128xf32, #tpu.memory_space<vmem>>, vector<16xf32>,
          %mul3A_739 = arith.mulf %get3A_738, %gather3A_707 : vector<16xf32>
          %swap3A_740 = arith.index_cast %add3A_703 : i32 to index
          %swap3A_741 = arith.constant 64 : index
          %swap3A_742 = tpu.vector_load %arg12[%swap3A_740, %swap3A_741] {strides = array<i32>} : memref<80x128xf32, #tpu.memory_space<vmem>>, vector<16xf32>,
          tpu.vector_store %arg12[%swap3A_740, %swap3A_741], %mul3A_739 {strides = array<i32>} : memref<80x128xf32, #tpu.memory_space<vmem>>, vector<16xf32>,
          %get3A_743 = arith.index_cast %add3A_703 : i32 to index
          %get3A_744 = arith.constant 80 : index
          %get3A_745 = tpu.vector_load %arg12[%get3A_743, %get3A_744] {strides = array<i32>} : memref<80x128xf32, #tpu.memory_space<vmem>>, vector<16xf32>,
          %mul3A_746 = arith.mulf %get3A_745, %gather3A_707 : vector<16xf32>
          %swap3A_747 = arith.index_cast %add3A_703 : i32 to index
          %swap3A_748 = arith.constant 80 : index
          %swap3A_749 = tpu.vector_load %arg12[%swap3A_747, %swap3A_748] {strides = array<i32>} : memref<80x128xf32, #tpu.memory_space<vmem>>, vector<16xf32>,
          tpu.vector_store %arg12[%swap3A_747, %swap3A_748], %mul3A_746 {strides = array<i32>} : memref<80x128xf32, #tpu.memory_space<vmem>>, vector<16xf32>,
          %get3A_750 = arith.index_cast %add3A_703 : i32 to index
          %get3A_751 = arith.constant 96 : index
          %get3A_752 = tpu.vector_load %arg12[%get3A_750, %get3A_751] {strides = array<i32>} : memref<80x128xf32, #tpu.memory_space<vmem>>, vector<16xf32>,
          %mul3A_753 = arith.mulf %get3A_752, %gather3A_707 : vector<16xf32>
          %swap3A_754 = arith.index_cast %add3A_703 : i32 to index
          %swap3A_755 = arith.constant 96 : index
          %swap3A_756 = tpu.vector_load %arg12[%swap3A_754, %swap3A_755] {strides = array<i32>} : memref<80x128xf32, #tpu.memory_space<vmem>>, vector<16xf32>,
          tpu.vector_store %arg12[%swap3A_754, %swap3A_755], %mul3A_753 {strides = array<i32>} : memref<80x128xf32, #tpu.memory_space<vmem>>, vector<16xf32>,
          %get3A_757 = arith.index_cast %add3A_703 : i32 to index
          %get3A_758 = arith.constant 112 : index
          %get3A_759 = tpu.vector_load %arg12[%get3A_757, %get3A_758] {strides = array<i32>} : memref<80x128xf32, #tpu.memory_space<vmem>>, vector<16xf32>,
          %mul3A_760 = arith.mulf %get3A_759, %gather3A_707 : vector<16xf32>
          %swap3A_761 = arith.index_cast %add3A_703 : i32 to index
          %swap3A_762 = arith.constant 112 : index
          %swap3A_763 = tpu.vector_load %arg12[%swap3A_761, %swap3A_762] {strides = array<i32>} : memref<80x128xf32, #tpu.memory_space<vmem>>, vector<16xf32>,
          tpu.vector_store %arg12[%swap3A_761, %swap3A_762], %mul3A_760 {strides = array<i32>} : memref<80x128xf32, #tpu.memory_space<vmem>>, vector<16xf32>,
          %mul3A_764 = arith.constant 16 : i32
          %mul3A_765 = arith.muli %scan3A_118, %mul3A_764 : i32
          %add3A_766 = arith.constant 10 : i32
          %add3A_767 = arith.addi %mul3A_765, %add3A_766 : i32
          %broadcast_in_dim3A_768 = arith.constant 10 : i32
          %broadcast_in_dim3A_769 = vector.broadcast %broadcast_in_dim3A_768 : i32 to vector<16x1xi32>
          %gather3A_770 = vector.shape_cast %broadcast_in_dim3A_769 : vector<16x1xi32> to vector<16xi32>
          %gather3A_771 = tpu.dynamic_gather %get3A_124[%gather3A_770] in [0] : vector<16xf32>, vector<16xi32> -> vector<16xf32>
          %get3A_772 = arith.index_cast %add3A_767 : i32 to index
          %get3A_773 = arith.constant 0 : index
          %get3A_774 = tpu.vector_load %arg12[%get3A_772, %get3A_773] {strides = array<i32>} : memref<80x128xf32, #tpu.memory_space<vmem>>, vector<16xf32>,
          %mul3A_775 = arith.mulf %get3A_774, %gather3A_771 : vector<16xf32>
          %swap3A_776 = arith.index_cast %add3A_767 : i32 to index
          %swap3A_777 = arith.constant 0 : index
          %swap3A_778 = tpu.vector_load %arg12[%swap3A_776, %swap3A_777] {strides = array<i32>} : memref<80x128xf32, #tpu.memory_space<vmem>>, vector<16xf32>,
          tpu.vector_store %arg12[%swap3A_776, %swap3A_777], %mul3A_775 {strides = array<i32>} : memref<80x128xf32, #tpu.memory_space<vmem>>, vector<16xf32>,
          %get3A_779 = arith.index_cast %add3A_767 : i32 to index
          %get3A_780 = arith.constant 16 : index
          %get3A_781 = tpu.vector_load %arg12[%get3A_779, %get3A_780] {strides = array<i32>} : memref<80x128xf32, #tpu.memory_space<vmem>>, vector<16xf32>,
          %mul3A_782 = arith.mulf %get3A_781, %gather3A_771 : vector<16xf32>
          %swap3A_783 = arith.index_cast %add3A_767 : i32 to index
          %swap3A_784 = arith.constant 16 : index
          %swap3A_785 = tpu.vector_load %arg12[%swap3A_783, %swap3A_784] {strides = array<i32>} : memref<80x128xf32, #tpu.memory_space<vmem>>, vector<16xf32>,
          tpu.vector_store %arg12[%swap3A_783, %swap3A_784], %mul3A_782 {strides = array<i32>} : memref<80x128xf32, #tpu.memory_space<vmem>>, vector<16xf32>,
          %get3A_786 = arith.index_cast %add3A_767 : i32 to index
          %get3A_787 = arith.constant 32 : index
          %get3A_788 = tpu.vector_load %arg12[%get3A_786, %get3A_787] {strides = array<i32>} : memref<80x128xf32, #tpu.memory_space<vmem>>, vector<16xf32>,
          %mul3A_789 = arith.mulf %get3A_788, %gather3A_771 : vector<16xf32>
          %swap3A_790 = arith.index_cast %add3A_767 : i32 to index
          %swap3A_791 = arith.constant 32 : index
          %swap3A_792 = tpu.vector_load %arg12[%swap3A_790, %swap3A_791] {strides = array<i32>} : memref<80x128xf32, #tpu.memory_space<vmem>>, vector<16xf32>,
          tpu.vector_store %arg12[%swap3A_790, %swap3A_791], %mul3A_789 {strides = array<i32>} : memref<80x128xf32, #tpu.memory_space<vmem>>, vector<16xf32>,
          %get3A_793 = arith.index_cast %add3A_767 : i32 to index
          %get3A_794 = arith.constant 48 : index
          %get3A_795 = tpu.vector_load %arg12[%get3A_793, %get3A_794] {strides = array<i32>} : memref<80x128xf32, #tpu.memory_space<vmem>>, vector<16xf32>,
          %mul3A_796 = arith.mulf %get3A_795, %gather3A_771 : vector<16xf32>
          %swap3A_797 = arith.index_cast %add3A_767 : i32 to index
          %swap3A_798 = arith.constant 48 : index
          %swap3A_799 = tpu.vector_load %arg12[%swap3A_797, %swap3A_798] {strides = array<i32>} : memref<80x128xf32, #tpu.memory_space<vmem>>, vector<16xf32>,
          tpu.vector_store %arg12[%swap3A_797, %swap3A_798], %mul3A_796 {strides = array<i32>} : memref<80x128xf32, #tpu.memory_space<vmem>>, vector<16xf32>,
          %get3A_800 = arith.index_cast %add3A_767 : i32 to index
          %get3A_801 = arith.constant 64 : index
          %get3A_802 = tpu.vector_load %arg12[%get3A_800, %get3A_801] {strides = array<i32>} : memref<80x128xf32, #tpu.memory_space<vmem>>, vector<16xf32>,
          %mul3A_803 = arith.mulf %get3A_802, %gather3A_771 : vector<16xf32>
          %swap3A_804 = arith.index_cast %add3A_767 : i32 to index
          %swap3A_805 = arith.constant 64 : index
          %swap3A_806 = tpu.vector_load %arg12[%swap3A_804, %swap3A_805] {strides = array<i32>} : memref<80x128xf32, #tpu.memory_space<vmem>>, vector<16xf32>,
          tpu.vector_store %arg12[%swap3A_804, %swap3A_805], %mul3A_803 {strides = array<i32>} : memref<80x128xf32, #tpu.memory_space<vmem>>, vector<16xf32>,
          %get3A_807 = arith.index_cast %add3A_767 : i32 to index
          %get3A_808 = arith.constant 80 : index
          %get3A_809 = tpu.vector_load %arg12[%get3A_807, %get3A_808] {strides = array<i32>} : memref<80x128xf32, #tpu.memory_space<vmem>>, vector<16xf32>,
          %mul3A_810 = arith.mulf %get3A_809, %gather3A_771 : vector<16xf32>
          %swap3A_811 = arith.index_cast %add3A_767 : i32 to index
          %swap3A_812 = arith.constant 80 : index
          %swap3A_813 = tpu.vector_load %arg12[%swap3A_811, %swap3A_812] {strides = array<i32>} : memref<80x128xf32, #tpu.memory_space<vmem>>, vector<16xf32>,
          tpu.vector_store %arg12[%swap3A_811, %swap3A_812], %mul3A_810 {strides = array<i32>} : memref<80x128xf32, #tpu.memory_space<vmem>>, vector<16xf32>,
          %get3A_814 = arith.index_cast %add3A_767 : i32 to index
          %get3A_815 = arith.constant 96 : index
          %get3A_816 = tpu.vector_load %arg12[%get3A_814, %get3A_815] {strides = array<i32>} : memref<80x128xf32, #tpu.memory_space<vmem>>, vector<16xf32>,
          %mul3A_817 = arith.mulf %get3A_816, %gather3A_771 : vector<16xf32>
          %swap3A_818 = arith.index_cast %add3A_767 : i32 to index
          %swap3A_819 = arith.constant 96 : index
          %swap3A_820 = tpu.vector_load %arg12[%swap3A_818, %swap3A_819] {strides = array<i32>} : memref<80x128xf32, #tpu.memory_space<vmem>>, vector<16xf32>,
          tpu.vector_store %arg12[%swap3A_818, %swap3A_819], %mul3A_817 {strides = array<i32>} : memref<80x128xf32, #tpu.memory_space<vmem>>, vector<16xf32>,
          %get3A_821 = arith.index_cast %add3A_767 : i32 to index
          %get3A_822 = arith.constant 112 : index
          %get3A_823 = tpu.vector_load %arg12[%get3A_821, %get3A_822] {strides = array<i32>} : memref<80x128xf32, #tpu.memory_space<vmem>>, vector<16xf32>,
          %mul3A_824 = arith.mulf %get3A_823, %gather3A_771 : vector<16xf32>
          %swap3A_825 = arith.index_cast %add3A_767 : i32 to index
          %swap3A_826 = arith.constant 112 : index
          %swap3A_827 = tpu.vector_load %arg12[%swap3A_825, %swap3A_826] {strides = array<i32>} : memref<80x128xf32, #tpu.memory_space<vmem>>, vector<16xf32>,
          tpu.vector_store %arg12[%swap3A_825, %swap3A_826], %mul3A_824 {strides = array<i32>} : memref<80x128xf32, #tpu.memory_space<vmem>>, vector<16xf32>,
          %mul3A_828 = arith.constant 16 : i32
          %mul3A_829 = arith.muli %scan3A_118, %mul3A_828 : i32
          %add3A_830 = arith.constant 11 : i32
          %add3A_831 = arith.addi %mul3A_829, %add3A_830 : i32
          %broadcast_in_dim3A_832 = arith.constant 11 : i32
          %broadcast_in_dim3A_833 = vector.broadcast %broadcast_in_dim3A_832 : i32 to vector<16x1xi32>
          %gather3A_834 = vector.shape_cast %broadcast_in_dim3A_833 : vector<16x1xi32> to vector<16xi32>
          %gather3A_835 = tpu.dynamic_gather %get3A_124[%gather3A_834] in [0] : vector<16xf32>, vector<16xi32> -> vector<16xf32>
          %get3A_836 = arith.index_cast %add3A_831 : i32 to index
          %get3A_837 = arith.constant 0 : index
          %get3A_838 = tpu.vector_load %arg12[%get3A_836, %get3A_837] {strides = array<i32>} : memref<80x128xf32, #tpu.memory_space<vmem>>, vector<16xf32>,
          %mul3A_839 = arith.mulf %get3A_838, %gather3A_835 : vector<16xf32>
          %swap3A_840 = arith.index_cast %add3A_831 : i32 to index
          %swap3A_841 = arith.constant 0 : index
          %swap3A_842 = tpu.vector_load %arg12[%swap3A_840, %swap3A_841] {strides = array<i32>} : memref<80x128xf32, #tpu.memory_space<vmem>>, vector<16xf32>,
          tpu.vector_store %arg12[%swap3A_840, %swap3A_841], %mul3A_839 {strides = array<i32>} : memref<80x128xf32, #tpu.memory_space<vmem>>, vector<16xf32>,
          %get3A_843 = arith.index_cast %add3A_831 : i32 to index
          %get3A_844 = arith.constant 16 : index
          %get3A_845 = tpu.vector_load %arg12[%get3A_843, %get3A_844] {strides = array<i32>} : memref<80x128xf32, #tpu.memory_space<vmem>>, vector<16xf32>,
          %mul3A_846 = arith.mulf %get3A_845, %gather3A_835 : vector<16xf32>
          %swap3A_847 = arith.index_cast %add3A_831 : i32 to index
          %swap3A_848 = arith.constant 16 : index
          %swap3A_849 = tpu.vector_load %arg12[%swap3A_847, %swap3A_848] {strides = array<i32>} : memref<80x128xf32, #tpu.memory_space<vmem>>, vector<16xf32>,
          tpu.vector_store %arg12[%swap3A_847, %swap3A_848], %mul3A_846 {strides = array<i32>} : memref<80x128xf32, #tpu.memory_space<vmem>>, vector<16xf32>,
          %get3A_850 = arith.index_cast %add3A_831 : i32 to index
          %get3A_851 = arith.constant 32 : index
          %get3A_852 = tpu.vector_load %arg12[%get3A_850, %get3A_851] {strides = array<i32>} : memref<80x128xf32, #tpu.memory_space<vmem>>, vector<16xf32>,
          %mul3A_853 = arith.mulf %get3A_852, %gather3A_835 : vector<16xf32>
          %swap3A_854 = arith.index_cast %add3A_831 : i32 to index
          %swap3A_855 = arith.constant 32 : index
          %swap3A_856 = tpu.vector_load %arg12[%swap3A_854, %swap3A_855] {strides = array<i32>} : memref<80x128xf32, #tpu.memory_space<vmem>>, vector<16xf32>,
          tpu.vector_store %arg12[%swap3A_854, %swap3A_855], %mul3A_853 {strides = array<i32>} : memref<80x128xf32, #tpu.memory_space<vmem>>, vector<16xf32>,
          %get3A_857 = arith.index_cast %add3A_831 : i32 to index
          %get3A_858 = arith.constant 48 : index
          %get3A_859 = tpu.vector_load %arg12[%get3A_857, %get3A_858] {strides = array<i32>} : memref<80x128xf32, #tpu.memory_space<vmem>>, vector<16xf32>,
          %mul3A_860 = arith.mulf %get3A_859, %gather3A_835 : vector<16xf32>
          %swap3A_861 = arith.index_cast %add3A_831 : i32 to index
          %swap3A_862 = arith.constant 48 : index
          %swap3A_863 = tpu.vector_load %arg12[%swap3A_861, %swap3A_862] {strides = array<i32>} : memref<80x128xf32, #tpu.memory_space<vmem>>, vector<16xf32>,
          tpu.vector_store %arg12[%swap3A_861, %swap3A_862], %mul3A_860 {strides = array<i32>} : memref<80x128xf32, #tpu.memory_space<vmem>>, vector<16xf32>,
          %get3A_864 = arith.index_cast %add3A_831 : i32 to index
          %get3A_865 = arith.constant 64 : index
          %get3A_866 = tpu.vector_load %arg12[%get3A_864, %get3A_865] {strides = array<i32>} : memref<80x128xf32, #tpu.memory_space<vmem>>, vector<16xf32>,
          %mul3A_867 = arith.mulf %get3A_866, %gather3A_835 : vector<16xf32>
          %swap3A_868 = arith.index_cast %add3A_831 : i32 to index
          %swap3A_869 = arith.constant 64 : index
          %swap3A_870 = tpu.vector_load %arg12[%swap3A_868, %swap3A_869] {strides = array<i32>} : memref<80x128xf32, #tpu.memory_space<vmem>>, vector<16xf32>,
          tpu.vector_store %arg12[%swap3A_868, %swap3A_869], %mul3A_867 {strides = array<i32>} : memref<80x128xf32, #tpu.memory_space<vmem>>, vector<16xf32>,
          %get3A_871 = arith.index_cast %add3A_831 : i32 to index
          %get3A_872 = arith.constant 80 : index
          %get3A_873 = tpu.vector_load %arg12[%get3A_871, %get3A_872] {strides = array<i32>} : memref<80x128xf32, #tpu.memory_space<vmem>>, vector<16xf32>,
          %mul3A_874 = arith.mulf %get3A_873, %gather3A_835 : vector<16xf32>
          %swap3A_875 = arith.index_cast %add3A_831 : i32 to index
          %swap3A_876 = arith.constant 80 : index
          %swap3A_877 = tpu.vector_load %arg12[%swap3A_875, %swap3A_876] {strides = array<i32>} : memref<80x128xf32, #tpu.memory_space<vmem>>, vector<16xf32>,
          tpu.vector_store %arg12[%swap3A_875, %swap3A_876], %mul3A_874 {strides = array<i32>} : memref<80x128xf32, #tpu.memory_space<vmem>>, vector<16xf32>,
          %get3A_878 = arith.index_cast %add3A_831 : i32 to index
          %get3A_879 = arith.constant 96 : index
          %get3A_880 = tpu.vector_load %arg12[%get3A_878, %get3A_879] {strides = array<i32>} : memref<80x128xf32, #tpu.memory_space<vmem>>, vector<16xf32>,
          %mul3A_881 = arith.mulf %get3A_880, %gather3A_835 : vector<16xf32>
          %swap3A_882 = arith.index_cast %add3A_831 : i32 to index
          %swap3A_883 = arith.constant 96 : index
          %swap3A_884 = tpu.vector_load %arg12[%swap3A_882, %swap3A_883] {strides = array<i32>} : memref<80x128xf32, #tpu.memory_space<vmem>>, vector<16xf32>,
          tpu.vector_store %arg12[%swap3A_882, %swap3A_883], %mul3A_881 {strides = array<i32>} : memref<80x128xf32, #tpu.memory_space<vmem>>, vector<16xf32>,
          %get3A_885 = arith.index_cast %add3A_831 : i32 to index
          %get3A_886 = arith.constant 112 : index
          %get3A_887 = tpu.vector_load %arg12[%get3A_885, %get3A_886] {strides = array<i32>} : memref<80x128xf32, #tpu.memory_space<vmem>>, vector<16xf32>,
          %mul3A_888 = arith.mulf %get3A_887, %gather3A_835 : vector<16xf32>
          %swap3A_889 = arith.index_cast %add3A_831 : i32 to index
          %swap3A_890 = arith.constant 112 : index
          %swap3A_891 = tpu.vector_load %arg12[%swap3A_889, %swap3A_890] {strides = array<i32>} : memref<80x128xf32, #tpu.memory_space<vmem>>, vector<16xf32>,
          tpu.vector_store %arg12[%swap3A_889, %swap3A_890], %mul3A_888 {strides = array<i32>} : memref<80x128xf32, #tpu.memory_space<vmem>>, vector<16xf32>,
          %mul3A_892 = arith.constant 16 : i32
          %mul3A_893 = arith.muli %scan3A_118, %mul3A_892 : i32
          %add3A_894 = arith.constant 12 : i32
          %add3A_895 = arith.addi %mul3A_893, %add3A_894 : i32
          %broadcast_in_dim3A_896 = arith.constant 12 : i32
          %broadcast_in_dim3A_897 = vector.broadcast %broadcast_in_dim3A_896 : i32 to vector<16x1xi32>
          %gather3A_898 = vector.shape_cast %broadcast_in_dim3A_897 : vector<16x1xi32> to vector<16xi32>
          %gather3A_899 = tpu.dynamic_gather %get3A_124[%gather3A_898] in [0] : vector<16xf32>, vector<16xi32> -> vector<16xf32>
          %get3A_900 = arith.index_cast %add3A_895 : i32 to index
          %get3A_901 = arith.constant 0 : index
          %get3A_902 = tpu.vector_load %arg12[%get3A_900, %get3A_901] {strides = array<i32>} : memref<80x128xf32, #tpu.memory_space<vmem>>, vector<16xf32>,
          %mul3A_903 = arith.mulf %get3A_902, %gather3A_899 : vector<16xf32>
          %swap3A_904 = arith.index_cast %add3A_895 : i32 to index
          %swap3A_905 = arith.constant 0 : index
          %swap3A_906 = tpu.vector_load %arg12[%swap3A_904, %swap3A_905] {strides = array<i32>} : memref<80x128xf32, #tpu.memory_space<vmem>>, vector<16xf32>,
          tpu.vector_store %arg12[%swap3A_904, %swap3A_905], %mul3A_903 {strides = array<i32>} : memref<80x128xf32, #tpu.memory_space<vmem>>, vector<16xf32>,
          %get3A_907 = arith.index_cast %add3A_895 : i32 to index
          %get3A_908 = arith.constant 16 : index
          %get3A_909 = tpu.vector_load %arg12[%get3A_907, %get3A_908] {strides = array<i32>} : memref<80x128xf32, #tpu.memory_space<vmem>>, vector<16xf32>,
          %mul3A_910 = arith.mulf %get3A_909, %gather3A_899 : vector<16xf32>
          %swap3A_911 = arith.index_cast %add3A_895 : i32 to index
          %swap3A_912 = arith.constant 16 : index
          %swap3A_913 = tpu.vector_load %arg12[%swap3A_911, %swap3A_912] {strides = array<i32>} : memref<80x128xf32, #tpu.memory_space<vmem>>, vector<16xf32>,
          tpu.vector_store %arg12[%swap3A_911, %swap3A_912], %mul3A_910 {strides = array<i32>} : memref<80x128xf32, #tpu.memory_space<vmem>>, vector<16xf32>,
          %get3A_914 = arith.index_cast %add3A_895 : i32 to index
          %get3A_915 = arith.constant 32 : index
          %get3A_916 = tpu.vector_load %arg12[%get3A_914, %get3A_915] {strides = array<i32>} : memref<80x128xf32, #tpu.memory_space<vmem>>, vector<16xf32>,
          %mul3A_917 = arith.mulf %get3A_916, %gather3A_899 : vector<16xf32>
          %swap3A_918 = arith.index_cast %add3A_895 : i32 to index
          %swap3A_919 = arith.constant 32 : index
          %swap3A_920 = tpu.vector_load %arg12[%swap3A_918, %swap3A_919] {strides = array<i32>} : memref<80x128xf32, #tpu.memory_space<vmem>>, vector<16xf32>,
          tpu.vector_store %arg12[%swap3A_918, %swap3A_919], %mul3A_917 {strides = array<i32>} : memref<80x128xf32, #tpu.memory_space<vmem>>, vector<16xf32>,
          %get3A_921 = arith.index_cast %add3A_895 : i32 to index
          %get3A_922 = arith.constant 48 : index
          %get3A_923 = tpu.vector_load %arg12[%get3A_921, %get3A_922] {strides = array<i32>} : memref<80x128xf32, #tpu.memory_space<vmem>>, vector<16xf32>,
          %mul3A_924 = arith.mulf %get3A_923, %gather3A_899 : vector<16xf32>
          %swap3A_925 = arith.index_cast %add3A_895 : i32 to index
          %swap3A_926 = arith.constant 48 : index
          %swap3A_927 = tpu.vector_load %arg12[%swap3A_925, %swap3A_926] {strides = array<i32>} : memref<80x128xf32, #tpu.memory_space<vmem>>, vector<16xf32>,
          tpu.vector_store %arg12[%swap3A_925, %swap3A_926], %mul3A_924 {strides = array<i32>} : memref<80x128xf32, #tpu.memory_space<vmem>>, vector<16xf32>,
          %get3A_928 = arith.index_cast %add3A_895 : i32 to index
          %get3A_929 = arith.constant 64 : index
          %get3A_930 = tpu.vector_load %arg12[%get3A_928, %get3A_929] {strides = array<i32>} : memref<80x128xf32, #tpu.memory_space<vmem>>, vector<16xf32>,
          %mul3A_931 = arith.mulf %get3A_930, %gather3A_899 : vector<16xf32>
          %swap3A_932 = arith.index_cast %add3A_895 : i32 to index
          %swap3A_933 = arith.constant 64 : index
          %swap3A_934 = tpu.vector_load %arg12[%swap3A_932, %swap3A_933] {strides = array<i32>} : memref<80x128xf32, #tpu.memory_space<vmem>>, vector<16xf32>,
          tpu.vector_store %arg12[%swap3A_932, %swap3A_933], %mul3A_931 {strides = array<i32>} : memref<80x128xf32, #tpu.memory_space<vmem>>, vector<16xf32>,
          %get3A_935 = arith.index_cast %add3A_895 : i32 to index
          %get3A_936 = arith.constant 80 : index
          %get3A_937 = tpu.vector_load %arg12[%get3A_935, %get3A_936] {strides = array<i32>} : memref<80x128xf32, #tpu.memory_space<vmem>>, vector<16xf32>,
          %mul3A_938 = arith.mulf %get3A_937, %gather3A_899 : vector<16xf32>
          %swap3A_939 = arith.index_cast %add3A_895 : i32 to index
          %swap3A_940 = arith.constant 80 : index
          %swap3A_941 = tpu.vector_load %arg12[%swap3A_939, %swap3A_940] {strides = array<i32>} : memref<80x128xf32, #tpu.memory_space<vmem>>, vector<16xf32>,
          tpu.vector_store %arg12[%swap3A_939, %swap3A_940], %mul3A_938 {strides = array<i32>} : memref<80x128xf32, #tpu.memory_space<vmem>>, vector<16xf32>,
          %get3A_942 = arith.index_cast %add3A_895 : i32 to index
          %get3A_943 = arith.constant 96 : index
          %get3A_944 = tpu.vector_load %arg12[%get3A_942, %get3A_943] {strides = array<i32>} : memref<80x128xf32, #tpu.memory_space<vmem>>, vector<16xf32>,
          %mul3A_945 = arith.mulf %get3A_944, %gather3A_899 : vector<16xf32>
          %swap3A_946 = arith.index_cast %add3A_895 : i32 to index
          %swap3A_947 = arith.constant 96 : index
          %swap3A_948 = tpu.vector_load %arg12[%swap3A_946, %swap3A_947] {strides = array<i32>} : memref<80x128xf32, #tpu.memory_space<vmem>>, vector<16xf32>,
          tpu.vector_store %arg12[%swap3A_946, %swap3A_947], %mul3A_945 {strides = array<i32>} : memref<80x128xf32, #tpu.memory_space<vmem>>, vector<16xf32>,
          %get3A_949 = arith.index_cast %add3A_895 : i32 to index
          %get3A_950 = arith.constant 112 : index
          %get3A_951 = tpu.vector_load %arg12[%get3A_949, %get3A_950] {strides = array<i32>} : memref<80x128xf32, #tpu.memory_space<vmem>>, vector<16xf32>,
          %mul3A_952 = arith.mulf %get3A_951, %gather3A_899 : vector<16xf32>
          %swap3A_953 = arith.index_cast %add3A_895 : i32 to index
          %swap3A_954 = arith.constant 112 : index
          %swap3A_955 = tpu.vector_load %arg12[%swap3A_953, %swap3A_954] {strides = array<i32>} : memref<80x128xf32, #tpu.memory_space<vmem>>, vector<16xf32>,
          tpu.vector_store %arg12[%swap3A_953, %swap3A_954], %mul3A_952 {strides = array<i32>} : memref<80x128xf32, #tpu.memory_space<vmem>>, vector<16xf32>,
          %mul3A_956 = arith.constant 16 : i32
          %mul3A_957 = arith.muli %scan3A_118, %mul3A_956 : i32
          %add3A_958 = arith.constant 13 : i32
          %add3A_959 = arith.addi %mul3A_957, %add3A_958 : i32
          %broadcast_in_dim3A_960 = arith.constant 13 : i32
          %broadcast_in_dim3A_961 = vector.broadcast %broadcast_in_dim3A_960 : i32 to vector<16x1xi32>
          %gather3A_962 = vector.shape_cast %broadcast_in_dim3A_961 : vector<16x1xi32> to vector<16xi32>
          %gather3A_963 = tpu.dynamic_gather %get3A_124[%gather3A_962] in [0] : vector<16xf32>, vector<16xi32> -> vector<16xf32>
          %get3A_964 = arith.index_cast %add3A_959 : i32 to index
          %get3A_965 = arith.constant 0 : index
          %get3A_966 = tpu.vector_load %arg12[%get3A_964, %get3A_965] {strides = array<i32>} : memref<80x128xf32, #tpu.memory_space<vmem>>, vector<16xf32>,
          %mul3A_967 = arith.mulf %get3A_966, %gather3A_963 : vector<16xf32>
          %swap3A_968 = arith.index_cast %add3A_959 : i32 to index
          %swap3A_969 = arith.constant 0 : index
          %swap3A_970 = tpu.vector_load %arg12[%swap3A_968, %swap3A_969] {strides = array<i32>} : memref<80x128xf32, #tpu.memory_space<vmem>>, vector<16xf32>,
          tpu.vector_store %arg12[%swap3A_968, %swap3A_969], %mul3A_967 {strides = array<i32>} : memref<80x128xf32, #tpu.memory_space<vmem>>, vector<16xf32>,
          %get3A_971 = arith.index_cast %add3A_959 : i32 to index
          %get3A_972 = arith.constant 16 : index
          %get3A_973 = tpu.vector_load %arg12[%get3A_971, %get3A_972] {strides = array<i32>} : memref<80x128xf32, #tpu.memory_space<vmem>>, vector<16xf32>,
          %mul3A_974 = arith.mulf %get3A_973, %gather3A_963 : vector<16xf32>
          %swap3A_975 = arith.index_cast %add3A_959 : i32 to index
          %swap3A_976 = arith.constant 16 : index
          %swap3A_977 = tpu.vector_load %arg12[%swap3A_975, %swap3A_976] {strides = array<i32>} : memref<80x128xf32, #tpu.memory_space<vmem>>, vector<16xf32>,
          tpu.vector_store %arg12[%swap3A_975, %swap3A_976], %mul3A_974 {strides = array<i32>} : memref<80x128xf32, #tpu.memory_space<vmem>>, vector<16xf32>,
          %get3A_978 = arith.index_cast %add3A_959 : i32 to index
          %get3A_979 = arith.constant 32 : index
          %get3A_980 = tpu.vector_load %arg12[%get3A_978, %get3A_979] {strides = array<i32>} : memref<80x128xf32, #tpu.memory_space<vmem>>, vector<16xf32>,
          %mul3A_981 = arith.mulf %get3A_980, %gather3A_963 : vector<16xf32>
          %swap3A_982 = arith.index_cast %add3A_959 : i32 to index
          %swap3A_983 = arith.constant 32 : index
          %swap3A_984 = tpu.vector_load %arg12[%swap3A_982, %swap3A_983] {strides = array<i32>} : memref<80x128xf32, #tpu.memory_space<vmem>>, vector<16xf32>,
          tpu.vector_store %arg12[%swap3A_982, %swap3A_983], %mul3A_981 {strides = array<i32>} : memref<80x128xf32, #tpu.memory_space<vmem>>, vector<16xf32>,
          %get3A_985 = arith.index_cast %add3A_959 : i32 to index
          %get3A_986 = arith.constant 48 : index
          %get3A_987 = tpu.vector_load %arg12[%get3A_985, %get3A_986] {strides = array<i32>} : memref<80x128xf32, #tpu.memory_space<vmem>>, vector<16xf32>,
          %mul3A_988 = arith.mulf %get3A_987, %gather3A_963 : vector<16xf32>
          %swap3A_989 = arith.index_cast %add3A_959 : i32 to index
          %swap3A_990 = arith.constant 48 : index
          %swap3A_991 = tpu.vector_load %arg12[%swap3A_989, %swap3A_990] {strides = array<i32>} : memref<80x128xf32, #tpu.memory_space<vmem>>, vector<16xf32>,
          tpu.vector_store %arg12[%swap3A_989, %swap3A_990], %mul3A_988 {strides = array<i32>} : memref<80x128xf32, #tpu.memory_space<vmem>>, vector<16xf32>,
          %get3A_992 = arith.index_cast %add3A_959 : i32 to index
          %get3A_993 = arith.constant 64 : index
          %get3A_994 = tpu.vector_load %arg12[%get3A_992, %get3A_993] {strides = array<i32>} : memref<80x128xf32, #tpu.memory_space<vmem>>, vector<16xf32>,
          %mul3A_995 = arith.mulf %get3A_994, %gather3A_963 : vector<16xf32>
          %swap3A_996 = arith.index_cast %add3A_959 : i32 to index
          %swap3A_997 = arith.constant 64 : index
          %swap3A_998 = tpu.vector_load %arg12[%swap3A_996, %swap3A_997] {strides = array<i32>} : memref<80x128xf32, #tpu.memory_space<vmem>>, vector<16xf32>,
          tpu.vector_store %arg12[%swap3A_996, %swap3A_997], %mul3A_995 {strides = array<i32>} : memref<80x128xf32, #tpu.memory_space<vmem>>, vector<16xf32>,
          %get3A_999 = arith.index_cast %add3A_959 : i32 to index
          %get3A_1000 = arith.constant 80 : index
          %get3A_1001 = tpu.vector_load %arg12[%get3A_999, %get3A_1000] {strides = array<i32>} : memref<80x128xf32, #tpu.memory_space<vmem>>, vector<16xf32>,
          %mul3A_1002 = arith.mulf %get3A_1001, %gather3A_963 : vector<16xf32>
          %swap3A_1003 = arith.index_cast %add3A_959 : i32 to index
          %swap3A_1004 = arith.constant 80 : index
          %swap3A_1005 = tpu.vector_load %arg12[%swap3A_1003, %swap3A_1004] {strides = array<i32>} : memref<80x128xf32, #tpu.memory_space<vmem>>, vector<16xf32>,
          tpu.vector_store %arg12[%swap3A_1003, %swap3A_1004], %mul3A_1002 {strides = array<i32>} : memref<80x128xf32, #tpu.memory_space<vmem>>, vector<16xf32>,
          %get3A_1006 = arith.index_cast %add3A_959 : i32 to index
          %get3A_1007 = arith.constant 96 : index
          %get3A_1008 = tpu.vector_load %arg12[%get3A_1006, %get3A_1007] {strides = array<i32>} : memref<80x128xf32, #tpu.memory_space<vmem>>, vector<16xf32>,
          %mul3A_1009 = arith.mulf %get3A_1008, %gather3A_963 : vector<16xf32>
          %swap3A_1010 = arith.index_cast %add3A_959 : i32 to index
          %swap3A_1011 = arith.constant 96 : index
          %swap3A_1012 = tpu.vector_load %arg12[%swap3A_1010, %swap3A_1011] {strides = array<i32>} : memref<80x128xf32, #tpu.memory_space<vmem>>, vector<16xf32>,
          tpu.vector_store %arg12[%swap3A_1010, %swap3A_1011], %mul3A_1009 {strides = array<i32>} : memref<80x128xf32, #tpu.memory_space<vmem>>, vector<16xf32>,
          %get3A_1013 = arith.index_cast %add3A_959 : i32 to index
          %get3A_1014 = arith.constant 112 : index
          %get3A_1015 = tpu.vector_load %arg12[%get3A_1013, %get3A_1014] {strides = array<i32>} : memref<80x128xf32, #tpu.memory_space<vmem>>, vector<16xf32>,
          %mul3A_1016 = arith.mulf %get3A_1015, %gather3A_963 : vector<16xf32>
          %swap3A_1017 = arith.index_cast %add3A_959 : i32 to index
          %swap3A_1018 = arith.constant 112 : index
          %swap3A_1019 = tpu.vector_load %arg12[%swap3A_1017, %swap3A_1018] {strides = array<i32>} : memref<80x128xf32, #tpu.memory_space<vmem>>, vector<16xf32>,
          tpu.vector_store %arg12[%swap3A_1017, %swap3A_1018], %mul3A_1016 {strides = array<i32>} : memref<80x128xf32, #tpu.memory_space<vmem>>, vector<16xf32>,
          %mul3A_1020 = arith.constant 16 : i32
          %mul3A_1021 = arith.muli %scan3A_118, %mul3A_1020 : i32
          %add3A_1022 = arith.constant 14 : i32
          %add3A_1023 = arith.addi %mul3A_1021, %add3A_1022 : i32
          %broadcast_in_dim3A_1024 = arith.constant 14 : i32
          %broadcast_in_dim3A_1025 = vector.broadcast %broadcast_in_dim3A_1024 : i32 to vector<16x1xi32>
          %gather3A_1026 = vector.shape_cast %broadcast_in_dim3A_1025 : vector<16x1xi32> to vector<16xi32>
          %gather3A_1027 = tpu.dynamic_gather %get3A_124[%gather3A_1026] in [0] : vector<16xf32>, vector<16xi32> -> vector<16xf32>
          %get3A_1028 = arith.index_cast %add3A_1023 : i32 to index
          %get3A_1029 = arith.constant 0 : index
          %get3A_1030 = tpu.vector_load %arg12[%get3A_1028, %get3A_1029] {strides = array<i32>} : memref<80x128xf32, #tpu.memory_space<vmem>>, vector<16xf32>,
          %mul3A_1031 = arith.mulf %get3A_1030, %gather3A_1027 : vector<16xf32>
          %swap3A_1032 = arith.index_cast %add3A_1023 : i32 to index
          %swap3A_1033 = arith.constant 0 : index
          %swap3A_1034 = tpu.vector_load %arg12[%swap3A_1032, %swap3A_1033] {strides = array<i32>} : memref<80x128xf32, #tpu.memory_space<vmem>>, vector<16xf32>,
          tpu.vector_store %arg12[%swap3A_1032, %swap3A_1033], %mul3A_1031 {strides = array<i32>} : memref<80x128xf32, #tpu.memory_space<vmem>>, vector<16xf32>,
          %get3A_1035 = arith.index_cast %add3A_1023 : i32 to index
          %get3A_1036 = arith.constant 16 : index
          %get3A_1037 = tpu.vector_load %arg12[%get3A_1035, %get3A_1036] {strides = array<i32>} : memref<80x128xf32, #tpu.memory_space<vmem>>, vector<16xf32>,
          %mul3A_1038 = arith.mulf %get3A_1037, %gather3A_1027 : vector<16xf32>
          %swap3A_1039 = arith.index_cast %add3A_1023 : i32 to index
          %swap3A_1040 = arith.constant 16 : index
          %swap3A_1041 = tpu.vector_load %arg12[%swap3A_1039, %swap3A_1040] {strides = array<i32>} : memref<80x128xf32, #tpu.memory_space<vmem>>, vector<16xf32>,
          tpu.vector_store %arg12[%swap3A_1039, %swap3A_1040], %mul3A_1038 {strides = array<i32>} : memref<80x128xf32, #tpu.memory_space<vmem>>, vector<16xf32>,
          %get3A_1042 = arith.index_cast %add3A_1023 : i32 to index
          %get3A_1043 = arith.constant 32 : index
          %get3A_1044 = tpu.vector_load %arg12[%get3A_1042, %get3A_1043] {strides = array<i32>} : memref<80x128xf32, #tpu.memory_space<vmem>>, vector<16xf32>,
          %mul3A_1045 = arith.mulf %get3A_1044, %gather3A_1027 : vector<16xf32>
          %swap3A_1046 = arith.index_cast %add3A_1023 : i32 to index
          %swap3A_1047 = arith.constant 32 : index
          %swap3A_1048 = tpu.vector_load %arg12[%swap3A_1046, %swap3A_1047] {strides = array<i32>} : memref<80x128xf32, #tpu.memory_space<vmem>>, vector<16xf32>,
          tpu.vector_store %arg12[%swap3A_1046, %swap3A_1047], %mul3A_1045 {strides = array<i32>} : memref<80x128xf32, #tpu.memory_space<vmem>>, vector<16xf32>,
          %get3A_1049 = arith.index_cast %add3A_1023 : i32 to index
          %get3A_1050 = arith.constant 48 : index
          %get3A_1051 = tpu.vector_load %arg12[%get3A_1049, %get3A_1050] {strides = array<i32>} : memref<80x128xf32, #tpu.memory_space<vmem>>, vector<16xf32>,
          %mul3A_1052 = arith.mulf %get3A_1051, %gather3A_1027 : vector<16xf32>
          %swap3A_1053 = arith.index_cast %add3A_1023 : i32 to index
          %swap3A_1054 = arith.constant 48 : index
          %swap3A_1055 = tpu.vector_load %arg12[%swap3A_1053, %swap3A_1054] {strides = array<i32>} : memref<80x128xf32, #tpu.memory_space<vmem>>, vector<16xf32>,
          tpu.vector_store %arg12[%swap3A_1053, %swap3A_1054], %mul3A_1052 {strides = array<i32>} : memref<80x128xf32, #tpu.memory_space<vmem>>, vector<16xf32>,
          %get3A_1056 = arith.index_cast %add3A_1023 : i32 to index
          %get3A_1057 = arith.constant 64 : index
          %get3A_1058 = tpu.vector_load %arg12[%get3A_1056, %get3A_1057] {strides = array<i32>} : memref<80x128xf32, #tpu.memory_space<vmem>>, vector<16xf32>,
          %mul3A_1059 = arith.mulf %get3A_1058, %gather3A_1027 : vector<16xf32>
          %swap3A_1060 = arith.index_cast %add3A_1023 : i32 to index
          %swap3A_1061 = arith.constant 64 : index
          %swap3A_1062 = tpu.vector_load %arg12[%swap3A_1060, %swap3A_1061] {strides = array<i32>} : memref<80x128xf32, #tpu.memory_space<vmem>>, vector<16xf32>,
          tpu.vector_store %arg12[%swap3A_1060, %swap3A_1061], %mul3A_1059 {strides = array<i32>} : memref<80x128xf32, #tpu.memory_space<vmem>>, vector<16xf32>,
          %get3A_1063 = arith.index_cast %add3A_1023 : i32 to index
          %get3A_1064 = arith.constant 80 : index
          %get3A_1065 = tpu.vector_load %arg12[%get3A_1063, %get3A_1064] {strides = array<i32>} : memref<80x128xf32, #tpu.memory_space<vmem>>, vector<16xf32>,
          %mul3A_1066 = arith.mulf %get3A_1065, %gather3A_1027 : vector<16xf32>
          %swap3A_1067 = arith.index_cast %add3A_1023 : i32 to index
          %swap3A_1068 = arith.constant 80 : index
          %swap3A_1069 = tpu.vector_load %arg12[%swap3A_1067, %swap3A_1068] {strides = array<i32>} : memref<80x128xf32, #tpu.memory_space<vmem>>, vector<16xf32>,
          tpu.vector_store %arg12[%swap3A_1067, %swap3A_1068], %mul3A_1066 {strides = array<i32>} : memref<80x128xf32, #tpu.memory_space<vmem>>, vector<16xf32>,
          %get3A_1070 = arith.index_cast %add3A_1023 : i32 to index
          %get3A_1071 = arith.constant 96 : index
          %get3A_1072 = tpu.vector_load %arg12[%get3A_1070, %get3A_1071] {strides = array<i32>} : memref<80x128xf32, #tpu.memory_space<vmem>>, vector<16xf32>,
          %mul3A_1073 = arith.mulf %get3A_1072, %gather3A_1027 : vector<16xf32>
          %swap3A_1074 = arith.index_cast %add3A_1023 : i32 to index
          %swap3A_1075 = arith.constant 96 : index
          %swap3A_1076 = tpu.vector_load %arg12[%swap3A_1074, %swap3A_1075] {strides = array<i32>} : memref<80x128xf32, #tpu.memory_space<vmem>>, vector<16xf32>,
          tpu.vector_store %arg12[%swap3A_1074, %swap3A_1075], %mul3A_1073 {strides = array<i32>} : memref<80x128xf32, #tpu.memory_space<vmem>>, vector<16xf32>,
          %get3A_1077 = arith.index_cast %add3A_1023 : i32 to index
          %get3A_1078 = arith.constant 112 : index
          %get3A_1079 = tpu.vector_load %arg12[%get3A_1077, %get3A_1078] {strides = array<i32>} : memref<80x128xf32, #tpu.memory_space<vmem>>, vector<16xf32>,
          %mul3A_1080 = arith.mulf %get3A_1079, %gather3A_1027 : vector<16xf32>
          %swap3A_1081 = arith.index_cast %add3A_1023 : i32 to index
          %swap3A_1082 = arith.constant 112 : index
          %swap3A_1083 = tpu.vector_load %arg12[%swap3A_1081, %swap3A_1082] {strides = array<i32>} : memref<80x128xf32, #tpu.memory_space<vmem>>, vector<16xf32>,
          tpu.vector_store %arg12[%swap3A_1081, %swap3A_1082], %mul3A_1080 {strides = array<i32>} : memref<80x128xf32, #tpu.memory_space<vmem>>, vector<16xf32>,
          %mul3A_1084 = arith.constant 16 : i32
          %mul3A_1085 = arith.muli %scan3A_118, %mul3A_1084 : i32
          %add3A_1086 = arith.constant 15 : i32
          %add3A_1087 = arith.addi %mul3A_1085, %add3A_1086 : i32
          %broadcast_in_dim3A_1088 = arith.constant 15 : i32
          %broadcast_in_dim3A_1089 = vector.broadcast %broadcast_in_dim3A_1088 : i32 to vector<16x1xi32>
          %gather3A_1090 = vector.shape_cast %broadcast_in_dim3A_1089 : vector<16x1xi32> to vector<16xi32>
          %gather3A_1091 = tpu.dynamic_gather %get3A_124[%gather3A_1090] in [0] : vector<16xf32>, vector<16xi32> -> vector<16xf32>
          %get3A_1092 = arith.index_cast %add3A_1087 : i32 to index
          %get3A_1093 = arith.constant 0 : index
          %get3A_1094 = tpu.vector_load %arg12[%get3A_1092, %get3A_1093] {strides = array<i32>} : memref<80x128xf32, #tpu.memory_space<vmem>>, vector<16xf32>,
          %mul3A_1095 = arith.mulf %get3A_1094, %gather3A_1091 : vector<16xf32>
          %swap3A_1096 = arith.index_cast %add3A_1087 : i32 to index
          %swap3A_1097 = arith.constant 0 : index
          %swap3A_1098 = tpu.vector_load %arg12[%swap3A_1096, %swap3A_1097] {strides = array<i32>} : memref<80x128xf32, #tpu.memory_space<vmem>>, vector<16xf32>,
          tpu.vector_store %arg12[%swap3A_1096, %swap3A_1097], %mul3A_1095 {strides = array<i32>} : memref<80x128xf32, #tpu.memory_space<vmem>>, vector<16xf32>,
          %get3A_1099 = arith.index_cast %add3A_1087 : i32 to index
          %get3A_1100 = arith.constant 16 : index
          %get3A_1101 = tpu.vector_load %arg12[%get3A_1099, %get3A_1100] {strides = array<i32>} : memref<80x128xf32, #tpu.memory_space<vmem>>, vector<16xf32>,
          %mul3A_1102 = arith.mulf %get3A_1101, %gather3A_1091 : vector<16xf32>
          %swap3A_1103 = arith.index_cast %add3A_1087 : i32 to index
          %swap3A_1104 = arith.constant 16 : index
          %swap3A_1105 = tpu.vector_load %arg12[%swap3A_1103, %swap3A_1104] {strides = array<i32>} : memref<80x128xf32, #tpu.memory_space<vmem>>, vector<16xf32>,
          tpu.vector_store %arg12[%swap3A_1103, %swap3A_1104], %mul3A_1102 {strides = array<i32>} : memref<80x128xf32, #tpu.memory_space<vmem>>, vector<16xf32>,
          %get3A_1106 = arith.index_cast %add3A_1087 : i32 to index
          %get3A_1107 = arith.constant 32 : index
          %get3A_1108 = tpu.vector_load %arg12[%get3A_1106, %get3A_1107] {strides = array<i32>} : memref<80x128xf32, #tpu.memory_space<vmem>>, vector<16xf32>,
          %mul3A_1109 = arith.mulf %get3A_1108, %gather3A_1091 : vector<16xf32>
          %swap3A_1110 = arith.index_cast %add3A_1087 : i32 to index
          %swap3A_1111 = arith.constant 32 : index
          %swap3A_1112 = tpu.vector_load %arg12[%swap3A_1110, %swap3A_1111] {strides = array<i32>} : memref<80x128xf32, #tpu.memory_space<vmem>>, vector<16xf32>,
          tpu.vector_store %arg12[%swap3A_1110, %swap3A_1111], %mul3A_1109 {strides = array<i32>} : memref<80x128xf32, #tpu.memory_space<vmem>>, vector<16xf32>,
          %get3A_1113 = arith.index_cast %add3A_1087 : i32 to index
          %get3A_1114 = arith.constant 48 : index
          %get3A_1115 = tpu.vector_load %arg12[%get3A_1113, %get3A_1114] {strides = array<i32>} : memref<80x128xf32, #tpu.memory_space<vmem>>, vector<16xf32>,
          %mul3A_1116 = arith.mulf %get3A_1115, %gather3A_1091 : vector<16xf32>
          %swap3A_1117 = arith.index_cast %add3A_1087 : i32 to index
          %swap3A_1118 = arith.constant 48 : index
          %swap3A_1119 = tpu.vector_load %arg12[%swap3A_1117, %swap3A_1118] {strides = array<i32>} : memref<80x128xf32, #tpu.memory_space<vmem>>, vector<16xf32>,
          tpu.vector_store %arg12[%swap3A_1117, %swap3A_1118], %mul3A_1116 {strides = array<i32>} : memref<80x128xf32, #tpu.memory_space<vmem>>, vector<16xf32>,
          %get3A_1120 = arith.index_cast %add3A_1087 : i32 to index
          %get3A_1121 = arith.constant 64 : index
          %get3A_1122 = tpu.vector_load %arg12[%get3A_1120, %get3A_1121] {strides = array<i32>} : memref<80x128xf32, #tpu.memory_space<vmem>>, vector<16xf32>,
          %mul3A_1123 = arith.mulf %get3A_1122, %gather3A_1091 : vector<16xf32>
          %swap3A_1124 = arith.index_cast %add3A_1087 : i32 to index
          %swap3A_1125 = arith.constant 64 : index
          %swap3A_1126 = tpu.vector_load %arg12[%swap3A_1124, %swap3A_1125] {strides = array<i32>} : memref<80x128xf32, #tpu.memory_space<vmem>>, vector<16xf32>,
          tpu.vector_store %arg12[%swap3A_1124, %swap3A_1125], %mul3A_1123 {strides = array<i32>} : memref<80x128xf32, #tpu.memory_space<vmem>>, vector<16xf32>,
          %get3A_1127 = arith.index_cast %add3A_1087 : i32 to index
          %get3A_1128 = arith.constant 80 : index
          %get3A_1129 = tpu.vector_load %arg12[%get3A_1127, %get3A_1128] {strides = array<i32>} : memref<80x128xf32, #tpu.memory_space<vmem>>, vector<16xf32>,
          %mul3A_1130 = arith.mulf %get3A_1129, %gather3A_1091 : vector<16xf32>
          %swap3A_1131 = arith.index_cast %add3A_1087 : i32 to index
          %swap3A_1132 = arith.constant 80 : index
          %swap3A_1133 = tpu.vector_load %arg12[%swap3A_1131, %swap3A_1132] {strides = array<i32>} : memref<80x128xf32, #tpu.memory_space<vmem>>, vector<16xf32>,
          tpu.vector_store %arg12[%swap3A_1131, %swap3A_1132], %mul3A_1130 {strides = array<i32>} : memref<80x128xf32, #tpu.memory_space<vmem>>, vector<16xf32>,
          %get3A_1134 = arith.index_cast %add3A_1087 : i32 to index
          %get3A_1135 = arith.constant 96 : index
          %get3A_1136 = tpu.vector_load %arg12[%get3A_1134, %get3A_1135] {strides = array<i32>} : memref<80x128xf32, #tpu.memory_space<vmem>>, vector<16xf32>,
          %mul3A_1137 = arith.mulf %get3A_1136, %gather3A_1091 : vector<16xf32>
          %swap3A_1138 = arith.index_cast %add3A_1087 : i32 to index
          %swap3A_1139 = arith.constant 96 : index
          %swap3A_1140 = tpu.vector_load %arg12[%swap3A_1138, %swap3A_1139] {strides = array<i32>} : memref<80x128xf32, #tpu.memory_space<vmem>>, vector<16xf32>,
          tpu.vector_store %arg12[%swap3A_1138, %swap3A_1139], %mul3A_1137 {strides = array<i32>} : memref<80x128xf32, #tpu.memory_space<vmem>>, vector<16xf32>,
          %get3A_1141 = arith.index_cast %add3A_1087 : i32 to index
          %get3A_1142 = arith.constant 112 : index
          %get3A_1143 = tpu.vector_load %arg12[%get3A_1141, %get3A_1142] {strides = array<i32>} : memref<80x128xf32, #tpu.memory_space<vmem>>, vector<16xf32>,
          %mul3A_1144 = arith.mulf %get3A_1143, %gather3A_1091 : vector<16xf32>
          %swap3A_1145 = arith.index_cast %add3A_1087 : i32 to index
          %swap3A_1146 = arith.constant 112 : index
          %swap3A_1147 = tpu.vector_load %arg12[%swap3A_1145, %swap3A_1146] {strides = array<i32>} : memref<80x128xf32, #tpu.memory_space<vmem>>, vector<16xf32>,
          tpu.vector_store %arg12[%swap3A_1145, %swap3A_1146], %mul3A_1144 {strides = array<i32>} : memref<80x128xf32, #tpu.memory_space<vmem>>, vector<16xf32>,
          %scan3A_1148 = arith.constant 0 : i32
          scf.yield %scan3A_1148 : i32
        }
        %scan3A_116 = arith.constant 5 : i32
        "tpu.region"() ({
          %run_scoped3A = tpu.sem_alloc : memref<!tpu.dma_semaphore, #tpu.memory_space<semaphore_mem>>
          %dma_start3A_118 = arith.constant 0 : i32
          %dma_start3A_119 = arith.constant 0 : i32
          %dma_start3A_120 = tpu.memref_slice %arg13[%dma_start3A_118, %dma_start3A_119] : memref<10240x128xf32, #tpu.memory_space<vmem_shared>> -> memref<10240x128xf32, #tpu.memory_space<vmem_shared>>
          tpu.enqueue_indirect_dma source(%arg12 : memref<80x128xf32, #tpu.memory_space<vmem>>) target(%dma_start3A_120 : memref<10240x128xf32, #tpu.memory_space<vmem_shared>>) offsets(%arg11 : memref<80xi32, #tpu.memory_space<vmem>>) semaphore(%run_scoped3A : memref<!tpu.dma_semaphore, #tpu.memory_space<semaphore_mem>>) {add = true}
          %dma_wait3A_121 = arith.constant 0 : i32
          %dma_wait3A_122 = arith.constant 0 : i32
          %dma_wait3A_123 = tpu.memref_slice %arg13[%dma_wait3A_121, %dma_wait3A_122] : memref<10240x128xf32, #tpu.memory_space<vmem_shared>> -> memref<10240x128xf32, #tpu.memory_space<vmem_shared>>
          tpu.wait_indirect_dma semaphore(%run_scoped3A : memref<!tpu.dma_semaphore, #tpu.memory_space<semaphore_mem>>) src(%arg12 : memref<80x128xf32, #tpu.memory_space<vmem>>) dst(%dma_wait3A_123 : memref<10240x128xf32, #tpu.memory_space<vmem_shared>>)
          tpu.yield
        }) : () -> ()
        %scan3A_117 = arith.constant 0 : i32
        scf.yield %scan3A_117 : i32
      }
      %scan3A_42 = arith.constant 25 : i32
      %scan3A_43 = arith.constant 0 : i32
      scf.yield %scan3A_43 : i32
    }
    %scan3A_32 = arith.constant 5 : i32
    %barrier3A_33 = arith.constant 0 : index
    tpu.barrier barrier_id(%barrier3A_33)
    "tpu.region"() ({
      %run_scoped3A = tpu.sem_alloc : memref<!tpu.dma_semaphore, #tpu.memory_space<semaphore_mem>>
      %dma_start3A = arith.constant 0 : i32
      %dma_start3A_34 = tpu.memref_slice %arg6[%arg0, %mul3A_9, %dma_start3A] : memref<2x10240x128xf32, #tpu.memory_space<hbm>> -> memref<1x640x128xf32, #tpu.memory_space<hbm>>
      %dma_start3A_35 = tpu.memref_squeeze %dma_start3A_34 : memref<1x640x128xf32, #tpu.memory_space<hbm>> -> memref<640x128xf32, #tpu.memory_space<hbm>>
      %dma_start3A_36 = arith.constant 0 : i32
      %dma_start3A_37 = tpu.memref_slice %arg13[%mul3A_9, %dma_start3A_36] : memref<10240x128xf32, #tpu.memory_space<vmem_shared>> -> memref<640x128xf32, #tpu.memory_space<vmem_shared>>
      tpu.enqueue_dma source(%dma_start3A_37 : memref<640x128xf32, #tpu.memory_space<vmem_shared>>) target(%dma_start3A_35 : memref<640x128xf32, #tpu.memory_space<hbm>>) target_semaphore(%run_scoped3A : memref<!tpu.dma_semaphore, #tpu.memory_space<semaphore_mem>>)
      %dma_wait3A = arith.constant 0 : i32
      %dma_wait3A_38 = tpu.memref_slice %arg6[%arg0, %mul3A_9, %dma_wait3A] : memref<2x10240x128xf32, #tpu.memory_space<hbm>> -> memref<1x640x128xf32, #tpu.memory_space<hbm>>
      %dma_wait3A_39 = tpu.memref_squeeze %dma_wait3A_38 : memref<1x640x128xf32, #tpu.memory_space<hbm>> -> memref<640x128xf32, #tpu.memory_space<hbm>>
      %dma_wait3A_40 = arith.constant 0 : i32
      %dma_wait3A_41 = tpu.memref_slice %arg13[%mul3A_9, %dma_wait3A_40] : memref<10240x128xf32, #tpu.memory_space<vmem_shared>> -> memref<640x128xf32, #tpu.memory_space<vmem_shared>>
      tpu.wait_dma2 semaphore(%run_scoped3A : memref<!tpu.dma_semaphore, #tpu.memory_space<semaphore_mem>>) src(%dma_wait3A_41 : memref<640x128xf32, #tpu.memory_space<vmem_shared>>) dst(%dma_wait3A_39 : memref<640x128xf32, #tpu.memory_space<hbm>>)
      tpu.yield
    }) : () -> ()
    return
  }
}

module attributes {stable_mosaic.version = 14 : i64} {
  func.func @body(%arg0: i32, %arg1: memref<32x1024xf32, #tpu.memory_space<vmem>>, %arg2: memref<1024x128xf32, #tpu.memory_space<vmem>>, %arg3: memref<128x128xf32, #tpu.memory_space<vmem>>, %arg4: memref<1024x128xf32, #tpu.memory_space<vmem>>) attributes {dimension_semantics = [#tpu.dimension_semantics<arbitrary>], iteration_bounds = array<i64: 10>, scalar_prefetch = 0 : i64, scratch_operands = 0 : i64, tpu.core_type = #tpu.core_type<tc>, window_params = [{transform_indices = @transform_0, window_bounds = array<i64: 32, 1024>}, {transform_indices = @transform_1, window_bounds = array<i64: 1024, 128>}, {pipeline_mode = #tpu.pipeline_mode<synchronous>, transform_indices = @transform_2, window_bounds = array<i64: 128, 128>}, {transform_indices = @transform_3, window_bounds = array<i64: 1024, 128>}]} {
    %get3A = arith.constant 0 : index
    %get3A_0 = arith.constant 0 : index
    %get3A_1 = vector.load %arg1[%get3A, %get3A_0] : memref<32x1024xf32, #tpu.memory_space<vmem>>, vector<32x1024xf32>
    %reduce_sum3A = arith.constant dense<0.000000e+00> : vector<1024xf32>
    %reduce_sum3A_2 = vector.multi_reduction <add>, %get3A_1, %reduce_sum3A [0] : vector<32x1024xf32> to vector<1024xf32>
    %add3A = arith.constant 1.000000e+00 : f32
    %add3A_3 = vector.broadcast %add3A : f32 to vector<1024xf32>
    %add3A_4 = arith.addf %reduce_sum3A_2, %add3A_3 : vector<1024xf32>
    %rsqrt3A = math.rsqrt %add3A_4 : vector<1024xf32>
    %broadcast_in_dim3A = vector.shape_cast %rsqrt3A : vector<1024xf32> to vector<1024x1xf32>
    %get3A_5 = arith.constant 0 : index
    %get3A_6 = arith.constant 0 : index
    %get3A_7 = vector.load %arg2[%get3A_5, %get3A_6] : memref<1024x128xf32, #tpu.memory_space<vmem>>, vector<1024x128xf32>
    %get3A_8 = arith.constant 0 : index
    %get3A_9 = arith.constant 0 : index
    %get3A_10 = vector.load %arg3[%get3A_8, %get3A_9] : memref<128x128xf32, #tpu.memory_space<vmem>>, vector<128x128xf32>
    %dot_general3A = arith.constant dense<0.000000e+00> : vector<1024x128xf32>
    %dot_general3A_11 = tpu.matmul %get3A_7, %get3A_10, %dot_general3A {dimension_numbers = #tpu.dot_dimension_numbers<[1], [0], [0], [1], [0, 0, 1, 1], [], []>, transpose_lhs_hint = false} : vector<1024x128xf32>, vector<128x128xf32>, vector<1024x128xf32> -> vector<1024x128xf32>
    %mul3A = vector.broadcast %broadcast_in_dim3A : vector<1024x1xf32> to vector<1024x128xf32>
    %mul3A_12 = arith.mulf %mul3A, %dot_general3A_11 : vector<1024x128xf32>
    %swap3A = arith.constant 0 : index
    %swap3A_13 = arith.constant 0 : index
    %swap3A_14 = vector.load %arg4[%swap3A, %swap3A_13] : memref<1024x128xf32, #tpu.memory_space<vmem>>, vector<1024x128xf32>
    tpu.vector_store %arg4[%swap3A, %swap3A_13], %mul3A_12 {strides = array<i32>} : memref<1024x128xf32, #tpu.memory_space<vmem>>, vector<1024x128xf32>,
    return
  }
  func.func @transform_0(%arg0: i32) -> (i32, i32) {
    %c0_i32 = arith.constant 0 : i32
    %c0_i32_0 = arith.constant 0 : i32
    return %c0_i32, %arg0 : i32, i32
  }
  func.func @transform_1(%arg0: i32) -> (i32, i32) {
    %c0_i32 = arith.constant 0 : i32
    %c0_i32_0 = arith.constant 0 : i32
    return %arg0, %c0_i32 : i32, i32
  }
  func.func @transform_2(%arg0: i32) -> (i32, i32) {
    %c0_i32 = arith.constant 0 : i32
    %c0_i32_0 = arith.constant 0 : i32
    %c0_i32_1 = arith.constant 0 : i32
    return %c0_i32, %c0_i32_0 : i32, i32
  }
  func.func @transform_3(%arg0: i32) -> (i32, i32) {
    %c0_i32 = arith.constant 0 : i32
    %c0_i32_0 = arith.constant 0 : i32
    return %arg0, %c0_i32 : i32, i32
  }
}

module attributes {stable_mosaic.version = 14 : i64} {
  func.func @body(%arg0: i32, %arg1: memref<2x1024x128xf32, #tpu.memory_space<vmem>>, %arg2: memref<32x1024xf32, #tpu.memory_space<vmem>>, %arg3: memref<1024x128xf32, #tpu.memory_space<vmem>>, %arg4: memref<1x128xf32, #tpu.memory_space<vmem>>, %arg5: memref<1024x128xf32, #tpu.memory_space<vmem>>) attributes {dimension_semantics = [#tpu.dimension_semantics<arbitrary>], iteration_bounds = array<i64: 10>, scalar_prefetch = 0 : i64, scratch_operands = 0 : i64, tpu.core_type = #tpu.core_type<tc>, window_params = [{transform_indices = @transform_0, window_bounds = array<i64: 2, 1024, 128>}, {transform_indices = @transform_1, window_bounds = array<i64: 32, 1024>}, {transform_indices = @transform_2, window_bounds = array<i64: 1024, 128>}, {pipeline_mode = #tpu.pipeline_mode<synchronous>, transform_indices = @transform_3, window_bounds = array<i64: 1, 128>}, {transform_indices = @transform_4, window_bounds = array<i64: 1024, 128>}]} {
    %get3A = arith.constant 0 : index
    %get3A_0 = arith.constant 0 : index
    %get3A_1 = vector.load %arg2[%get3A, %get3A_0] : memref<32x1024xf32, #tpu.memory_space<vmem>>, vector<32x1024xf32>
    %reduce_sum3A = arith.constant dense<0.000000e+00> : vector<1024xf32>
    %reduce_sum3A_2 = vector.multi_reduction <add>, %get3A_1, %reduce_sum3A [0] : vector<32x1024xf32> to vector<1024xf32>
    %add3A = arith.constant 1.000000e+00 : f32
    %add3A_3 = vector.broadcast %add3A : f32 to vector<1024xf32>
    %add3A_4 = arith.addf %reduce_sum3A_2, %add3A_3 : vector<1024xf32>
    %rsqrt3A = math.rsqrt %add3A_4 : vector<1024xf32>
    %broadcast_in_dim3A = vector.shape_cast %rsqrt3A : vector<1024xf32> to vector<1024x1xf32>
    %get3A_5 = arith.constant 0 : index
    %get3A_6 = arith.constant 0 : index
    %get3A_7 = arith.constant 0 : index
    %get3A_8 = vector.load %arg1[%get3A_5, %get3A_6, %get3A_7] : memref<2x1024x128xf32, #tpu.memory_space<vmem>>, vector<1x1024x128xf32>
    %get3A_9 = vector.shape_cast %get3A_8 : vector<1x1024x128xf32> to vector<1024x128xf32>
    %get3A_10 = arith.constant 1 : index
    %get3A_11 = arith.constant 0 : index
    %get3A_12 = arith.constant 0 : index
    %get3A_13 = vector.load %arg1[%get3A_10, %get3A_11, %get3A_12] : memref<2x1024x128xf32, #tpu.memory_space<vmem>>, vector<1x1024x128xf32>
    %get3A_14 = vector.shape_cast %get3A_13 : vector<1x1024x128xf32> to vector<1024x128xf32>
    %add3A_15 = arith.addf %get3A_9, %get3A_14 : vector<1024x128xf32>
    %get3A_16 = arith.constant 0 : index
    %get3A_17 = arith.constant 0 : index
    %get3A_18 = vector.load %arg3[%get3A_16, %get3A_17] : memref<1024x128xf32, #tpu.memory_space<vmem>>, vector<1024x128xf32>
    %add3A_19 = arith.addf %add3A_15, %get3A_18 : vector<1024x128xf32>
    %mul3A = vector.broadcast %broadcast_in_dim3A : vector<1024x1xf32> to vector<1024x128xf32>
    %mul3A_20 = arith.mulf %mul3A, %add3A_19 : vector<1024x128xf32>
    %get3A_21 = arith.constant 0 : index
    %get3A_22 = arith.constant 0 : index
    %get3A_23 = vector.load %arg4[%get3A_21, %get3A_22] : memref<1x128xf32, #tpu.memory_space<vmem>>, vector<1x128xf32>
    %add3A_24 = vector.broadcast %get3A_23 : vector<1x128xf32> to vector<1024x128xf32>
    %add3A_25 = arith.addf %mul3A_20, %add3A_24 : vector<1024x128xf32>
    %max3A = arith.constant 0.000000e+00 : f32
    %max3A_26 = vector.broadcast %max3A : f32 to vector<1024x128xf32>
    %max3A_27 = arith.maximumf %add3A_25, %max3A_26 : vector<1024x128xf32>
    %mul3A_28 = vector.broadcast %broadcast_in_dim3A : vector<1024x1xf32> to vector<1024x128xf32>
    %mul3A_29 = arith.mulf %mul3A_28, %max3A_27 : vector<1024x128xf32>
    %swap3A = arith.constant 0 : index
    %swap3A_30 = arith.constant 0 : index
    %swap3A_31 = vector.load %arg5[%swap3A, %swap3A_30] : memref<1024x128xf32, #tpu.memory_space<vmem>>, vector<1024x128xf32>
    tpu.vector_store %arg5[%swap3A, %swap3A_30], %mul3A_29 {strides = array<i32>} : memref<1024x128xf32, #tpu.memory_space<vmem>>, vector<1024x128xf32>,
    return
  }
  func.func @transform_0(%arg0: i32) -> (i32, i32, i32) {
    %c0_i32 = arith.constant 0 : i32
    %c0_i32_0 = arith.constant 0 : i32
    %c0_i32_1 = arith.constant 0 : i32
    return %c0_i32, %arg0, %c0_i32_0 : i32, i32, i32
  }
  func.func @transform_1(%arg0: i32) -> (i32, i32) {
    %c0_i32 = arith.constant 0 : i32
    %c0_i32_0 = arith.constant 0 : i32
    return %c0_i32, %arg0 : i32, i32
  }
  func.func @transform_2(%arg0: i32) -> (i32, i32) {
    %c0_i32 = arith.constant 0 : i32
    %c0_i32_0 = arith.constant 0 : i32
    return %arg0, %c0_i32 : i32, i32
  }
  func.func @transform_3(%arg0: i32) -> (i32, i32) {
    %c0_i32 = arith.constant 0 : i32
    %c0_i32_0 = arith.constant 0 : i32
    %c0_i32_1 = arith.constant 0 : i32
    return %c0_i32, %c0_i32_0 : i32, i32
  }
  func.func @transform_4(%arg0: i32) -> (i32, i32) {
    %c0_i32 = arith.constant 0 : i32
    %c0_i32_0 = arith.constant 0 : i32
    return %arg0, %c0_i32 : i32, i32
  }
}

module attributes {stable_mosaic.version = 14 : i64} {
  func.func @body(%arg0: i32, %arg1: memref<2x1024x128xf32, #tpu.memory_space<vmem>>, %arg2: memref<32x1024xf32, #tpu.memory_space<vmem>>, %arg3: memref<1024x128xf32, #tpu.memory_space<vmem>>, %arg4: memref<128x64xf32, #tpu.memory_space<vmem>>, %arg5: memref<1x64xf32, #tpu.memory_space<vmem>>, %arg6: memref<1024x64xf32, #tpu.memory_space<vmem>>) attributes {dimension_semantics = [#tpu.dimension_semantics<arbitrary>], iteration_bounds = array<i64: 10>, scalar_prefetch = 0 : i64, scratch_operands = 0 : i64, tpu.core_type = #tpu.core_type<tc>, window_params = [{transform_indices = @transform_0, window_bounds = array<i64: 2, 1024, 128>}, {transform_indices = @transform_1, window_bounds = array<i64: 32, 1024>}, {transform_indices = @transform_2, window_bounds = array<i64: 1024, 128>}, {pipeline_mode = #tpu.pipeline_mode<synchronous>, transform_indices = @transform_3, window_bounds = array<i64: 128, 64>}, {pipeline_mode = #tpu.pipeline_mode<synchronous>, transform_indices = @transform_4, window_bounds = array<i64: 1, 64>}, {transform_indices = @transform_5, window_bounds = array<i64: 1024, 64>}]} {
    %get3A = arith.constant 0 : index
    %get3A_0 = arith.constant 0 : index
    %get3A_1 = vector.load %arg2[%get3A, %get3A_0] : memref<32x1024xf32, #tpu.memory_space<vmem>>, vector<32x1024xf32>
    %reduce_sum3A = arith.constant dense<0.000000e+00> : vector<1024xf32>
    %reduce_sum3A_2 = vector.multi_reduction <add>, %get3A_1, %reduce_sum3A [0] : vector<32x1024xf32> to vector<1024xf32>
    %add3A = arith.constant 1.000000e+00 : f32
    %add3A_3 = vector.broadcast %add3A : f32 to vector<1024xf32>
    %add3A_4 = arith.addf %reduce_sum3A_2, %add3A_3 : vector<1024xf32>
    %rsqrt3A = math.rsqrt %add3A_4 : vector<1024xf32>
    %broadcast_in_dim3A = vector.shape_cast %rsqrt3A : vector<1024xf32> to vector<1024x1xf32>
    %get3A_5 = arith.constant 0 : index
    %get3A_6 = arith.constant 0 : index
    %get3A_7 = arith.constant 0 : index
    %get3A_8 = vector.load %arg1[%get3A_5, %get3A_6, %get3A_7] : memref<2x1024x128xf32, #tpu.memory_space<vmem>>, vector<1x1024x128xf32>
    %get3A_9 = vector.shape_cast %get3A_8 : vector<1x1024x128xf32> to vector<1024x128xf32>
    %get3A_10 = arith.constant 1 : index
    %get3A_11 = arith.constant 0 : index
    %get3A_12 = arith.constant 0 : index
    %get3A_13 = vector.load %arg1[%get3A_10, %get3A_11, %get3A_12] : memref<2x1024x128xf32, #tpu.memory_space<vmem>>, vector<1x1024x128xf32>
    %get3A_14 = vector.shape_cast %get3A_13 : vector<1x1024x128xf32> to vector<1024x128xf32>
    %add3A_15 = arith.addf %get3A_9, %get3A_14 : vector<1024x128xf32>
    %get3A_16 = arith.constant 0 : index
    %get3A_17 = arith.constant 0 : index
    %get3A_18 = vector.load %arg3[%get3A_16, %get3A_17] : memref<1024x128xf32, #tpu.memory_space<vmem>>, vector<1024x128xf32>
    %add3A_19 = arith.addf %add3A_15, %get3A_18 : vector<1024x128xf32>
    %mul3A = vector.broadcast %broadcast_in_dim3A : vector<1024x1xf32> to vector<1024x128xf32>
    %mul3A_20 = arith.mulf %mul3A, %add3A_19 : vector<1024x128xf32>
    %get3A_21 = arith.constant 0 : index
    %get3A_22 = arith.constant 0 : index
    %get3A_23 = vector.load %arg4[%get3A_21, %get3A_22] : memref<128x64xf32, #tpu.memory_space<vmem>>, vector<128x64xf32>
    %dot_general3A = arith.constant dense<0.000000e+00> : vector<1024x64xf32>
    %dot_general3A_24 = tpu.matmul %mul3A_20, %get3A_23, %dot_general3A {dimension_numbers = #tpu.dot_dimension_numbers<[1], [0], [0], [1], [0, 0, 1, 1], [], []>, transpose_lhs_hint = false} : vector<1024x128xf32>, vector<128x64xf32>, vector<1024x64xf32> -> vector<1024x64xf32>
    %get3A_25 = arith.constant 0 : index
    %get3A_26 = arith.constant 0 : index
    %get3A_27 = vector.load %arg5[%get3A_25, %get3A_26] : memref<1x64xf32, #tpu.memory_space<vmem>>, vector<1x64xf32>
    %add3A_28 = vector.broadcast %get3A_27 : vector<1x64xf32> to vector<1024x64xf32>
    %add3A_29 = arith.addf %dot_general3A_24, %add3A_28 : vector<1024x64xf32>
    %mul3A_30 = arith.mulf %add3A_29, %add3A_29 : vector<1024x64xf32>
    %reduce_sum3A_31 = arith.constant dense<0.000000e+00> : vector<1024xf32>
    %reduce_sum3A_32 = vector.multi_reduction <add>, %mul3A_30, %reduce_sum3A_31 [1] : vector<1024x64xf32> to vector<1024xf32>
    %broadcast_in_dim3A_33 = vector.shape_cast %reduce_sum3A_32 : vector<1024xf32> to vector<1024x1xf32>
    %sqrt3A = math.sqrt %broadcast_in_dim3A_33 : vector<1024x1xf32>
    %max3A = arith.constant 9.99999996E-13 : f32
    %max3A_34 = vector.broadcast %max3A : f32 to vector<1024x1xf32>
    %max3A_35 = arith.maximumf %sqrt3A, %max3A_34 : vector<1024x1xf32>
    %div3A = vector.broadcast %max3A_35 : vector<1024x1xf32> to vector<1024x64xf32>
    %div3A_36 = arith.divf %add3A_29, %div3A : vector<1024x64xf32>
    %swap3A = arith.constant 0 : index
    %swap3A_37 = arith.constant 0 : index
    %swap3A_38 = vector.load %arg6[%swap3A, %swap3A_37] : memref<1024x64xf32, #tpu.memory_space<vmem>>, vector<1024x64xf32>
    tpu.vector_store %arg6[%swap3A, %swap3A_37], %div3A_36 {strides = array<i32>} : memref<1024x64xf32, #tpu.memory_space<vmem>>, vector<1024x64xf32>,
    return
  }
  func.func @transform_0(%arg0: i32) -> (i32, i32, i32) {
    %c0_i32 = arith.constant 0 : i32
    %c0_i32_0 = arith.constant 0 : i32
    %c0_i32_1 = arith.constant 0 : i32
    return %c0_i32, %arg0, %c0_i32_0 : i32, i32, i32
  }
  func.func @transform_1(%arg0: i32) -> (i32, i32) {
    %c0_i32 = arith.constant 0 : i32
    %c0_i32_0 = arith.constant 0 : i32
    return %c0_i32, %arg0 : i32, i32
  }
  func.func @transform_2(%arg0: i32) -> (i32, i32) {
    %c0_i32 = arith.constant 0 : i32
    %c0_i32_0 = arith.constant 0 : i32
    return %arg0, %c0_i32 : i32, i32
  }
  func.func @transform_3(%arg0: i32) -> (i32, i32) {
    %c0_i32 = arith.constant 0 : i32
    %c0_i32_0 = arith.constant 0 : i32
    %c0_i32_1 = arith.constant 0 : i32
    return %c0_i32, %c0_i32_0 : i32, i32
  }
  func.func @transform_4(%arg0: i32) -> (i32, i32) {
    %c0_i32 = arith.constant 0 : i32
    %c0_i32_0 = arith.constant 0 : i32
    %c0_i32_1 = arith.constant 0 : i32
    return %c0_i32, %c0_i32_0 : i32, i32
  }
  func.func @transform_5(%arg0: i32) -> (i32, i32) {
    %c0_i32 = arith.constant 0 : i32
    %c0_i32_0 = arith.constant 0 : i32
    return %arg0, %c0_i32 : i32, i32
  }
}

</mosaic_0001>

<sc_bundles>
// kernel: kernel.11.cloned.1.call-start
scs
__scs_entry_jumppad:
0x0: {  	(pc) =	sbr.rel $0x88, $3  }
0x1: {  	(tag) =	ssettag $0x0;
	lr =	simm.s32 $0x1  }
0x2: {  	[smem:$0x3F9A] =	sst lr;
	_ =	strace $0xD0000000  }
0x3: {  	_ = 	snop  }
0x4: {  	_ = 	snop  }
0x5: {  	_ = 	snop  }
0x6: {  	_ = 	snop  }
0x7: {  	_ = 	snop  }
__scs_overlays_trampoline_lowered:
0x8: {  	[smem:$0x3FA9] =	sst s0  }
0x9: {  	[smem:$0x3FAA] =	sst s1  }
0xa: {  	[smem:$0x3FAB] =	sst s2  }
0xb: {  	[smem:$0x3FAC] =	sst s3  }
0xc: {  	[smem:$0x3FAD] =	sst s4  }
0xd: {  	[smem:$0x3FAE] =	sst s5  }
0xe: {  	[smem:$0x3FAF] =	sst s6  }
0xf: {  	[smem:$0x3FB0] =	sst s7  }
0x10: {  	[smem:$0x3FB1] =	sst s8  }
0x11: {  	[smem:$0x3FB2] =	sst s9;
	s0 =	simm.s32 @!p0 $0x0  }
0x12: {  	s1 =	sld [smem:$0x3F98];
	s0 =	simm.s32 @p0 $0x1  }
0x13: {  	[smem:$0x3FB3] =	sst s0;
	s0 =	simm.s32 @!p1 $0x0  }
0x14: {  	s2 =	sld [smem:$0x3F97];
	s0 =	simm.s32 @p1 $0x1  }
0x15: {  	[smem:$0x3FB4] =	sst s0;
	s0 =	simm.s32 @!p2 $0x0  }
0x16: {  	s3 =	sld [smem:$0x3FDB];
	s0 =	simm.s32 @p2 $0x1  }
0x17: {  	s4 =	simm.s32 $0x1BF5;
	[smem:$0x3FB6] =	sst s0  }
0x18: {  	s0 =	sld [smem:$0x3F99];
	_ =	swait.ge [sflag:s4], $0x0  }
0x19: {  	s7 =	sld [smem:$0x3F9A]  }
0x1a: {  	s8 =	sadd.s32 $0xFFFFE003, lr  }
0x1b: {  	s9 =	sadd.s32 $0xFFFFFEF7, lr;
	s5 =	simm.s32 $0xFFFFFFFF;
	p2 =	slt.u32 s8, $0xFFFFF086  }
0x1c: {  	p1 =	slt.u32 s9, $0xF7A;
	s5 =	simm.s32 @!p2 $0x0  }
0x1d: {  	s5 =	simm.s32 @p1 $0x1;
	p0 =	seq.s32 s7, s2  }
0x1e: {  	s7 =	smul.u32 @!p0 $0xF7A, s2;
	p2 =	seq.s32 @!p0 s5, $0x0  }
0x1f: {  	s9 =	smul.u32 $0xF7A, s1;
	s8 =	simm.s32 @!p0 $0x1BF5;
	p2 =	por !p2, p0  }
0x20: {  	[sflag:s8] =	ssyncset.s32 @!p0 $0xFFFFF086;
	s6 =	sadd.s32 @!p0 s3, s7;
	s7 =	simm.s32 @!p0 $0x108  }
0x21: {  	s3 =	sadd.s32 s3, s9;
	s6 =	sadd.s32 @!p0 $0x88, s6;
	s7 =	simm.s32 @p2 $0x1082  }
0x22: {  	[simem:s7], [sflag:s8] =	dma.local @!p0 [hbm:s6], $0xF7A  }
0x23: {  	s9 =	sor.u32 $0xD0000000, s2;
	s6 =	simm.s32 $0x108;
	_ =	swait.ge @!p0 [sflag:s8], $0x0  }
0x24: {  	s3 =	sadd.s32 $0x88, s3;
	s6 =	simm.s32 @!p1 $0x1082;
	[sflag:s4] =	ssyncset.s32 $0xFFFFF086  }
0x25: {  	[simem:s6], [sflag:s4] =	dma.local [hbm:s3], $0xF7A  }
0x26: {  	[smem:$0x3F9A] =	sst s1;
	(tag) =	ssettag s2;
	_ =	strace s9  }
0x27: {  	s1 =	sld [smem:$0x3FAA]  }
0x28: {  	s2 =	sld [smem:$0x3FAB]  }
0x29: {  	s4 =	sld [smem:$0x3FAD]  }
0x2a: {  	p0 =	seq.s32 s5, $0x0;
	s5 =	sld [smem:$0x3FAE]  }
0x2b: {  	s6 =	sld [smem:$0x3FAF]  }
0x2c: {  	s7 =	sld [smem:$0x3FB0]  }
0x2d: {  	s3 =	simm.s32 $0x108;
	s8 =	sld [smem:$0x3FB1]  }
0x2e: {  	s3 =	simm.s32 @!p0 $0x1082;
	s9 =	sld [smem:$0x3FB2]  }
0x2f: {  	lr =	sadd.s32 s0, s3;
	s0 =	sld [smem:$0x3FA9]  }
0x30: {  	s3 =	sld [smem:$0x3FAC]  }
0x31: {  	[smem:$0x3FB5] =	sst s10  }
0x32: {  	s10 =	sld [smem:$0x3FB3];
	_ =	sdelay $0x3  }
0x33: {  	p0 =	seq.s32 s10, $0x1;
	s10 =	sld [smem:$0x3FB5];
	_ =	sdelay $0x3  }
0x34: {  	[smem:$0x3FB5] =	sst s10  }
0x35: {  	s10 =	sld [smem:$0x3FB4];
	_ =	sdelay $0x3  }
0x36: {  	p1 =	seq.s32 s10, $0x1;
	s10 =	sld [smem:$0x3FB5];
	_ =	sdelay $0x3  }
0x37: {  	[smem:$0x3FB5] =	sst s10  }
0x38: {  	s10 =	sld [smem:$0x3FB6]  }
0x39: {  	_ = 	snop;
	(pc) =	sbr.ind lr, $3  }
0x3a: {  	_ = 	snop  }
0x3b: {  	_ = 	snop  }
0x3c: {  	p2 =	seq.s32 s10, $0x1;
	s10 =	sld [smem:$0x3FB5]  }
0x3d: {  	_ =	shalt  }
0x3e: {  	_ =	shalt  }
0x3f: {  	_ =	shalt  }
0x40: {  	_ =	shalt  }
0x41: {  	_ =	shalt  }
0x42: {  	_ =	shalt  }
0x43: {  	_ =	shalt  }
0x44: {  	_ =	shalt  }
0x45: {  	_ =	shalt  }
0x46: {  	_ =	shalt  }
0x47: {  	_ =	shalt  }
0x48: {  	_ =	shalt  }
0x49: {  	_ =	shalt  }
0x4a: {  	_ =	shalt  }
0x4b: {  	_ =	shalt  }
0x4c: {  	_ =	shalt  }
0x4d: {  	_ =	shalt  }
0x4e: {  	_ =	shalt  }
0x4f: {  	_ =	shalt  }
0x50: {  	_ =	shalt  }
0x51: {  	_ =	shalt  }
0x52: {  	_ =	shalt  }
0x53: {  	_ =	shalt  }
0x54: {  	_ =	shalt  }
0x55: {  	_ =	shalt  }
0x56: {  	_ =	shalt  }
0x57: {  	_ =	shalt  }
0x58: {  	_ =	shalt  }
0x59: {  	_ =	shalt  }
0x5a: {  	_ =	shalt  }
0x5b: {  	_ =	shalt  }
0x5c: {  	_ =	shalt  }
0x5d: {  	_ =	shalt  }
0x5e: {  	_ =	shalt  }
0x5f: {  	_ =	shalt  }
0x60: {  	_ =	shalt  }
0x61: {  	_ =	shalt  }
0x62: {  	_ =	shalt  }
0x63: {  	_ =	shalt  }
0x64: {  	_ =	shalt  }
0x65: {  	_ =	shalt  }
0x66: {  	_ =	shalt  }
0x67: {  	_ =	shalt  }
0x68: {  	_ =	shalt  }
0x69: {  	_ =	shalt  }
0x6a: {  	_ =	shalt  }
0x6b: {  	_ =	shalt  }
0x6c: {  	_ =	shalt  }
0x6d: {  	_ =	shalt  }
0x6e: {  	_ =	shalt  }
0x6f: {  	_ =	shalt  }
0x70: {  	_ =	shalt  }
0x71: {  	_ =	shalt  }
0x72: {  	_ =	shalt  }
0x73: {  	_ =	shalt  }
0x74: {  	_ =	shalt  }
0x75: {  	_ =	shalt  }
0x76: {  	_ =	shalt  }
0x77: {  	_ =	shalt  }
0x78: {  	_ =	shalt  }
0x79: {  	_ =	shalt  }
0x7a: {  	_ =	shalt  }
0x7b: {  	_ =	shalt  }
0x7c: {  	_ =	shalt  }
0x7d: {  	_ =	shalt  }
0x7e: {  	_ =	shalt  }
0x7f: {  	_ =	shalt  }
0x80: {  	_ =	shalt  }
0x81: {  	_ =	shalt  }
0x82: {  	_ =	shalt  }
0x83: {  	_ =	shalt  }
0x84: {  	_ =	shalt  }
0x85: {  	_ =	shalt  }
0x86: {  	_ =	shalt  }
0x87: {  	_ =	shalt  }
.Lfunc_end0:
.L_simem_size_0:
called_computation.1_lowered:
.L_overlay_start_0:
0x88: {  	s2 =	sld [smem:$0x3FD9]  }
0x89: {  	s3 =	sld [smem:$0x3FFE];
	_ =	sdelay $0x1  }
0x8a: {  	s1 =	srdreg.scid  }
0x8b: {  	s0 =	sand.u32 $0x1, s1  }
0x8c: {  	s17 =	sshll.u32 s0, $0xA;
	s2 =	sadd.s32 s3, s2  }
0x8d: {  	s2 =	sadd.s32 s2, s17  }
0x8e: {  	[smem:$0x3FC1] =	sst s2  }
0x8f: {  	_ = 	snop  }
0x90: {  	s2 =	sld [smem:$0x3FD0];
	(tm) =	ssettm $0x1  }
0x91: {  	s18 =	sld [smem:$0x3FFB];
	_ =	sdelay $0x3  }
0x92: {  	_ =	strace s18  }
0x93: {  	s3 =	sld [smem:$0x3FFC];
	_ =	sdelay $0x3  }
0x94: {  	_ =	strace s3  }
0x95: {  	s3 =	sld [smem:$0x3FFD];
	_ =	sdelay $0x3  }
0x96: {  	_ =	strace s3  }
0x97: {  	_ =	strace $0x8FFFFFFF  }
0x98: {  	s19 =	sld [smem:$0x3FDB];
	_ =	sdelay $0x1  }
0x99: {  	s4 =	simm.s32 $_scs_section_size  }
0x9a: {  	s5 =	simm.s32 $_size__tile_overlayer_lowered;
	s6 =	simm.s32 $_tile_overlayer_lowered  }
0x9b: {  	s22 =	simm.s32 $0x1BFF;
	s21 =	sshll.u32 s6, $0x1;
	s3 =	sadd.s32 s4, s19  }
0x9c: {  	s7 =	simm.s32 $0x0;
	s20 =	sshll.u32 s5, $0x1;
	s5 =	sadd.s32 s21, s3  }
0x9d: {  	[timem:s7], [sflag:s22] =	dma.local [hbm:s5], s20  }
0x9e: {  	_ =	swait.ge [sflag:s22], s20  }
0x9f: {  	s4 =	ssub.s32 $0x0, s20;
	[sflag:s22] =	ssyncset.done $0x0  }
0xa0: {  	[sflag:s22] =	ssyncadd.s32 s4;
	_ =	sdelay $0x1  }
0xa1: {  	s23 =	simm.s32 $0x1B8B  }
0xa2: {  	_ =	swait.ge [sflag:s23], $0x1  }
0xa3: {  	[sflag:s23] =	ssyncset.done $0x0  }
0xa4: {  	s25 =	simm.s32 $0x1B8E;
	s24 =	sld [smem:$0x3FFE];
	[sflag:s23] =	ssyncadd.s32 $0xFFFFFFFF  }
0xa5: {  	s26 =	simm.s32 $execute0_lowered;
	[smem:$0x3FD2] =	sst s25  }
0xa6: {  	s5 =	sshll.u32 s26, $0x1;
	_ =	strace $0x80000049;
	[dreg:$0x1] =	wrdreg $0xFFFFFFFF  }
0xa7: {  	s28 =	simm.s32 $_size_execute0_lowered;
	s3 =	sadd.s32 s3, s5;
	[dreg:$0x0] =	wrdreg $0x0  }
0xa8: {  	s5 =	sshll.u32 s28, $0x1;
	[dreg:$0x2] =	wrdreg s3  }
0xa9: {  	[dreg:$0x3] =	wrdreg s5  }
0xaa: {  	[dreg:$0x4] =	wrdreg $0xC0  }
0xab: {  	_ =	task [dreg:s7], $0x5FFFF  }
0xac: {  	[dreg:$0x1] =	wrdreg $0xFFFFFFFF  }
0xad: {  	[dreg:$0x0] =	wrdreg $0x60  }
0xae: {  	[dreg:$0x2] =	wrdreg s24  }
0xaf: {  	[dreg:$0x3] =	wrdreg s2  }
0xb0: {  	[dreg:$0x4] =	wrdreg $0x41000  }
0xb1: {  	[dreg:$0x5] =	wrdreg $0x9  }
0xb2: {  	_ =	task.clear_ibuf [dreg:s7], $0x6FFFF;
	_ =	strace $0x90000049  }
0xb3: {  	s29 =	simm.s32 $0x9;
	_ =	strace $0x8000004B  }
0xb4: {  	_ =	swait.ge [sflag:s29], $0x1  }
0xb5: {  	[sflag:s29] =	ssyncadd.s32 $0xFFFFFFFF  }
0xb6: {  	_ =	strace $0x9000004B  }
0xb7: {  	_ =	sfence  }
0xb8: {  	s30 =	sld [smem:$0x0];
	_ =	sdelay $0x2  }
0xb9: {  	s31 =	sshll.u32 s1, $0xD;
	s1 =	sshrl.u32 s1, $0x2  }
0xba: {  	s3 =	sand.u32 $0x4000, s31;
	s1 =	sadd.s32 s1, s30  }
0xbb: {  	s0 =	sor.u32 s3, s0;
	s1 =	sshll.u32 s1, $0x11  }
0xbc: {  	s0 =	sor.u32 s1, s0  }
0xbd: {  	s0 =	sadd.s32 $0x8F2B, s0  }
0xbe: {  	[sflag:s0] =	ssyncadd.remote.s32 $0x1  }
0xbf: {  	_ =	sfence.sel $0xFFFF  }
0xc0: {  	[dreg:$0x0] =	wrdreg $0xFFFFFFFF;
	(pc) =	sbr.abs _section_cstart, $3  }
0xc1: {  	[dreg:$0x1] =	wrdreg $0xFFFFFFFF  }
0xc2: {  	_ =	task.clear_ibuf [dreg:s7], $0x2FFFF;
	_ =	strace $0x9FFFFFFF  }
0xc3: {  	(tm) =	ssettm $0x7FFFFFFF  }
tec
execute0_lowered:
.L_overlay_start_1:
0x0: {  	(tag) =	ssettag $0x1  }
0x1: {  	s0 =	rddreg [dreg:$0x0]  }
0x2: {  	s1 =	rddreg [dreg:$0x1]  }
0x3: {  	s2 =	rddreg [dreg:$0x2];
	s3 =	srdreg.scid;
	s4 =	simm.s32 $0x0  }
0x4: {  	s14 =	stileid.u32;
	s19 =	simm.s32 $0x1900;
	s20 =	simm.s32 $0x2  }
0x5: {  	s21 =	simm.s32 $0x80;
	s22 =	simm.s32 $0x400;
	s23 =	simm.s32 $0x800  }
0x6: {  	s24 =	simm.s32 $0x1000;
	s25 =	simm.s32 $0x50;
	s26 =	simm.s32 $0x1800  }
0x7: {  	s28 =	simm.s32 $0x1;
	s29 =	simm.s32 $0x1880;
	s30 =	simm.s32 $0x0  }
0x8: {  	s3 =	sand.u32 $0x1, s3;
	[smem:$0x7FF] =	sst s4;
	s9 =	smul.u32 $0x14000, s14  }
0x9: {  	s10 =	smul.u32 $0x50000, s14;
	s5 =	sadd.s32 $0x40000, s0;
	s6 =	sadd.s32 $0x20000, s0  }
0xa: {  	s7 =	sadd.s32 $0x30000, s0;
	s16 =	sshll.u32 s14, $0xC;
	s8 =	smul.u32 $0x140000, s3  }
0xb: {  	_ =	strace $0x8000004A;
	s31 =	ssub.s32 $0x2, s3;
	s3 =	sshll.u32 s3, $0xB  }
0xc: {  	v0 =	vimm.f32 $0.0e+00;
	v1 =	vimm.s32 $0x0;
	s10 =	sshrl.u32 s10, $0x2;
	s12 =	sshrl.u32 s31, $0x1;
	s8 =	sadd.s32 s9, s8  }
0xd: {  	v2 =	vimm.s32 $0x1;
	v3 =	vimm.s32 $0x2;
	v4 =	vimm.s32 $0x3;
	s16 =	sor.u32 s3, s16;
	s9 =	ssub.s32 s31, s12;
	s11 =	sshrl.u32 s8, $0x3  }
0xe: {  	v5 =	vimm.s32 $0x4;
	v6 =	vimm.s32 $0x5;
	v7 =	vimm.s32 $0x6;
	s8 =	sadd.s32 s10, s2;
	s18 =	smax.u32 s9, $0x1;
	s0 =	sadd.s32 s11, s0  }
0xf: {  	v8 =	vimm.s32 $0x7;
	v9 =	vimm.s32 $0x8;
	v10 =	vimm.s32 $0x9;
	s10 =	sadd.s32 $0x2800, s8;
	s11 =	sadd.s32 $0x7800, s8;
	s12 =	sadd.s32 $0xA000, s8  }
0x10: {  	v11 =	vimm.s32 $0xA;
	v12 =	vimm.s32 $0xB;
	v13 =	vimm.s32 $0xC;
	s13 =	sadd.s32 $0xC800, s8;
	s14 =	sadd.s32 $0xF000, s8;
	s15 =	sadd.s32 $0x11800, s8  }
0x11: {  	v14 =	vimm.s32 $0xD;
	v15 =	vimm.s32 $0xE;
	v16 =	vimm.s32 $0xF;
	[dreg:$0x4] =	wrdreg s10;
	s10 =	sadd.s32 $0x5000, s8;
	s17 =	sadd.s32 $0x68000, s0  }
.LBB2_1:
0x12: {  	s0 =	simm.s32 $0x0;
	s3 =	simm.s32 $0x200  }
.LBB2_2:
0x13: {  	p0 =	sne.s32 s3, $0x9E00;
	[tilespmem:s0+$0x1970] =	vst v0  }
0x14: {  	[tilespmem:s0+$0x1900] =	vst v0  }
0x15: {  	[tilespmem:s0+$0x1910] =	vst v0  }
.Ltmp0:
0x16: {  	[tilespmem:s0+$0x1920] =	vst v0;
	(pc) =	sbr.rel @p0 .LBB2_2-.Ltmp0, $4  }
0x17: {  	[tilespmem:s0+$0x1930] =	vst v0  }
0x18: {  	[tilespmem:s0+$0x1940] =	vst v0  }
0x19: {  	[tilespmem:s0+$0x1950] =	vst v0  }
0x1a: {  	[tilespmem:s0+$0x1960] =	vst v0;
	s0 =	sshra.s32 s3, $0x2;
	s3 =	sadd.s32 $0x200, s3  }
0x1b: {  	[tilespmem:s0+$0x1970] =	vst v0  }
0x1c: {  	[tilespmem:s0+$0x1900] =	vst v0  }
0x1d: {  	[tilespmem:s0+$0x1910] =	vst v0  }
0x1e: {  	[tilespmem:s0+$0x1920] =	vst v0  }
0x1f: {  	[tilespmem:s0+$0x1930] =	vst v0  }
0x20: {  	[tilespmem:s0+$0x1940] =	vst v0  }
0x21: {  	[tilespmem:s0+$0x1950] =	vst v0  }
0x22: {  	[tilespmem:s0+$0x1960] =	vst v0  }
0x23: {  	[spmem:s8] =	stream.linear.scatter [tilespmem:s19], [sflag:$0x2], $0x2800, $0x38;
	[tilespmem:$0x18100] =	vst v63  }
0x24: {  	_ =	swait.ge [sflag:s20], $0x2800  }
0x25: {  	[sflag:s20] =	ssyncset.done $0x0  }
0x26: {  	s9 =	rddreg [dreg:$0x4];
	[sflag:s20] =	ssyncadd.s32 $0xFFFFD800  }
0x27: {  	[spmem:s9] =	stream.linear.scatter [tilespmem:s19], [sflag:$0x2], $0x2800, $0x38;
	[tilespmem:$0x18100] =	vst v63  }
0x28: {  	_ =	swait.ge [sflag:s20], $0x2800  }
0x29: {  	[sflag:s20] =	ssyncset.done $0x0  }
0x2a: {  	[sflag:s20] =	ssyncadd.s32 $0xFFFFD800  }
0x2b: {  	[spmem:s10] =	stream.linear.scatter [tilespmem:s19], [sflag:$0x2], $0x2800, $0x38;
	[tilespmem:$0x18100] =	vst v63  }
0x2c: {  	_ =	swait.ge [sflag:s20], $0x2800  }
0x2d: {  	[sflag:s20] =	ssyncset.done $0x0  }
0x2e: {  	[sflag:s20] =	ssyncadd.s32 $0xFFFFD800  }
0x2f: {  	[spmem:s11] =	stream.linear.scatter [tilespmem:s19], [sflag:$0x2], $0x2800, $0x38;
	[tilespmem:$0x18100] =	vst v63  }
0x30: {  	_ =	swait.ge [sflag:s20], $0x2800  }
0x31: {  	[sflag:s20] =	ssyncset.done $0x0  }
0x32: {  	[sflag:s20] =	ssyncadd.s32 $0xFFFFD800  }
0x33: {  	[spmem:s12] =	stream.linear.scatter [tilespmem:s19], [sflag:$0x2], $0x2800, $0x38;
	[tilespmem:$0x18100] =	vst v63  }
0x34: {  	_ =	swait.ge [sflag:s20], $0x2800  }
0x35: {  	[sflag:s20] =	ssyncset.done $0x0  }
0x36: {  	[sflag:s20] =	ssyncadd.s32 $0xFFFFD800  }
0x37: {  	[spmem:s13] =	stream.linear.scatter [tilespmem:s19], [sflag:$0x2], $0x2800, $0x38;
	[tilespmem:$0x18100] =	vst v63  }
0x38: {  	_ =	swait.ge [sflag:s20], $0x2800  }
0x39: {  	[sflag:s20] =	ssyncset.done $0x0  }
0x3a: {  	[sflag:s20] =	ssyncadd.s32 $0xFFFFD800  }
0x3b: {  	[spmem:s14] =	stream.linear.scatter [tilespmem:s19], [sflag:$0x2], $0x2800, $0x38;
	[tilespmem:$0x18100] =	vst v63  }
0x3c: {  	_ =	swait.ge [sflag:s20], $0x2800  }
0x3d: {  	[sflag:s20] =	ssyncset.done $0x0  }
0x3e: {  	[sflag:s20] =	ssyncadd.s32 $0xFFFFD800  }
0x3f: {  	[spmem:s15] =	stream.linear.scatter [tilespmem:s19], [sflag:$0x2], $0x2800, $0x38;
	[tilespmem:$0x18100] =	vst v63  }
0x40: {  	_ =	swait.ge [sflag:s20], $0x2800  }
0x41: {  	[sflag:s20] =	ssyncset.done $0x0  }
0x42: {  	[sflag:s20] =	ssyncadd.s32 $0xFFFFD800  }
0x43: {  	s31 =	simm.s32 $0x0;
	[bflag:$0x0] =	sbarrier.arrive $0xFFFF  }
.LBB2_4:
0x44: {  	s0 =	sshll.u32 s31, $0x4  }
0x45: {  	s0 =	sadd.s32 s16, s0  }
0x46: {  	s3 =	sadd.s32 s1, s0  }
0x47: {  	[tilespmem:s30], [sflag:$0x2] =	stream.strided.gather [hbm4b:s3+s21], $0x800, s22, s21, $0x38;
	[tilespmem:$0x18100] =	vst v63  }
0x48: {  	_ =	swait.ge [sflag:s20], $0x800  }
0x49: {  	[sflag:s20] =	ssyncset.done $0x0  }
0x4a: {  	s9 =	sadd.s32 s6, s0;
	[sflag:s20] =	ssyncadd.s32 $0xFFFFF800  }
0x4b: {  	[tilespmem:s23], [sflag:$0x2] =	stream.strided.gather [hbm4b:s9+s21], $0x800, s22, s21, $0x38;
	[tilespmem:$0x18100] =	vst v63  }
0x4c: {  	_ =	swait.ge [sflag:s20], $0x800  }
0x4d: {  	[sflag:s20] =	ssyncset.done $0x0  }
0x4e: {  	s0 =	sadd.s32 s7, s0;
	[sflag:s20] =	ssyncadd.s32 $0xFFFFF800  }
0x4f: {  	[tilespmem:s24], [sflag:$0x2] =	stream.strided.gather [hbm4b:s0+s21], $0x800, s22, s21, $0x38;
	[tilespmem:$0x18100] =	vst v63  }
0x50: {  	_ =	swait.ge [sflag:s20], $0x800  }
0x51: {  	[sflag:s20] =	ssyncset.done $0x0  }
0x52: {  	s0 =	simm.s32 $0x0;
	[sflag:s20] =	ssyncadd.s32 $0xFFFFF800  }
.LBB2_5:
0x53: {  	s3 =	smul.u32 $0x50, s0;
	_ =	sdelay $0x1  }
0x54: {  	v17 =	vld [tilespmem:s3+$0x0];
	_ =	sdelay $0x4  }
0x55: {  	[tilespmem:$0x1800] =	vst v17  }
0x56: {  	v17 =	vld [tilespmem:s3+$0x800];
	_ =	sdelay $0x4  }
0x57: {  	[tilespmem:$0x1880] =	vst v17  }
0x58: {  	v17 =	vld [tilespmem:s3+$0x10];
	_ =	sdelay $0x4  }
0x59: {  	[tilespmem:$0x1810] =	vst v17  }
0x5a: {  	v17 =	vld [tilespmem:s3+$0x810];
	_ =	sdelay $0x4  }
0x5b: {  	[tilespmem:$0x1890] =	vst v17  }
0x5c: {  	v17 =	vld [tilespmem:s3+$0x20];
	_ =	sdelay $0x4  }
0x5d: {  	[tilespmem:$0x1820] =	vst v17  }
0x5e: {  	v17 =	vld [tilespmem:s3+$0x820];
	_ =	sdelay $0x4  }
0x5f: {  	[tilespmem:$0x18A0] =	vst v17  }
0x60: {  	v17 =	vld [tilespmem:s3+$0x30];
	_ =	sdelay $0x4  }
0x61: {  	[tilespmem:$0x1830] =	vst v17  }
0x62: {  	v17 =	vld [tilespmem:s3+$0x830];
	_ =	sdelay $0x4  }
0x63: {  	[tilespmem:$0x18B0] =	vst v17  }
0x64: {  	v17 =	vld [tilespmem:s3+$0x40];
	_ =	sdelay $0x4  }
0x65: {  	[tilespmem:$0x1840] =	vst v17  }
0x66: {  	v17 =	vld [tilespmem:s3+$0x840];
	_ =	sdelay $0x4  }
0x67: {  	s9 =	sadd.s32 $0x1000, s3;
	[tilespmem:$0x18C0] =	vst v17  }
0x68: {  	[tilespmem:s19], [sflag:$0x1] =	stream.indirect.gather [hbm4b:s5+s25], $0x80, s26, s25, $0xb8;
	[tilespmem:$0x18100] =	vst v63  }
0x69: {  	v17 =	vmov s9;
	_ =	swait.ge [sflag:s28], $0x2800  }
0x6a: {  	[sflag:s28] =	ssyncset.done $0x0  }
0x6b: {  	s3 =	simm.s32 $0x0;
	[sflag:s28] =	ssyncadd.s32 $0xFFFFD800  }
.LBB2_6:
0x6c: {  	s9 =	sshll.u32 s3, $0x4  }
0x6d: {  	s9 =	sand.u32 $0x3FFFFFF0, s9  }
0x6e: {  	v18 =	vld.idx.msk [tilespmem:v17+s9+$0x0 ss:$0x1], $0xffff;
	s9 =	sshll.u32 s3, $0xB  }
0x6f: {  	s9 =	sand.u32 $0x3FFFF800, s9  }
0x70: {  	v19 =	vld [tilespmem:s9+$0x1900]  }
0x71: {  	v20 =	vld [tilespmem:s9+$0x1910]  }
0x72: {  	v21 =	vld [tilespmem:s9+$0x1920]  }
0x73: {  	v23 =	vld [tilespmem:s9+$0x1930];
	v22 =	vperm.xlane v18, v1  }
0x74: {  	v24 =	vld [tilespmem:s9+$0x1940]  }
0x75: {  	v25 =	vld [tilespmem:s9+$0x1950];
	v19 =	vmul.f32 v19, v22  }
0x76: {  	v26 =	vld [tilespmem:s9+$0x1960];
	v20 =	vmul.f32 v20, v22  }
0x77: {  	v43 =	vld [tilespmem:s9+$0x1970];
	[tilespmem:s9+$0x1900] =	vst v19;
	v19 =	vmul.f32 v21, v22  }
0x78: {  	v45 =	vld [tilespmem:s9+$0x1980];
	v44 =	vmul.f32 v23, v22;
	[tilespmem:s9+$0x1910] =	vst v20  }
0x79: {  	v46 =	vld [tilespmem:s9+$0x1990];
	[tilespmem:s9+$0x1920] =	vst v19;
	v19 =	vmul.f32 v24, v22  }
0x7a: {  	v48 =	vld [tilespmem:s9+$0x19A0];
	v47 =	vmul.f32 v25, v22;
	[tilespmem:s9+$0x1930] =	vst v44  }
0x7b: {  	v27 =	vld [tilespmem:s9+$0x19B0];
	v49 =	vperm.xlane v18, v2;
	[tilespmem:s9+$0x1940] =	vst v19;
	v19 =	vmul.f32 v26, v22  }
0x7c: {  	v51 =	vld [tilespmem:s9+$0x19C0];
	v50 =	vmul.f32 v43, v22;
	[tilespmem:s9+$0x1950] =	vst v47  }
0x7d: {  	v52 =	vld [tilespmem:s9+$0x19D0];
	[tilespmem:s9+$0x1960] =	vst v19;
	v19 =	vmul.f32 v45, v49  }
0x7e: {  	v54 =	vld [tilespmem:s9+$0x19E0];
	v53 =	vmul.f32 v46, v49;
	[tilespmem:s9+$0x1970] =	vst v50  }
0x7f: {  	v55 =	vld [tilespmem:s9+$0x19F0];
	[tilespmem:s9+$0x1980] =	vst v19;
	v19 =	vmul.f32 v48, v49  }
0x80: {  	v57 =	vld [tilespmem:s9+$0x1A00];
	v56 =	vmul.f32 v27, v49;
	[tilespmem:s9+$0x1990] =	vst v53  }
0x81: {  	v58 =	vld [tilespmem:s9+$0x1A10];
	[tilespmem:s9+$0x19A0] =	vst v19;
	v19 =	vmul.f32 v51, v49  }
0x82: {  	v60 =	vld [tilespmem:s9+$0x1A20];
	v59 =	vmul.f32 v52, v49;
	[tilespmem:s9+$0x19B0] =	vst v56  }
0x83: {  	v62 =	vld [tilespmem:s9+$0x1A30];
	v61 =	vperm.xlane v18, v3;
	[tilespmem:s9+$0x19C0] =	vst v19;
	v19 =	vmul.f32 v54, v49  }
0x84: {  	v28 =	vld [tilespmem:s9+$0x1A40];
	v63 =	vmul.f32 v55, v49;
	[tilespmem:s9+$0x19D0] =	vst v59  }
0x85: {  	v29 =	vld [tilespmem:s9+$0x1A50];
	[tilespmem:s9+$0x19E0] =	vst v19;
	v19 =	vmul.f32 v57, v61  }
0x86: {  	v31 =	vld [tilespmem:s9+$0x1A60];
	v30 =	vmul.f32 v58, v61;
	[tilespmem:s9+$0x19F0] =	vst v63  }
0x87: {  	v32 =	vld [tilespmem:s9+$0x1A70];
	[tilespmem:s9+$0x1A00] =	vst v19;
	v19 =	vmul.f32 v60, v61  }
0x88: {  	v34 =	vld [tilespmem:s9+$0x1A80];
	v33 =	vmul.f32 v62, v61;
	[tilespmem:s9+$0x1A10] =	vst v30  }
0x89: {  	v35 =	vld [tilespmem:s9+$0x1A90];
	[tilespmem:s9+$0x1A20] =	vst v19;
	v19 =	vmul.f32 v28, v61  }
0x8a: {  	v37 =	vld [tilespmem:s9+$0x1AA0];
	v36 =	vmul.f32 v29, v61;
	[tilespmem:s9+$0x1A30] =	vst v33  }
0x8b: {  	v39 =	vld [tilespmem:s9+$0x1AB0];
	v38 =	vperm.xlane v18, v4;
	[tilespmem:s9+$0x1A40] =	vst v19;
	v19 =	vmul.f32 v31, v61  }
0x8c: {  	v41 =	vld [tilespmem:s9+$0x1AC0];
	v40 =	vmul.f32 v32, v61;
	[tilespmem:s9+$0x1A50] =	vst v36  }
0x8d: {  	v45 =	vld [tilespmem:s9+$0x1AF0];
	[tilespmem:s9+$0x1A60] =	vst v19;
	v19 =	vmul.f32 v34, v38  }
0x8e: {  	v43 =	vmul.f32 v35, v38;
	[tilespmem:s9+$0x1A70] =	vst v40;
	v44 =	vld [tilespmem:s9+$0x1AE0]  }
0x8f: {  	v42 =	vld [tilespmem:s9+$0x1AD0];
	[tilespmem:s9+$0x1A80] =	vst v19;
	v19 =	vmul.f32 v37, v38  }
0x90: {  	v46 =	vmul.f32 v39, v38;
	[tilespmem:s9+$0x1A90] =	vst v43;
	v47 =	vld [tilespmem:s9+$0x1B00]  }
0x91: {  	v52 =	vld [tilespmem:s9+$0x1B30];
	[tilespmem:s9+$0x1AA0] =	vst v19;
	v19 =	vmul.f32 v41, v38  }
0x92: {  	[tilespmem:s9+$0x1AB0] =	vst v46;
	v50 =	vld [tilespmem:s9+$0x1B20];
	v53 =	vmul.f32 v45, v38  }
0x93: {  	v55 =	vld [tilespmem:s9+$0x1B50];
	v51 =	vperm.xlane v18, v5;
	[tilespmem:s9+$0x1AC0] =	vst v19;
	v19 =	vmul.f32 v44, v38  }
0x94: {  	v49 =	vmul.f32 v42, v38;
	v54 =	vld [tilespmem:s9+$0x1B40];
	[tilespmem:s9+$0x1AF0] =	vst v53  }
0x95: {  	v58 =	vld [tilespmem:s9+$0x1B70];
	[tilespmem:s9+$0x1AE0] =	vst v19;
	v19 =	vmul.f32 v47, v51  }
0x96: {  	v59 =	vmul.f32 v52, v51;
	[tilespmem:s9+$0x1AD0] =	vst v49;
	v57 =	vld [tilespmem:s9+$0x1B60]  }
0x97: {  	v48 =	vld [tilespmem:s9+$0x1B10];
	[tilespmem:s9+$0x1B00] =	vst v19;
	v19 =	vmul.f32 v50, v51  }
0x98: {  	v62 =	vmul.f32 v55, v51;
	[tilespmem:s9+$0x1B30] =	vst v59;
	v60 =	vld [tilespmem:s9+$0x1B80]  }
0x99: {  	v40 =	vld [tilespmem:s9+$0x1C10];
	[tilespmem:s9+$0x1B20] =	vst v19;
	v19 =	vmul.f32 v54, v51  }
0x9a: {  	v63 =	vld [tilespmem:s9+$0x1BA0];
	v32 =	vmul.f32 v58, v51;
	[tilespmem:s9+$0x1B50] =	vst v62  }
0x9b: {  	v30 =	vperm.xlane v18, v6;
	v61 =	vld [tilespmem:s9+$0x1B90];
	[tilespmem:s9+$0x1B40] =	vst v19;
	v19 =	vmul.f32 v57, v51  }
0x9c: {  	v33 =	vld [tilespmem:s9+$0x1BC0];
	v43 =	vperm.xlane v18, v7;
	v56 =	vmul.f32 v48, v51;
	[tilespmem:s9+$0x1B70] =	vst v32  }
0x9d: {  	v53 =	vld [tilespmem:s9+$0x1C90];
	[tilespmem:s9+$0x1B60] =	vst v19;
	v19 =	vmul.f32 v60, v30  }
0x9e: {  	v36 =	vld [tilespmem:s9+$0x1BE0];
	v48 =	vmul.f32 v40, v43;
	[tilespmem:s9+$0x1B10] =	vst v56  }
0x9f: {  	v31 =	vld [tilespmem:s9+$0x1BB0];
	[tilespmem:s9+$0x1B80] =	vst v19;
	v19 =	vmul.f32 v63, v30  }
0xa0: {  	v39 =	vld [tilespmem:s9+$0x1C00];
	[tilespmem:s9+$0x1C10] =	vst v48;
	v56 =	vperm.xlane v18, v8;
	v35 =	vmul.f32 v61, v30  }
0xa1: {  	v34 =	vld [tilespmem:s9+$0x1BD0];
	[tilespmem:s9+$0x1BA0] =	vst v19;
	v19 =	vmul.f32 v33, v30  }
0xa2: {  	v42 =	vld [tilespmem:s9+$0x1C20];
	v61 =	vmul.f32 v53, v56;
	[tilespmem:s9+$0x1B90] =	vst v35  }
0xa3: {  	v37 =	vld [tilespmem:s9+$0x1BF0];
	[tilespmem:s9+$0x1BC0] =	vst v19;
	v19 =	vmul.f32 v36, v30  }
0xa4: {  	v46 =	vld [tilespmem:s9+$0x1C40];
	[tilespmem:s9+$0x1C90] =	vst v61;
	v38 =	vmul.f32 v31, v30  }
0xa5: {  	v47 =	vld [tilespmem:s9+$0x1C50];
	[tilespmem:s9+$0x1BE0] =	vst v19;
	v19 =	vmul.f32 v39, v43  }
0xa6: {  	v49 =	vld [tilespmem:s9+$0x1C60];
	v41 =	vmul.f32 v34, v30;
	[tilespmem:s9+$0x1BB0] =	vst v38  }
0xa7: {  	v38 =	vld [tilespmem:s9+$0x1D50];
	[tilespmem:s9+$0x1C00] =	vst v19;
	v19 =	vmul.f32 v42, v43  }
0xa8: {  	v52 =	vld [tilespmem:s9+$0x1C80];
	[tilespmem:s9+$0x1BD0] =	vst v41;
	v45 =	vmul.f32 v37, v30  }
0xa9: {  	v44 =	vld [tilespmem:s9+$0x1C30];
	[tilespmem:s9+$0x1C20] =	vst v19;
	v19 =	vmul.f32 v46, v43  }
0xaa: {  	v55 =	vld [tilespmem:s9+$0x1CA0];
	v34 =	vperm.xlane v18, v9;
	[tilespmem:s9+$0x1BF0] =	vst v45;
	v54 =	vmul.f32 v47, v43  }
0xab: {  	v50 =	vld [tilespmem:s9+$0x1C70];
	[tilespmem:s9+$0x1C40] =	vst v19;
	v19 =	vmul.f32 v49, v43  }
0xac: {  	v59 =	vld [tilespmem:s9+$0x1CC0];
	v45 =	vmul.f32 v38, v34;
	[tilespmem:s9+$0x1C50] =	vst v54  }
0xad: {  	v57 =	vld [tilespmem:s9+$0x1CB0];
	[tilespmem:s9+$0x1C60] =	vst v19;
	v19 =	vmul.f32 v52, v56  }
0xae: {  	v62 =	vld [tilespmem:s9+$0x1CE0];
	v51 =	vmul.f32 v44, v43;
	[tilespmem:s9+$0x1D50] =	vst v45  }
0xaf: {  	v60 =	vld [tilespmem:s9+$0x1CD0];
	[tilespmem:s9+$0x1C80] =	vst v19;
	v19 =	vmul.f32 v55, v56  }
0xb0: {  	v58 =	vmul.f32 v50, v43;
	[tilespmem:s9+$0x1C30] =	vst v51;
	v30 =	vld [tilespmem:s9+$0x1D00]  }
0xb1: {  	v51 =	vld [tilespmem:s9+$0x1DD0];
	[tilespmem:s9+$0x1CA0] =	vst v19;
	v19 =	vmul.f32 v59, v56  }
0xb2: {  	[tilespmem:s9+$0x1C70] =	vst v58;
	v29 =	vmul.f32 v57, v56;
	v33 =	vld [tilespmem:s9+$0x1D20]  }
0xb3: {  	v63 =	vld [tilespmem:s9+$0x1CF0];
	[tilespmem:s9+$0x1CC0] =	vst v19;
	v19 =	vmul.f32 v62, v56  }
0xb4: {  	v37 =	vld [tilespmem:s9+$0x1D40];
	v47 =	vperm.xlane v18, v10;
	[tilespmem:s9+$0x1CB0] =	vst v29;
	v32 =	vmul.f32 v60, v56  }
0xb5: {  	v61 =	vld [tilespmem:s9+$0x1E30];
	[tilespmem:s9+$0x1CE0] =	vst v19;
	v19 =	vmul.f32 v30, v34  }
0xb6: {  	v40 =	vld [tilespmem:s9+$0x1D60];
	v58 =	vmul.f32 v51, v47;
	[tilespmem:s9+$0x1CD0] =	vst v32  }
0xb7: {  	v31 =	vld [tilespmem:s9+$0x1D10];
	[tilespmem:s9+$0x1D00] =	vst v19;
	v19 =	vmul.f32 v33, v34  }
0xb8: {  	v60 =	vperm.xlane v18, v11;
	v36 =	vmul.f32 v63, v56;
	[tilespmem:s9+$0x1DD0] =	vst v58;
	v43 =	vld [tilespmem:s9+$0x1D80]  }
0xb9: {  	v57 =	vld [tilespmem:s9+$0x1E10];
	[tilespmem:s9+$0x1D20] =	vst v19;
	v19 =	vmul.f32 v37, v34  }
0xba: {  	v32 =	vmul.f32 v61, v60;
	[tilespmem:s9+$0x1CF0] =	vst v36;
	v46 =	vld [tilespmem:s9+$0x1DA0]  }
0xbb: {  	v35 =	vld [tilespmem:s9+$0x1D30];
	[tilespmem:s9+$0x1D40] =	vst v19;
	v19 =	vmul.f32 v40, v34  }
0xbc: {  	v50 =	vld [tilespmem:s9+$0x1DC0];
	v39 =	vmul.f32 v31, v34;
	[tilespmem:s9+$0x1E30] =	vst v32  }
0xbd: {  	v28 =	vld [tilespmem:s9+$0x1E50];
	[tilespmem:s9+$0x1D60] =	vst v19;
	v19 =	vmul.f32 v43, v47  }
0xbe: {  	v53 =	vld [tilespmem:s9+$0x1DE0];
	v29 =	vmul.f32 v57, v60;
	[tilespmem:s9+$0x1D10] =	vst v39  }
0xbf: {  	v31 =	vld [tilespmem:s9+$0x1E70];
	[tilespmem:s9+$0x1D80] =	vst v19;
	v19 =	vmul.f32 v46, v47  }
0xc0: {  	v42 =	vmul.f32 v35, v34;
	[tilespmem:s9+$0x1E10] =	vst v29;
	v56 =	vld [tilespmem:s9+$0x1E00]  }
0xc1: {  	v41 =	vld [tilespmem:s9+$0x1D70];
	[tilespmem:s9+$0x1DA0] =	vst v19;
	v19 =	vmul.f32 v50, v47  }
0xc2: {  	v35 =	vmul.f32 v28, v60;
	[tilespmem:s9+$0x1D30] =	vst v42;
	v59 =	vld [tilespmem:s9+$0x1E20]  }
0xc3: {  	v44 =	vld [tilespmem:s9+$0x1D90];
	[tilespmem:s9+$0x1DC0] =	vst v19;
	v19 =	vmul.f32 v53, v47  }
0xc4: {  	v63 =	vld [tilespmem:s9+$0x1E40];
	[tilespmem:s9+$0x1E50] =	vst v35;
	v39 =	vmul.f32 v31, v60  }
0xc5: {  	v48 =	vld [tilespmem:s9+$0x1DB0];
	[tilespmem:s9+$0x1DE0] =	vst v19;
	v19 =	vmul.f32 v56, v60  }
0xc6: {  	v49 =	vmul.f32 v41, v34;
	[tilespmem:s9+$0x1E70] =	vst v39;
	v30 =	vld [tilespmem:s9+$0x1E60]  }
0xc7: {  	v54 =	vld [tilespmem:s9+$0x1DF0];
	[tilespmem:s9+$0x1E00] =	vst v19;
	v19 =	vmul.f32 v59, v60  }
0xc8: {  	[tilespmem:s9+$0x1D70] =	vst v49;
	v52 =	vmul.f32 v44, v47;
	v33 =	vld [tilespmem:s9+$0x1E80]  }
0xc9: {  	v38 =	vld [tilespmem:s9+$0x1EB0];
	[tilespmem:s9+$0x1E20] =	vst v19;
	v19 =	vmul.f32 v63, v60  }
0xca: {  	v36 =	vld [tilespmem:s9+$0x1EA0];
	[tilespmem:s9+$0x1D90] =	vst v52;
	v55 =	vmul.f32 v48, v47  }
0xcb: {  	v41 =	vld [tilespmem:s9+$0x1ED0];
	v37 =	vperm.xlane v18, v12;
	[tilespmem:s9+$0x1E40] =	vst v19;
	v19 =	vmul.f32 v30, v60  }
0xcc: {  	[tilespmem:s9+$0x1DB0] =	vst v55;
	v62 =	vmul.f32 v54, v47;
	v40 =	vld [tilespmem:s9+$0x1EC0]  }
0xcd: {  	v44 =	vld [tilespmem:s9+$0x1EF0];
	[tilespmem:s9+$0x1E60] =	vst v19;
	v19 =	vmul.f32 v33, v37  }
0xce: {  	[tilespmem:s9+$0x1DF0] =	vst v62;
	v45 =	vmul.f32 v38, v37;
	v43 =	vld [tilespmem:s9+$0x1EE0]  }
0xcf: {  	v34 =	vld [tilespmem:s9+$0x1E90];
	[tilespmem:s9+$0x1E80] =	vst v19;
	v19 =	vmul.f32 v36, v37  }
0xd0: {  	v48 =	vmul.f32 v41, v37;
	[tilespmem:s9+$0x1EB0] =	vst v45;
	v46 =	vld [tilespmem:s9+$0x1F00]  }
0xd1: {  	v51 =	vld [tilespmem:s9+$0x1F30];
	[tilespmem:s9+$0x1EA0] =	vst v19;
	v19 =	vmul.f32 v40, v37  }
0xd2: {  	v49 =	vld [tilespmem:s9+$0x1F20];
	v52 =	vmul.f32 v44, v37;
	[tilespmem:s9+$0x1ED0] =	vst v48  }
0xd3: {  	v54 =	vld [tilespmem:s9+$0x1F50];
	v50 =	vperm.xlane v18, v13;
	[tilespmem:s9+$0x1EC0] =	vst v19;
	v19 =	vmul.f32 v43, v37  }
0xd4: {  	[tilespmem:s9+$0x1EF0] =	vst v52;
	v42 =	vmul.f32 v34, v37;
	v53 =	vld [tilespmem:s9+$0x1F40]  }
0xd5: {  	v57 =	vld [tilespmem:s9+$0x1F70];
	[tilespmem:s9+$0x1EE0] =	vst v19;
	v19 =	vmul.f32 v46, v50  }
0xd6: {  	[tilespmem:s9+$0x1E90] =	vst v42;
	v58 =	vmul.f32 v51, v50;
	v56 =	vld [tilespmem:s9+$0x1F60]  }
0xd7: {  	v47 =	vld [tilespmem:s9+$0x1F10];
	[tilespmem:s9+$0x1F00] =	vst v19;
	v19 =	vmul.f32 v49, v50  }
0xd8: {  	v61 =	vmul.f32 v54, v50;
	[tilespmem:s9+$0x1F30] =	vst v58;
	v59 =	vld [tilespmem:s9+$0x1F80]  }
0xd9: {  	v39 =	vld [tilespmem:s9+$0x2010];
	[tilespmem:s9+$0x1F20] =	vst v19;
	v19 =	vmul.f32 v53, v50  }
0xda: {  	v62 =	vld [tilespmem:s9+$0x1FA0];
	v31 =	vmul.f32 v57, v50;
	[tilespmem:s9+$0x1F50] =	vst v61  }
0xdb: {  	v63 =	vperm.xlane v18, v14;
	v60 =	vld [tilespmem:s9+$0x1F90];
	[tilespmem:s9+$0x1F40] =	vst v19;
	v19 =	vmul.f32 v56, v50  }
0xdc: {  	v32 =	vld [tilespmem:s9+$0x1FC0];
	v42 =	vperm.xlane v18, v15;
	[tilespmem:s9+$0x1F70] =	vst v31;
	v55 =	vmul.f32 v47, v50  }
0xdd: {  	v33 =	vld [tilespmem:s9+$0x1FD0];
	[tilespmem:s9+$0x1F60] =	vst v19;
	v19 =	vmul.f32 v59, v63  }
0xde: {  	v35 =	vld [tilespmem:s9+$0x1FE0];
	v47 =	vmul.f32 v39, v42;
	[tilespmem:s9+$0x1F10] =	vst v55  }
0xdf: {  	v30 =	vld [tilespmem:s9+$0x1FB0];
	[tilespmem:s9+$0x1F80] =	vst v19;
	v19 =	vmul.f32 v62, v63  }
0xe0: {  	v38 =	vld [tilespmem:s9+$0x2000];
	[tilespmem:s9+$0x2010] =	vst v47;
	v34 =	vmul.f32 v60, v63  }
0xe1: {  	v36 =	vld [tilespmem:s9+$0x1FF0];
	[tilespmem:s9+$0x1FA0] =	vst v19;
	v19 =	vmul.f32 v32, v63  }
0xe2: {  	v41 =	vld [tilespmem:s9+$0x2020];
	[tilespmem:s9+$0x1F90] =	vst v34;
	v40 =	vmul.f32 v33, v63  }
0xe3: {  	v46 =	vld [tilespmem:s9+$0x2050];
	[tilespmem:s9+$0x1FC0] =	vst v19;
	v19 =	vmul.f32 v35, v63  }
0xe4: {  	v45 =	vld [tilespmem:s9+$0x2040];
	v37 =	vmul.f32 v30, v63;
	[tilespmem:s9+$0x1FD0] =	vst v40  }
0xe5: {  	v43 =	vld [tilespmem:s9+$0x2030];
	[tilespmem:s9+$0x1FE0] =	vst v19;
	v19 =	vmul.f32 v38, v42  }
0xe6: {  	v48 =	vld [tilespmem:s9+$0x2060];
	v44 =	vmul.f32 v36, v63;
	[tilespmem:s9+$0x1FB0] =	vst v37  }
0xe7: {  	v49 =	vld [tilespmem:s9+$0x2070];
	[tilespmem:s9+$0x2000] =	vst v19;
	v19 =	vmul.f32 v41, v42  }
0xe8: {  	v51 =	vld [tilespmem:s9+$0x2080];
	[tilespmem:s9+$0x1FF0] =	vst v44;
	v53 =	vmul.f32 v46, v42  }
0xe9: {  	v52 =	vld [tilespmem:s9+$0x2090];
	[tilespmem:s9+$0x2020] =	vst v19;
	v19 =	vmul.f32 v45, v42  }
0xea: {  	v54 =	vld [tilespmem:s9+$0x20A0];
	v50 =	vmul.f32 v43, v42;
	[tilespmem:s9+$0x2050] =	vst v53  }
0xeb: {  	v18 =	vperm.xlane v18, v16;
	v55 =	vld [tilespmem:s9+$0x20B0];
	[tilespmem:s9+$0x2040] =	vst v19;
	v19 =	vmul.f32 v48, v42  }
0xec: {  	v57 =	vld [tilespmem:s9+$0x20C0];
	v56 =	vmul.f32 v49, v42;
	[tilespmem:s9+$0x2030] =	vst v50  }
0xed: {  	v58 =	vld [tilespmem:s9+$0x20D0];
	[tilespmem:s9+$0x2060] =	vst v19;
	v19 =	vmul.f32 v51, v18  }
0xee: {  	v60 =	vld [tilespmem:s9+$0x20E0];
	v59 =	vmul.f32 v52, v18;
	[tilespmem:s9+$0x2070] =	vst v56  }
0xef: {  	v61 =	vld [tilespmem:s9+$0x20F0];
	[tilespmem:s9+$0x2080] =	vst v19;
	v19 =	vmul.f32 v54, v18  }
0xf0: {  	[tilespmem:s9+$0x2090] =	vst v59;
	v62 =	vmul.f32 v55, v18  }
0xf1: {  	p0 =	sne.s32 s3, $0x4;
	[tilespmem:s9+$0x20A0] =	vst v19;
	v19 =	vmul.f32 v57, v18  }
.Ltmp1:
0xf2: {  	[tilespmem:s9+$0x20B0] =	vst v62;
	v63 =	vmul.f32 v58, v18;
	(pc) =	sbr.rel @p0 .LBB2_6-.Ltmp1, $4  }
0xf3: {  	[tilespmem:s9+$0x20C0] =	vst v19;
	v19 =	vmul.f32 v60, v18  }
0xf4: {  	[tilespmem:s9+$0x20D0] =	vst v63;
	v18 =	vmul.f32 v61, v18  }
0xf5: {  	[tilespmem:s9+$0x20E0] =	vst v19  }
0xf6: {  	s3 =	sadd.s32 $0x1, s3;
	[tilespmem:s9+$0x20F0] =	vst v18  }
0xf7: {  	s0 =	sadd.s32 $0x1, s0  }
0xf8: {  	p0 =	sne.s32 s0, $0x19  }
.Ltmp2:
0xf9: {  	_ = 	snop;
	(pc) =	sbr.rel @p0 .LBB2_5-.Ltmp2, $4  }
0xfa: {  	[spmem:s2] =	stream.indirect.scatter.add.f32 [tilespmem:s19], [sflag:$0x2], $0x80, s29, s25, $0xb8;
	[tilespmem:$0x18100] =	vst v63  }
0xfb: {  	_ =	swait.ge [sflag:s20], $0x2800  }
0xfc: {  	[sflag:s20] =	ssyncset.done $0x0  }
0xfd: {  	[sflag:s20] =	ssyncadd.s32 $0xFFFFD800  }
0xfe: {  	s31 =	sadd.s32 $0x1, s31  }
0xff: {  	p0 =	sne.s32 s31, $0x5  }
.Ltmp3:
0x100: {  	_ = 	snop;
	(pc) =	sbr.rel @p0 .LBB2_4-.Ltmp3, $1  }
0x101: {  	_ =	sdelay $0x3  }
0x102: {  	s0 =	stileid.u32;
	s4 =	sadd.s32 $0x1, s4  }
0x103: {  	[bflag:$0x0] =	sbarrier.arrive $0xFFFF;
	s0 =	sshll.u32 s0, $0x6;
	p0 =	sne.s32 s4, s18  }
.Ltmp4:
0x104: {  	s3 =	sshrl.u32 s8, $0x3;
	s0 =	sor.u32 $0x1C02, s0;
	(pc) =	sbr.rel @p0 .LBB2_1-.Ltmp4, $4  }
0x105: {  	[hbm:s17], [sflag:s0] =	dma.local [spmem:s3], $0x2800  }
0x106: {  	_ =	swait.ge [sflag:s20], $0x2800  }
0x107: {  	[sflag:s20] =	ssyncset.done $0x0  }
0x108: {  	[sflag:s20] =	ssyncadd.s32 $0xFFFFD800  }
0x109: {  	_ =	sfence.sel $0x180000  }
0x10a: {  	[bflag:$0x0] =	sbarrier.arrive $0xFFFF  }
0x10b: {  	_ =	strace $0x9000004A  }
0x10c: {  	s0 =	stileid.u32;
	[bflag:$0x2] =	sbarrier.arrive $0xFFFF  }
0x10d: {  	p0 =	sne.s32 s0, $0x0;
	s0 =	rddreg [dreg:$0x3]  }
0x10e: {  	s0 =	sadd.s32 @!p0 $0x100000, s0  }
0x10f: {  	[sflag:s0] =	ssyncadd.tile.s32 @!p0 $0x1;
	_ =	shalt  }
.Lfunc_end2:
_tile_overlayer_lowered:
.L_overlay_start_2:
0x110: {  	(tag) =	ssettag $0x2  }
0x111: {  	s0 =	rddreg [dreg:$0x0];
	s2 =	stileid.u32  }
0x112: {  	s1 =	rddreg [dreg:$0x1];
	p0 =	sne.s32 s2, $0x0  }
0x113: {  	s3 =	rddreg [dreg:$0x2];
	[bflag:$0x3] =	sbarrier.arrive $0xFFFF;
	s2 =	simm.s32 @!p0 $0x1C02  }
0x114: {  	[timem:s3], [sflag:s2] =	dma.local @!p0 [hbm:s0], s1  }
0x115: {  	s0 =	simm.s32 @!p0 $0x2  }
0x116: {  	_ =	swait.ge @!p0 [sflag:s0], s1  }
0x117: {  	s1 =	ssub.s32 @!p0 $0x0, s1;
	[sflag:s0] =	ssyncset.done @!p0 $0x0  }
0x118: {  	[sflag:s0] =	ssyncadd.s32 @!p0 s1  }
0x119: {  	[bflag:$0x3] =	sbarrier.arrive $0xFFFF  }
0x11a: {  	_ =	shalt  }

// kernel: kernel.14.cloned.1.call-start
scs
__scs_entry_jumppad:
0x0: {  	(pc) =	sbr.rel $0x88, $3  }
0x1: {  	(tag) =	ssettag $0x0;
	lr =	simm.s32 $0x1  }
0x2: {  	[smem:$0x3F9A] =	sst lr;
	_ =	strace $0xD0000000  }
0x3: {  	_ = 	snop  }
0x4: {  	_ = 	snop  }
0x5: {  	_ = 	snop  }
0x6: {  	_ = 	snop  }
0x7: {  	_ = 	snop  }
__scs_overlays_trampoline_lowered:
0x8: {  	[smem:$0x3FA9] =	sst s0  }
0x9: {  	[smem:$0x3FAA] =	sst s1  }
0xa: {  	[smem:$0x3FAB] =	sst s2  }
0xb: {  	[smem:$0x3FAC] =	sst s3  }
0xc: {  	[smem:$0x3FAD] =	sst s4  }
0xd: {  	[smem:$0x3FAE] =	sst s5  }
0xe: {  	[smem:$0x3FAF] =	sst s6  }
0xf: {  	[smem:$0x3FB0] =	sst s7  }
0x10: {  	[smem:$0x3FB1] =	sst s8  }
0x11: {  	[smem:$0x3FB2] =	sst s9;
	s0 =	simm.s32 @!p0 $0x0  }
0x12: {  	s1 =	sld [smem:$0x3F98];
	s0 =	simm.s32 @p0 $0x1  }
0x13: {  	[smem:$0x3FB3] =	sst s0;
	s0 =	simm.s32 @!p1 $0x0  }
0x14: {  	s2 =	sld [smem:$0x3F97];
	s0 =	simm.s32 @p1 $0x1  }
0x15: {  	[smem:$0x3FB4] =	sst s0;
	s0 =	simm.s32 @!p2 $0x0  }
0x16: {  	s3 =	sld [smem:$0x3FDB];
	s0 =	simm.s32 @p2 $0x1  }
0x17: {  	s4 =	simm.s32 $0x1BF5;
	[smem:$0x3FB6] =	sst s0  }
0x18: {  	s0 =	sld [smem:$0x3F99];
	_ =	swait.ge [sflag:s4], $0x0  }
0x19: {  	s7 =	sld [smem:$0x3F9A]  }
0x1a: {  	s8 =	sadd.s32 $0xFFFFE003, lr  }
0x1b: {  	s9 =	sadd.s32 $0xFFFFFEF7, lr;
	s5 =	simm.s32 $0xFFFFFFFF;
	p2 =	slt.u32 s8, $0xFFFFF086  }
0x1c: {  	p1 =	slt.u32 s9, $0xF7A;
	s5 =	simm.s32 @!p2 $0x0  }
0x1d: {  	s5 =	simm.s32 @p1 $0x1;
	p0 =	seq.s32 s7, s2  }
0x1e: {  	s7 =	smul.u32 @!p0 $0xF7A, s2;
	p2 =	seq.s32 @!p0 s5, $0x0  }
0x1f: {  	s9 =	smul.u32 $0xF7A, s1;
	s8 =	simm.s32 @!p0 $0x1BF5;
	p2 =	por !p2, p0  }
0x20: {  	[sflag:s8] =	ssyncset.s32 @!p0 $0xFFFFF086;
	s6 =	sadd.s32 @!p0 s3, s7;
	s7 =	simm.s32 @!p0 $0x108  }
0x21: {  	s3 =	sadd.s32 s3, s9;
	s6 =	sadd.s32 @!p0 $0x88, s6;
	s7 =	simm.s32 @p2 $0x1082  }
0x22: {  	[simem:s7], [sflag:s8] =	dma.local @!p0 [hbm:s6], $0xF7A  }
0x23: {  	s9 =	sor.u32 $0xD0000000, s2;
	s6 =	simm.s32 $0x108;
	_ =	swait.ge @!p0 [sflag:s8], $0x0  }
0x24: {  	s3 =	sadd.s32 $0x88, s3;
	s6 =	simm.s32 @!p1 $0x1082;
	[sflag:s4] =	ssyncset.s32 $0xFFFFF086  }
0x25: {  	[simem:s6], [sflag:s4] =	dma.local [hbm:s3], $0xF7A  }
0x26: {  	[smem:$0x3F9A] =	sst s1;
	(tag) =	ssettag s2;
	_ =	strace s9  }
0x27: {  	s1 =	sld [smem:$0x3FAA]  }
0x28: {  	s2 =	sld [smem:$0x3FAB]  }
0x29: {  	s4 =	sld [smem:$0x3FAD]  }
0x2a: {  	p0 =	seq.s32 s5, $0x0;
	s5 =	sld [smem:$0x3FAE]  }
0x2b: {  	s6 =	sld [smem:$0x3FAF]  }
0x2c: {  	s7 =	sld [smem:$0x3FB0]  }
0x2d: {  	s3 =	simm.s32 $0x108;
	s8 =	sld [smem:$0x3FB1]  }
0x2e: {  	s3 =	simm.s32 @!p0 $0x1082;
	s9 =	sld [smem:$0x3FB2]  }
0x2f: {  	lr =	sadd.s32 s0, s3;
	s0 =	sld [smem:$0x3FA9]  }
0x30: {  	s3 =	sld [smem:$0x3FAC]  }
0x31: {  	[smem:$0x3FB5] =	sst s10  }
0x32: {  	s10 =	sld [smem:$0x3FB3];
	_ =	sdelay $0x3  }
0x33: {  	p0 =	seq.s32 s10, $0x1;
	s10 =	sld [smem:$0x3FB5];
	_ =	sdelay $0x3  }
0x34: {  	[smem:$0x3FB5] =	sst s10  }
0x35: {  	s10 =	sld [smem:$0x3FB4];
	_ =	sdelay $0x3  }
0x36: {  	p1 =	seq.s32 s10, $0x1;
	s10 =	sld [smem:$0x3FB5];
	_ =	sdelay $0x3  }
0x37: {  	[smem:$0x3FB5] =	sst s10  }
0x38: {  	s10 =	sld [smem:$0x3FB6]  }
0x39: {  	_ = 	snop;
	(pc) =	sbr.ind lr, $3  }
0x3a: {  	_ = 	snop  }
0x3b: {  	_ = 	snop  }
0x3c: {  	p2 =	seq.s32 s10, $0x1;
	s10 =	sld [smem:$0x3FB5]  }
0x3d: {  	_ =	shalt  }
0x3e: {  	_ =	shalt  }
0x3f: {  	_ =	shalt  }
0x40: {  	_ =	shalt  }
0x41: {  	_ =	shalt  }
0x42: {  	_ =	shalt  }
0x43: {  	_ =	shalt  }
0x44: {  	_ =	shalt  }
0x45: {  	_ =	shalt  }
0x46: {  	_ =	shalt  }
0x47: {  	_ =	shalt  }
0x48: {  	_ =	shalt  }
0x49: {  	_ =	shalt  }
0x4a: {  	_ =	shalt  }
0x4b: {  	_ =	shalt  }
0x4c: {  	_ =	shalt  }
0x4d: {  	_ =	shalt  }
0x4e: {  	_ =	shalt  }
0x4f: {  	_ =	shalt  }
0x50: {  	_ =	shalt  }
0x51: {  	_ =	shalt  }
0x52: {  	_ =	shalt  }
0x53: {  	_ =	shalt  }
0x54: {  	_ =	shalt  }
0x55: {  	_ =	shalt  }
0x56: {  	_ =	shalt  }
0x57: {  	_ =	shalt  }
0x58: {  	_ =	shalt  }
0x59: {  	_ =	shalt  }
0x5a: {  	_ =	shalt  }
0x5b: {  	_ =	shalt  }
0x5c: {  	_ =	shalt  }
0x5d: {  	_ =	shalt  }
0x5e: {  	_ =	shalt  }
0x5f: {  	_ =	shalt  }
0x60: {  	_ =	shalt  }
0x61: {  	_ =	shalt  }
0x62: {  	_ =	shalt  }
0x63: {  	_ =	shalt  }
0x64: {  	_ =	shalt  }
0x65: {  	_ =	shalt  }
0x66: {  	_ =	shalt  }
0x67: {  	_ =	shalt  }
0x68: {  	_ =	shalt  }
0x69: {  	_ =	shalt  }
0x6a: {  	_ =	shalt  }
0x6b: {  	_ =	shalt  }
0x6c: {  	_ =	shalt  }
0x6d: {  	_ =	shalt  }
0x6e: {  	_ =	shalt  }
0x6f: {  	_ =	shalt  }
0x70: {  	_ =	shalt  }
0x71: {  	_ =	shalt  }
0x72: {  	_ =	shalt  }
0x73: {  	_ =	shalt  }
0x74: {  	_ =	shalt  }
0x75: {  	_ =	shalt  }
0x76: {  	_ =	shalt  }
0x77: {  	_ =	shalt  }
0x78: {  	_ =	shalt  }
0x79: {  	_ =	shalt  }
0x7a: {  	_ =	shalt  }
0x7b: {  	_ =	shalt  }
0x7c: {  	_ =	shalt  }
0x7d: {  	_ =	shalt  }
0x7e: {  	_ =	shalt  }
0x7f: {  	_ =	shalt  }
0x80: {  	_ =	shalt  }
0x81: {  	_ =	shalt  }
0x82: {  	_ =	shalt  }
0x83: {  	_ =	shalt  }
0x84: {  	_ =	shalt  }
0x85: {  	_ =	shalt  }
0x86: {  	_ =	shalt  }
0x87: {  	_ =	shalt  }
.Lfunc_end0:
.L_simem_size_0:
called_computation.2_lowered:
.L_overlay_start_0:
0x88: {  	s2 =	sld [smem:$0x3FD9]  }
0x89: {  	s3 =	sld [smem:$0x3FFE];
	_ =	sdelay $0x1  }
0x8a: {  	s1 =	srdreg.scid  }
0x8b: {  	s0 =	sand.u32 $0x1, s1  }
0x8c: {  	s17 =	sshll.u32 s0, $0xA;
	s2 =	sadd.s32 s3, s2  }
0x8d: {  	s2 =	sadd.s32 s2, s17  }
0x8e: {  	[smem:$0x3FC1] =	sst s2  }
0x8f: {  	_ = 	snop  }
0x90: {  	s2 =	sld [smem:$0x3FD0];
	(tm) =	ssettm $0x1  }
0x91: {  	s18 =	sld [smem:$0x3FFB];
	_ =	sdelay $0x3  }
0x92: {  	_ =	strace s18  }
0x93: {  	s3 =	sld [smem:$0x3FFC];
	_ =	sdelay $0x3  }
0x94: {  	_ =	strace s3  }
0x95: {  	s3 =	sld [smem:$0x3FFD];
	_ =	sdelay $0x3  }
0x96: {  	_ =	strace s3  }
0x97: {  	_ =	strace $0x8FFFFFFF  }
0x98: {  	s19 =	sld [smem:$0x3FDB];
	_ =	sdelay $0x1  }
0x99: {  	s4 =	simm.s32 $_scs_section_size  }
0x9a: {  	s5 =	simm.s32 $_size__tile_overlayer_lowered;
	s6 =	simm.s32 $_tile_overlayer_lowered  }
0x9b: {  	s22 =	simm.s32 $0x1BFF;
	s21 =	sshll.u32 s6, $0x1;
	s3 =	sadd.s32 s4, s19  }
0x9c: {  	s7 =	simm.s32 $0x0;
	s20 =	sshll.u32 s5, $0x1;
	s5 =	sadd.s32 s21, s3  }
0x9d: {  	[timem:s7], [sflag:s22] =	dma.local [hbm:s5], s20  }
0x9e: {  	_ =	swait.ge [sflag:s22], s20  }
0x9f: {  	s4 =	ssub.s32 $0x0, s20;
	[sflag:s22] =	ssyncset.done $0x0  }
0xa0: {  	[sflag:s22] =	ssyncadd.s32 s4;
	_ =	sdelay $0x1  }
0xa1: {  	s23 =	simm.s32 $0x1B8B  }
0xa2: {  	_ =	swait.ge [sflag:s23], $0x1  }
0xa3: {  	[sflag:s23] =	ssyncset.done $0x0  }
0xa4: {  	s25 =	simm.s32 $0x1B8E;
	s24 =	sld [smem:$0x3FFE];
	[sflag:s23] =	ssyncadd.s32 $0xFFFFFFFF  }
0xa5: {  	s26 =	simm.s32 $execute0_lowered;
	[smem:$0x3FD2] =	sst s25  }
0xa6: {  	s5 =	sshll.u32 s26, $0x1;
	_ =	strace $0x8000004C;
	[dreg:$0x1] =	wrdreg $0xFFFFFFFF  }
0xa7: {  	s28 =	simm.s32 $_size_execute0_lowered;
	s3 =	sadd.s32 s3, s5;
	[dreg:$0x0] =	wrdreg $0x0  }
0xa8: {  	s5 =	sshll.u32 s28, $0x1;
	[dreg:$0x2] =	wrdreg s3  }
0xa9: {  	[dreg:$0x3] =	wrdreg s5  }
0xaa: {  	[dreg:$0x4] =	wrdreg $0xC0  }
0xab: {  	_ =	task [dreg:s7], $0x5FFFF  }
0xac: {  	[dreg:$0x1] =	wrdreg $0xFFFFFFFF  }
0xad: {  	[dreg:$0x0] =	wrdreg $0x60  }
0xae: {  	[dreg:$0x2] =	wrdreg s24  }
0xaf: {  	[dreg:$0x3] =	wrdreg s2  }
0xb0: {  	[dreg:$0x4] =	wrdreg $0x41000  }
0xb1: {  	[dreg:$0x5] =	wrdreg $0x9  }
0xb2: {  	_ =	task.clear_ibuf [dreg:s7], $0x6FFFF;
	_ =	strace $0x9000004C  }
0xb3: {  	s29 =	simm.s32 $0x9;
	_ =	strace $0x8000004E  }
0xb4: {  	_ =	swait.ge [sflag:s29], $0x1  }
0xb5: {  	[sflag:s29] =	ssyncadd.s32 $0xFFFFFFFF  }
0xb6: {  	_ =	strace $0x9000004E  }
0xb7: {  	_ =	sfence  }
0xb8: {  	s30 =	sld [smem:$0x0];
	_ =	sdelay $0x2  }
0xb9: {  	s31 =	sshll.u32 s1, $0xD;
	s1 =	sshrl.u32 s1, $0x2  }
0xba: {  	s3 =	sand.u32 $0x4000, s31;
	s1 =	sadd.s32 s1, s30  }
0xbb: {  	s0 =	sor.u32 s3, s0;
	s1 =	sshll.u32 s1, $0x11  }
0xbc: {  	s0 =	sor.u32 s1, s0  }
0xbd: {  	s0 =	sadd.s32 $0x8F2B, s0  }
0xbe: {  	[sflag:s0] =	ssyncadd.remote.s32 $0x1  }
0xbf: {  	_ =	sfence.sel $0xFFFF  }
0xc0: {  	[dreg:$0x0] =	wrdreg $0xFFFFFFFF;
	(pc) =	sbr.abs _section_cstart, $3  }
0xc1: {  	[dreg:$0x1] =	wrdreg $0xFFFFFFFF  }
0xc2: {  	_ =	task.clear_ibuf [dreg:s7], $0x2FFFF;
	_ =	strace $0x9FFFFFFF  }
0xc3: {  	(tm) =	ssettm $0x7FFFFFFF  }
tec
execute0_lowered:
.L_overlay_start_1:
0x0: {  	(tag) =	ssettag $0x1  }
0x1: {  	s0 =	rddreg [dreg:$0x0]  }
0x2: {  	s1 =	rddreg [dreg:$0x1]  }
0x3: {  	s2 =	rddreg [dreg:$0x2];
	s3 =	srdreg.scid;
	s4 =	simm.s32 $0x0  }
0x4: {  	s14 =	stileid.u32;
	s19 =	simm.s32 $0x1900;
	s20 =	simm.s32 $0x2  }
0x5: {  	s21 =	simm.s32 $0x80;
	s22 =	simm.s32 $0x400;
	s23 =	simm.s32 $0x800  }
0x6: {  	s24 =	simm.s32 $0x1000;
	s25 =	simm.s32 $0x50;
	s26 =	simm.s32 $0x1800  }
0x7: {  	s28 =	simm.s32 $0x1;
	s29 =	simm.s32 $0x1880;
	s30 =	simm.s32 $0x0  }
0x8: {  	s3 =	sand.u32 $0x1, s3;
	[smem:$0x7FF] =	sst s4;
	s9 =	smul.u32 $0x14000, s14  }
0x9: {  	s10 =	smul.u32 $0x50000, s14;
	s5 =	sadd.s32 $0x40000, s0;
	s6 =	sadd.s32 $0x20000, s0  }
0xa: {  	s7 =	sadd.s32 $0x30000, s0;
	s16 =	sshll.u32 s14, $0xC;
	s8 =	smul.u32 $0x140000, s3  }
0xb: {  	_ =	strace $0x8000004D;
	s31 =	ssub.s32 $0x2, s3;
	s3 =	sshll.u32 s3, $0xB  }
0xc: {  	v0 =	vimm.f32 $0.0e+00;
	v1 =	vimm.s32 $0x0;
	s10 =	sshrl.u32 s10, $0x2;
	s12 =	sshrl.u32 s31, $0x1;
	s8 =	sadd.s32 s9, s8  }
0xd: {  	v2 =	vimm.s32 $0x1;
	v3 =	vimm.s32 $0x2;
	v4 =	vimm.s32 $0x3;
	s16 =	sor.u32 s3, s16;
	s9 =	ssub.s32 s31, s12;
	s11 =	sshrl.u32 s8, $0x3  }
0xe: {  	v5 =	vimm.s32 $0x4;
	v6 =	vimm.s32 $0x5;
	v7 =	vimm.s32 $0x6;
	s8 =	sadd.s32 s10, s2;
	s18 =	smax.u32 s9, $0x1;
	s0 =	sadd.s32 s11, s0  }
0xf: {  	v8 =	vimm.s32 $0x7;
	v9 =	vimm.s32 $0x8;
	v10 =	vimm.s32 $0x9;
	s10 =	sadd.s32 $0x2800, s8;
	s11 =	sadd.s32 $0x7800, s8;
	s12 =	sadd.s32 $0xA000, s8  }
0x10: {  	v11 =	vimm.s32 $0xA;
	v12 =	vimm.s32 $0xB;
	v13 =	vimm.s32 $0xC;
	s13 =	sadd.s32 $0xC800, s8;
	s14 =	sadd.s32 $0xF000, s8;
	s15 =	sadd.s32 $0x11800, s8  }
0x11: {  	v14 =	vimm.s32 $0xD;
	v15 =	vimm.s32 $0xE;
	v16 =	vimm.s32 $0xF;
	[dreg:$0x4] =	wrdreg s10;
	s10 =	sadd.s32 $0x5000, s8;
	s17 =	sadd.s32 $0x68000, s0  }
.LBB2_1:
0x12: {  	s0 =	simm.s32 $0x0;
	s3 =	simm.s32 $0x200  }
.LBB2_2:
0x13: {  	p0 =	sne.s32 s3, $0x9E00;
	[tilespmem:s0+$0x1970] =	vst v0  }
0x14: {  	[tilespmem:s0+$0x1900] =	vst v0  }
0x15: {  	[tilespmem:s0+$0x1910] =	vst v0  }
.Ltmp0:
0x16: {  	[tilespmem:s0+$0x1920] =	vst v0;
	(pc) =	sbr.rel @p0 .LBB2_2-.Ltmp0, $4  }
0x17: {  	[tilespmem:s0+$0x1930] =	vst v0  }
0x18: {  	[tilespmem:s0+$0x1940] =	vst v0  }
0x19: {  	[tilespmem:s0+$0x1950] =	vst v0  }
0x1a: {  	[tilespmem:s0+$0x1960] =	vst v0;
	s0 =	sshra.s32 s3, $0x2;
	s3 =	sadd.s32 $0x200, s3  }
0x1b: {  	[tilespmem:s0+$0x1970] =	vst v0  }
0x1c: {  	[tilespmem:s0+$0x1900] =	vst v0  }
0x1d: {  	[tilespmem:s0+$0x1910] =	vst v0  }
0x1e: {  	[tilespmem:s0+$0x1920] =	vst v0  }
0x1f: {  	[tilespmem:s0+$0x1930] =	vst v0  }
0x20: {  	[tilespmem:s0+$0x1940] =	vst v0  }
0x21: {  	[tilespmem:s0+$0x1950] =	vst v0  }
0x22: {  	[tilespmem:s0+$0x1960] =	vst v0  }
0x23: {  	[spmem:s8] =	stream.linear.scatter [tilespmem:s19], [sflag:$0x2], $0x2800, $0x38;
	[tilespmem:$0x18100] =	vst v63  }
0x24: {  	_ =	swait.ge [sflag:s20], $0x2800  }
0x25: {  	[sflag:s20] =	ssyncset.done $0x0  }
0x26: {  	s9 =	rddreg [dreg:$0x4];
	[sflag:s20] =	ssyncadd.s32 $0xFFFFD800  }
0x27: {  	[spmem:s9] =	stream.linear.scatter [tilespmem:s19], [sflag:$0x2], $0x2800, $0x38;
	[tilespmem:$0x18100] =	vst v63  }
0x28: {  	_ =	swait.ge [sflag:s20], $0x2800  }
0x29: {  	[sflag:s20] =	ssyncset.done $0x0  }
0x2a: {  	[sflag:s20] =	ssyncadd.s32 $0xFFFFD800  }
0x2b: {  	[spmem:s10] =	stream.linear.scatter [tilespmem:s19], [sflag:$0x2], $0x2800, $0x38;
	[tilespmem:$0x18100] =	vst v63  }
0x2c: {  	_ =	swait.ge [sflag:s20], $0x2800  }
0x2d: {  	[sflag:s20] =	ssyncset.done $0x0  }
0x2e: {  	[sflag:s20] =	ssyncadd.s32 $0xFFFFD800  }
0x2f: {  	[spmem:s11] =	stream.linear.scatter [tilespmem:s19], [sflag:$0x2], $0x2800, $0x38;
	[tilespmem:$0x18100] =	vst v63  }
0x30: {  	_ =	swait.ge [sflag:s20], $0x2800  }
0x31: {  	[sflag:s20] =	ssyncset.done $0x0  }
0x32: {  	[sflag:s20] =	ssyncadd.s32 $0xFFFFD800  }
0x33: {  	[spmem:s12] =	stream.linear.scatter [tilespmem:s19], [sflag:$0x2], $0x2800, $0x38;
	[tilespmem:$0x18100] =	vst v63  }
0x34: {  	_ =	swait.ge [sflag:s20], $0x2800  }
0x35: {  	[sflag:s20] =	ssyncset.done $0x0  }
0x36: {  	[sflag:s20] =	ssyncadd.s32 $0xFFFFD800  }
0x37: {  	[spmem:s13] =	stream.linear.scatter [tilespmem:s19], [sflag:$0x2], $0x2800, $0x38;
	[tilespmem:$0x18100] =	vst v63  }
0x38: {  	_ =	swait.ge [sflag:s20], $0x2800  }
0x39: {  	[sflag:s20] =	ssyncset.done $0x0  }
0x3a: {  	[sflag:s20] =	ssyncadd.s32 $0xFFFFD800  }
0x3b: {  	[spmem:s14] =	stream.linear.scatter [tilespmem:s19], [sflag:$0x2], $0x2800, $0x38;
	[tilespmem:$0x18100] =	vst v63  }
0x3c: {  	_ =	swait.ge [sflag:s20], $0x2800  }
0x3d: {  	[sflag:s20] =	ssyncset.done $0x0  }
0x3e: {  	[sflag:s20] =	ssyncadd.s32 $0xFFFFD800  }
0x3f: {  	[spmem:s15] =	stream.linear.scatter [tilespmem:s19], [sflag:$0x2], $0x2800, $0x38;
	[tilespmem:$0x18100] =	vst v63  }
0x40: {  	_ =	swait.ge [sflag:s20], $0x2800  }
0x41: {  	[sflag:s20] =	ssyncset.done $0x0  }
0x42: {  	[sflag:s20] =	ssyncadd.s32 $0xFFFFD800  }
0x43: {  	s31 =	simm.s32 $0x0;
	[bflag:$0x0] =	sbarrier.arrive $0xFFFF  }
.LBB2_4:
0x44: {  	s0 =	sshll.u32 s31, $0x4  }
0x45: {  	s0 =	sadd.s32 s16, s0  }
0x46: {  	s3 =	sadd.s32 s1, s0  }
0x47: {  	[tilespmem:s30], [sflag:$0x2] =	stream.strided.gather [hbm4b:s3+s21], $0x800, s22, s21, $0x38;
	[tilespmem:$0x18100] =	vst v63  }
0x48: {  	_ =	swait.ge [sflag:s20], $0x800  }
0x49: {  	[sflag:s20] =	ssyncset.done $0x0  }
0x4a: {  	s9 =	sadd.s32 s6, s0;
	[sflag:s20] =	ssyncadd.s32 $0xFFFFF800  }
0x4b: {  	[tilespmem:s23], [sflag:$0x2] =	stream.strided.gather [hbm4b:s9+s21], $0x800, s22, s21, $0x38;
	[tilespmem:$0x18100] =	vst v63  }
0x4c: {  	_ =	swait.ge [sflag:s20], $0x800  }
0x4d: {  	[sflag:s20] =	ssyncset.done $0x0  }
0x4e: {  	s0 =	sadd.s32 s7, s0;
	[sflag:s20] =	ssyncadd.s32 $0xFFFFF800  }
0x4f: {  	[tilespmem:s24], [sflag:$0x2] =	stream.strided.gather [hbm4b:s0+s21], $0x800, s22, s21, $0x38;
	[tilespmem:$0x18100] =	vst v63  }
0x50: {  	_ =	swait.ge [sflag:s20], $0x800  }
0x51: {  	[sflag:s20] =	ssyncset.done $0x0  }
0x52: {  	s0 =	simm.s32 $0x0;
	[sflag:s20] =	ssyncadd.s32 $0xFFFFF800  }
.LBB2_5:
0x53: {  	s3 =	smul.u32 $0x50, s0;
	_ =	sdelay $0x1  }
0x54: {  	v17 =	vld [tilespmem:s3+$0x0];
	_ =	sdelay $0x4  }
0x55: {  	[tilespmem:$0x1800] =	vst v17  }
0x56: {  	v17 =	vld [tilespmem:s3+$0x800];
	_ =	sdelay $0x4  }
0x57: {  	[tilespmem:$0x1880] =	vst v17  }
0x58: {  	v17 =	vld [tilespmem:s3+$0x10];
	_ =	sdelay $0x4  }
0x59: {  	[tilespmem:$0x1810] =	vst v17  }
0x5a: {  	v17 =	vld [tilespmem:s3+$0x810];
	_ =	sdelay $0x4  }
0x5b: {  	[tilespmem:$0x1890] =	vst v17  }
0x5c: {  	v17 =	vld [tilespmem:s3+$0x20];
	_ =	sdelay $0x4  }
0x5d: {  	[tilespmem:$0x1820] =	vst v17  }
0x5e: {  	v17 =	vld [tilespmem:s3+$0x820];
	_ =	sdelay $0x4  }
0x5f: {  	[tilespmem:$0x18A0] =	vst v17  }
0x60: {  	v17 =	vld [tilespmem:s3+$0x30];
	_ =	sdelay $0x4  }
0x61: {  	[tilespmem:$0x1830] =	vst v17  }
0x62: {  	v17 =	vld [tilespmem:s3+$0x830];
	_ =	sdelay $0x4  }
0x63: {  	[tilespmem:$0x18B0] =	vst v17  }
0x64: {  	v17 =	vld [tilespmem:s3+$0x40];
	_ =	sdelay $0x4  }
0x65: {  	[tilespmem:$0x1840] =	vst v17  }
0x66: {  	v17 =	vld [tilespmem:s3+$0x840];
	_ =	sdelay $0x4  }
0x67: {  	s9 =	sadd.s32 $0x1000, s3;
	[tilespmem:$0x18C0] =	vst v17  }
0x68: {  	[tilespmem:s19], [sflag:$0x1] =	stream.indirect.gather [hbm4b:s5+s25], $0x80, s26, s25, $0xb8;
	[tilespmem:$0x18100] =	vst v63  }
0x69: {  	v17 =	vmov s9;
	_ =	swait.ge [sflag:s28], $0x2800  }
0x6a: {  	[sflag:s28] =	ssyncset.done $0x0  }
0x6b: {  	s3 =	simm.s32 $0x0;
	[sflag:s28] =	ssyncadd.s32 $0xFFFFD800  }
.LBB2_6:
0x6c: {  	s9 =	sshll.u32 s3, $0x4  }
0x6d: {  	s9 =	sand.u32 $0x3FFFFFF0, s9  }
0x6e: {  	v18 =	vld.idx.msk [tilespmem:v17+s9+$0x0 ss:$0x1], $0xffff;
	s9 =	sshll.u32 s3, $0xB  }
0x6f: {  	s9 =	sand.u32 $0x3FFFF800, s9  }
0x70: {  	v19 =	vld [tilespmem:s9+$0x1900]  }
0x71: {  	v20 =	vld [tilespmem:s9+$0x1910]  }
0x72: {  	v21 =	vld [tilespmem:s9+$0x1920]  }
0x73: {  	v23 =	vld [tilespmem:s9+$0x1930];
	v22 =	vperm.xlane v18, v1  }
0x74: {  	v24 =	vld [tilespmem:s9+$0x1940]  }
0x75: {  	v25 =	vld [tilespmem:s9+$0x1950];
	v19 =	vmul.f32 v19, v22  }
0x76: {  	v26 =	vld [tilespmem:s9+$0x1960];
	v20 =	vmul.f32 v20, v22  }
0x77: {  	v43 =	vld [tilespmem:s9+$0x1970];
	[tilespmem:s9+$0x1900] =	vst v19;
	v19 =	vmul.f32 v21, v22  }
0x78: {  	v45 =	vld [tilespmem:s9+$0x1980];
	v44 =	vmul.f32 v23, v22;
	[tilespmem:s9+$0x1910] =	vst v20  }
0x79: {  	v46 =	vld [tilespmem:s9+$0x1990];
	[tilespmem:s9+$0x1920] =	vst v19;
	v19 =	vmul.f32 v24, v22  }
0x7a: {  	v48 =	vld [tilespmem:s9+$0x19A0];
	v47 =	vmul.f32 v25, v22;
	[tilespmem:s9+$0x1930] =	vst v44  }
0x7b: {  	v27 =	vld [tilespmem:s9+$0x19B0];
	v49 =	vperm.xlane v18, v2;
	[tilespmem:s9+$0x1940] =	vst v19;
	v19 =	vmul.f32 v26, v22  }
0x7c: {  	v51 =	vld [tilespmem:s9+$0x19C0];
	v50 =	vmul.f32 v43, v22;
	[tilespmem:s9+$0x1950] =	vst v47  }
0x7d: {  	v52 =	vld [tilespmem:s9+$0x19D0];
	[tilespmem:s9+$0x1960] =	vst v19;
	v19 =	vmul.f32 v45, v49  }
0x7e: {  	v54 =	vld [tilespmem:s9+$0x19E0];
	v53 =	vmul.f32 v46, v49;
	[tilespmem:s9+$0x1970] =	vst v50  }
0x7f: {  	v55 =	vld [tilespmem:s9+$0x19F0];
	[tilespmem:s9+$0x1980] =	vst v19;
	v19 =	vmul.f32 v48, v49  }
0x80: {  	v57 =	vld [tilespmem:s9+$0x1A00];
	v56 =	vmul.f32 v27, v49;
	[tilespmem:s9+$0x1990] =	vst v53  }
0x81: {  	v58 =	vld [tilespmem:s9+$0x1A10];
	[tilespmem:s9+$0x19A0] =	vst v19;
	v19 =	vmul.f32 v51, v49  }
0x82: {  	v60 =	vld [tilespmem:s9+$0x1A20];
	v59 =	vmul.f32 v52, v49;
	[tilespmem:s9+$0x19B0] =	vst v56  }
0x83: {  	v62 =	vld [tilespmem:s9+$0x1A30];
	v61 =	vperm.xlane v18, v3;
	[tilespmem:s9+$0x19C0] =	vst v19;
	v19 =	vmul.f32 v54, v49  }
0x84: {  	v28 =	vld [tilespmem:s9+$0x1A40];
	v63 =	vmul.f32 v55, v49;
	[tilespmem:s9+$0x19D0] =	vst v59  }
0x85: {  	v29 =	vld [tilespmem:s9+$0x1A50];
	[tilespmem:s9+$0x19E0] =	vst v19;
	v19 =	vmul.f32 v57, v61  }
0x86: {  	v31 =	vld [tilespmem:s9+$0x1A60];
	v30 =	vmul.f32 v58, v61;
	[tilespmem:s9+$0x19F0] =	vst v63  }
0x87: {  	v32 =	vld [tilespmem:s9+$0x1A70];
	[tilespmem:s9+$0x1A00] =	vst v19;
	v19 =	vmul.f32 v60, v61  }
0x88: {  	v34 =	vld [tilespmem:s9+$0x1A80];
	v33 =	vmul.f32 v62, v61;
	[tilespmem:s9+$0x1A10] =	vst v30  }
0x89: {  	v35 =	vld [tilespmem:s9+$0x1A90];
	[tilespmem:s9+$0x1A20] =	vst v19;
	v19 =	vmul.f32 v28, v61  }
0x8a: {  	v37 =	vld [tilespmem:s9+$0x1AA0];
	v36 =	vmul.f32 v29, v61;
	[tilespmem:s9+$0x1A30] =	vst v33  }
0x8b: {  	v39 =	vld [tilespmem:s9+$0x1AB0];
	v38 =	vperm.xlane v18, v4;
	[tilespmem:s9+$0x1A40] =	vst v19;
	v19 =	vmul.f32 v31, v61  }
0x8c: {  	v41 =	vld [tilespmem:s9+$0x1AC0];
	v40 =	vmul.f32 v32, v61;
	[tilespmem:s9+$0x1A50] =	vst v36  }
0x8d: {  	v45 =	vld [tilespmem:s9+$0x1AF0];
	[tilespmem:s9+$0x1A60] =	vst v19;
	v19 =	vmul.f32 v34, v38  }
0x8e: {  	v43 =	vmul.f32 v35, v38;
	[tilespmem:s9+$0x1A70] =	vst v40;
	v44 =	vld [tilespmem:s9+$0x1AE0]  }
0x8f: {  	v42 =	vld [tilespmem:s9+$0x1AD0];
	[tilespmem:s9+$0x1A80] =	vst v19;
	v19 =	vmul.f32 v37, v38  }
0x90: {  	v46 =	vmul.f32 v39, v38;
	[tilespmem:s9+$0x1A90] =	vst v43;
	v47 =	vld [tilespmem:s9+$0x1B00]  }
0x91: {  	v52 =	vld [tilespmem:s9+$0x1B30];
	[tilespmem:s9+$0x1AA0] =	vst v19;
	v19 =	vmul.f32 v41, v38  }
0x92: {  	[tilespmem:s9+$0x1AB0] =	vst v46;
	v50 =	vld [tilespmem:s9+$0x1B20];
	v53 =	vmul.f32 v45, v38  }
0x93: {  	v55 =	vld [tilespmem:s9+$0x1B50];
	v51 =	vperm.xlane v18, v5;
	[tilespmem:s9+$0x1AC0] =	vst v19;
	v19 =	vmul.f32 v44, v38  }
0x94: {  	v49 =	vmul.f32 v42, v38;
	v54 =	vld [tilespmem:s9+$0x1B40];
	[tilespmem:s9+$0x1AF0] =	vst v53  }
0x95: {  	v58 =	vld [tilespmem:s9+$0x1B70];
	[tilespmem:s9+$0x1AE0] =	vst v19;
	v19 =	vmul.f32 v47, v51  }
0x96: {  	v59 =	vmul.f32 v52, v51;
	[tilespmem:s9+$0x1AD0] =	vst v49;
	v57 =	vld [tilespmem:s9+$0x1B60]  }
0x97: {  	v48 =	vld [tilespmem:s9+$0x1B10];
	[tilespmem:s9+$0x1B00] =	vst v19;
	v19 =	vmul.f32 v50, v51  }
0x98: {  	v62 =	vmul.f32 v55, v51;
	[tilespmem:s9+$0x1B30] =	vst v59;
	v60 =	vld [tilespmem:s9+$0x1B80]  }
0x99: {  	v40 =	vld [tilespmem:s9+$0x1C10];
	[tilespmem:s9+$0x1B20] =	vst v19;
	v19 =	vmul.f32 v54, v51  }
0x9a: {  	v63 =	vld [tilespmem:s9+$0x1BA0];
	v32 =	vmul.f32 v58, v51;
	[tilespmem:s9+$0x1B50] =	vst v62  }
0x9b: {  	v30 =	vperm.xlane v18, v6;
	v61 =	vld [tilespmem:s9+$0x1B90];
	[tilespmem:s9+$0x1B40] =	vst v19;
	v19 =	vmul.f32 v57, v51  }
0x9c: {  	v33 =	vld [tilespmem:s9+$0x1BC0];
	v43 =	vperm.xlane v18, v7;
	v56 =	vmul.f32 v48, v51;
	[tilespmem:s9+$0x1B70] =	vst v32  }
0x9d: {  	v53 =	vld [tilespmem:s9+$0x1C90];
	[tilespmem:s9+$0x1B60] =	vst v19;
	v19 =	vmul.f32 v60, v30  }
0x9e: {  	v36 =	vld [tilespmem:s9+$0x1BE0];
	v48 =	vmul.f32 v40, v43;
	[tilespmem:s9+$0x1B10] =	vst v56  }
0x9f: {  	v31 =	vld [tilespmem:s9+$0x1BB0];
	[tilespmem:s9+$0x1B80] =	vst v19;
	v19 =	vmul.f32 v63, v30  }
0xa0: {  	v39 =	vld [tilespmem:s9+$0x1C00];
	[tilespmem:s9+$0x1C10] =	vst v48;
	v56 =	vperm.xlane v18, v8;
	v35 =	vmul.f32 v61, v30  }
0xa1: {  	v34 =	vld [tilespmem:s9+$0x1BD0];
	[tilespmem:s9+$0x1BA0] =	vst v19;
	v19 =	vmul.f32 v33, v30  }
0xa2: {  	v42 =	vld [tilespmem:s9+$0x1C20];
	v61 =	vmul.f32 v53, v56;
	[tilespmem:s9+$0x1B90] =	vst v35  }
0xa3: {  	v37 =	vld [tilespmem:s9+$0x1BF0];
	[tilespmem:s9+$0x1BC0] =	vst v19;
	v19 =	vmul.f32 v36, v30  }
0xa4: {  	v46 =	vld [tilespmem:s9+$0x1C40];
	[tilespmem:s9+$0x1C90] =	vst v61;
	v38 =	vmul.f32 v31, v30  }
0xa5: {  	v47 =	vld [tilespmem:s9+$0x1C50];
	[tilespmem:s9+$0x1BE0] =	vst v19;
	v19 =	vmul.f32 v39, v43  }
0xa6: {  	v49 =	vld [tilespmem:s9+$0x1C60];
	v41 =	vmul.f32 v34, v30;
	[tilespmem:s9+$0x1BB0] =	vst v38  }
0xa7: {  	v38 =	vld [tilespmem:s9+$0x1D50];
	[tilespmem:s9+$0x1C00] =	vst v19;
	v19 =	vmul.f32 v42, v43  }
0xa8: {  	v52 =	vld [tilespmem:s9+$0x1C80];
	[tilespmem:s9+$0x1BD0] =	vst v41;
	v45 =	vmul.f32 v37, v30  }
0xa9: {  	v44 =	vld [tilespmem:s9+$0x1C30];
	[tilespmem:s9+$0x1C20] =	vst v19;
	v19 =	vmul.f32 v46, v43  }
0xaa: {  	v55 =	vld [tilespmem:s9+$0x1CA0];
	v34 =	vperm.xlane v18, v9;
	[tilespmem:s9+$0x1BF0] =	vst v45;
	v54 =	vmul.f32 v47, v43  }
0xab: {  	v50 =	vld [tilespmem:s9+$0x1C70];
	[tilespmem:s9+$0x1C40] =	vst v19;
	v19 =	vmul.f32 v49, v43  }
0xac: {  	v59 =	vld [tilespmem:s9+$0x1CC0];
	v45 =	vmul.f32 v38, v34;
	[tilespmem:s9+$0x1C50] =	vst v54  }
0xad: {  	v57 =	vld [tilespmem:s9+$0x1CB0];
	[tilespmem:s9+$0x1C60] =	vst v19;
	v19 =	vmul.f32 v52, v56  }
0xae: {  	v62 =	vld [tilespmem:s9+$0x1CE0];
	v51 =	vmul.f32 v44, v43;
	[tilespmem:s9+$0x1D50] =	vst v45  }
0xaf: {  	v60 =	vld [tilespmem:s9+$0x1CD0];
	[tilespmem:s9+$0x1C80] =	vst v19;
	v19 =	vmul.f32 v55, v56  }
0xb0: {  	v58 =	vmul.f32 v50, v43;
	[tilespmem:s9+$0x1C30] =	vst v51;
	v30 =	vld [tilespmem:s9+$0x1D00]  }
0xb1: {  	v51 =	vld [tilespmem:s9+$0x1DD0];
	[tilespmem:s9+$0x1CA0] =	vst v19;
	v19 =	vmul.f32 v59, v56  }
0xb2: {  	[tilespmem:s9+$0x1C70] =	vst v58;
	v29 =	vmul.f32 v57, v56;
	v33 =	vld [tilespmem:s9+$0x1D20]  }
0xb3: {  	v63 =	vld [tilespmem:s9+$0x1CF0];
	[tilespmem:s9+$0x1CC0] =	vst v19;
	v19 =	vmul.f32 v62, v56  }
0xb4: {  	v37 =	vld [tilespmem:s9+$0x1D40];
	v47 =	vperm.xlane v18, v10;
	[tilespmem:s9+$0x1CB0] =	vst v29;
	v32 =	vmul.f32 v60, v56  }
0xb5: {  	v61 =	vld [tilespmem:s9+$0x1E30];
	[tilespmem:s9+$0x1CE0] =	vst v19;
	v19 =	vmul.f32 v30, v34  }
0xb6: {  	v40 =	vld [tilespmem:s9+$0x1D60];
	v58 =	vmul.f32 v51, v47;
	[tilespmem:s9+$0x1CD0] =	vst v32  }
0xb7: {  	v31 =	vld [tilespmem:s9+$0x1D10];
	[tilespmem:s9+$0x1D00] =	vst v19;
	v19 =	vmul.f32 v33, v34  }
0xb8: {  	v60 =	vperm.xlane v18, v11;
	v36 =	vmul.f32 v63, v56;
	[tilespmem:s9+$0x1DD0] =	vst v58;
	v43 =	vld [tilespmem:s9+$0x1D80]  }
0xb9: {  	v57 =	vld [tilespmem:s9+$0x1E10];
	[tilespmem:s9+$0x1D20] =	vst v19;
	v19 =	vmul.f32 v37, v34  }
0xba: {  	v32 =	vmul.f32 v61, v60;
	[tilespmem:s9+$0x1CF0] =	vst v36;
	v46 =	vld [tilespmem:s9+$0x1DA0]  }
0xbb: {  	v35 =	vld [tilespmem:s9+$0x1D30];
	[tilespmem:s9+$0x1D40] =	vst v19;
	v19 =	vmul.f32 v40, v34  }
0xbc: {  	v50 =	vld [tilespmem:s9+$0x1DC0];
	v39 =	vmul.f32 v31, v34;
	[tilespmem:s9+$0x1E30] =	vst v32  }
0xbd: {  	v28 =	vld [tilespmem:s9+$0x1E50];
	[tilespmem:s9+$0x1D60] =	vst v19;
	v19 =	vmul.f32 v43, v47  }
0xbe: {  	v53 =	vld [tilespmem:s9+$0x1DE0];
	v29 =	vmul.f32 v57, v60;
	[tilespmem:s9+$0x1D10] =	vst v39  }
0xbf: {  	v31 =	vld [tilespmem:s9+$0x1E70];
	[tilespmem:s9+$0x1D80] =	vst v19;
	v19 =	vmul.f32 v46, v47  }
0xc0: {  	v42 =	vmul.f32 v35, v34;
	[tilespmem:s9+$0x1E10] =	vst v29;
	v56 =	vld [tilespmem:s9+$0x1E00]  }
0xc1: {  	v41 =	vld [tilespmem:s9+$0x1D70];
	[tilespmem:s9+$0x1DA0] =	vst v19;
	v19 =	vmul.f32 v50, v47  }
0xc2: {  	v35 =	vmul.f32 v28, v60;
	[tilespmem:s9+$0x1D30] =	vst v42;
	v59 =	vld [tilespmem:s9+$0x1E20]  }
0xc3: {  	v44 =	vld [tilespmem:s9+$0x1D90];
	[tilespmem:s9+$0x1DC0] =	vst v19;
	v19 =	vmul.f32 v53, v47  }
0xc4: {  	v63 =	vld [tilespmem:s9+$0x1E40];
	[tilespmem:s9+$0x1E50] =	vst v35;
	v39 =	vmul.f32 v31, v60  }
0xc5: {  	v48 =	vld [tilespmem:s9+$0x1DB0];
	[tilespmem:s9+$0x1DE0] =	vst v19;
	v19 =	vmul.f32 v56, v60  }
0xc6: {  	v49 =	vmul.f32 v41, v34;
	[tilespmem:s9+$0x1E70] =	vst v39;
	v30 =	vld [tilespmem:s9+$0x1E60]  }
0xc7: {  	v54 =	vld [tilespmem:s9+$0x1DF0];
	[tilespmem:s9+$0x1E00] =	vst v19;
	v19 =	vmul.f32 v59, v60  }
0xc8: {  	[tilespmem:s9+$0x1D70] =	vst v49;
	v52 =	vmul.f32 v44, v47;
	v33 =	vld [tilespmem:s9+$0x1E80]  }
0xc9: {  	v38 =	vld [tilespmem:s9+$0x1EB0];
	[tilespmem:s9+$0x1E20] =	vst v19;
	v19 =	vmul.f32 v63, v60  }
0xca: {  	v36 =	vld [tilespmem:s9+$0x1EA0];
	[tilespmem:s9+$0x1D90] =	vst v52;
	v55 =	vmul.f32 v48, v47  }
0xcb: {  	v41 =	vld [tilespmem:s9+$0x1ED0];
	v37 =	vperm.xlane v18, v12;
	[tilespmem:s9+$0x1E40] =	vst v19;
	v19 =	vmul.f32 v30, v60  }
0xcc: {  	[tilespmem:s9+$0x1DB0] =	vst v55;
	v62 =	vmul.f32 v54, v47;
	v40 =	vld [tilespmem:s9+$0x1EC0]  }
0xcd: {  	v44 =	vld [tilespmem:s9+$0x1EF0];
	[tilespmem:s9+$0x1E60] =	vst v19;
	v19 =	vmul.f32 v33, v37  }
0xce: {  	[tilespmem:s9+$0x1DF0] =	vst v62;
	v45 =	vmul.f32 v38, v37;
	v43 =	vld [tilespmem:s9+$0x1EE0]  }
0xcf: {  	v34 =	vld [tilespmem:s9+$0x1E90];
	[tilespmem:s9+$0x1E80] =	vst v19;
	v19 =	vmul.f32 v36, v37  }
0xd0: {  	v48 =	vmul.f32 v41, v37;
	[tilespmem:s9+$0x1EB0] =	vst v45;
	v46 =	vld [tilespmem:s9+$0x1F00]  }
0xd1: {  	v51 =	vld [tilespmem:s9+$0x1F30];
	[tilespmem:s9+$0x1EA0] =	vst v19;
	v19 =	vmul.f32 v40, v37  }
0xd2: {  	v49 =	vld [tilespmem:s9+$0x1F20];
	v52 =	vmul.f32 v44, v37;
	[tilespmem:s9+$0x1ED0] =	vst v48  }
0xd3: {  	v54 =	vld [tilespmem:s9+$0x1F50];
	v50 =	vperm.xlane v18, v13;
	[tilespmem:s9+$0x1EC0] =	vst v19;
	v19 =	vmul.f32 v43, v37  }
0xd4: {  	[tilespmem:s9+$0x1EF0] =	vst v52;
	v42 =	vmul.f32 v34, v37;
	v53 =	vld [tilespmem:s9+$0x1F40]  }
0xd5: {  	v57 =	vld [tilespmem:s9+$0x1F70];
	[tilespmem:s9+$0x1EE0] =	vst v19;
	v19 =	vmul.f32 v46, v50  }
0xd6: {  	[tilespmem:s9+$0x1E90] =	vst v42;
	v58 =	vmul.f32 v51, v50;
	v56 =	vld [tilespmem:s9+$0x1F60]  }
0xd7: {  	v47 =	vld [tilespmem:s9+$0x1F10];
	[tilespmem:s9+$0x1F00] =	vst v19;
	v19 =	vmul.f32 v49, v50  }
0xd8: {  	v61 =	vmul.f32 v54, v50;
	[tilespmem:s9+$0x1F30] =	vst v58;
	v59 =	vld [tilespmem:s9+$0x1F80]  }
0xd9: {  	v39 =	vld [tilespmem:s9+$0x2010];
	[tilespmem:s9+$0x1F20] =	vst v19;
	v19 =	vmul.f32 v53, v50  }
0xda: {  	v62 =	vld [tilespmem:s9+$0x1FA0];
	v31 =	vmul.f32 v57, v50;
	[tilespmem:s9+$0x1F50] =	vst v61  }
0xdb: {  	v63 =	vperm.xlane v18, v14;
	v60 =	vld [tilespmem:s9+$0x1F90];
	[tilespmem:s9+$0x1F40] =	vst v19;
	v19 =	vmul.f32 v56, v50  }
0xdc: {  	v32 =	vld [tilespmem:s9+$0x1FC0];
	v42 =	vperm.xlane v18, v15;
	[tilespmem:s9+$0x1F70] =	vst v31;
	v55 =	vmul.f32 v47, v50  }
0xdd: {  	v33 =	vld [tilespmem:s9+$0x1FD0];
	[tilespmem:s9+$0x1F60] =	vst v19;
	v19 =	vmul.f32 v59, v63  }
0xde: {  	v35 =	vld [tilespmem:s9+$0x1FE0];
	v47 =	vmul.f32 v39, v42;
	[tilespmem:s9+$0x1F10] =	vst v55  }
0xdf: {  	v30 =	vld [tilespmem:s9+$0x1FB0];
	[tilespmem:s9+$0x1F80] =	vst v19;
	v19 =	vmul.f32 v62, v63  }
0xe0: {  	v38 =	vld [tilespmem:s9+$0x2000];
	[tilespmem:s9+$0x2010] =	vst v47;
	v34 =	vmul.f32 v60, v63  }
0xe1: {  	v36 =	vld [tilespmem:s9+$0x1FF0];
	[tilespmem:s9+$0x1FA0] =	vst v19;
	v19 =	vmul.f32 v32, v63  }
0xe2: {  	v41 =	vld [tilespmem:s9+$0x2020];
	[tilespmem:s9+$0x1F90] =	vst v34;
	v40 =	vmul.f32 v33, v63  }
0xe3: {  	v46 =	vld [tilespmem:s9+$0x2050];
	[tilespmem:s9+$0x1FC0] =	vst v19;
	v19 =	vmul.f32 v35, v63  }
0xe4: {  	v45 =	vld [tilespmem:s9+$0x2040];
	v37 =	vmul.f32 v30, v63;
	[tilespmem:s9+$0x1FD0] =	vst v40  }
0xe5: {  	v43 =	vld [tilespmem:s9+$0x2030];
	[tilespmem:s9+$0x1FE0] =	vst v19;
	v19 =	vmul.f32 v38, v42  }
0xe6: {  	v48 =	vld [tilespmem:s9+$0x2060];
	v44 =	vmul.f32 v36, v63;
	[tilespmem:s9+$0x1FB0] =	vst v37  }
0xe7: {  	v49 =	vld [tilespmem:s9+$0x2070];
	[tilespmem:s9+$0x2000] =	vst v19;
	v19 =	vmul.f32 v41, v42  }
0xe8: {  	v51 =	vld [tilespmem:s9+$0x2080];
	[tilespmem:s9+$0x1FF0] =	vst v44;
	v53 =	vmul.f32 v46, v42  }
0xe9: {  	v52 =	vld [tilespmem:s9+$0x2090];
	[tilespmem:s9+$0x2020] =	vst v19;
	v19 =	vmul.f32 v45, v42  }
0xea: {  	v54 =	vld [tilespmem:s9+$0x20A0];
	v50 =	vmul.f32 v43, v42;
	[tilespmem:s9+$0x2050] =	vst v53  }
0xeb: {  	v18 =	vperm.xlane v18, v16;
	v55 =	vld [tilespmem:s9+$0x20B0];
	[tilespmem:s9+$0x2040] =	vst v19;
	v19 =	vmul.f32 v48, v42  }
0xec: {  	v57 =	vld [tilespmem:s9+$0x20C0];
	v56 =	vmul.f32 v49, v42;
	[tilespmem:s9+$0x2030] =	vst v50  }
0xed: {  	v58 =	vld [tilespmem:s9+$0x20D0];
	[tilespmem:s9+$0x2060] =	vst v19;
	v19 =	vmul.f32 v51, v18  }
0xee: {  	v60 =	vld [tilespmem:s9+$0x20E0];
	v59 =	vmul.f32 v52, v18;
	[tilespmem:s9+$0x2070] =	vst v56  }
0xef: {  	v61 =	vld [tilespmem:s9+$0x20F0];
	[tilespmem:s9+$0x2080] =	vst v19;
	v19 =	vmul.f32 v54, v18  }
0xf0: {  	[tilespmem:s9+$0x2090] =	vst v59;
	v62 =	vmul.f32 v55, v18  }
0xf1: {  	p0 =	sne.s32 s3, $0x4;
	[tilespmem:s9+$0x20A0] =	vst v19;
	v19 =	vmul.f32 v57, v18  }
.Ltmp1:
0xf2: {  	[tilespmem:s9+$0x20B0] =	vst v62;
	v63 =	vmul.f32 v58, v18;
	(pc) =	sbr.rel @p0 .LBB2_6-.Ltmp1, $4  }
0xf3: {  	[tilespmem:s9+$0x20C0] =	vst v19;
	v19 =	vmul.f32 v60, v18  }
0xf4: {  	[tilespmem:s9+$0x20D0] =	vst v63;
	v18 =	vmul.f32 v61, v18  }
0xf5: {  	[tilespmem:s9+$0x20E0] =	vst v19  }
0xf6: {  	s3 =	sadd.s32 $0x1, s3;
	[tilespmem:s9+$0x20F0] =	vst v18  }
0xf7: {  	s0 =	sadd.s32 $0x1, s0  }
0xf8: {  	p0 =	sne.s32 s0, $0x19  }
.Ltmp2:
0xf9: {  	_ = 	snop;
	(pc) =	sbr.rel @p0 .LBB2_5-.Ltmp2, $4  }
0xfa: {  	[spmem:s2] =	stream.indirect.scatter.add.f32 [tilespmem:s19], [sflag:$0x2], $0x80, s29, s25, $0xb8;
	[tilespmem:$0x18100] =	vst v63  }
0xfb: {  	_ =	swait.ge [sflag:s20], $0x2800  }
0xfc: {  	[sflag:s20] =	ssyncset.done $0x0  }
0xfd: {  	[sflag:s20] =	ssyncadd.s32 $0xFFFFD800  }
0xfe: {  	s31 =	sadd.s32 $0x1, s31  }
0xff: {  	p0 =	sne.s32 s31, $0x5  }
.Ltmp3:
0x100: {  	_ = 	snop;
	(pc) =	sbr.rel @p0 .LBB2_4-.Ltmp3, $1  }
0x101: {  	_ =	sdelay $0x3  }
0x102: {  	s0 =	stileid.u32;
	s4 =	sadd.s32 $0x1, s4  }
0x103: {  	[bflag:$0x0] =	sbarrier.arrive $0xFFFF;
	s0 =	sshll.u32 s0, $0x6;
	p0 =	sne.s32 s4, s18  }
.Ltmp4:
0x104: {  	s3 =	sshrl.u32 s8, $0x3;
	s0 =	sor.u32 $0x1C02, s0;
	(pc) =	sbr.rel @p0 .LBB2_1-.Ltmp4, $4  }
0x105: {  	[hbm:s17], [sflag:s0] =	dma.local [spmem:s3], $0x2800  }
0x106: {  	_ =	swait.ge [sflag:s20], $0x2800  }
0x107: {  	[sflag:s20] =	ssyncset.done $0x0  }
0x108: {  	[sflag:s20] =	ssyncadd.s32 $0xFFFFD800  }
0x109: {  	_ =	sfence.sel $0x180000  }
0x10a: {  	[bflag:$0x0] =	sbarrier.arrive $0xFFFF  }
0x10b: {  	_ =	strace $0x9000004D  }
0x10c: {  	s0 =	stileid.u32;
	[bflag:$0x2] =	sbarrier.arrive $0xFFFF  }
0x10d: {  	p0 =	sne.s32 s0, $0x0;
	s0 =	rddreg [dreg:$0x3]  }
0x10e: {  	s0 =	sadd.s32 @!p0 $0x100000, s0  }
0x10f: {  	[sflag:s0] =	ssyncadd.tile.s32 @!p0 $0x1;
	_ =	shalt  }
.Lfunc_end2:
_tile_overlayer_lowered:
.L_overlay_start_2:
0x110: {  	(tag) =	ssettag $0x2  }
0x111: {  	s0 =	rddreg [dreg:$0x0];
	s2 =	stileid.u32  }
0x112: {  	s1 =	rddreg [dreg:$0x1];
	p0 =	sne.s32 s2, $0x0  }
0x113: {  	s3 =	rddreg [dreg:$0x2];
	[bflag:$0x3] =	sbarrier.arrive $0xFFFF;
	s2 =	simm.s32 @!p0 $0x1C02  }
0x114: {  	[timem:s3], [sflag:s2] =	dma.local @!p0 [hbm:s0], s1  }
0x115: {  	s0 =	simm.s32 @!p0 $0x2  }
0x116: {  	_ =	swait.ge @!p0 [sflag:s0], s1  }
0x117: {  	s1 =	ssub.s32 @!p0 $0x0, s1;
	[sflag:s0] =	ssyncset.done @!p0 $0x0  }
0x118: {  	[sflag:s0] =	ssyncadd.s32 @!p0 s1  }
0x119: {  	[bflag:$0x3] =	sbarrier.arrive $0xFFFF  }
0x11a: {  	_ =	shalt  }

// kernel: kernel.8.cloned.1.call-start
scs
__scs_entry_jumppad:
0x0: {  	(pc) =	sbr.rel $0x88, $3  }
0x1: {  	(tag) =	ssettag $0x0;
	lr =	simm.s32 $0x1  }
0x2: {  	[smem:$0x3F9A] =	sst lr;
	_ =	strace $0xD0000000  }
0x3: {  	_ = 	snop  }
0x4: {  	_ = 	snop  }
0x5: {  	_ = 	snop  }
0x6: {  	_ = 	snop  }
0x7: {  	_ = 	snop  }
__scs_overlays_trampoline_lowered:
0x8: {  	[smem:$0x3FA9] =	sst s0  }
0x9: {  	[smem:$0x3FAA] =	sst s1  }
0xa: {  	[smem:$0x3FAB] =	sst s2  }
0xb: {  	[smem:$0x3FAC] =	sst s3  }
0xc: {  	[smem:$0x3FAD] =	sst s4  }
0xd: {  	[smem:$0x3FAE] =	sst s5  }
0xe: {  	[smem:$0x3FAF] =	sst s6  }
0xf: {  	[smem:$0x3FB0] =	sst s7  }
0x10: {  	[smem:$0x3FB1] =	sst s8  }
0x11: {  	[smem:$0x3FB2] =	sst s9;
	s0 =	simm.s32 @!p0 $0x0  }
0x12: {  	s1 =	sld [smem:$0x3F98];
	s0 =	simm.s32 @p0 $0x1  }
0x13: {  	[smem:$0x3FB3] =	sst s0;
	s0 =	simm.s32 @!p1 $0x0  }
0x14: {  	s2 =	sld [smem:$0x3F97];
	s0 =	simm.s32 @p1 $0x1  }
0x15: {  	[smem:$0x3FB4] =	sst s0;
	s0 =	simm.s32 @!p2 $0x0  }
0x16: {  	s3 =	sld [smem:$0x3FDB];
	s0 =	simm.s32 @p2 $0x1  }
0x17: {  	s4 =	simm.s32 $0x1BF5;
	[smem:$0x3FB6] =	sst s0  }
0x18: {  	s0 =	sld [smem:$0x3F99];
	_ =	swait.ge [sflag:s4], $0x0  }
0x19: {  	s7 =	sld [smem:$0x3F9A]  }
0x1a: {  	s8 =	sadd.s32 $0xFFFFE003, lr  }
0x1b: {  	s9 =	sadd.s32 $0xFFFFFEF7, lr;
	s5 =	simm.s32 $0xFFFFFFFF;
	p2 =	slt.u32 s8, $0xFFFFF086  }
0x1c: {  	p1 =	slt.u32 s9, $0xF7A;
	s5 =	simm.s32 @!p2 $0x0  }
0x1d: {  	s5 =	simm.s32 @p1 $0x1;
	p0 =	seq.s32 s7, s2  }
0x1e: {  	s7 =	smul.u32 @!p0 $0xF7A, s2;
	p2 =	seq.s32 @!p0 s5, $0x0  }
0x1f: {  	s9 =	smul.u32 $0xF7A, s1;
	s8 =	simm.s32 @!p0 $0x1BF5;
	p2 =	por !p2, p0  }
0x20: {  	[sflag:s8] =	ssyncset.s32 @!p0 $0xFFFFF086;
	s6 =	sadd.s32 @!p0 s3, s7;
	s7 =	simm.s32 @!p0 $0x108  }
0x21: {  	s3 =	sadd.s32 s3, s9;
	s6 =	sadd.s32 @!p0 $0x88, s6;
	s7 =	simm.s32 @p2 $0x1082  }
0x22: {  	[simem:s7], [sflag:s8] =	dma.local @!p0 [hbm:s6], $0xF7A  }
0x23: {  	s9 =	sor.u32 $0xD0000000, s2;
	s6 =	simm.s32 $0x108;
	_ =	swait.ge @!p0 [sflag:s8], $0x0  }
0x24: {  	s3 =	sadd.s32 $0x88, s3;
	s6 =	simm.s32 @!p1 $0x1082;
	[sflag:s4] =	ssyncset.s32 $0xFFFFF086  }
0x25: {  	[simem:s6], [sflag:s4] =	dma.local [hbm:s3], $0xF7A  }
0x26: {  	[smem:$0x3F9A] =	sst s1;
	(tag) =	ssettag s2;
	_ =	strace s9  }
0x27: {  	s1 =	sld [smem:$0x3FAA]  }
0x28: {  	s2 =	sld [smem:$0x3FAB]  }
0x29: {  	s4 =	sld [smem:$0x3FAD]  }
0x2a: {  	p0 =	seq.s32 s5, $0x0;
	s5 =	sld [smem:$0x3FAE]  }
0x2b: {  	s6 =	sld [smem:$0x3FAF]  }
0x2c: {  	s7 =	sld [smem:$0x3FB0]  }
0x2d: {  	s3 =	simm.s32 $0x108;
	s8 =	sld [smem:$0x3FB1]  }
0x2e: {  	s3 =	simm.s32 @!p0 $0x1082;
	s9 =	sld [smem:$0x3FB2]  }
0x2f: {  	lr =	sadd.s32 s0, s3;
	s0 =	sld [smem:$0x3FA9]  }
0x30: {  	s3 =	sld [smem:$0x3FAC]  }
0x31: {  	[smem:$0x3FB5] =	sst s10  }
0x32: {  	s10 =	sld [smem:$0x3FB3];
	_ =	sdelay $0x3  }
0x33: {  	p0 =	seq.s32 s10, $0x1;
	s10 =	sld [smem:$0x3FB5];
	_ =	sdelay $0x3  }
0x34: {  	[smem:$0x3FB5] =	sst s10  }
0x35: {  	s10 =	sld [smem:$0x3FB4];
	_ =	sdelay $0x3  }
0x36: {  	p1 =	seq.s32 s10, $0x1;
	s10 =	sld [smem:$0x3FB5];
	_ =	sdelay $0x3  }
0x37: {  	[smem:$0x3FB5] =	sst s10  }
0x38: {  	s10 =	sld [smem:$0x3FB6]  }
0x39: {  	_ = 	snop;
	(pc) =	sbr.ind lr, $3  }
0x3a: {  	_ = 	snop  }
0x3b: {  	_ = 	snop  }
0x3c: {  	p2 =	seq.s32 s10, $0x1;
	s10 =	sld [smem:$0x3FB5]  }
0x3d: {  	_ =	shalt  }
0x3e: {  	_ =	shalt  }
0x3f: {  	_ =	shalt  }
0x40: {  	_ =	shalt  }
0x41: {  	_ =	shalt  }
0x42: {  	_ =	shalt  }
0x43: {  	_ =	shalt  }
0x44: {  	_ =	shalt  }
0x45: {  	_ =	shalt  }
0x46: {  	_ =	shalt  }
0x47: {  	_ =	shalt  }
0x48: {  	_ =	shalt  }
0x49: {  	_ =	shalt  }
0x4a: {  	_ =	shalt  }
0x4b: {  	_ =	shalt  }
0x4c: {  	_ =	shalt  }
0x4d: {  	_ =	shalt  }
0x4e: {  	_ =	shalt  }
0x4f: {  	_ =	shalt  }
0x50: {  	_ =	shalt  }
0x51: {  	_ =	shalt  }
0x52: {  	_ =	shalt  }
0x53: {  	_ =	shalt  }
0x54: {  	_ =	shalt  }
0x55: {  	_ =	shalt  }
0x56: {  	_ =	shalt  }
0x57: {  	_ =	shalt  }
0x58: {  	_ =	shalt  }
0x59: {  	_ =	shalt  }
0x5a: {  	_ =	shalt  }
0x5b: {  	_ =	shalt  }
0x5c: {  	_ =	shalt  }
0x5d: {  	_ =	shalt  }
0x5e: {  	_ =	shalt  }
0x5f: {  	_ =	shalt  }
0x60: {  	_ =	shalt  }
0x61: {  	_ =	shalt  }
0x62: {  	_ =	shalt  }
0x63: {  	_ =	shalt  }
0x64: {  	_ =	shalt  }
0x65: {  	_ =	shalt  }
0x66: {  	_ =	shalt  }
0x67: {  	_ =	shalt  }
0x68: {  	_ =	shalt  }
0x69: {  	_ =	shalt  }
0x6a: {  	_ =	shalt  }
0x6b: {  	_ =	shalt  }
0x6c: {  	_ =	shalt  }
0x6d: {  	_ =	shalt  }
0x6e: {  	_ =	shalt  }
0x6f: {  	_ =	shalt  }
0x70: {  	_ =	shalt  }
0x71: {  	_ =	shalt  }
0x72: {  	_ =	shalt  }
0x73: {  	_ =	shalt  }
0x74: {  	_ =	shalt  }
0x75: {  	_ =	shalt  }
0x76: {  	_ =	shalt  }
0x77: {  	_ =	shalt  }
0x78: {  	_ =	shalt  }
0x79: {  	_ =	shalt  }
0x7a: {  	_ =	shalt  }
0x7b: {  	_ =	shalt  }
0x7c: {  	_ =	shalt  }
0x7d: {  	_ =	shalt  }
0x7e: {  	_ =	shalt  }
0x7f: {  	_ =	shalt  }
0x80: {  	_ =	shalt  }
0x81: {  	_ =	shalt  }
0x82: {  	_ =	shalt  }
0x83: {  	_ =	shalt  }
0x84: {  	_ =	shalt  }
0x85: {  	_ =	shalt  }
0x86: {  	_ =	shalt  }
0x87: {  	_ =	shalt  }
.Lfunc_end0:
.L_simem_size_0:
called_computation_lowered:
.L_overlay_start_0:
0x88: {  	s2 =	sld [smem:$0x3FD9]  }
0x89: {  	s3 =	sld [smem:$0x3FFE];
	_ =	sdelay $0x1  }
0x8a: {  	s1 =	srdreg.scid  }
0x8b: {  	s0 =	sand.u32 $0x1, s1  }
0x8c: {  	s16 =	sshll.u32 s0, $0xA;
	s2 =	sadd.s32 s3, s2  }
0x8d: {  	s2 =	sadd.s32 s2, s16  }
0x8e: {  	[smem:$0x3FC1] =	sst s2  }
0x8f: {  	_ = 	snop  }
0x90: {  	(tm) =	ssettm $0x1  }
0x91: {  	s17 =	sld [smem:$0x3FFB];
	_ =	sdelay $0x3  }
0x92: {  	_ =	strace s17  }
0x93: {  	s2 =	sld [smem:$0x3FFC];
	_ =	sdelay $0x3  }
0x94: {  	_ =	strace s2  }
0x95: {  	s2 =	sld [smem:$0x3FFD];
	_ =	sdelay $0x3  }
0x96: {  	_ =	strace s2  }
0x97: {  	_ =	strace $0x8FFFFFFF  }
0x98: {  	s18 =	sld [smem:$0x3FDB];
	_ =	sdelay $0x1  }
0x99: {  	s19 =	simm.s32 $_scs_section_size  }
0x9a: {  	s4 =	simm.s32 $_size__tile_overlayer_lowered;
	s5 =	simm.s32 $_tile_overlayer_lowered  }
0x9b: {  	s22 =	simm.s32 $0x1BFF;
	s21 =	sshll.u32 s5, $0x1;
	s2 =	sadd.s32 s19, s18  }
0x9c: {  	s6 =	simm.s32 $0x0;
	s20 =	sshll.u32 s4, $0x1;
	s4 =	sadd.s32 s21, s2  }
0x9d: {  	[timem:s6], [sflag:s22] =	dma.local [hbm:s4], s20  }
0x9e: {  	_ =	swait.ge [sflag:s22], s20  }
0x9f: {  	s3 =	ssub.s32 $0x0, s20;
	[sflag:s22] =	ssyncset.done $0x0  }
0xa0: {  	[sflag:s22] =	ssyncadd.s32 s3;
	_ =	sdelay $0x1  }
0xa1: {  	s23 =	simm.s32 $0x1B8B  }
0xa2: {  	_ =	swait.ge [sflag:s23], $0x1  }
0xa3: {  	[sflag:s23] =	ssyncset.done $0x0  }
0xa4: {  	s25 =	simm.s32 $0x1B8E;
	s24 =	sld [smem:$0x3FFE];
	[sflag:s23] =	ssyncadd.s32 $0xFFFFFFFF  }
0xa5: {  	s26 =	simm.s32 $execute0_lowered;
	[smem:$0x3FD2] =	sst s25  }
0xa6: {  	s4 =	sshll.u32 s26, $0x1;
	_ =	strace $0x80000046;
	[dreg:$0x1] =	wrdreg $0xFFFFFFFF  }
0xa7: {  	s28 =	simm.s32 $_size_execute0_lowered;
	s2 =	sadd.s32 s2, s4;
	[dreg:$0x0] =	wrdreg $0x0  }
0xa8: {  	s4 =	sshll.u32 s28, $0x1;
	[dreg:$0x2] =	wrdreg s2  }
0xa9: {  	[dreg:$0x3] =	wrdreg s4  }
0xaa: {  	[dreg:$0x4] =	wrdreg $0xC0  }
0xab: {  	_ =	task [dreg:s6], $0x5FFFF  }
0xac: {  	[dreg:$0x1] =	wrdreg $0xFFFFFFFF  }
0xad: {  	[dreg:$0x0] =	wrdreg $0x60  }
0xae: {  	[dreg:$0x2] =	wrdreg s24  }
0xaf: {  	[dreg:$0x3] =	wrdreg $0x9  }
0xb0: {  	_ =	task.clear_ibuf [dreg:s6], $0x4FFFF;
	_ =	strace $0x90000046  }
0xb1: {  	s29 =	simm.s32 $0x9;
	_ =	strace $0x80000048  }
0xb2: {  	_ =	swait.ge [sflag:s29], $0x1  }
0xb3: {  	[sflag:s29] =	ssyncadd.s32 $0xFFFFFFFF  }
0xb4: {  	_ =	strace $0x90000048  }
0xb5: {  	_ =	sfence  }
0xb6: {  	s30 =	sld [smem:$0x0];
	_ =	sdelay $0x2  }
0xb7: {  	s31 =	sshll.u32 s1, $0xD;
	s1 =	sshrl.u32 s1, $0x2  }
0xb8: {  	s3 =	sand.u32 $0x4000, s31;
	s1 =	sadd.s32 s1, s30  }
0xb9: {  	s0 =	sor.u32 s3, s0;
	s1 =	sshll.u32 s1, $0x11  }
0xba: {  	s0 =	sor.u32 s1, s0  }
0xbb: {  	s0 =	sadd.s32 $0x8F2B, s0  }
0xbc: {  	[sflag:s0] =	ssyncadd.remote.s32 $0x1  }
0xbd: {  	_ =	sfence.sel $0xFFFF  }
0xbe: {  	[dreg:$0x0] =	wrdreg $0xFFFFFFFF;
	(pc) =	sbr.abs _section_cstart, $3  }
0xbf: {  	[dreg:$0x1] =	wrdreg $0xFFFFFFFF  }
0xc0: {  	_ =	task.clear_ibuf [dreg:s6], $0x2FFFF;
	_ =	strace $0x9FFFFFFF  }
0xc1: {  	(tm) =	ssettm $0x7FFFFFFF  }
tec
execute0_lowered:
.L_overlay_start_1:
0x0: {  	(tag) =	ssettag $0x1  }
0x1: {  	s3 =	rddreg [dreg:$0x0]  }
0x2: {  	s0 =	rddreg [dreg:$0x1];
	s2 =	simm.s32 $0x0;
	s4 =	srdreg.scid  }
0x3: {  	s1 =	stileid.u32;
	s9 =	simm.s32 $0x1;
	s10 =	simm.s32 $0x2780  }
0x4: {  	s11 =	simm.s32 $0x4F00;
	s4 =	sand.u32 $0x1, s4;
	s5 =	sshrl.u32 s1, $0x2  }
0x5: {  	s6 =	sshll.u32 s1, $0x8;
	[smem:$0x7FF] =	sst s2;
	s8 =	smul.u32 $0x13C00, s5  }
0x6: {  	s7 =	sshll.u32 s4, $0x7;
	s6 =	sand.u32 $0x300, s6;
	s5 =	smul.u32 $0x14000, s5  }
0x7: {  	s12 =	simm.s32 $0x0;
	_ =	strace $0x80000047;
	s6 =	sor.u32 s7, s6  }
0x8: {  	s4 =	ssub.s32 $0x2, s4;
	s7 =	sor.u32 s8, s6;
	s5 =	sor.u32 s5, s6  }
0x9: {  	s31 =	sshrl.u32 s4, $0x1;
	s7 =	sshrl.u32 s7, $0x3;
	s5 =	sshrl.u32 s5, $0x3  }
0xa: {  	s8 =	simm.s32 $0x400;
	s30 =	sadd.s32 s7, s3;
	s5 =	sadd.s32 s5, s3  }
0xb: {  	s7 =	ssub.s32 s4, s31;
	s3 =	sadd.s32 $0x2400, s30;
	s4 =	sadd.s32 $0xC200, s30  }
0xc: {  	v0 =	vimm.f32 $0.0e+00;
	s5 =	sadd.s32 $0x16000, s5;
	s6 =	smax.u32 s7, $0x1;
	s7 =	simm.s32 $0x80  }
.LBB2_1:
0xd: {  	[tilespmem:s2], [sflag:$0x1] =	stream.strided.gather [hbm4b:s3+s7], $0x2780, s8, s7, $0x38;
	[tilespmem:$0x7700] =	vst v63  }
0xe: {  	_ =	swait.ge [sflag:s9], $0x2780  }
0xf: {  	[sflag:s9] =	ssyncset.done $0x0  }
0x10: {  	[sflag:s9] =	ssyncadd.s32 $0xFFFFD880  }
0x11: {  	[tilespmem:s10], [sflag:$0x1] =	stream.strided.gather [hbm4b:s4+s7], $0x2780, s8, s7, $0x38;
	[tilespmem:$0x7700] =	vst v63  }
0x12: {  	_ =	swait.ge [sflag:s9], $0x2780  }
0x13: {  	[sflag:s9] =	ssyncset.done $0x0  }
0x14: {  	s13 =	simm.s32 $0x0;
	[sflag:s9] =	ssyncadd.s32 $0xFFFFD880  }
.LBB2_2:
0x15: {  	p0 =	sne.s32 s13, $0x9FC0  }
.Ltmp0:
0x16: {  	_ = 	snop;
	(pc) =	sbr.rel @p0 .LBB2_2-.Ltmp0, $3  }
0x17: {  	_ =	sdelay $0x1  }
0x18: {  	s14 =	sshra.s32 s13, $0x2  }
0x19: {  	s13 =	sadd.s32 $0x40, s13;
	[tilespmem:s14+$0x4F00] =	vst v0  }
0x1a: {  	s14 =	simm.s32 $0x0;
	s13 =	simm.s32 $0x40  }
.LBB2_4:
0x1b: {  	p0 =	sne.s32 s13, $0x9C00;
	v1 =	vld [tilespmem:s14+$0x0];
	_ =	sdelay $0x2  }
0x1c: {  	v2 =	vld [tilespmem:s14+$0x2780]  }
.Ltmp1:
0x1d: {  	(pc) =	sbr.rel @p0 .LBB2_4-.Ltmp1, $2  }
0x1e: {  	_ =	sdelay $0x2  }
0x1f: {  	s14 =	sshra.s32 s13, $0x2;
	s13 =	sadd.s32 $0x40, s13;
	[tilespmem:v1+s11+$0x0] =	vst.idx.add.f32.msk $0xffff, v2  }
0x20: {  	v1 =	vld [tilespmem:s14+$0x0];
	_ =	sdelay $0x2  }
0x21: {  	v2 =	vld [tilespmem:s14+$0x2780];
	_ =	sdelay $0x2  }
0x22: {  	s12 =	sadd.s32 $0x1, s12  }
0x23: {  	p0 =	sne.s32 s12, s6  }
.Ltmp2:
0x24: {  	[tilespmem:v1+s11+$0x0] =	vst.idx.add.f32.msk $0xffff, v2;
	(pc) =	sbr.rel @p0 .LBB2_1-.Ltmp2, $4  }
0x25: {  	[hbm4b:s5+s7] =	stream.strided.scatter [tilespmem:s11], [sflag:$0x1], $0x2800, s8, s7, $0x38;
	[tilespmem:$0x7700] =	vst v63  }
0x26: {  	_ =	swait.ge [sflag:s9], $0x2800  }
0x27: {  	[sflag:s9] =	ssyncset.done $0x0  }
0x28: {  	[sflag:s9] =	ssyncadd.s32 $0xFFFFD800  }
0x29: {  	_ =	sfence.sel $0x180000  }
0x2a: {  	[bflag:$0x0] =	sbarrier.arrive $0xFFFF  }
0x2b: {  	p0 =	sne.s32 s1, $0x0;
	_ =	strace $0x90000047  }
0x2c: {  	s0 =	sadd.s32 @!p0 $0x100000, s0;
	[bflag:$0x2] =	sbarrier.arrive $0xFFFF  }
0x2d: {  	[sflag:s0] =	ssyncadd.tile.s32 @!p0 $0x1;
	_ =	shalt  }
.Lfunc_end2:
_tile_overlayer_lowered:
.L_overlay_start_2:
0x2e: {  	(tag) =	ssettag $0x2  }
0x2f: {  	s0 =	rddreg [dreg:$0x0];
	s2 =	stileid.u32  }
0x30: {  	s1 =	rddreg [dreg:$0x1];
	p0 =	sne.s32 s2, $0x0  }
0x31: {  	s3 =	rddreg [dreg:$0x2];
	[bflag:$0x3] =	sbarrier.arrive $0xFFFF;
	s2 =	simm.s32 @!p0 $0x1C01  }
0x32: {  	[timem:s3], [sflag:s2] =	dma.local @!p0 [hbm:s0], s1  }
0x33: {  	s0 =	simm.s32 @!p0 $0x1  }
0x34: {  	_ =	swait.ge @!p0 [sflag:s0], s1  }
0x35: {  	s1 =	ssub.s32 @!p0 $0x0, s1;
	[sflag:s0] =	ssyncset.done @!p0 $0x0  }
0x36: {  	[sflag:s0] =	ssyncadd.s32 @!p0 s1  }
0x37: {  	[bflag:$0x3] =	sbarrier.arrive $0xFFFF  }
0x38: {  	_ =	shalt  }

</sc_bundles>
